<compile_context>
chip_gen: v7x
topology: tpu7x:2x2x1
jax: 0.10.2.dev20260603
libtpu: 0.0.44.dev20260713+nightly
codegen_flags: <defaults>
</compile_context>

<pallas_src>
import functools

import jax
import jax.numpy as jnp
from jax import lax
from jax.experimental import pallas as pl
from jax.experimental.pallas import tpu as pltpu
from jax.experimental.pallas import tpu_sc as plsc

V = 100000
E = 64
H = 256
L = 64
B = 1024
T = 200
B2 = B // 2

CH_SIZES = (8, 48, 48, 48, 48)

NC = 2
NS = 16
NW = NC * NS
CHUNK = 128


@functools.cache
def _make_sc_gather(tch):
    rows_w = tch * B * 2 // CHUNK // 2 // NW
    out_c = tch * B2
    mesh = plsc.VectorSubcoreMesh(
        core_axis_name="c", subcore_axis_name="s", num_cores=NC, num_subcores=NS
    )

    @functools.partial(
        pl.kernel,
        out_type=jax.ShapeDtypeStruct((out_c, 2 * E), jnp.float32),
        mesh=mesh,
        scratch_types=[
            pltpu.VMEM((rows_w, CHUNK), jnp.int32),
            pltpu.VMEM((CHUNK // 2, E), jnp.float32),
            pltpu.VMEM((CHUNK // 2, E), jnp.float32),
            pltpu.SemaphoreType.DMA,
        ],
        compiler_params=pltpu.CompilerParams(use_tc_tiling_on_sc=False),
    )
    def _sc_gather(emb_hbm, idx_hbm, out_hbm, idx_v, rows_a, rows_b, sem):
        wid = lax.axis_index("s") * NC + lax.axis_index("c")
        pltpu.sync_copy(idx_hbm.at[wid], idx_v)
        base2 = wid * rows_w * (CHUNK // 2)

        def body(j, carry):
            ca = pltpu.async_copy(emb_hbm.at[idx_v.at[j, pl.ds(0, CHUNK // 2)]],
                                  rows_a, sem)
            cb = pltpu.async_copy(emb_hbm.at[idx_v.at[j, pl.ds(CHUNK // 2, CHUNK // 2)]],
                                  rows_b, sem)
            ca.wait()
            cb.wait()
            row0 = base2 + j * (CHUNK // 2)
            pltpu.sync_copy(rows_a,
                            out_hbm.at[pl.ds(row0, CHUNK // 2), pl.ds(0, E)])
            pltpu.sync_copy(rows_b,
                            out_hbm.at[pl.ds(row0, CHUNK // 2), pl.ds(E, E)])
            return carry

        lax.fori_loop(0, rows_w, body, 0)

    return _sc_gather




UNROLL = 4


def _gru_steps(t, x_ref, hin_ref, wih2_ref, whh_ref, brz_ref, bihn_ref,
               bhhn_ref, h_scr, h16_scr):
    @pl.when(t == 0)
    def _():
        h_scr[...] = hin_ref[...]
        h16_scr[...] = hin_ref[...].astype(jnp.bfloat16)

    xps = x_ref[...]
    gi2u = jnp.dot(xps.reshape(UNROLL * B2, 2 * E).astype(jnp.bfloat16),
                   wih2_ref[...],
                   preferred_element_type=jnp.float32)
    hn_halves = None
    for u in range(UNROLL):
        hn_halves = []
        for c in range(2):
            h = h_scr[:, c * H:(c + 1) * H]
            gi = gi2u[u * B2:(u + 1) * B2, c * 3 * H:(c + 1) * 3 * H]
            gh = jnp.dot(h16_scr[:, c * H:(c + 1) * H], whh_ref[...],
                         preferred_element_type=jnp.float32)
            grz = gi[:, :2 * H] + gh[:, :2 * H] + brz_ref[...]
            r = 0.5 + 0.5 * jnp.tanh(grz[:, :H])
            z = 0.5 + 0.5 * jnp.tanh(grz[:, H:])
            n = jnp.tanh((gi[:, 2 * H:] + bihn_ref[...])
                         + r * (gh[:, 2 * H:] + bhhn_ref[...]))
            hn = n + z * (h - n)
            h_scr[:, c * H:(c + 1) * H] = hn
            h16_scr[:, c * H:(c + 1) * H] = hn.astype(jnp.bfloat16)
            hn_halves.append(hn)
    return xps[UNROLL - 1], hn_halves


def _make_mid_body(tch):
  def _rnn_mid_body(x_ref, hin_ref, wih2_ref, whh_ref, brz_ref, bihn_ref,
                    bhhn_ref, hout_ref, h_scr, h16_scr):
    t = pl.program_id(0)
    _gru_steps(t, x_ref, hin_ref, wih2_ref, whh_ref, brz_ref, bihn_ref,
               bhhn_ref, h_scr, h16_scr)

    @pl.when(t == tch // UNROLL - 1)
    def _():
        hout_ref[...] = h_scr[...]
  return _rnn_mid_body


def _make_fin_body(tch):
  def _rnn_fin_body(x_ref, hin_ref, wih2_ref, whh_ref, brz_ref, bihn_ref,
                  bhhn_ref, wihb2_ref, brzb_ref, bihbn_ref, bhhbn_ref,
                  wmu_ref, bmu_ref, wlv_ref, blv_ref,
                  mu_ref, lv_ref, h_scr, h16_scr):
    t = pl.program_id(0)
    xp, hn_halves = _gru_steps(t, x_ref, hin_ref, wih2_ref, whh_ref, brz_ref,
                               bihn_ref, bhhn_ref, h_scr, h16_scr)

    @pl.when(t == tch // UNROLL - 1)
    def _():
        gib2 = jnp.dot(xp.astype(jnp.bfloat16), wihb2_ref[...],
                       preferred_element_type=jnp.float32)
        for c in range(2):
            gib = gib2[:, c * 3 * H:(c + 1) * 3 * H]
            grzb = gib[:, :2 * H] + brzb_ref[...]
            rb = 0.5 + 0.5 * jnp.tanh(grzb[:, :H])
            zb = 0.5 - 0.5 * jnp.tanh(grzb[:, H:])
            nb = jnp.tanh((gib[:, 2 * H:] + bihbn_ref[...]) + rb * bhhbn_ref[...])
            out = hn_halves[c] + zb * nb
            mu_ref[c * B2:(c + 1) * B2, :] = (
                jnp.dot(out, wmu_ref[...], preferred_element_type=jnp.float32)
                + bmu_ref[...])
            lv_ref[c * B2:(c + 1) * B2, :] = (
                jnp.dot(out, wlv_ref[...], preferred_element_type=jnp.float32)
                + blv_ref[...])
  return _rnn_fin_body


_FULL2 = lambda t: (0, 0)

_H_SPEC = pl.BlockSpec((B2, 2 * H), _FULL2)
_FWD_W_SPECS = [
    _H_SPEC,
    pl.BlockSpec((2 * E, 6 * H), _FULL2),
    pl.BlockSpec((H, 3 * H), _FULL2),
    pl.BlockSpec((1, 2 * H), _FULL2),
    pl.BlockSpec((1, H), _FULL2),
    pl.BlockSpec((1, H), _FULL2),
]


def _x_spec():
    return pl.BlockSpec((UNROLL, B2, 2 * E), lambda t: (t, 0, 0))


@functools.cache
def _make_rnn_mid(tch):
    return pl.pallas_call(
        _make_mid_body(tch),
        grid=(tch // UNROLL,),
        in_specs=[_x_spec()] + _FWD_W_SPECS,
        out_specs=[_H_SPEC],
        out_shape=[jax.ShapeDtypeStruct((B2, 2 * H), jnp.float32)],
        scratch_shapes=[pltpu.VMEM((B2, 2 * H), jnp.float32),
                        pltpu.VMEM((B2, 2 * H), jnp.bfloat16)],
    )


@functools.cache
def _make_rnn_fin(tch):
    return pl.pallas_call(
        _make_fin_body(tch),
        grid=(tch // UNROLL,),
        in_specs=[_x_spec()] + _FWD_W_SPECS + [
        pl.BlockSpec((2 * E, 6 * H), _FULL2),
        pl.BlockSpec((1, 2 * H), _FULL2),
        pl.BlockSpec((1, H), _FULL2),
        pl.BlockSpec((1, H), _FULL2),
        pl.BlockSpec((H, L), _FULL2),
        pl.BlockSpec((1, L), _FULL2),
        pl.BlockSpec((H, L), _FULL2),
        pl.BlockSpec((1, L), _FULL2),
    ],
        out_specs=[pl.BlockSpec((B, L), _FULL2), pl.BlockSpec((B, L), _FULL2)],
        out_shape=[jax.ShapeDtypeStruct((B, L), jnp.float32)] * 2,
        scratch_shapes=[pltpu.VMEM((B2, 2 * H), jnp.float32),
                        pltpu.VMEM((B2, 2 * H), jnp.bfloat16)],
    )


def _blockdiag2(w):
    zero = jnp.zeros_like(w)
    return jnp.concatenate(
        [jnp.concatenate([w, zero], axis=1),
         jnp.concatenate([zero, w], axis=1)], axis=0)


def kernel(inputs, emb, W_ih_f, W_hh_f, b_ih_f, b_hh_f,
           W_ih_b, W_hh_b, b_ih_b, b_hh_b, W_mu, b_mu, W_lv, b_lv):
    ii = inputs.astype(jnp.int32)

    xs = []
    t0 = 0
    for tch in CH_SIZES:
        rows_c = tch * B // CHUNK
        rows_w = rows_c // NW
        ia = ii[:B2, t0:t0 + tch].T.reshape(rows_c, CHUNK // 2)
        ib = ii[B2:, t0:t0 + tch].T.reshape(rows_c, CHUNK // 2)
        idx_c = jnp.concatenate([ia, ib], axis=1).reshape(NW, rows_w, CHUNK)
        xs.append(_make_sc_gather(tch)(emb, idx_c).reshape(tch, B2, 2 * E))
        t0 += tch

    scale = jnp.concatenate(
        [jnp.full((2 * H,), 0.5, jnp.float32), jnp.ones((H,), jnp.float32)])
    wih2 = _blockdiag2(W_ih_f.T * scale).astype(jnp.bfloat16)
    whh_s = (W_hh_f.T * scale).astype(jnp.bfloat16)
    brz = (0.5 * (b_ih_f[:2 * H] + b_hh_f[:2 * H])).reshape(1, -1)
    bihn = b_ih_f[2 * H:].reshape(1, -1)
    bhhn = b_hh_f[2 * H:].reshape(1, -1)
    wihb2 = _blockdiag2(W_ih_b.T * scale).astype(jnp.bfloat16)
    brzb = (0.5 * (b_ih_b[:2 * H] + b_hh_b[:2 * H])).reshape(1, -1)
    bihbn = b_ih_b[2 * H:].reshape(1, -1)
    bhhbn = b_hh_b[2 * H:].reshape(1, -1)

    fwd_w = (wih2, whh_s, brz, bihn, bhhn)
    h = jnp.zeros((B2, 2 * H), jnp.float32)
    for c in range(len(CH_SIZES) - 1):
        (h,) = _make_rnn_mid(CH_SIZES[c])(xs[c], h, *fwd_w)
    mu, lv = _make_rnn_fin(CH_SIZES[-1])(
        xs[-1], h, *fwd_w,
        wihb2, brzb, bihbn, bhhbn,
        W_mu.T, b_mu.reshape(1, -1), W_lv.T, b_lv.reshape(1, -1),
    )
    return (mu, lv)

# --- scband reference (transcript-rebuilt; emitter-appended) ---
"""Pipeline reference for scband-encoder-rnn-76433238000320 (READ-ONLY COPY).

The authoritative reference and input builder live on the scoring server;
editing this copy changes nothing except your own understanding.
"""

import jax, jax.numpy as jnp
import numpy as np

V = 100000
E = 64
H = 256
L = 64
B = 1024
T = 200


def setup_inputs(seed: int = 0) -> dict:
    key = jax.random.key(seed)
    ks = jax.random.split(key, 16)
    inputs = jax.random.randint(ks[0], (B, T), 0, V)
    emb = jax.random.normal(ks[1], (V, E), jnp.float32)
    emb = emb.at[0].set(0.0)  # padding_idx row zeroed like nn.Embedding init
    kk = 1.0 / np.sqrt(H)

    def u(k, shape):
        return jax.random.uniform(k, shape, jnp.float32, -kk, kk)

    W_ih_f = u(ks[2], (3 * H, E))
    W_hh_f = u(ks[3], (3 * H, H))
    b_ih_f = u(ks[4], (3 * H,))
    b_hh_f = u(ks[5], (3 * H,))
    W_ih_b = u(ks[6], (3 * H, E))
    W_hh_b = u(ks[7], (3 * H, H))
    b_ih_b = u(ks[8], (3 * H,))
    b_hh_b = u(ks[9], (3 * H,))
    W_mu = u(ks[10], (L, H))
    b_mu = u(ks[11], (L,))
    W_lv = u(ks[12], (L, H))
    b_lv = u(ks[13], (L,))
    return {"inputs": inputs, "emb": emb,
            "W_ih_f": W_ih_f, "W_hh_f": W_hh_f, "b_ih_f": b_ih_f, "b_hh_f": b_hh_f,
            "W_ih_b": W_ih_b, "W_hh_b": W_hh_b, "b_ih_b": b_ih_b, "b_hh_b": b_hh_b,
            "W_mu": W_mu, "b_mu": b_mu, "W_lv": W_lv, "b_lv": b_lv}


def _gru_scan(xs, h0, W_ih, W_hh, b_ih, b_hh):
    # xs: [T, B, E]; PyTorch GRU cell semantics
    def step(h, x_t):
        gi = x_t @ W_ih.T + b_ih
        gh = h @ W_hh.T + b_hh
        i_r, i_z, i_n = jnp.split(gi, 3, axis=-1)
        h_r, h_z, h_n = jnp.split(gh, 3, axis=-1)
        r = jax.nn.sigmoid(i_r + h_r)
        z = jax.nn.sigmoid(i_z + h_z)
        n = jnp.tanh(i_n + r * h_n)
        h_new = (1.0 - z) * n + z * h
        return h_new, h_new

    _, ys = jax.lax.scan(step, h0, xs)
    return ys


def reference(inputs, emb, W_ih_f, W_hh_f, b_ih_f, b_hh_f,
              W_ih_b, W_hh_b, b_ih_b, b_hh_b, W_mu, b_mu, W_lv, b_lv):
    # embedding lookup (gather)
    x = jnp.take(emb, inputs, axis=0)            # [B, T, E]
    xs = jnp.transpose(x, (1, 0, 2))             # [T, B, E]
    h0 = jnp.zeros((inputs.shape[0], H), jnp.float32)
    ys_f = _gru_scan(xs, h0, W_ih_f, W_hh_f, b_ih_f, b_hh_f)        # [T, B, H]
    ys_b = _gru_scan(xs[::-1], h0, W_ih_b, W_hh_b, b_ih_b, b_hh_b)  # reversed scan
    # output[:, -1, :] of bidirectional GRU = concat(fwd last, bwd at t=T-1)
    # bwd hidden at original time T-1 is first step of the backward scan -> ys_b[0]
    out = ys_f[-1] + ys_b[0]                     # sum of the two halves
    mu = out @ W_mu.T + b_mu
    logvar = out @ W_lv.T + b_lv
    return (mu, logvar)

if __name__ == "__main__":
    import jax
    _d = setup_inputs()
    print(jax.jit(kernel)(*tuple(_d.values())))

</pallas_src>

<mosaic_0001>
#map = affine_map<(d0, d1) -> (0, 0)>
#map1 = affine_map<(d0, d1) -> (0, 0, 0)>
module attributes {stable_mosaic.version = 14 : i64} {
  func.func @_sc_gather(%arg0: i32, %arg1: i32, %arg2: memref<100000x64xf32, #tpu.memory_space<hbm>>, %arg3: memref<32x12x128xi32, #tpu.memory_space<hbm>>, %arg4: memref<24576x128xf32, #tpu.memory_space<hbm>>, %arg5: memref<12x128xi32, #tpu.memory_space<vmem>>, %arg6: memref<64x64xf32, #tpu.memory_space<vmem>>, %arg7: memref<64x64xf32, #tpu.memory_space<vmem>>, %arg8: memref<!tpu.dma_semaphore, #tpu.memory_space<semaphore_mem>>) attributes {dimension_semantics = [#tpu.dimension_semantics<core_parallel>, #tpu.dimension_semantics<subcore_parallel>], iteration_bounds = array<i64: 2, 16>, scalar_prefetch = 0 : i64, scratch_operands = 4 : i64, tpu.core_type = #tpu.core_type<sc_vector_subcore>, window_params = [{transform_indices = #map}, {transform_indices = #map1}, {transform_indices = #map}]} {
    %mul3A = arith.constant 2 : i32
    %mul3A_0 = arith.muli %arg1, %mul3A : i32
    %add3A = arith.addi %mul3A_0, %arg0 : i32
    "tpu.region"() ({
      %run_scoped3A = tpu.sem_alloc : memref<!tpu.dma_semaphore, #tpu.memory_space<semaphore_mem>>
      %dma_start3A = arith.constant 0 : i32
      %dma_start3A_10 = arith.constant 0 : i32
      %dma_start3A_11 = tpu.memref_slice %arg3[%add3A, %dma_start3A, %dma_start3A_10] : memref<32x12x128xi32, #tpu.memory_space<hbm>> -> memref<1x12x128xi32, #tpu.memory_space<hbm>>
      %dma_start3A_12 = tpu.memref_squeeze %dma_start3A_11 : memref<1x12x128xi32, #tpu.memory_space<hbm>> -> memref<12x128xi32, #tpu.memory_space<hbm>>
      %dma_start3A_13 = arith.constant 0 : i32
      %dma_start3A_14 = arith.constant 0 : i32
      %dma_start3A_15 = tpu.memref_slice %arg3[%add3A, %dma_start3A_13, %dma_start3A_14] : memref<32x12x128xi32, #tpu.memory_space<hbm>> -> memref<1x12x128xi32, #tpu.memory_space<hbm>>
      %dma_start3A_16 = tpu.memref_squeeze %dma_start3A_15 : memref<1x12x128xi32, #tpu.memory_space<hbm>> -> memref<12x128xi32, #tpu.memory_space<hbm>>
      tpu.enqueue_dma source(%dma_start3A_16 : memref<12x128xi32, #tpu.memory_space<hbm>>) target(%arg5 : memref<12x128xi32, #tpu.memory_space<vmem>>) target_semaphore(%run_scoped3A : memref<!tpu.dma_semaphore, #tpu.memory_space<semaphore_mem>>)
      %dma_wait3A = arith.constant 0 : i32
      %dma_wait3A_17 = arith.constant 0 : i32
      %dma_wait3A_18 = tpu.memref_slice %arg3[%add3A, %dma_wait3A, %dma_wait3A_17] : memref<32x12x128xi32, #tpu.memory_space<hbm>> -> memref<1x12x128xi32, #tpu.memory_space<hbm>>
      %dma_wait3A_19 = tpu.memref_squeeze %dma_wait3A_18 : memref<1x12x128xi32, #tpu.memory_space<hbm>> -> memref<12x128xi32, #tpu.memory_space<hbm>>
      %dma_wait3A_20 = arith.constant 0 : i32
      %dma_wait3A_21 = arith.constant 0 : i32
      %dma_wait3A_22 = tpu.memref_slice %arg3[%add3A, %dma_wait3A_20, %dma_wait3A_21] : memref<32x12x128xi32, #tpu.memory_space<hbm>> -> memref<1x12x128xi32, #tpu.memory_space<hbm>>
      %dma_wait3A_23 = tpu.memref_squeeze %dma_wait3A_22 : memref<1x12x128xi32, #tpu.memory_space<hbm>> -> memref<12x128xi32, #tpu.memory_space<hbm>>
      tpu.wait_dma2 semaphore(%run_scoped3A : memref<!tpu.dma_semaphore, #tpu.memory_space<semaphore_mem>>) src(%dma_wait3A_23 : memref<12x128xi32, #tpu.memory_space<hbm>>) dst(%arg5 : memref<12x128xi32, #tpu.memory_space<vmem>>)
      tpu.yield
    }) : () -> ()
    %mul3A_1 = arith.constant 12 : i32
    %mul3A_2 = arith.muli %add3A, %mul3A_1 : i32
    %mul3A_3 = arith.constant 64 : i32
    %mul3A_4 = arith.muli %mul3A_2, %mul3A_3 : i32
    %scan3A = arith.constant 0 : i32
    %scan3A_5 = arith.constant 0 : i32
    %scan3A_6 = arith.constant 12 : i32
    %scan3A_7 = arith.addi %scan3A_5, %scan3A_6 : i32
    %scan3A_8 = arith.constant 1 : i32
    scf.for %scan3A_10 = %scan3A_5 to %scan3A_7 step %scan3A_8  : i32 {
      %dma_start3A = arith.constant 0 : i32
      %dma_start3A_11 = tpu.memref_slice %arg5[%scan3A_10, %dma_start3A] : memref<12x128xi32, #tpu.memory_space<vmem>> -> memref<1x64xi32, #tpu.memory_space<vmem>>
      %dma_start3A_12 = tpu.memref_squeeze %dma_start3A_11 : memref<1x64xi32, #tpu.memory_space<vmem>> -> memref<64xi32, #tpu.memory_space<vmem>>
      %dma_start3A_13 = arith.constant 0 : i32
      %dma_start3A_14 = arith.constant 0 : i32
      %dma_start3A_15 = tpu.memref_slice %arg2[%dma_start3A_13, %dma_start3A_14] : memref<100000x64xf32, #tpu.memory_space<hbm>> -> memref<100000x64xf32, #tpu.memory_space<hbm>>
      tpu.enqueue_indirect_dma source(%dma_start3A_15 : memref<100000x64xf32, #tpu.memory_space<hbm>>) target(%arg6 : memref<64x64xf32, #tpu.memory_space<vmem>>) offsets(%dma_start3A_12 : memref<64xi32, #tpu.memory_space<vmem>>) semaphore(%arg8 : memref<!tpu.dma_semaphore, #tpu.memory_space<semaphore_mem>>)
      %dma_start3A_16 = arith.constant 64 : i32
      %dma_start3A_17 = tpu.memref_slice %arg5[%scan3A_10, %dma_start3A_16] : memref<12x128xi32, #tpu.memory_space<vmem>> -> memref<1x64xi32, #tpu.memory_space<vmem>>
      %dma_start3A_18 = tpu.memref_squeeze %dma_start3A_17 : memref<1x64xi32, #tpu.memory_space<vmem>> -> memref<64xi32, #tpu.memory_space<vmem>>
      %dma_start3A_19 = arith.constant 0 : i32
      %dma_start3A_20 = arith.constant 0 : i32
      %dma_start3A_21 = tpu.memref_slice %arg2[%dma_start3A_19, %dma_start3A_20] : memref<100000x64xf32, #tpu.memory_space<hbm>> -> memref<100000x64xf32, #tpu.memory_space<hbm>>
      tpu.enqueue_indirect_dma source(%dma_start3A_21 : memref<100000x64xf32, #tpu.memory_space<hbm>>) target(%arg7 : memref<64x64xf32, #tpu.memory_space<vmem>>) offsets(%dma_start3A_18 : memref<64xi32, #tpu.memory_space<vmem>>) semaphore(%arg8 : memref<!tpu.dma_semaphore, #tpu.memory_space<semaphore_mem>>)
      %dma_wait3A = arith.constant 0 : i32
      %dma_wait3A_22 = tpu.memref_slice %arg5[%scan3A_10, %dma_wait3A] : memref<12x128xi32, #tpu.memory_space<vmem>> -> memref<1x64xi32, #tpu.memory_space<vmem>>
      %dma_wait3A_23 = tpu.memref_squeeze %dma_wait3A_22 : memref<1x64xi32, #tpu.memory_space<vmem>> -> memref<64xi32, #tpu.memory_space<vmem>>
      %dma_wait3A_24 = arith.constant 0 : i32
      %dma_wait3A_25 = arith.constant 0 : i32
      %dma_wait3A_26 = tpu.memref_slice %arg2[%dma_wait3A_24, %dma_wait3A_25] : memref<100000x64xf32, #tpu.memory_space<hbm>> -> memref<100000x64xf32, #tpu.memory_space<hbm>>
      tpu.wait_indirect_dma semaphore(%arg8 : memref<!tpu.dma_semaphore, #tpu.memory_space<semaphore_mem>>) src(%dma_wait3A_26 : memref<100000x64xf32, #tpu.memory_space<hbm>>) dst(%arg6 : memref<64x64xf32, #tpu.memory_space<vmem>>)
      %dma_wait3A_27 = arith.constant 64 : i32
      %dma_wait3A_28 = tpu.memref_slice %arg5[%scan3A_10, %dma_wait3A_27] : memref<12x128xi32, #tpu.memory_space<vmem>> -> memref<1x64xi32, #tpu.memory_space<vmem>>
      %dma_wait3A_29 = tpu.memref_squeeze %dma_wait3A_28 : memref<1x64xi32, #tpu.memory_space<vmem>> -> memref<64xi32, #tpu.memory_space<vmem>>
      %dma_wait3A_30 = arith.constant 0 : i32
      %dma_wait3A_31 = arith.constant 0 : i32
      %dma_wait3A_32 = tpu.memref_slice %arg2[%dma_wait3A_30, %dma_wait3A_31] : memref<100000x64xf32, #tpu.memory_space<hbm>> -> memref<100000x64xf32, #tpu.memory_space<hbm>>
      tpu.wait_indirect_dma semaphore(%arg8 : memref<!tpu.dma_semaphore, #tpu.memory_space<semaphore_mem>>) src(%dma_wait3A_32 : memref<100000x64xf32, #tpu.memory_space<hbm>>) dst(%arg7 : memref<64x64xf32, #tpu.memory_space<vmem>>)
      %mul3A_33 = arith.constant 64 : i32
      %mul3A_34 = arith.muli %scan3A_10, %mul3A_33 : i32
      %add3A_35 = arith.addi %mul3A_4, %mul3A_34 : i32
      "tpu.region"() ({
        %run_scoped3A = tpu.sem_alloc : memref<!tpu.dma_semaphore, #tpu.memory_space<semaphore_mem>>
        %dma_start3A_36 = arith.constant 0 : i32
        %dma_start3A_37 = tpu.memref_slice %arg4[%add3A_35, %dma_start3A_36] : memref<24576x128xf32, #tpu.memory_space<hbm>> -> memref<64x64xf32, #tpu.memory_space<hbm>>
        %dma_start3A_38 = arith.constant 0 : i32
        %dma_start3A_39 = tpu.memref_slice %arg4[%add3A_35, %dma_start3A_38] : memref<24576x128xf32, #tpu.memory_space<hbm>> -> memref<64x64xf32, #tpu.memory_space<hbm>>
        tpu.enqueue_dma source(%arg6 : memref<64x64xf32, #tpu.memory_space<vmem>>) target(%dma_start3A_39 : memref<64x64xf32, #tpu.memory_space<hbm>>) target_semaphore(%run_scoped3A : memref<!tpu.dma_semaphore, #tpu.memory_space<semaphore_mem>>)
        %dma_wait3A_40 = arith.constant 0 : i32
        %dma_wait3A_41 = tpu.memref_slice %arg4[%add3A_35, %dma_wait3A_40] : memref<24576x128xf32, #tpu.memory_space<hbm>> -> memref<64x64xf32, #tpu.memory_space<hbm>>
        %dma_wait3A_42 = arith.constant 0 : i32
        %dma_wait3A_43 = tpu.memref_slice %arg4[%add3A_35, %dma_wait3A_42] : memref<24576x128xf32, #tpu.memory_space<hbm>> -> memref<64x64xf32, #tpu.memory_space<hbm>>
        tpu.wait_dma2 semaphore(%run_scoped3A : memref<!tpu.dma_semaphore, #tpu.memory_space<semaphore_mem>>) src(%arg6 : memref<64x64xf32, #tpu.memory_space<vmem>>) dst(%dma_wait3A_43 : memref<64x64xf32, #tpu.memory_space<hbm>>)
        tpu.yield
      }) : () -> ()
      "tpu.region"() ({
        %run_scoped3A = tpu.sem_alloc : memref<!tpu.dma_semaphore, #tpu.memory_space<semaphore_mem>>
        %dma_start3A_36 = arith.constant 64 : i32
        %dma_start3A_37 = tpu.memref_slice %arg4[%add3A_35, %dma_start3A_36] : memref<24576x128xf32, #tpu.memory_space<hbm>> -> memref<64x64xf32, #tpu.memory_space<hbm>>
        %dma_start3A_38 = arith.constant 64 : i32
        %dma_start3A_39 = tpu.memref_slice %arg4[%add3A_35, %dma_start3A_38] : memref<24576x128xf32, #tpu.memory_space<hbm>> -> memref<64x64xf32, #tpu.memory_space<hbm>>
        tpu.enqueue_dma source(%arg7 : memref<64x64xf32, #tpu.memory_space<vmem>>) target(%dma_start3A_39 : memref<64x64xf32, #tpu.memory_space<hbm>>) target_semaphore(%run_scoped3A : memref<!tpu.dma_semaphore, #tpu.memory_space<semaphore_mem>>)
        %dma_wait3A_40 = arith.constant 64 : i32
        %dma_wait3A_41 = tpu.memref_slice %arg4[%add3A_35, %dma_wait3A_40] : memref<24576x128xf32, #tpu.memory_space<hbm>> -> memref<64x64xf32, #tpu.memory_space<hbm>>
        %dma_wait3A_42 = arith.constant 64 : i32
        %dma_wait3A_43 = tpu.memref_slice %arg4[%add3A_35, %dma_wait3A_42] : memref<24576x128xf32, #tpu.memory_space<hbm>> -> memref<64x64xf32, #tpu.memory_space<hbm>>
        tpu.wait_dma2 semaphore(%run_scoped3A : memref<!tpu.dma_semaphore, #tpu.memory_space<semaphore_mem>>) src(%arg7 : memref<64x64xf32, #tpu.memory_space<vmem>>) dst(%dma_wait3A_43 : memref<64x64xf32, #tpu.memory_space<hbm>>)
        tpu.yield
      }) : () -> ()
    }
    %scan3A_9 = arith.constant 12 : i32
    return
  }
}

#map = affine_map<(d0, d1) -> (0, 0)>
#map1 = affine_map<(d0, d1) -> (0, 0, 0)>
module attributes {stable_mosaic.version = 14 : i64} {
  func.func @_sc_gather(%arg0: i32, %arg1: i32, %arg2: memref<100000x64xf32, #tpu.memory_space<hbm>>, %arg3: memref<32x12x128xi32, #tpu.memory_space<hbm>>, %arg4: memref<24576x128xf32, #tpu.memory_space<hbm>>, %arg5: memref<12x128xi32, #tpu.memory_space<vmem>>, %arg6: memref<64x64xf32, #tpu.memory_space<vmem>>, %arg7: memref<64x64xf32, #tpu.memory_space<vmem>>, %arg8: memref<!tpu.dma_semaphore, #tpu.memory_space<semaphore_mem>>) attributes {dimension_semantics = [#tpu.dimension_semantics<core_parallel>, #tpu.dimension_semantics<subcore_parallel>], iteration_bounds = array<i64: 2, 16>, scalar_prefetch = 0 : i64, scratch_operands = 4 : i64, tpu.core_type = #tpu.core_type<sc_vector_subcore>, window_params = [{transform_indices = #map}, {transform_indices = #map1}, {transform_indices = #map}]} {
    %mul3A = arith.constant 2 : i32
    %mul3A_0 = arith.muli %arg1, %mul3A : i32
    %add3A = arith.addi %mul3A_0, %arg0 : i32
    "tpu.region"() ({
      %run_scoped3A = tpu.sem_alloc : memref<!tpu.dma_semaphore, #tpu.memory_space<semaphore_mem>>
      %dma_start3A = arith.constant 0 : i32
      %dma_start3A_10 = arith.constant 0 : i32
      %dma_start3A_11 = tpu.memref_slice %arg3[%add3A, %dma_start3A, %dma_start3A_10] : memref<32x12x128xi32, #tpu.memory_space<hbm>> -> memref<1x12x128xi32, #tpu.memory_space<hbm>>
      %dma_start3A_12 = tpu.memref_squeeze %dma_start3A_11 : memref<1x12x128xi32, #tpu.memory_space<hbm>> -> memref<12x128xi32, #tpu.memory_space<hbm>>
      %dma_start3A_13 = arith.constant 0 : i32
      %dma_start3A_14 = arith.constant 0 : i32
      %dma_start3A_15 = tpu.memref_slice %arg3[%add3A, %dma_start3A_13, %dma_start3A_14] : memref<32x12x128xi32, #tpu.memory_space<hbm>> -> memref<1x12x128xi32, #tpu.memory_space<hbm>>
      %dma_start3A_16 = tpu.memref_squeeze %dma_start3A_15 : memref<1x12x128xi32, #tpu.memory_space<hbm>> -> memref<12x128xi32, #tpu.memory_space<hbm>>
      tpu.enqueue_dma source(%dma_start3A_16 : memref<12x128xi32, #tpu.memory_space<hbm>>) target(%arg5 : memref<12x128xi32, #tpu.memory_space<vmem>>) target_semaphore(%run_scoped3A : memref<!tpu.dma_semaphore, #tpu.memory_space<semaphore_mem>>)
      %dma_wait3A = arith.constant 0 : i32
      %dma_wait3A_17 = arith.constant 0 : i32
      %dma_wait3A_18 = tpu.memref_slice %arg3[%add3A, %dma_wait3A, %dma_wait3A_17] : memref<32x12x128xi32, #tpu.memory_space<hbm>> -> memref<1x12x128xi32, #tpu.memory_space<hbm>>
      %dma_wait3A_19 = tpu.memref_squeeze %dma_wait3A_18 : memref<1x12x128xi32, #tpu.memory_space<hbm>> -> memref<12x128xi32, #tpu.memory_space<hbm>>
      %dma_wait3A_20 = arith.constant 0 : i32
      %dma_wait3A_21 = arith.constant 0 : i32
      %dma_wait3A_22 = tpu.memref_slice %arg3[%add3A, %dma_wait3A_20, %dma_wait3A_21] : memref<32x12x128xi32, #tpu.memory_space<hbm>> -> memref<1x12x128xi32, #tpu.memory_space<hbm>>
      %dma_wait3A_23 = tpu.memref_squeeze %dma_wait3A_22 : memref<1x12x128xi32, #tpu.memory_space<hbm>> -> memref<12x128xi32, #tpu.memory_space<hbm>>
      tpu.wait_dma2 semaphore(%run_scoped3A : memref<!tpu.dma_semaphore, #tpu.memory_space<semaphore_mem>>) src(%dma_wait3A_23 : memref<12x128xi32, #tpu.memory_space<hbm>>) dst(%arg5 : memref<12x128xi32, #tpu.memory_space<vmem>>)
      tpu.yield
    }) : () -> ()
    %mul3A_1 = arith.constant 12 : i32
    %mul3A_2 = arith.muli %add3A, %mul3A_1 : i32
    %mul3A_3 = arith.constant 64 : i32
    %mul3A_4 = arith.muli %mul3A_2, %mul3A_3 : i32
    %scan3A = arith.constant 0 : i32
    %scan3A_5 = arith.constant 0 : i32
    %scan3A_6 = arith.constant 12 : i32
    %scan3A_7 = arith.addi %scan3A_5, %scan3A_6 : i32
    %scan3A_8 = arith.constant 1 : i32
    scf.for %scan3A_10 = %scan3A_5 to %scan3A_7 step %scan3A_8  : i32 {
      %dma_start3A = arith.constant 0 : i32
      %dma_start3A_11 = tpu.memref_slice %arg5[%scan3A_10, %dma_start3A] : memref<12x128xi32, #tpu.memory_space<vmem>> -> memref<1x64xi32, #tpu.memory_space<vmem>>
      %dma_start3A_12 = tpu.memref_squeeze %dma_start3A_11 : memref<1x64xi32, #tpu.memory_space<vmem>> -> memref<64xi32, #tpu.memory_space<vmem>>
      %dma_start3A_13 = arith.constant 0 : i32
      %dma_start3A_14 = arith.constant 0 : i32
      %dma_start3A_15 = tpu.memref_slice %arg2[%dma_start3A_13, %dma_start3A_14] : memref<100000x64xf32, #tpu.memory_space<hbm>> -> memref<100000x64xf32, #tpu.memory_space<hbm>>
      tpu.enqueue_indirect_dma source(%dma_start3A_15 : memref<100000x64xf32, #tpu.memory_space<hbm>>) target(%arg6 : memref<64x64xf32, #tpu.memory_space<vmem>>) offsets(%dma_start3A_12 : memref<64xi32, #tpu.memory_space<vmem>>) semaphore(%arg8 : memref<!tpu.dma_semaphore, #tpu.memory_space<semaphore_mem>>)
      %dma_start3A_16 = arith.constant 64 : i32
      %dma_start3A_17 = tpu.memref_slice %arg5[%scan3A_10, %dma_start3A_16] : memref<12x128xi32, #tpu.memory_space<vmem>> -> memref<1x64xi32, #tpu.memory_space<vmem>>
      %dma_start3A_18 = tpu.memref_squeeze %dma_start3A_17 : memref<1x64xi32, #tpu.memory_space<vmem>> -> memref<64xi32, #tpu.memory_space<vmem>>
      %dma_start3A_19 = arith.constant 0 : i32
      %dma_start3A_20 = arith.constant 0 : i32
      %dma_start3A_21 = tpu.memref_slice %arg2[%dma_start3A_19, %dma_start3A_20] : memref<100000x64xf32, #tpu.memory_space<hbm>> -> memref<100000x64xf32, #tpu.memory_space<hbm>>
      tpu.enqueue_indirect_dma source(%dma_start3A_21 : memref<100000x64xf32, #tpu.memory_space<hbm>>) target(%arg7 : memref<64x64xf32, #tpu.memory_space<vmem>>) offsets(%dma_start3A_18 : memref<64xi32, #tpu.memory_space<vmem>>) semaphore(%arg8 : memref<!tpu.dma_semaphore, #tpu.memory_space<semaphore_mem>>)
      %dma_wait3A = arith.constant 0 : i32
      %dma_wait3A_22 = tpu.memref_slice %arg5[%scan3A_10, %dma_wait3A] : memref<12x128xi32, #tpu.memory_space<vmem>> -> memref<1x64xi32, #tpu.memory_space<vmem>>
      %dma_wait3A_23 = tpu.memref_squeeze %dma_wait3A_22 : memref<1x64xi32, #tpu.memory_space<vmem>> -> memref<64xi32, #tpu.memory_space<vmem>>
      %dma_wait3A_24 = arith.constant 0 : i32
      %dma_wait3A_25 = arith.constant 0 : i32
      %dma_wait3A_26 = tpu.memref_slice %arg2[%dma_wait3A_24, %dma_wait3A_25] : memref<100000x64xf32, #tpu.memory_space<hbm>> -> memref<100000x64xf32, #tpu.memory_space<hbm>>
      tpu.wait_indirect_dma semaphore(%arg8 : memref<!tpu.dma_semaphore, #tpu.memory_space<semaphore_mem>>) src(%dma_wait3A_26 : memref<100000x64xf32, #tpu.memory_space<hbm>>) dst(%arg6 : memref<64x64xf32, #tpu.memory_space<vmem>>)
      %dma_wait3A_27 = arith.constant 64 : i32
      %dma_wait3A_28 = tpu.memref_slice %arg5[%scan3A_10, %dma_wait3A_27] : memref<12x128xi32, #tpu.memory_space<vmem>> -> memref<1x64xi32, #tpu.memory_space<vmem>>
      %dma_wait3A_29 = tpu.memref_squeeze %dma_wait3A_28 : memref<1x64xi32, #tpu.memory_space<vmem>> -> memref<64xi32, #tpu.memory_space<vmem>>
      %dma_wait3A_30 = arith.constant 0 : i32
      %dma_wait3A_31 = arith.constant 0 : i32
      %dma_wait3A_32 = tpu.memref_slice %arg2[%dma_wait3A_30, %dma_wait3A_31] : memref<100000x64xf32, #tpu.memory_space<hbm>> -> memref<100000x64xf32, #tpu.memory_space<hbm>>
      tpu.wait_indirect_dma semaphore(%arg8 : memref<!tpu.dma_semaphore, #tpu.memory_space<semaphore_mem>>) src(%dma_wait3A_32 : memref<100000x64xf32, #tpu.memory_space<hbm>>) dst(%arg7 : memref<64x64xf32, #tpu.memory_space<vmem>>)
      %mul3A_33 = arith.constant 64 : i32
      %mul3A_34 = arith.muli %scan3A_10, %mul3A_33 : i32
      %add3A_35 = arith.addi %mul3A_4, %mul3A_34 : i32
      "tpu.region"() ({
        %run_scoped3A = tpu.sem_alloc : memref<!tpu.dma_semaphore, #tpu.memory_space<semaphore_mem>>
        %dma_start3A_36 = arith.constant 0 : i32
        %dma_start3A_37 = tpu.memref_slice %arg4[%add3A_35, %dma_start3A_36] : memref<24576x128xf32, #tpu.memory_space<hbm>> -> memref<64x64xf32, #tpu.memory_space<hbm>>
        %dma_start3A_38 = arith.constant 0 : i32
        %dma_start3A_39 = tpu.memref_slice %arg4[%add3A_35, %dma_start3A_38] : memref<24576x128xf32, #tpu.memory_space<hbm>> -> memref<64x64xf32, #tpu.memory_space<hbm>>
        tpu.enqueue_dma source(%arg6 : memref<64x64xf32, #tpu.memory_space<vmem>>) target(%dma_start3A_39 : memref<64x64xf32, #tpu.memory_space<hbm>>) target_semaphore(%run_scoped3A : memref<!tpu.dma_semaphore, #tpu.memory_space<semaphore_mem>>)
        %dma_wait3A_40 = arith.constant 0 : i32
        %dma_wait3A_41 = tpu.memref_slice %arg4[%add3A_35, %dma_wait3A_40] : memref<24576x128xf32, #tpu.memory_space<hbm>> -> memref<64x64xf32, #tpu.memory_space<hbm>>
        %dma_wait3A_42 = arith.constant 0 : i32
        %dma_wait3A_43 = tpu.memref_slice %arg4[%add3A_35, %dma_wait3A_42] : memref<24576x128xf32, #tpu.memory_space<hbm>> -> memref<64x64xf32, #tpu.memory_space<hbm>>
        tpu.wait_dma2 semaphore(%run_scoped3A : memref<!tpu.dma_semaphore, #tpu.memory_space<semaphore_mem>>) src(%arg6 : memref<64x64xf32, #tpu.memory_space<vmem>>) dst(%dma_wait3A_43 : memref<64x64xf32, #tpu.memory_space<hbm>>)
        tpu.yield
      }) : () -> ()
      "tpu.region"() ({
        %run_scoped3A = tpu.sem_alloc : memref<!tpu.dma_semaphore, #tpu.memory_space<semaphore_mem>>
        %dma_start3A_36 = arith.constant 64 : i32
        %dma_start3A_37 = tpu.memref_slice %arg4[%add3A_35, %dma_start3A_36] : memref<24576x128xf32, #tpu.memory_space<hbm>> -> memref<64x64xf32, #tpu.memory_space<hbm>>
        %dma_start3A_38 = arith.constant 64 : i32
        %dma_start3A_39 = tpu.memref_slice %arg4[%add3A_35, %dma_start3A_38] : memref<24576x128xf32, #tpu.memory_space<hbm>> -> memref<64x64xf32, #tpu.memory_space<hbm>>
        tpu.enqueue_dma source(%arg7 : memref<64x64xf32, #tpu.memory_space<vmem>>) target(%dma_start3A_39 : memref<64x64xf32, #tpu.memory_space<hbm>>) target_semaphore(%run_scoped3A : memref<!tpu.dma_semaphore, #tpu.memory_space<semaphore_mem>>)
        %dma_wait3A_40 = arith.constant 64 : i32
        %dma_wait3A_41 = tpu.memref_slice %arg4[%add3A_35, %dma_wait3A_40] : memref<24576x128xf32, #tpu.memory_space<hbm>> -> memref<64x64xf32, #tpu.memory_space<hbm>>
        %dma_wait3A_42 = arith.constant 64 : i32
        %dma_wait3A_43 = tpu.memref_slice %arg4[%add3A_35, %dma_wait3A_42] : memref<24576x128xf32, #tpu.memory_space<hbm>> -> memref<64x64xf32, #tpu.memory_space<hbm>>
        tpu.wait_dma2 semaphore(%run_scoped3A : memref<!tpu.dma_semaphore, #tpu.memory_space<semaphore_mem>>) src(%arg7 : memref<64x64xf32, #tpu.memory_space<vmem>>) dst(%dma_wait3A_43 : memref<64x64xf32, #tpu.memory_space<hbm>>)
        tpu.yield
      }) : () -> ()
    }
    %scan3A_9 = arith.constant 12 : i32
    return
  }
}

#map = affine_map<(d0, d1) -> (0, 0)>
#map1 = affine_map<(d0, d1) -> (0, 0, 0)>
module attributes {stable_mosaic.version = 14 : i64} {
  func.func @_sc_gather(%arg0: i32, %arg1: i32, %arg2: memref<100000x64xf32, #tpu.memory_space<hbm>>, %arg3: memref<32x12x128xi32, #tpu.memory_space<hbm>>, %arg4: memref<24576x128xf32, #tpu.memory_space<hbm>>, %arg5: memref<12x128xi32, #tpu.memory_space<vmem>>, %arg6: memref<64x64xf32, #tpu.memory_space<vmem>>, %arg7: memref<64x64xf32, #tpu.memory_space<vmem>>, %arg8: memref<!tpu.dma_semaphore, #tpu.memory_space<semaphore_mem>>) attributes {dimension_semantics = [#tpu.dimension_semantics<core_parallel>, #tpu.dimension_semantics<subcore_parallel>], iteration_bounds = array<i64: 2, 16>, scalar_prefetch = 0 : i64, scratch_operands = 4 : i64, tpu.core_type = #tpu.core_type<sc_vector_subcore>, window_params = [{transform_indices = #map}, {transform_indices = #map1}, {transform_indices = #map}]} {
    %mul3A = arith.constant 2 : i32
    %mul3A_0 = arith.muli %arg1, %mul3A : i32
    %add3A = arith.addi %mul3A_0, %arg0 : i32
    "tpu.region"() ({
      %run_scoped3A = tpu.sem_alloc : memref<!tpu.dma_semaphore, #tpu.memory_space<semaphore_mem>>
      %dma_start3A = arith.constant 0 : i32
      %dma_start3A_10 = arith.constant 0 : i32
      %dma_start3A_11 = tpu.memref_slice %arg3[%add3A, %dma_start3A, %dma_start3A_10] : memref<32x12x128xi32, #tpu.memory_space<hbm>> -> memref<1x12x128xi32, #tpu.memory_space<hbm>>
      %dma_start3A_12 = tpu.memref_squeeze %dma_start3A_11 : memref<1x12x128xi32, #tpu.memory_space<hbm>> -> memref<12x128xi32, #tpu.memory_space<hbm>>
      %dma_start3A_13 = arith.constant 0 : i32
      %dma_start3A_14 = arith.constant 0 : i32
      %dma_start3A_15 = tpu.memref_slice %arg3[%add3A, %dma_start3A_13, %dma_start3A_14] : memref<32x12x128xi32, #tpu.memory_space<hbm>> -> memref<1x12x128xi32, #tpu.memory_space<hbm>>
      %dma_start3A_16 = tpu.memref_squeeze %dma_start3A_15 : memref<1x12x128xi32, #tpu.memory_space<hbm>> -> memref<12x128xi32, #tpu.memory_space<hbm>>
      tpu.enqueue_dma source(%dma_start3A_16 : memref<12x128xi32, #tpu.memory_space<hbm>>) target(%arg5 : memref<12x128xi32, #tpu.memory_space<vmem>>) target_semaphore(%run_scoped3A : memref<!tpu.dma_semaphore, #tpu.memory_space<semaphore_mem>>)
      %dma_wait3A = arith.constant 0 : i32
      %dma_wait3A_17 = arith.constant 0 : i32
      %dma_wait3A_18 = tpu.memref_slice %arg3[%add3A, %dma_wait3A, %dma_wait3A_17] : memref<32x12x128xi32, #tpu.memory_space<hbm>> -> memref<1x12x128xi32, #tpu.memory_space<hbm>>
      %dma_wait3A_19 = tpu.memref_squeeze %dma_wait3A_18 : memref<1x12x128xi32, #tpu.memory_space<hbm>> -> memref<12x128xi32, #tpu.memory_space<hbm>>
      %dma_wait3A_20 = arith.constant 0 : i32
      %dma_wait3A_21 = arith.constant 0 : i32
      %dma_wait3A_22 = tpu.memref_slice %arg3[%add3A, %dma_wait3A_20, %dma_wait3A_21] : memref<32x12x128xi32, #tpu.memory_space<hbm>> -> memref<1x12x128xi32, #tpu.memory_space<hbm>>
      %dma_wait3A_23 = tpu.memref_squeeze %dma_wait3A_22 : memref<1x12x128xi32, #tpu.memory_space<hbm>> -> memref<12x128xi32, #tpu.memory_space<hbm>>
      tpu.wait_dma2 semaphore(%run_scoped3A : memref<!tpu.dma_semaphore, #tpu.memory_space<semaphore_mem>>) src(%dma_wait3A_23 : memref<12x128xi32, #tpu.memory_space<hbm>>) dst(%arg5 : memref<12x128xi32, #tpu.memory_space<vmem>>)
      tpu.yield
    }) : () -> ()
    %mul3A_1 = arith.constant 12 : i32
    %mul3A_2 = arith.muli %add3A, %mul3A_1 : i32
    %mul3A_3 = arith.constant 64 : i32
    %mul3A_4 = arith.muli %mul3A_2, %mul3A_3 : i32
    %scan3A = arith.constant 0 : i32
    %scan3A_5 = arith.constant 0 : i32
    %scan3A_6 = arith.constant 12 : i32
    %scan3A_7 = arith.addi %scan3A_5, %scan3A_6 : i32
    %scan3A_8 = arith.constant 1 : i32
    scf.for %scan3A_10 = %scan3A_5 to %scan3A_7 step %scan3A_8  : i32 {
      %dma_start3A = arith.constant 0 : i32
      %dma_start3A_11 = tpu.memref_slice %arg5[%scan3A_10, %dma_start3A] : memref<12x128xi32, #tpu.memory_space<vmem>> -> memref<1x64xi32, #tpu.memory_space<vmem>>
      %dma_start3A_12 = tpu.memref_squeeze %dma_start3A_11 : memref<1x64xi32, #tpu.memory_space<vmem>> -> memref<64xi32, #tpu.memory_space<vmem>>
      %dma_start3A_13 = arith.constant 0 : i32
      %dma_start3A_14 = arith.constant 0 : i32
      %dma_start3A_15 = tpu.memref_slice %arg2[%dma_start3A_13, %dma_start3A_14] : memref<100000x64xf32, #tpu.memory_space<hbm>> -> memref<100000x64xf32, #tpu.memory_space<hbm>>
      tpu.enqueue_indirect_dma source(%dma_start3A_15 : memref<100000x64xf32, #tpu.memory_space<hbm>>) target(%arg6 : memref<64x64xf32, #tpu.memory_space<vmem>>) offsets(%dma_start3A_12 : memref<64xi32, #tpu.memory_space<vmem>>) semaphore(%arg8 : memref<!tpu.dma_semaphore, #tpu.memory_space<semaphore_mem>>)
      %dma_start3A_16 = arith.constant 64 : i32
      %dma_start3A_17 = tpu.memref_slice %arg5[%scan3A_10, %dma_start3A_16] : memref<12x128xi32, #tpu.memory_space<vmem>> -> memref<1x64xi32, #tpu.memory_space<vmem>>
      %dma_start3A_18 = tpu.memref_squeeze %dma_start3A_17 : memref<1x64xi32, #tpu.memory_space<vmem>> -> memref<64xi32, #tpu.memory_space<vmem>>
      %dma_start3A_19 = arith.constant 0 : i32
      %dma_start3A_20 = arith.constant 0 : i32
      %dma_start3A_21 = tpu.memref_slice %arg2[%dma_start3A_19, %dma_start3A_20] : memref<100000x64xf32, #tpu.memory_space<hbm>> -> memref<100000x64xf32, #tpu.memory_space<hbm>>
      tpu.enqueue_indirect_dma source(%dma_start3A_21 : memref<100000x64xf32, #tpu.memory_space<hbm>>) target(%arg7 : memref<64x64xf32, #tpu.memory_space<vmem>>) offsets(%dma_start3A_18 : memref<64xi32, #tpu.memory_space<vmem>>) semaphore(%arg8 : memref<!tpu.dma_semaphore, #tpu.memory_space<semaphore_mem>>)
      %dma_wait3A = arith.constant 0 : i32
      %dma_wait3A_22 = tpu.memref_slice %arg5[%scan3A_10, %dma_wait3A] : memref<12x128xi32, #tpu.memory_space<vmem>> -> memref<1x64xi32, #tpu.memory_space<vmem>>
      %dma_wait3A_23 = tpu.memref_squeeze %dma_wait3A_22 : memref<1x64xi32, #tpu.memory_space<vmem>> -> memref<64xi32, #tpu.memory_space<vmem>>
      %dma_wait3A_24 = arith.constant 0 : i32
      %dma_wait3A_25 = arith.constant 0 : i32
      %dma_wait3A_26 = tpu.memref_slice %arg2[%dma_wait3A_24, %dma_wait3A_25] : memref<100000x64xf32, #tpu.memory_space<hbm>> -> memref<100000x64xf32, #tpu.memory_space<hbm>>
      tpu.wait_indirect_dma semaphore(%arg8 : memref<!tpu.dma_semaphore, #tpu.memory_space<semaphore_mem>>) src(%dma_wait3A_26 : memref<100000x64xf32, #tpu.memory_space<hbm>>) dst(%arg6 : memref<64x64xf32, #tpu.memory_space<vmem>>)
      %dma_wait3A_27 = arith.constant 64 : i32
      %dma_wait3A_28 = tpu.memref_slice %arg5[%scan3A_10, %dma_wait3A_27] : memref<12x128xi32, #tpu.memory_space<vmem>> -> memref<1x64xi32, #tpu.memory_space<vmem>>
      %dma_wait3A_29 = tpu.memref_squeeze %dma_wait3A_28 : memref<1x64xi32, #tpu.memory_space<vmem>> -> memref<64xi32, #tpu.memory_space<vmem>>
      %dma_wait3A_30 = arith.constant 0 : i32
      %dma_wait3A_31 = arith.constant 0 : i32
      %dma_wait3A_32 = tpu.memref_slice %arg2[%dma_wait3A_30, %dma_wait3A_31] : memref<100000x64xf32, #tpu.memory_space<hbm>> -> memref<100000x64xf32, #tpu.memory_space<hbm>>
      tpu.wait_indirect_dma semaphore(%arg8 : memref<!tpu.dma_semaphore, #tpu.memory_space<semaphore_mem>>) src(%dma_wait3A_32 : memref<100000x64xf32, #tpu.memory_space<hbm>>) dst(%arg7 : memref<64x64xf32, #tpu.memory_space<vmem>>)
      %mul3A_33 = arith.constant 64 : i32
      %mul3A_34 = arith.muli %scan3A_10, %mul3A_33 : i32
      %add3A_35 = arith.addi %mul3A_4, %mul3A_34 : i32
      "tpu.region"() ({
        %run_scoped3A = tpu.sem_alloc : memref<!tpu.dma_semaphore, #tpu.memory_space<semaphore_mem>>
        %dma_start3A_36 = arith.constant 0 : i32
        %dma_start3A_37 = tpu.memref_slice %arg4[%add3A_35, %dma_start3A_36] : memref<24576x128xf32, #tpu.memory_space<hbm>> -> memref<64x64xf32, #tpu.memory_space<hbm>>
        %dma_start3A_38 = arith.constant 0 : i32
        %dma_start3A_39 = tpu.memref_slice %arg4[%add3A_35, %dma_start3A_38] : memref<24576x128xf32, #tpu.memory_space<hbm>> -> memref<64x64xf32, #tpu.memory_space<hbm>>
        tpu.enqueue_dma source(%arg6 : memref<64x64xf32, #tpu.memory_space<vmem>>) target(%dma_start3A_39 : memref<64x64xf32, #tpu.memory_space<hbm>>) target_semaphore(%run_scoped3A : memref<!tpu.dma_semaphore, #tpu.memory_space<semaphore_mem>>)
        %dma_wait3A_40 = arith.constant 0 : i32
        %dma_wait3A_41 = tpu.memref_slice %arg4[%add3A_35, %dma_wait3A_40] : memref<24576x128xf32, #tpu.memory_space<hbm>> -> memref<64x64xf32, #tpu.memory_space<hbm>>
        %dma_wait3A_42 = arith.constant 0 : i32
        %dma_wait3A_43 = tpu.memref_slice %arg4[%add3A_35, %dma_wait3A_42] : memref<24576x128xf32, #tpu.memory_space<hbm>> -> memref<64x64xf32, #tpu.memory_space<hbm>>
        tpu.wait_dma2 semaphore(%run_scoped3A : memref<!tpu.dma_semaphore, #tpu.memory_space<semaphore_mem>>) src(%arg6 : memref<64x64xf32, #tpu.memory_space<vmem>>) dst(%dma_wait3A_43 : memref<64x64xf32, #tpu.memory_space<hbm>>)
        tpu.yield
      }) : () -> ()
      "tpu.region"() ({
        %run_scoped3A = tpu.sem_alloc : memref<!tpu.dma_semaphore, #tpu.memory_space<semaphore_mem>>
        %dma_start3A_36 = arith.constant 64 : i32
        %dma_start3A_37 = tpu.memref_slice %arg4[%add3A_35, %dma_start3A_36] : memref<24576x128xf32, #tpu.memory_space<hbm>> -> memref<64x64xf32, #tpu.memory_space<hbm>>
        %dma_start3A_38 = arith.constant 64 : i32
        %dma_start3A_39 = tpu.memref_slice %arg4[%add3A_35, %dma_start3A_38] : memref<24576x128xf32, #tpu.memory_space<hbm>> -> memref<64x64xf32, #tpu.memory_space<hbm>>
        tpu.enqueue_dma source(%arg7 : memref<64x64xf32, #tpu.memory_space<vmem>>) target(%dma_start3A_39 : memref<64x64xf32, #tpu.memory_space<hbm>>) target_semaphore(%run_scoped3A : memref<!tpu.dma_semaphore, #tpu.memory_space<semaphore_mem>>)
        %dma_wait3A_40 = arith.constant 64 : i32
        %dma_wait3A_41 = tpu.memref_slice %arg4[%add3A_35, %dma_wait3A_40] : memref<24576x128xf32, #tpu.memory_space<hbm>> -> memref<64x64xf32, #tpu.memory_space<hbm>>
        %dma_wait3A_42 = arith.constant 64 : i32
        %dma_wait3A_43 = tpu.memref_slice %arg4[%add3A_35, %dma_wait3A_42] : memref<24576x128xf32, #tpu.memory_space<hbm>> -> memref<64x64xf32, #tpu.memory_space<hbm>>
        tpu.wait_dma2 semaphore(%run_scoped3A : memref<!tpu.dma_semaphore, #tpu.memory_space<semaphore_mem>>) src(%arg7 : memref<64x64xf32, #tpu.memory_space<vmem>>) dst(%dma_wait3A_43 : memref<64x64xf32, #tpu.memory_space<hbm>>)
        tpu.yield
      }) : () -> ()
    }
    %scan3A_9 = arith.constant 12 : i32
    return
  }
}

#map = affine_map<(d0, d1) -> (0, 0)>
#map1 = affine_map<(d0, d1) -> (0, 0, 0)>
module attributes {stable_mosaic.version = 14 : i64} {
  func.func @_sc_gather(%arg0: i32, %arg1: i32, %arg2: memref<100000x64xf32, #tpu.memory_space<hbm>>, %arg3: memref<32x2x128xi32, #tpu.memory_space<hbm>>, %arg4: memref<4096x128xf32, #tpu.memory_space<hbm>>, %arg5: memref<2x128xi32, #tpu.memory_space<vmem>>, %arg6: memref<64x64xf32, #tpu.memory_space<vmem>>, %arg7: memref<64x64xf32, #tpu.memory_space<vmem>>, %arg8: memref<!tpu.dma_semaphore, #tpu.memory_space<semaphore_mem>>) attributes {dimension_semantics = [#tpu.dimension_semantics<core_parallel>, #tpu.dimension_semantics<subcore_parallel>], iteration_bounds = array<i64: 2, 16>, scalar_prefetch = 0 : i64, scratch_operands = 4 : i64, tpu.core_type = #tpu.core_type<sc_vector_subcore>, window_params = [{transform_indices = #map}, {transform_indices = #map1}, {transform_indices = #map}]} {
    %mul3A = arith.constant 2 : i32
    %mul3A_0 = arith.muli %arg1, %mul3A : i32
    %add3A = arith.addi %mul3A_0, %arg0 : i32
    "tpu.region"() ({
      %run_scoped3A = tpu.sem_alloc : memref<!tpu.dma_semaphore, #tpu.memory_space<semaphore_mem>>
      %dma_start3A = arith.constant 0 : i32
      %dma_start3A_10 = arith.constant 0 : i32
      %dma_start3A_11 = tpu.memref_slice %arg3[%add3A, %dma_start3A, %dma_start3A_10] : memref<32x2x128xi32, #tpu.memory_space<hbm>> -> memref<1x2x128xi32, #tpu.memory_space<hbm>>
      %dma_start3A_12 = tpu.memref_squeeze %dma_start3A_11 : memref<1x2x128xi32, #tpu.memory_space<hbm>> -> memref<2x128xi32, #tpu.memory_space<hbm>>
      %dma_start3A_13 = arith.constant 0 : i32
      %dma_start3A_14 = arith.constant 0 : i32
      %dma_start3A_15 = tpu.memref_slice %arg3[%add3A, %dma_start3A_13, %dma_start3A_14] : memref<32x2x128xi32, #tpu.memory_space<hbm>> -> memref<1x2x128xi32, #tpu.memory_space<hbm>>
      %dma_start3A_16 = tpu.memref_squeeze %dma_start3A_15 : memref<1x2x128xi32, #tpu.memory_space<hbm>> -> memref<2x128xi32, #tpu.memory_space<hbm>>
      tpu.enqueue_dma source(%dma_start3A_16 : memref<2x128xi32, #tpu.memory_space<hbm>>) target(%arg5 : memref<2x128xi32, #tpu.memory_space<vmem>>) target_semaphore(%run_scoped3A : memref<!tpu.dma_semaphore, #tpu.memory_space<semaphore_mem>>)
      %dma_wait3A = arith.constant 0 : i32
      %dma_wait3A_17 = arith.constant 0 : i32
      %dma_wait3A_18 = tpu.memref_slice %arg3[%add3A, %dma_wait3A, %dma_wait3A_17] : memref<32x2x128xi32, #tpu.memory_space<hbm>> -> memref<1x2x128xi32, #tpu.memory_space<hbm>>
      %dma_wait3A_19 = tpu.memref_squeeze %dma_wait3A_18 : memref<1x2x128xi32, #tpu.memory_space<hbm>> -> memref<2x128xi32, #tpu.memory_space<hbm>>
      %dma_wait3A_20 = arith.constant 0 : i32
      %dma_wait3A_21 = arith.constant 0 : i32
      %dma_wait3A_22 = tpu.memref_slice %arg3[%add3A, %dma_wait3A_20, %dma_wait3A_21] : memref<32x2x128xi32, #tpu.memory_space<hbm>> -> memref<1x2x128xi32, #tpu.memory_space<hbm>>
      %dma_wait3A_23 = tpu.memref_squeeze %dma_wait3A_22 : memref<1x2x128xi32, #tpu.memory_space<hbm>> -> memref<2x128xi32, #tpu.memory_space<hbm>>
      tpu.wait_dma2 semaphore(%run_scoped3A : memref<!tpu.dma_semaphore, #tpu.memory_space<semaphore_mem>>) src(%dma_wait3A_23 : memref<2x128xi32, #tpu.memory_space<hbm>>) dst(%arg5 : memref<2x128xi32, #tpu.memory_space<vmem>>)
      tpu.yield
    }) : () -> ()
    %mul3A_1 = arith.constant 2 : i32
    %mul3A_2 = arith.muli %add3A, %mul3A_1 : i32
    %mul3A_3 = arith.constant 64 : i32
    %mul3A_4 = arith.muli %mul3A_2, %mul3A_3 : i32
    %scan3A = arith.constant 0 : i32
    %scan3A_5 = arith.constant 0 : i32
    %scan3A_6 = arith.constant 2 : i32
    %scan3A_7 = arith.addi %scan3A_5, %scan3A_6 : i32
    %scan3A_8 = arith.constant 1 : i32
    scf.for %scan3A_10 = %scan3A_5 to %scan3A_7 step %scan3A_8  : i32 {
      %dma_start3A = arith.constant 0 : i32
      %dma_start3A_11 = tpu.memref_slice %arg5[%scan3A_10, %dma_start3A] : memref<2x128xi32, #tpu.memory_space<vmem>> -> memref<1x64xi32, #tpu.memory_space<vmem>>
      %dma_start3A_12 = tpu.memref_squeeze %dma_start3A_11 : memref<1x64xi32, #tpu.memory_space<vmem>> -> memref<64xi32, #tpu.memory_space<vmem>>
      %dma_start3A_13 = arith.constant 0 : i32
      %dma_start3A_14 = arith.constant 0 : i32
      %dma_start3A_15 = tpu.memref_slice %arg2[%dma_start3A_13, %dma_start3A_14] : memref<100000x64xf32, #tpu.memory_space<hbm>> -> memref<100000x64xf32, #tpu.memory_space<hbm>>
      tpu.enqueue_indirect_dma source(%dma_start3A_15 : memref<100000x64xf32, #tpu.memory_space<hbm>>) target(%arg6 : memref<64x64xf32, #tpu.memory_space<vmem>>) offsets(%dma_start3A_12 : memref<64xi32, #tpu.memory_space<vmem>>) semaphore(%arg8 : memref<!tpu.dma_semaphore, #tpu.memory_space<semaphore_mem>>)
      %dma_start3A_16 = arith.constant 64 : i32
      %dma_start3A_17 = tpu.memref_slice %arg5[%scan3A_10, %dma_start3A_16] : memref<2x128xi32, #tpu.memory_space<vmem>> -> memref<1x64xi32, #tpu.memory_space<vmem>>
      %dma_start3A_18 = tpu.memref_squeeze %dma_start3A_17 : memref<1x64xi32, #tpu.memory_space<vmem>> -> memref<64xi32, #tpu.memory_space<vmem>>
      %dma_start3A_19 = arith.constant 0 : i32
      %dma_start3A_20 = arith.constant 0 : i32
      %dma_start3A_21 = tpu.memref_slice %arg2[%dma_start3A_19, %dma_start3A_20] : memref<100000x64xf32, #tpu.memory_space<hbm>> -> memref<100000x64xf32, #tpu.memory_space<hbm>>
      tpu.enqueue_indirect_dma source(%dma_start3A_21 : memref<100000x64xf32, #tpu.memory_space<hbm>>) target(%arg7 : memref<64x64xf32, #tpu.memory_space<vmem>>) offsets(%dma_start3A_18 : memref<64xi32, #tpu.memory_space<vmem>>) semaphore(%arg8 : memref<!tpu.dma_semaphore, #tpu.memory_space<semaphore_mem>>)
      %dma_wait3A = arith.constant 0 : i32
      %dma_wait3A_22 = tpu.memref_slice %arg5[%scan3A_10, %dma_wait3A] : memref<2x128xi32, #tpu.memory_space<vmem>> -> memref<1x64xi32, #tpu.memory_space<vmem>>
      %dma_wait3A_23 = tpu.memref_squeeze %dma_wait3A_22 : memref<1x64xi32, #tpu.memory_space<vmem>> -> memref<64xi32, #tpu.memory_space<vmem>>
      %dma_wait3A_24 = arith.constant 0 : i32
      %dma_wait3A_25 = arith.constant 0 : i32
      %dma_wait3A_26 = tpu.memref_slice %arg2[%dma_wait3A_24, %dma_wait3A_25] : memref<100000x64xf32, #tpu.memory_space<hbm>> -> memref<100000x64xf32, #tpu.memory_space<hbm>>
      tpu.wait_indirect_dma semaphore(%arg8 : memref<!tpu.dma_semaphore, #tpu.memory_space<semaphore_mem>>) src(%dma_wait3A_26 : memref<100000x64xf32, #tpu.memory_space<hbm>>) dst(%arg6 : memref<64x64xf32, #tpu.memory_space<vmem>>)
      %dma_wait3A_27 = arith.constant 64 : i32
      %dma_wait3A_28 = tpu.memref_slice %arg5[%scan3A_10, %dma_wait3A_27] : memref<2x128xi32, #tpu.memory_space<vmem>> -> memref<1x64xi32, #tpu.memory_space<vmem>>
      %dma_wait3A_29 = tpu.memref_squeeze %dma_wait3A_28 : memref<1x64xi32, #tpu.memory_space<vmem>> -> memref<64xi32, #tpu.memory_space<vmem>>
      %dma_wait3A_30 = arith.constant 0 : i32
      %dma_wait3A_31 = arith.constant 0 : i32
      %dma_wait3A_32 = tpu.memref_slice %arg2[%dma_wait3A_30, %dma_wait3A_31] : memref<100000x64xf32, #tpu.memory_space<hbm>> -> memref<100000x64xf32, #tpu.memory_space<hbm>>
      tpu.wait_indirect_dma semaphore(%arg8 : memref<!tpu.dma_semaphore, #tpu.memory_space<semaphore_mem>>) src(%dma_wait3A_32 : memref<100000x64xf32, #tpu.memory_space<hbm>>) dst(%arg7 : memref<64x64xf32, #tpu.memory_space<vmem>>)
      %mul3A_33 = arith.constant 64 : i32
      %mul3A_34 = arith.muli %scan3A_10, %mul3A_33 : i32
      %add3A_35 = arith.addi %mul3A_4, %mul3A_34 : i32
      "tpu.region"() ({
        %run_scoped3A = tpu.sem_alloc : memref<!tpu.dma_semaphore, #tpu.memory_space<semaphore_mem>>
        %dma_start3A_36 = arith.constant 0 : i32
        %dma_start3A_37 = tpu.memref_slice %arg4[%add3A_35, %dma_start3A_36] : memref<4096x128xf32, #tpu.memory_space<hbm>> -> memref<64x64xf32, #tpu.memory_space<hbm>>
        %dma_start3A_38 = arith.constant 0 : i32
        %dma_start3A_39 = tpu.memref_slice %arg4[%add3A_35, %dma_start3A_38] : memref<4096x128xf32, #tpu.memory_space<hbm>> -> memref<64x64xf32, #tpu.memory_space<hbm>>
        tpu.enqueue_dma source(%arg6 : memref<64x64xf32, #tpu.memory_space<vmem>>) target(%dma_start3A_39 : memref<64x64xf32, #tpu.memory_space<hbm>>) target_semaphore(%run_scoped3A : memref<!tpu.dma_semaphore, #tpu.memory_space<semaphore_mem>>)
        %dma_wait3A_40 = arith.constant 0 : i32
        %dma_wait3A_41 = tpu.memref_slice %arg4[%add3A_35, %dma_wait3A_40] : memref<4096x128xf32, #tpu.memory_space<hbm>> -> memref<64x64xf32, #tpu.memory_space<hbm>>
        %dma_wait3A_42 = arith.constant 0 : i32
        %dma_wait3A_43 = tpu.memref_slice %arg4[%add3A_35, %dma_wait3A_42] : memref<4096x128xf32, #tpu.memory_space<hbm>> -> memref<64x64xf32, #tpu.memory_space<hbm>>
        tpu.wait_dma2 semaphore(%run_scoped3A : memref<!tpu.dma_semaphore, #tpu.memory_space<semaphore_mem>>) src(%arg6 : memref<64x64xf32, #tpu.memory_space<vmem>>) dst(%dma_wait3A_43 : memref<64x64xf32, #tpu.memory_space<hbm>>)
        tpu.yield
      }) : () -> ()
      "tpu.region"() ({
        %run_scoped3A = tpu.sem_alloc : memref<!tpu.dma_semaphore, #tpu.memory_space<semaphore_mem>>
        %dma_start3A_36 = arith.constant 64 : i32
        %dma_start3A_37 = tpu.memref_slice %arg4[%add3A_35, %dma_start3A_36] : memref<4096x128xf32, #tpu.memory_space<hbm>> -> memref<64x64xf32, #tpu.memory_space<hbm>>
        %dma_start3A_38 = arith.constant 64 : i32
        %dma_start3A_39 = tpu.memref_slice %arg4[%add3A_35, %dma_start3A_38] : memref<4096x128xf32, #tpu.memory_space<hbm>> -> memref<64x64xf32, #tpu.memory_space<hbm>>
        tpu.enqueue_dma source(%arg7 : memref<64x64xf32, #tpu.memory_space<vmem>>) target(%dma_start3A_39 : memref<64x64xf32, #tpu.memory_space<hbm>>) target_semaphore(%run_scoped3A : memref<!tpu.dma_semaphore, #tpu.memory_space<semaphore_mem>>)
        %dma_wait3A_40 = arith.constant 64 : i32
        %dma_wait3A_41 = tpu.memref_slice %arg4[%add3A_35, %dma_wait3A_40] : memref<4096x128xf32, #tpu.memory_space<hbm>> -> memref<64x64xf32, #tpu.memory_space<hbm>>
        %dma_wait3A_42 = arith.constant 64 : i32
        %dma_wait3A_43 = tpu.memref_slice %arg4[%add3A_35, %dma_wait3A_42] : memref<4096x128xf32, #tpu.memory_space<hbm>> -> memref<64x64xf32, #tpu.memory_space<hbm>>
        tpu.wait_dma2 semaphore(%run_scoped3A : memref<!tpu.dma_semaphore, #tpu.memory_space<semaphore_mem>>) src(%arg7 : memref<64x64xf32, #tpu.memory_space<vmem>>) dst(%dma_wait3A_43 : memref<64x64xf32, #tpu.memory_space<hbm>>)
        tpu.yield
      }) : () -> ()
    }
    %scan3A_9 = arith.constant 2 : i32
    return
  }
}

#map = affine_map<(d0, d1) -> (0, 0)>
#map1 = affine_map<(d0, d1) -> (0, 0, 0)>
module attributes {stable_mosaic.version = 14 : i64} {
  func.func @_sc_gather(%arg0: i32, %arg1: i32, %arg2: memref<100000x64xf32, #tpu.memory_space<hbm>>, %arg3: memref<32x12x128xi32, #tpu.memory_space<hbm>>, %arg4: memref<24576x128xf32, #tpu.memory_space<hbm>>, %arg5: memref<12x128xi32, #tpu.memory_space<vmem>>, %arg6: memref<64x64xf32, #tpu.memory_space<vmem>>, %arg7: memref<64x64xf32, #tpu.memory_space<vmem>>, %arg8: memref<!tpu.dma_semaphore, #tpu.memory_space<semaphore_mem>>) attributes {dimension_semantics = [#tpu.dimension_semantics<core_parallel>, #tpu.dimension_semantics<subcore_parallel>], iteration_bounds = array<i64: 2, 16>, scalar_prefetch = 0 : i64, scratch_operands = 4 : i64, tpu.core_type = #tpu.core_type<sc_vector_subcore>, window_params = [{transform_indices = #map}, {transform_indices = #map1}, {transform_indices = #map}]} {
    %mul3A = arith.constant 2 : i32
    %mul3A_0 = arith.muli %arg1, %mul3A : i32
    %add3A = arith.addi %mul3A_0, %arg0 : i32
    "tpu.region"() ({
      %run_scoped3A = tpu.sem_alloc : memref<!tpu.dma_semaphore, #tpu.memory_space<semaphore_mem>>
      %dma_start3A = arith.constant 0 : i32
      %dma_start3A_10 = arith.constant 0 : i32
      %dma_start3A_11 = tpu.memref_slice %arg3[%add3A, %dma_start3A, %dma_start3A_10] : memref<32x12x128xi32, #tpu.memory_space<hbm>> -> memref<1x12x128xi32, #tpu.memory_space<hbm>>
      %dma_start3A_12 = tpu.memref_squeeze %dma_start3A_11 : memref<1x12x128xi32, #tpu.memory_space<hbm>> -> memref<12x128xi32, #tpu.memory_space<hbm>>
      %dma_start3A_13 = arith.constant 0 : i32
      %dma_start3A_14 = arith.constant 0 : i32
      %dma_start3A_15 = tpu.memref_slice %arg3[%add3A, %dma_start3A_13, %dma_start3A_14] : memref<32x12x128xi32, #tpu.memory_space<hbm>> -> memref<1x12x128xi32, #tpu.memory_space<hbm>>
      %dma_start3A_16 = tpu.memref_squeeze %dma_start3A_15 : memref<1x12x128xi32, #tpu.memory_space<hbm>> -> memref<12x128xi32, #tpu.memory_space<hbm>>
      tpu.enqueue_dma source(%dma_start3A_16 : memref<12x128xi32, #tpu.memory_space<hbm>>) target(%arg5 : memref<12x128xi32, #tpu.memory_space<vmem>>) target_semaphore(%run_scoped3A : memref<!tpu.dma_semaphore, #tpu.memory_space<semaphore_mem>>)
      %dma_wait3A = arith.constant 0 : i32
      %dma_wait3A_17 = arith.constant 0 : i32
      %dma_wait3A_18 = tpu.memref_slice %arg3[%add3A, %dma_wait3A, %dma_wait3A_17] : memref<32x12x128xi32, #tpu.memory_space<hbm>> -> memref<1x12x128xi32, #tpu.memory_space<hbm>>
      %dma_wait3A_19 = tpu.memref_squeeze %dma_wait3A_18 : memref<1x12x128xi32, #tpu.memory_space<hbm>> -> memref<12x128xi32, #tpu.memory_space<hbm>>
      %dma_wait3A_20 = arith.constant 0 : i32
      %dma_wait3A_21 = arith.constant 0 : i32
      %dma_wait3A_22 = tpu.memref_slice %arg3[%add3A, %dma_wait3A_20, %dma_wait3A_21] : memref<32x12x128xi32, #tpu.memory_space<hbm>> -> memref<1x12x128xi32, #tpu.memory_space<hbm>>
      %dma_wait3A_23 = tpu.memref_squeeze %dma_wait3A_22 : memref<1x12x128xi32, #tpu.memory_space<hbm>> -> memref<12x128xi32, #tpu.memory_space<hbm>>
      tpu.wait_dma2 semaphore(%run_scoped3A : memref<!tpu.dma_semaphore, #tpu.memory_space<semaphore_mem>>) src(%dma_wait3A_23 : memref<12x128xi32, #tpu.memory_space<hbm>>) dst(%arg5 : memref<12x128xi32, #tpu.memory_space<vmem>>)
      tpu.yield
    }) : () -> ()
    %mul3A_1 = arith.constant 12 : i32
    %mul3A_2 = arith.muli %add3A, %mul3A_1 : i32
    %mul3A_3 = arith.constant 64 : i32
    %mul3A_4 = arith.muli %mul3A_2, %mul3A_3 : i32
    %scan3A = arith.constant 0 : i32
    %scan3A_5 = arith.constant 0 : i32
    %scan3A_6 = arith.constant 12 : i32
    %scan3A_7 = arith.addi %scan3A_5, %scan3A_6 : i32
    %scan3A_8 = arith.constant 1 : i32
    scf.for %scan3A_10 = %scan3A_5 to %scan3A_7 step %scan3A_8  : i32 {
      %dma_start3A = arith.constant 0 : i32
      %dma_start3A_11 = tpu.memref_slice %arg5[%scan3A_10, %dma_start3A] : memref<12x128xi32, #tpu.memory_space<vmem>> -> memref<1x64xi32, #tpu.memory_space<vmem>>
      %dma_start3A_12 = tpu.memref_squeeze %dma_start3A_11 : memref<1x64xi32, #tpu.memory_space<vmem>> -> memref<64xi32, #tpu.memory_space<vmem>>
      %dma_start3A_13 = arith.constant 0 : i32
      %dma_start3A_14 = arith.constant 0 : i32
      %dma_start3A_15 = tpu.memref_slice %arg2[%dma_start3A_13, %dma_start3A_14] : memref<100000x64xf32, #tpu.memory_space<hbm>> -> memref<100000x64xf32, #tpu.memory_space<hbm>>
      tpu.enqueue_indirect_dma source(%dma_start3A_15 : memref<100000x64xf32, #tpu.memory_space<hbm>>) target(%arg6 : memref<64x64xf32, #tpu.memory_space<vmem>>) offsets(%dma_start3A_12 : memref<64xi32, #tpu.memory_space<vmem>>) semaphore(%arg8 : memref<!tpu.dma_semaphore, #tpu.memory_space<semaphore_mem>>)
      %dma_start3A_16 = arith.constant 64 : i32
      %dma_start3A_17 = tpu.memref_slice %arg5[%scan3A_10, %dma_start3A_16] : memref<12x128xi32, #tpu.memory_space<vmem>> -> memref<1x64xi32, #tpu.memory_space<vmem>>
      %dma_start3A_18 = tpu.memref_squeeze %dma_start3A_17 : memref<1x64xi32, #tpu.memory_space<vmem>> -> memref<64xi32, #tpu.memory_space<vmem>>
      %dma_start3A_19 = arith.constant 0 : i32
      %dma_start3A_20 = arith.constant 0 : i32
      %dma_start3A_21 = tpu.memref_slice %arg2[%dma_start3A_19, %dma_start3A_20] : memref<100000x64xf32, #tpu.memory_space<hbm>> -> memref<100000x64xf32, #tpu.memory_space<hbm>>
      tpu.enqueue_indirect_dma source(%dma_start3A_21 : memref<100000x64xf32, #tpu.memory_space<hbm>>) target(%arg7 : memref<64x64xf32, #tpu.memory_space<vmem>>) offsets(%dma_start3A_18 : memref<64xi32, #tpu.memory_space<vmem>>) semaphore(%arg8 : memref<!tpu.dma_semaphore, #tpu.memory_space<semaphore_mem>>)
      %dma_wait3A = arith.constant 0 : i32
      %dma_wait3A_22 = tpu.memref_slice %arg5[%scan3A_10, %dma_wait3A] : memref<12x128xi32, #tpu.memory_space<vmem>> -> memref<1x64xi32, #tpu.memory_space<vmem>>
      %dma_wait3A_23 = tpu.memref_squeeze %dma_wait3A_22 : memref<1x64xi32, #tpu.memory_space<vmem>> -> memref<64xi32, #tpu.memory_space<vmem>>
      %dma_wait3A_24 = arith.constant 0 : i32
      %dma_wait3A_25 = arith.constant 0 : i32
      %dma_wait3A_26 = tpu.memref_slice %arg2[%dma_wait3A_24, %dma_wait3A_25] : memref<100000x64xf32, #tpu.memory_space<hbm>> -> memref<100000x64xf32, #tpu.memory_space<hbm>>
      tpu.wait_indirect_dma semaphore(%arg8 : memref<!tpu.dma_semaphore, #tpu.memory_space<semaphore_mem>>) src(%dma_wait3A_26 : memref<100000x64xf32, #tpu.memory_space<hbm>>) dst(%arg6 : memref<64x64xf32, #tpu.memory_space<vmem>>)
      %dma_wait3A_27 = arith.constant 64 : i32
      %dma_wait3A_28 = tpu.memref_slice %arg5[%scan3A_10, %dma_wait3A_27] : memref<12x128xi32, #tpu.memory_space<vmem>> -> memref<1x64xi32, #tpu.memory_space<vmem>>
      %dma_wait3A_29 = tpu.memref_squeeze %dma_wait3A_28 : memref<1x64xi32, #tpu.memory_space<vmem>> -> memref<64xi32, #tpu.memory_space<vmem>>
      %dma_wait3A_30 = arith.constant 0 : i32
      %dma_wait3A_31 = arith.constant 0 : i32
      %dma_wait3A_32 = tpu.memref_slice %arg2[%dma_wait3A_30, %dma_wait3A_31] : memref<100000x64xf32, #tpu.memory_space<hbm>> -> memref<100000x64xf32, #tpu.memory_space<hbm>>
      tpu.wait_indirect_dma semaphore(%arg8 : memref<!tpu.dma_semaphore, #tpu.memory_space<semaphore_mem>>) src(%dma_wait3A_32 : memref<100000x64xf32, #tpu.memory_space<hbm>>) dst(%arg7 : memref<64x64xf32, #tpu.memory_space<vmem>>)
      %mul3A_33 = arith.constant 64 : i32
      %mul3A_34 = arith.muli %scan3A_10, %mul3A_33 : i32
      %add3A_35 = arith.addi %mul3A_4, %mul3A_34 : i32
      "tpu.region"() ({
        %run_scoped3A = tpu.sem_alloc : memref<!tpu.dma_semaphore, #tpu.memory_space<semaphore_mem>>
        %dma_start3A_36 = arith.constant 0 : i32
        %dma_start3A_37 = tpu.memref_slice %arg4[%add3A_35, %dma_start3A_36] : memref<24576x128xf32, #tpu.memory_space<hbm>> -> memref<64x64xf32, #tpu.memory_space<hbm>>
        %dma_start3A_38 = arith.constant 0 : i32
        %dma_start3A_39 = tpu.memref_slice %arg4[%add3A_35, %dma_start3A_38] : memref<24576x128xf32, #tpu.memory_space<hbm>> -> memref<64x64xf32, #tpu.memory_space<hbm>>
        tpu.enqueue_dma source(%arg6 : memref<64x64xf32, #tpu.memory_space<vmem>>) target(%dma_start3A_39 : memref<64x64xf32, #tpu.memory_space<hbm>>) target_semaphore(%run_scoped3A : memref<!tpu.dma_semaphore, #tpu.memory_space<semaphore_mem>>)
        %dma_wait3A_40 = arith.constant 0 : i32
        %dma_wait3A_41 = tpu.memref_slice %arg4[%add3A_35, %dma_wait3A_40] : memref<24576x128xf32, #tpu.memory_space<hbm>> -> memref<64x64xf32, #tpu.memory_space<hbm>>
        %dma_wait3A_42 = arith.constant 0 : i32
        %dma_wait3A_43 = tpu.memref_slice %arg4[%add3A_35, %dma_wait3A_42] : memref<24576x128xf32, #tpu.memory_space<hbm>> -> memref<64x64xf32, #tpu.memory_space<hbm>>
        tpu.wait_dma2 semaphore(%run_scoped3A : memref<!tpu.dma_semaphore, #tpu.memory_space<semaphore_mem>>) src(%arg6 : memref<64x64xf32, #tpu.memory_space<vmem>>) dst(%dma_wait3A_43 : memref<64x64xf32, #tpu.memory_space<hbm>>)
        tpu.yield
      }) : () -> ()
      "tpu.region"() ({
        %run_scoped3A = tpu.sem_alloc : memref<!tpu.dma_semaphore, #tpu.memory_space<semaphore_mem>>
        %dma_start3A_36 = arith.constant 64 : i32
        %dma_start3A_37 = tpu.memref_slice %arg4[%add3A_35, %dma_start3A_36] : memref<24576x128xf32, #tpu.memory_space<hbm>> -> memref<64x64xf32, #tpu.memory_space<hbm>>
        %dma_start3A_38 = arith.constant 64 : i32
        %dma_start3A_39 = tpu.memref_slice %arg4[%add3A_35, %dma_start3A_38] : memref<24576x128xf32, #tpu.memory_space<hbm>> -> memref<64x64xf32, #tpu.memory_space<hbm>>
        tpu.enqueue_dma source(%arg7 : memref<64x64xf32, #tpu.memory_space<vmem>>) target(%dma_start3A_39 : memref<64x64xf32, #tpu.memory_space<hbm>>) target_semaphore(%run_scoped3A : memref<!tpu.dma_semaphore, #tpu.memory_space<semaphore_mem>>)
        %dma_wait3A_40 = arith.constant 64 : i32
        %dma_wait3A_41 = tpu.memref_slice %arg4[%add3A_35, %dma_wait3A_40] : memref<24576x128xf32, #tpu.memory_space<hbm>> -> memref<64x64xf32, #tpu.memory_space<hbm>>
        %dma_wait3A_42 = arith.constant 64 : i32
        %dma_wait3A_43 = tpu.memref_slice %arg4[%add3A_35, %dma_wait3A_42] : memref<24576x128xf32, #tpu.memory_space<hbm>> -> memref<64x64xf32, #tpu.memory_space<hbm>>
        tpu.wait_dma2 semaphore(%run_scoped3A : memref<!tpu.dma_semaphore, #tpu.memory_space<semaphore_mem>>) src(%arg7 : memref<64x64xf32, #tpu.memory_space<vmem>>) dst(%dma_wait3A_43 : memref<64x64xf32, #tpu.memory_space<hbm>>)
        tpu.yield
      }) : () -> ()
    }
    %scan3A_9 = arith.constant 12 : i32
    return
  }
}

module attributes {stable_mosaic.version = 14 : i64} {
  func.func @_rnn_fin_body(%arg0: i32, %arg1: memref<4x512x128xf32, #tpu.memory_space<vmem>>, %arg2: memref<512x512xf32, #tpu.memory_space<vmem>>, %arg3: memref<128x1536xbf16, #tpu.memory_space<vmem>>, %arg4: memref<256x768xbf16, #tpu.memory_space<vmem>>, %arg5: memref<1x512xf32, #tpu.memory_space<vmem>>, %arg6: memref<1x256xf32, #tpu.memory_space<vmem>>, %arg7: memref<1x256xf32, #tpu.memory_space<vmem>>, %arg8: memref<128x1536xbf16, #tpu.memory_space<vmem>>, %arg9: memref<1x512xf32, #tpu.memory_space<vmem>>, %arg10: memref<1x256xf32, #tpu.memory_space<vmem>>, %arg11: memref<1x256xf32, #tpu.memory_space<vmem>>, %arg12: memref<256x64xf32, #tpu.memory_space<vmem>>, %arg13: memref<1x64xf32, #tpu.memory_space<vmem>>, %arg14: memref<256x64xf32, #tpu.memory_space<vmem>>, %arg15: memref<1x64xf32, #tpu.memory_space<vmem>>, %arg16: memref<1024x64xf32, #tpu.memory_space<vmem>>, %arg17: memref<1024x64xf32, #tpu.memory_space<vmem>>, %arg18: memref<512x512xf32, #tpu.memory_space<vmem>>, %arg19: memref<512x512xbf16, #tpu.memory_space<vmem>>) attributes {dimension_semantics = [#tpu.dimension_semantics<arbitrary>], iteration_bounds = array<i64: 12>, scalar_prefetch = 0 : i64, scratch_operands = 2 : i64, tpu.core_type = #tpu.core_type<tc>, window_params = [{transform_indices = @transform_0, window_bounds = array<i64: 4, 512, 128>}, {pipeline_mode = #tpu.pipeline_mode<synchronous>, transform_indices = @transform_1, window_bounds = array<i64: 512, 512>}, {pipeline_mode = #tpu.pipeline_mode<synchronous>, transform_indices = @transform_2, window_bounds = array<i64: 128, 1536>}, {pipeline_mode = #tpu.pipeline_mode<synchronous>, transform_indices = @transform_3, window_bounds = array<i64: 256, 768>}, {pipeline_mode = #tpu.pipeline_mode<synchronous>, transform_indices = @transform_4, window_bounds = array<i64: 1, 512>}, {pipeline_mode = #tpu.pipeline_mode<synchronous>, transform_indices = @transform_5, window_bounds = array<i64: 1, 256>}, {pipeline_mode = #tpu.pipeline_mode<synchronous>, transform_indices = @transform_6, window_bounds = array<i64: 1, 256>}, {pipeline_mode = #tpu.pipeline_mode<synchronous>, transform_indices = @transform_7, window_bounds = array<i64: 128, 1536>}, {pipeline_mode = #tpu.pipeline_mode<synchronous>, transform_indices = @transform_8, window_bounds = array<i64: 1, 512>}, {pipeline_mode = #tpu.pipeline_mode<synchronous>, transform_indices = @transform_9, window_bounds = array<i64: 1, 256>}, {pipeline_mode = #tpu.pipeline_mode<synchronous>, transform_indices = @transform_10, window_bounds = array<i64: 1, 256>}, {pipeline_mode = #tpu.pipeline_mode<synchronous>, transform_indices = @transform_11, window_bounds = array<i64: 256, 64>}, {pipeline_mode = #tpu.pipeline_mode<synchronous>, transform_indices = @transform_12, window_bounds = array<i64: 1, 64>}, {pipeline_mode = #tpu.pipeline_mode<synchronous>, transform_indices = @transform_13, window_bounds = array<i64: 256, 64>}, {pipeline_mode = #tpu.pipeline_mode<synchronous>, transform_indices = @transform_14, window_bounds = array<i64: 1, 64>}, {pipeline_mode = #tpu.pipeline_mode<synchronous>, transform_indices = @transform_15, window_bounds = array<i64: 1024, 64>}, {pipeline_mode = #tpu.pipeline_mode<synchronous>, transform_indices = @transform_16, window_bounds = array<i64: 1024, 64>}]} {
    %eq3A = arith.constant 0 : i32
    %eq3A_0 = arith.cmpi eq, %arg0, %eq3A : i32
    %convert_element_type3A = arith.extui %eq3A_0 : i1 to i32
    %cond3A = arith.constant 0 : i32
    %cond3A_1 = arith.cmpi ne, %convert_element_type3A, %cond3A : i32
    scf.if %cond3A_1 {
      %get3A_498 = arith.constant 0 : index
      %get3A_499 = arith.constant 0 : index
      %get3A_500 = vector.load %arg2[%get3A_498, %get3A_499] : memref<512x512xf32, #tpu.memory_space<vmem>>, vector<512x512xf32>
      %swap3A_501 = arith.constant 0 : index
      %swap3A_502 = arith.constant 0 : index
      %swap3A_503 = vector.load %arg18[%swap3A_501, %swap3A_502] : memref<512x512xf32, #tpu.memory_space<vmem>>, vector<512x512xf32>
      tpu.vector_store %arg18[%swap3A_501, %swap3A_502], %get3A_500 {strides = array<i32>} : memref<512x512xf32, #tpu.memory_space<vmem>>, vector<512x512xf32>,
      %get3A_504 = arith.constant 0 : index
      %get3A_505 = arith.constant 0 : index
      %get3A_506 = vector.load %arg2[%get3A_504, %get3A_505] : memref<512x512xf32, #tpu.memory_space<vmem>>, vector<512x512xf32>
      %convert_element_type3A_507 = arith.truncf %get3A_506 : vector<512x512xf32> to vector<512x512xbf16>
      %swap3A_508 = arith.constant 0 : index
      %swap3A_509 = arith.constant 0 : index
      %swap3A_510 = vector.load %arg19[%swap3A_508, %swap3A_509] : memref<512x512xbf16, #tpu.memory_space<vmem>>, vector<512x512xbf16>
      tpu.vector_store %arg19[%swap3A_508, %swap3A_509], %convert_element_type3A_507 {strides = array<i32>} : memref<512x512xbf16, #tpu.memory_space<vmem>>, vector<512x512xbf16>,
    } else {
    }
    %get3A = arith.constant 0 : index
    %get3A_2 = arith.constant 0 : index
    %get3A_3 = arith.constant 0 : index
    %get3A_4 = vector.load %arg1[%get3A, %get3A_2, %get3A_3] : memref<4x512x128xf32, #tpu.memory_space<vmem>>, vector<4x512x128xf32>
    %reshape3A = vector.shape_cast %get3A_4 : vector<4x512x128xf32> to vector<2048x128xf32>
    %convert_element_type3A_5 = arith.truncf %reshape3A : vector<2048x128xf32> to vector<2048x128xbf16>
    %get3A_6 = arith.constant 0 : index
    %get3A_7 = arith.constant 0 : index
    %get3A_8 = vector.load %arg3[%get3A_6, %get3A_7] : memref<128x1536xbf16, #tpu.memory_space<vmem>>, vector<128x1536xbf16>
    %dot_general3A = arith.constant dense<0.000000e+00> : vector<2048x1536xf32>
    %dot_general3A_9 = tpu.matmul %convert_element_type3A_5, %get3A_8, %dot_general3A {dimension_numbers = #tpu.dot_dimension_numbers<[1], [0], [0], [1], [0, 0, 1, 1], [], []>, transpose_lhs_hint = false} : vector<2048x128xbf16>, vector<128x1536xbf16>, vector<2048x1536xf32> -> vector<2048x1536xf32>
    %get3A_10 = arith.constant 0 : index
    %get3A_11 = arith.constant 0 : index
    %get3A_12 = vector.load %arg18[%get3A_10, %get3A_11] : memref<512x512xf32, #tpu.memory_space<vmem>>, vector<512x256xf32>
    %slice3A = vector.extract_strided_slice %dot_general3A_9 {offsets = [0, 0], sizes = [512, 768], strides = [1, 1]} : vector<2048x1536xf32> to vector<512x768xf32>
    %get3A_13 = arith.constant 0 : index
    %get3A_14 = arith.constant 0 : index
    %get3A_15 = vector.load %arg19[%get3A_13, %get3A_14] : memref<512x512xbf16, #tpu.memory_space<vmem>>, vector<512x256xbf16>
    %get3A_16 = arith.constant 0 : index
    %get3A_17 = arith.constant 0 : index
    %get3A_18 = vector.load %arg4[%get3A_16, %get3A_17] : memref<256x768xbf16, #tpu.memory_space<vmem>>, vector<256x768xbf16>
    %dot_general3A_19 = arith.constant dense<0.000000e+00> : vector<512x768xf32>
    %dot_general3A_20 = tpu.matmul %get3A_15, %get3A_18, %dot_general3A_19 {dimension_numbers = #tpu.dot_dimension_numbers<[1], [0], [0], [1], [0, 0, 1, 1], [], []>, transpose_lhs_hint = false} : vector<512x256xbf16>, vector<256x768xbf16>, vector<512x768xf32> -> vector<512x768xf32>
    %slice3A_21 = vector.extract_strided_slice %slice3A {offsets = [0, 0], sizes = [512, 512], strides = [1, 1]} : vector<512x768xf32> to vector<512x512xf32>
    %slice3A_22 = vector.extract_strided_slice %dot_general3A_20 {offsets = [0, 0], sizes = [512, 512], strides = [1, 1]} : vector<512x768xf32> to vector<512x512xf32>
    %add3A = arith.addf %slice3A_21, %slice3A_22 : vector<512x512xf32>
    %get3A_23 = arith.constant 0 : index
    %get3A_24 = arith.constant 0 : index
    %get3A_25 = vector.load %arg5[%get3A_23, %get3A_24] : memref<1x512xf32, #tpu.memory_space<vmem>>, vector<1x512xf32>
    %add3A_26 = vector.broadcast %get3A_25 : vector<1x512xf32> to vector<512x512xf32>
    %add3A_27 = arith.addf %add3A, %add3A_26 : vector<512x512xf32>
    %slice3A_28 = vector.extract_strided_slice %add3A_27 {offsets = [0, 0], sizes = [512, 256], strides = [1, 1]} : vector<512x512xf32> to vector<512x256xf32>
    %tanh3A = math.tanh %slice3A_28 : vector<512x256xf32>
    %mul3A = arith.constant 5.000000e-01 : f32
    %mul3A_29 = vector.broadcast %mul3A : f32 to vector<512x256xf32>
    %mul3A_30 = arith.mulf %mul3A_29, %tanh3A : vector<512x256xf32>
    %add3A_31 = arith.constant 5.000000e-01 : f32
    %add3A_32 = vector.broadcast %add3A_31 : f32 to vector<512x256xf32>
    %add3A_33 = arith.addf %add3A_32, %mul3A_30 : vector<512x256xf32>
    %slice3A_34 = vector.extract_strided_slice %add3A_27 {offsets = [0, 256], sizes = [512, 256], strides = [1, 1]} : vector<512x512xf32> to vector<512x256xf32>
    %tanh3A_35 = math.tanh %slice3A_34 : vector<512x256xf32>
    %mul3A_36 = arith.constant 5.000000e-01 : f32
    %mul3A_37 = vector.broadcast %mul3A_36 : f32 to vector<512x256xf32>
    %mul3A_38 = arith.mulf %mul3A_37, %tanh3A_35 : vector<512x256xf32>
    %add3A_39 = arith.constant 5.000000e-01 : f32
    %add3A_40 = vector.broadcast %add3A_39 : f32 to vector<512x256xf32>
    %add3A_41 = arith.addf %add3A_40, %mul3A_38 : vector<512x256xf32>
    %slice3A_42 = vector.extract_strided_slice %slice3A {offsets = [0, 512], sizes = [512, 256], strides = [1, 1]} : vector<512x768xf32> to vector<512x256xf32>
    %get3A_43 = arith.constant 0 : index
    %get3A_44 = arith.constant 0 : index
    %get3A_45 = vector.load %arg6[%get3A_43, %get3A_44] : memref<1x256xf32, #tpu.memory_space<vmem>>, vector<1x256xf32>
    %add3A_46 = vector.broadcast %get3A_45 : vector<1x256xf32> to vector<512x256xf32>
    %add3A_47 = arith.addf %slice3A_42, %add3A_46 : vector<512x256xf32>
    %slice3A_48 = vector.extract_strided_slice %dot_general3A_20 {offsets = [0, 512], sizes = [512, 256], strides = [1, 1]} : vector<512x768xf32> to vector<512x256xf32>
    %get3A_49 = arith.constant 0 : index
    %get3A_50 = arith.constant 0 : index
    %get3A_51 = vector.load %arg7[%get3A_49, %get3A_50] : memref<1x256xf32, #tpu.memory_space<vmem>>, vector<1x256xf32>
    %add3A_52 = vector.broadcast %get3A_51 : vector<1x256xf32> to vector<512x256xf32>
    %add3A_53 = arith.addf %slice3A_48, %add3A_52 : vector<512x256xf32>
    %mul3A_54 = arith.mulf %add3A_33, %add3A_53 : vector<512x256xf32>
    %add3A_55 = arith.addf %add3A_47, %mul3A_54 : vector<512x256xf32>
    %tanh3A_56 = math.tanh %add3A_55 : vector<512x256xf32>
    %sub3A = arith.subf %get3A_12, %tanh3A_56 : vector<512x256xf32>
    %mul3A_57 = arith.mulf %add3A_41, %sub3A : vector<512x256xf32>
    %add3A_58 = arith.addf %tanh3A_56, %mul3A_57 : vector<512x256xf32>
    %swap3A = arith.constant 0 : index
    %swap3A_59 = arith.constant 0 : index
    %swap3A_60 = vector.load %arg18[%swap3A, %swap3A_59] : memref<512x512xf32, #tpu.memory_space<vmem>>, vector<512x256xf32>
    tpu.vector_store %arg18[%swap3A, %swap3A_59], %add3A_58 {strides = array<i32>} : memref<512x512xf32, #tpu.memory_space<vmem>>, vector<512x256xf32>,
    %convert_element_type3A_61 = arith.truncf %add3A_58 : vector<512x256xf32> to vector<512x256xbf16>
    %swap3A_62 = arith.constant 0 : index
    %swap3A_63 = arith.constant 0 : index
    %swap3A_64 = vector.load %arg19[%swap3A_62, %swap3A_63] : memref<512x512xbf16, #tpu.memory_space<vmem>>, vector<512x256xbf16>
    tpu.vector_store %arg19[%swap3A_62, %swap3A_63], %convert_element_type3A_61 {strides = array<i32>} : memref<512x512xbf16, #tpu.memory_space<vmem>>, vector<512x256xbf16>,
    %get3A_65 = arith.constant 0 : index
    %get3A_66 = arith.constant 256 : index
    %get3A_67 = vector.load %arg18[%get3A_65, %get3A_66] : memref<512x512xf32, #tpu.memory_space<vmem>>, vector<512x256xf32>
    %slice3A_68 = vector.extract_strided_slice %dot_general3A_9 {offsets = [0, 768], sizes = [512, 768], strides = [1, 1]} : vector<2048x1536xf32> to vector<512x768xf32>
    %get3A_69 = arith.constant 0 : index
    %get3A_70 = arith.constant 256 : index
    %get3A_71 = vector.load %arg19[%get3A_69, %get3A_70] : memref<512x512xbf16, #tpu.memory_space<vmem>>, vector<512x256xbf16>
    %get3A_72 = arith.constant 0 : index
    %get3A_73 = arith.constant 0 : index
    %get3A_74 = vector.load %arg4[%get3A_72, %get3A_73] : memref<256x768xbf16, #tpu.memory_space<vmem>>, vector<256x768xbf16>
    %dot_general3A_75 = arith.constant dense<0.000000e+00> : vector<512x768xf32>
    %dot_general3A_76 = tpu.matmul %get3A_71, %get3A_74, %dot_general3A_75 {dimension_numbers = #tpu.dot_dimension_numbers<[1], [0], [0], [1], [0, 0, 1, 1], [], []>, transpose_lhs_hint = false} : vector<512x256xbf16>, vector<256x768xbf16>, vector<512x768xf32> -> vector<512x768xf32>
    %slice3A_77 = vector.extract_strided_slice %slice3A_68 {offsets = [0, 0], sizes = [512, 512], strides = [1, 1]} : vector<512x768xf32> to vector<512x512xf32>
    %slice3A_78 = vector.extract_strided_slice %dot_general3A_76 {offsets = [0, 0], sizes = [512, 512], strides = [1, 1]} : vector<512x768xf32> to vector<512x512xf32>
    %add3A_79 = arith.addf %slice3A_77, %slice3A_78 : vector<512x512xf32>
    %get3A_80 = arith.constant 0 : index
    %get3A_81 = arith.constant 0 : index
    %get3A_82 = vector.load %arg5[%get3A_80, %get3A_81] : memref<1x512xf32, #tpu.memory_space<vmem>>, vector<1x512xf32>
    %add3A_83 = vector.broadcast %get3A_82 : vector<1x512xf32> to vector<512x512xf32>
    %add3A_84 = arith.addf %add3A_79, %add3A_83 : vector<512x512xf32>
    %slice3A_85 = vector.extract_strided_slice %add3A_84 {offsets = [0, 0], sizes = [512, 256], strides = [1, 1]} : vector<512x512xf32> to vector<512x256xf32>
    %tanh3A_86 = math.tanh %slice3A_85 : vector<512x256xf32>
    %mul3A_87 = arith.constant 5.000000e-01 : f32
    %mul3A_88 = vector.broadcast %mul3A_87 : f32 to vector<512x256xf32>
    %mul3A_89 = arith.mulf %mul3A_88, %tanh3A_86 : vector<512x256xf32>
    %add3A_90 = arith.constant 5.000000e-01 : f32
    %add3A_91 = vector.broadcast %add3A_90 : f32 to vector<512x256xf32>
    %add3A_92 = arith.addf %add3A_91, %mul3A_89 : vector<512x256xf32>
    %slice3A_93 = vector.extract_strided_slice %add3A_84 {offsets = [0, 256], sizes = [512, 256], strides = [1, 1]} : vector<512x512xf32> to vector<512x256xf32>
    %tanh3A_94 = math.tanh %slice3A_93 : vector<512x256xf32>
    %mul3A_95 = arith.constant 5.000000e-01 : f32
    %mul3A_96 = vector.broadcast %mul3A_95 : f32 to vector<512x256xf32>
    %mul3A_97 = arith.mulf %mul3A_96, %tanh3A_94 : vector<512x256xf32>
    %add3A_98 = arith.constant 5.000000e-01 : f32
    %add3A_99 = vector.broadcast %add3A_98 : f32 to vector<512x256xf32>
    %add3A_100 = arith.addf %add3A_99, %mul3A_97 : vector<512x256xf32>
    %slice3A_101 = vector.extract_strided_slice %slice3A_68 {offsets = [0, 512], sizes = [512, 256], strides = [1, 1]} : vector<512x768xf32> to vector<512x256xf32>
    %get3A_102 = arith.constant 0 : index
    %get3A_103 = arith.constant 0 : index
    %get3A_104 = vector.load %arg6[%get3A_102, %get3A_103] : memref<1x256xf32, #tpu.memory_space<vmem>>, vector<1x256xf32>
    %add3A_105 = vector.broadcast %get3A_104 : vector<1x256xf32> to vector<512x256xf32>
    %add3A_106 = arith.addf %slice3A_101, %add3A_105 : vector<512x256xf32>
    %slice3A_107 = vector.extract_strided_slice %dot_general3A_76 {offsets = [0, 512], sizes = [512, 256], strides = [1, 1]} : vector<512x768xf32> to vector<512x256xf32>
    %get3A_108 = arith.constant 0 : index
    %get3A_109 = arith.constant 0 : index
    %get3A_110 = vector.load %arg7[%get3A_108, %get3A_109] : memref<1x256xf32, #tpu.memory_space<vmem>>, vector<1x256xf32>
    %add3A_111 = vector.broadcast %get3A_110 : vector<1x256xf32> to vector<512x256xf32>
    %add3A_112 = arith.addf %slice3A_107, %add3A_111 : vector<512x256xf32>
    %mul3A_113 = arith.mulf %add3A_92, %add3A_112 : vector<512x256xf32>
    %add3A_114 = arith.addf %add3A_106, %mul3A_113 : vector<512x256xf32>
    %tanh3A_115 = math.tanh %add3A_114 : vector<512x256xf32>
    %sub3A_116 = arith.subf %get3A_67, %tanh3A_115 : vector<512x256xf32>
    %mul3A_117 = arith.mulf %add3A_100, %sub3A_116 : vector<512x256xf32>
    %add3A_118 = arith.addf %tanh3A_115, %mul3A_117 : vector<512x256xf32>
    %swap3A_119 = arith.constant 0 : index
    %swap3A_120 = arith.constant 256 : index
    %swap3A_121 = vector.load %arg18[%swap3A_119, %swap3A_120] : memref<512x512xf32, #tpu.memory_space<vmem>>, vector<512x256xf32>
    tpu.vector_store %arg18[%swap3A_119, %swap3A_120], %add3A_118 {strides = array<i32>} : memref<512x512xf32, #tpu.memory_space<vmem>>, vector<512x256xf32>,
    %convert_element_type3A_122 = arith.truncf %add3A_118 : vector<512x256xf32> to vector<512x256xbf16>
    %swap3A_123 = arith.constant 0 : index
    %swap3A_124 = arith.constant 256 : index
    %swap3A_125 = vector.load %arg19[%swap3A_123, %swap3A_124] : memref<512x512xbf16, #tpu.memory_space<vmem>>, vector<512x256xbf16>
    tpu.vector_store %arg19[%swap3A_123, %swap3A_124], %convert_element_type3A_122 {strides = array<i32>} : memref<512x512xbf16, #tpu.memory_space<vmem>>, vector<512x256xbf16>,
    %get3A_126 = arith.constant 0 : index
    %get3A_127 = arith.constant 0 : index
    %get3A_128 = vector.load %arg18[%get3A_126, %get3A_127] : memref<512x512xf32, #tpu.memory_space<vmem>>, vector<512x256xf32>
    %slice3A_129 = vector.extract_strided_slice %dot_general3A_9 {offsets = [512, 0], sizes = [512, 768], strides = [1, 1]} : vector<2048x1536xf32> to vector<512x768xf32>
    %get3A_130 = arith.constant 0 : index
    %get3A_131 = arith.constant 0 : index
    %get3A_132 = vector.load %arg19[%get3A_130, %get3A_131] : memref<512x512xbf16, #tpu.memory_space<vmem>>, vector<512x256xbf16>
    %get3A_133 = arith.constant 0 : index
    %get3A_134 = arith.constant 0 : index
    %get3A_135 = vector.load %arg4[%get3A_133, %get3A_134] : memref<256x768xbf16, #tpu.memory_space<vmem>>, vector<256x768xbf16>
    %dot_general3A_136 = arith.constant dense<0.000000e+00> : vector<512x768xf32>
    %dot_general3A_137 = tpu.matmul %get3A_132, %get3A_135, %dot_general3A_136 {dimension_numbers = #tpu.dot_dimension_numbers<[1], [0], [0], [1], [0, 0, 1, 1], [], []>, transpose_lhs_hint = false} : vector<512x256xbf16>, vector<256x768xbf16>, vector<512x768xf32> -> vector<512x768xf32>
    %slice3A_138 = vector.extract_strided_slice %slice3A_129 {offsets = [0, 0], sizes = [512, 512], strides = [1, 1]} : vector<512x768xf32> to vector<512x512xf32>
    %slice3A_139 = vector.extract_strided_slice %dot_general3A_137 {offsets = [0, 0], sizes = [512, 512], strides = [1, 1]} : vector<512x768xf32> to vector<512x512xf32>
    %add3A_140 = arith.addf %slice3A_138, %slice3A_139 : vector<512x512xf32>
    %get3A_141 = arith.constant 0 : index
    %get3A_142 = arith.constant 0 : index
    %get3A_143 = vector.load %arg5[%get3A_141, %get3A_142] : memref<1x512xf32, #tpu.memory_space<vmem>>, vector<1x512xf32>
    %add3A_144 = vector.broadcast %get3A_143 : vector<1x512xf32> to vector<512x512xf32>
    %add3A_145 = arith.addf %add3A_140, %add3A_144 : vector<512x512xf32>
    %slice3A_146 = vector.extract_strided_slice %add3A_145 {offsets = [0, 0], sizes = [512, 256], strides = [1, 1]} : vector<512x512xf32> to vector<512x256xf32>
    %tanh3A_147 = math.tanh %slice3A_146 : vector<512x256xf32>
    %mul3A_148 = arith.constant 5.000000e-01 : f32
    %mul3A_149 = vector.broadcast %mul3A_148 : f32 to vector<512x256xf32>
    %mul3A_150 = arith.mulf %mul3A_149, %tanh3A_147 : vector<512x256xf32>
    %add3A_151 = arith.constant 5.000000e-01 : f32
    %add3A_152 = vector.broadcast %add3A_151 : f32 to vector<512x256xf32>
    %add3A_153 = arith.addf %add3A_152, %mul3A_150 : vector<512x256xf32>
    %slice3A_154 = vector.extract_strided_slice %add3A_145 {offsets = [0, 256], sizes = [512, 256], strides = [1, 1]} : vector<512x512xf32> to vector<512x256xf32>
    %tanh3A_155 = math.tanh %slice3A_154 : vector<512x256xf32>
    %mul3A_156 = arith.constant 5.000000e-01 : f32
    %mul3A_157 = vector.broadcast %mul3A_156 : f32 to vector<512x256xf32>
    %mul3A_158 = arith.mulf %mul3A_157, %tanh3A_155 : vector<512x256xf32>
    %add3A_159 = arith.constant 5.000000e-01 : f32
    %add3A_160 = vector.broadcast %add3A_159 : f32 to vector<512x256xf32>
    %add3A_161 = arith.addf %add3A_160, %mul3A_158 : vector<512x256xf32>
    %slice3A_162 = vector.extract_strided_slice %slice3A_129 {offsets = [0, 512], sizes = [512, 256], strides = [1, 1]} : vector<512x768xf32> to vector<512x256xf32>
    %get3A_163 = arith.constant 0 : index
    %get3A_164 = arith.constant 0 : index
    %get3A_165 = vector.load %arg6[%get3A_163, %get3A_164] : memref<1x256xf32, #tpu.memory_space<vmem>>, vector<1x256xf32>
    %add3A_166 = vector.broadcast %get3A_165 : vector<1x256xf32> to vector<512x256xf32>
    %add3A_167 = arith.addf %slice3A_162, %add3A_166 : vector<512x256xf32>
    %slice3A_168 = vector.extract_strided_slice %dot_general3A_137 {offsets = [0, 512], sizes = [512, 256], strides = [1, 1]} : vector<512x768xf32> to vector<512x256xf32>
    %get3A_169 = arith.constant 0 : index
    %get3A_170 = arith.constant 0 : index
    %get3A_171 = vector.load %arg7[%get3A_169, %get3A_170] : memref<1x256xf32, #tpu.memory_space<vmem>>, vector<1x256xf32>
    %add3A_172 = vector.broadcast %get3A_171 : vector<1x256xf32> to vector<512x256xf32>
    %add3A_173 = arith.addf %slice3A_168, %add3A_172 : vector<512x256xf32>
    %mul3A_174 = arith.mulf %add3A_153, %add3A_173 : vector<512x256xf32>
    %add3A_175 = arith.addf %add3A_167, %mul3A_174 : vector<512x256xf32>
    %tanh3A_176 = math.tanh %add3A_175 : vector<512x256xf32>
    %sub3A_177 = arith.subf %get3A_128, %tanh3A_176 : vector<512x256xf32>
    %mul3A_178 = arith.mulf %add3A_161, %sub3A_177 : vector<512x256xf32>
    %add3A_179 = arith.addf %tanh3A_176, %mul3A_178 : vector<512x256xf32>
    %swap3A_180 = arith.constant 0 : index
    %swap3A_181 = arith.constant 0 : index
    %swap3A_182 = vector.load %arg18[%swap3A_180, %swap3A_181] : memref<512x512xf32, #tpu.memory_space<vmem>>, vector<512x256xf32>
    tpu.vector_store %arg18[%swap3A_180, %swap3A_181], %add3A_179 {strides = array<i32>} : memref<512x512xf32, #tpu.memory_space<vmem>>, vector<512x256xf32>,
    %convert_element_type3A_183 = arith.truncf %add3A_179 : vector<512x256xf32> to vector<512x256xbf16>
    %swap3A_184 = arith.constant 0 : index
    %swap3A_185 = arith.constant 0 : index
    %swap3A_186 = vector.load %arg19[%swap3A_184, %swap3A_185] : memref<512x512xbf16, #tpu.memory_space<vmem>>, vector<512x256xbf16>
    tpu.vector_store %arg19[%swap3A_184, %swap3A_185], %convert_element_type3A_183 {strides = array<i32>} : memref<512x512xbf16, #tpu.memory_space<vmem>>, vector<512x256xbf16>,
    %get3A_187 = arith.constant 0 : index
    %get3A_188 = arith.constant 256 : index
    %get3A_189 = vector.load %arg18[%get3A_187, %get3A_188] : memref<512x512xf32, #tpu.memory_space<vmem>>, vector<512x256xf32>
    %slice3A_190 = vector.extract_strided_slice %dot_general3A_9 {offsets = [512, 768], sizes = [512, 768], strides = [1, 1]} : vector<2048x1536xf32> to vector<512x768xf32>
    %get3A_191 = arith.constant 0 : index
    %get3A_192 = arith.constant 256 : index
    %get3A_193 = vector.load %arg19[%get3A_191, %get3A_192] : memref<512x512xbf16, #tpu.memory_space<vmem>>, vector<512x256xbf16>
    %get3A_194 = arith.constant 0 : index
    %get3A_195 = arith.constant 0 : index
    %get3A_196 = vector.load %arg4[%get3A_194, %get3A_195] : memref<256x768xbf16, #tpu.memory_space<vmem>>, vector<256x768xbf16>
    %dot_general3A_197 = arith.constant dense<0.000000e+00> : vector<512x768xf32>
    %dot_general3A_198 = tpu.matmul %get3A_193, %get3A_196, %dot_general3A_197 {dimension_numbers = #tpu.dot_dimension_numbers<[1], [0], [0], [1], [0, 0, 1, 1], [], []>, transpose_lhs_hint = false} : vector<512x256xbf16>, vector<256x768xbf16>, vector<512x768xf32> -> vector<512x768xf32>
    %slice3A_199 = vector.extract_strided_slice %slice3A_190 {offsets = [0, 0], sizes = [512, 512], strides = [1, 1]} : vector<512x768xf32> to vector<512x512xf32>
    %slice3A_200 = vector.extract_strided_slice %dot_general3A_198 {offsets = [0, 0], sizes = [512, 512], strides = [1, 1]} : vector<512x768xf32> to vector<512x512xf32>
    %add3A_201 = arith.addf %slice3A_199, %slice3A_200 : vector<512x512xf32>
    %get3A_202 = arith.constant 0 : index
    %get3A_203 = arith.constant 0 : index
    %get3A_204 = vector.load %arg5[%get3A_202, %get3A_203] : memref<1x512xf32, #tpu.memory_space<vmem>>, vector<1x512xf32>
    %add3A_205 = vector.broadcast %get3A_204 : vector<1x512xf32> to vector<512x512xf32>
    %add3A_206 = arith.addf %add3A_201, %add3A_205 : vector<512x512xf32>
    %slice3A_207 = vector.extract_strided_slice %add3A_206 {offsets = [0, 0], sizes = [512, 256], strides = [1, 1]} : vector<512x512xf32> to vector<512x256xf32>
    %tanh3A_208 = math.tanh %slice3A_207 : vector<512x256xf32>
    %mul3A_209 = arith.constant 5.000000e-01 : f32
    %mul3A_210 = vector.broadcast %mul3A_209 : f32 to vector<512x256xf32>
    %mul3A_211 = arith.mulf %mul3A_210, %tanh3A_208 : vector<512x256xf32>
    %add3A_212 = arith.constant 5.000000e-01 : f32
    %add3A_213 = vector.broadcast %add3A_212 : f32 to vector<512x256xf32>
    %add3A_214 = arith.addf %add3A_213, %mul3A_211 : vector<512x256xf32>
    %slice3A_215 = vector.extract_strided_slice %add3A_206 {offsets = [0, 256], sizes = [512, 256], strides = [1, 1]} : vector<512x512xf32> to vector<512x256xf32>
    %tanh3A_216 = math.tanh %slice3A_215 : vector<512x256xf32>
    %mul3A_217 = arith.constant 5.000000e-01 : f32
    %mul3A_218 = vector.broadcast %mul3A_217 : f32 to vector<512x256xf32>
    %mul3A_219 = arith.mulf %mul3A_218, %tanh3A_216 : vector<512x256xf32>
    %add3A_220 = arith.constant 5.000000e-01 : f32
    %add3A_221 = vector.broadcast %add3A_220 : f32 to vector<512x256xf32>
    %add3A_222 = arith.addf %add3A_221, %mul3A_219 : vector<512x256xf32>
    %slice3A_223 = vector.extract_strided_slice %slice3A_190 {offsets = [0, 512], sizes = [512, 256], strides = [1, 1]} : vector<512x768xf32> to vector<512x256xf32>
    %get3A_224 = arith.constant 0 : index
    %get3A_225 = arith.constant 0 : index
    %get3A_226 = vector.load %arg6[%get3A_224, %get3A_225] : memref<1x256xf32, #tpu.memory_space<vmem>>, vector<1x256xf32>
    %add3A_227 = vector.broadcast %get3A_226 : vector<1x256xf32> to vector<512x256xf32>
    %add3A_228 = arith.addf %slice3A_223, %add3A_227 : vector<512x256xf32>
    %slice3A_229 = vector.extract_strided_slice %dot_general3A_198 {offsets = [0, 512], sizes = [512, 256], strides = [1, 1]} : vector<512x768xf32> to vector<512x256xf32>
    %get3A_230 = arith.constant 0 : index
    %get3A_231 = arith.constant 0 : index
    %get3A_232 = vector.load %arg7[%get3A_230, %get3A_231] : memref<1x256xf32, #tpu.memory_space<vmem>>, vector<1x256xf32>
    %add3A_233 = vector.broadcast %get3A_232 : vector<1x256xf32> to vector<512x256xf32>
    %add3A_234 = arith.addf %slice3A_229, %add3A_233 : vector<512x256xf32>
    %mul3A_235 = arith.mulf %add3A_214, %add3A_234 : vector<512x256xf32>
    %add3A_236 = arith.addf %add3A_228, %mul3A_235 : vector<512x256xf32>
    %tanh3A_237 = math.tanh %add3A_236 : vector<512x256xf32>
    %sub3A_238 = arith.subf %get3A_189, %tanh3A_237 : vector<512x256xf32>
    %mul3A_239 = arith.mulf %add3A_222, %sub3A_238 : vector<512x256xf32>
    %add3A_240 = arith.addf %tanh3A_237, %mul3A_239 : vector<512x256xf32>
    %swap3A_241 = arith.constant 0 : index
    %swap3A_242 = arith.constant 256 : index
    %swap3A_243 = vector.load %arg18[%swap3A_241, %swap3A_242] : memref<512x512xf32, #tpu.memory_space<vmem>>, vector<512x256xf32>
    tpu.vector_store %arg18[%swap3A_241, %swap3A_242], %add3A_240 {strides = array<i32>} : memref<512x512xf32, #tpu.memory_space<vmem>>, vector<512x256xf32>,
    %convert_element_type3A_244 = arith.truncf %add3A_240 : vector<512x256xf32> to vector<512x256xbf16>
    %swap3A_245 = arith.constant 0 : index
    %swap3A_246 = arith.constant 256 : index
    %swap3A_247 = vector.load %arg19[%swap3A_245, %swap3A_246] : memref<512x512xbf16, #tpu.memory_space<vmem>>, vector<512x256xbf16>
    tpu.vector_store %arg19[%swap3A_245, %swap3A_246], %convert_element_type3A_244 {strides = array<i32>} : memref<512x512xbf16, #tpu.memory_space<vmem>>, vector<512x256xbf16>,
    %get3A_248 = arith.constant 0 : index
    %get3A_249 = arith.constant 0 : index
    %get3A_250 = vector.load %arg18[%get3A_248, %get3A_249] : memref<512x512xf32, #tpu.memory_space<vmem>>, vector<512x256xf32>
    %slice3A_251 = vector.extract_strided_slice %dot_general3A_9 {offsets = [1024, 0], sizes = [512, 768], strides = [1, 1]} : vector<2048x1536xf32> to vector<512x768xf32>
    %get3A_252 = arith.constant 0 : index
    %get3A_253 = arith.constant 0 : index
    %get3A_254 = vector.load %arg19[%get3A_252, %get3A_253] : memref<512x512xbf16, #tpu.memory_space<vmem>>, vector<512x256xbf16>
    %get3A_255 = arith.constant 0 : index
    %get3A_256 = arith.constant 0 : index
    %get3A_257 = vector.load %arg4[%get3A_255, %get3A_256] : memref<256x768xbf16, #tpu.memory_space<vmem>>, vector<256x768xbf16>
    %dot_general3A_258 = arith.constant dense<0.000000e+00> : vector<512x768xf32>
    %dot_general3A_259 = tpu.matmul %get3A_254, %get3A_257, %dot_general3A_258 {dimension_numbers = #tpu.dot_dimension_numbers<[1], [0], [0], [1], [0, 0, 1, 1], [], []>, transpose_lhs_hint = false} : vector<512x256xbf16>, vector<256x768xbf16>, vector<512x768xf32> -> vector<512x768xf32>
    %slice3A_260 = vector.extract_strided_slice %slice3A_251 {offsets = [0, 0], sizes = [512, 512], strides = [1, 1]} : vector<512x768xf32> to vector<512x512xf32>
    %slice3A_261 = vector.extract_strided_slice %dot_general3A_259 {offsets = [0, 0], sizes = [512, 512], strides = [1, 1]} : vector<512x768xf32> to vector<512x512xf32>
    %add3A_262 = arith.addf %slice3A_260, %slice3A_261 : vector<512x512xf32>
    %get3A_263 = arith.constant 0 : index
    %get3A_264 = arith.constant 0 : index
    %get3A_265 = vector.load %arg5[%get3A_263, %get3A_264] : memref<1x512xf32, #tpu.memory_space<vmem>>, vector<1x512xf32>
    %add3A_266 = vector.broadcast %get3A_265 : vector<1x512xf32> to vector<512x512xf32>
    %add3A_267 = arith.addf %add3A_262, %add3A_266 : vector<512x512xf32>
    %slice3A_268 = vector.extract_strided_slice %add3A_267 {offsets = [0, 0], sizes = [512, 256], strides = [1, 1]} : vector<512x512xf32> to vector<512x256xf32>
    %tanh3A_269 = math.tanh %slice3A_268 : vector<512x256xf32>
    %mul3A_270 = arith.constant 5.000000e-01 : f32
    %mul3A_271 = vector.broadcast %mul3A_270 : f32 to vector<512x256xf32>
    %mul3A_272 = arith.mulf %mul3A_271, %tanh3A_269 : vector<512x256xf32>
    %add3A_273 = arith.constant 5.000000e-01 : f32
    %add3A_274 = vector.broadcast %add3A_273 : f32 to vector<512x256xf32>
    %add3A_275 = arith.addf %add3A_274, %mul3A_272 : vector<512x256xf32>
    %slice3A_276 = vector.extract_strided_slice %add3A_267 {offsets = [0, 256], sizes = [512, 256], strides = [1, 1]} : vector<512x512xf32> to vector<512x256xf32>
    %tanh3A_277 = math.tanh %slice3A_276 : vector<512x256xf32>
    %mul3A_278 = arith.constant 5.000000e-01 : f32
    %mul3A_279 = vector.broadcast %mul3A_278 : f32 to vector<512x256xf32>
    %mul3A_280 = arith.mulf %mul3A_279, %tanh3A_277 : vector<512x256xf32>
    %add3A_281 = arith.constant 5.000000e-01 : f32
    %add3A_282 = vector.broadcast %add3A_281 : f32 to vector<512x256xf32>
    %add3A_283 = arith.addf %add3A_282, %mul3A_280 : vector<512x256xf32>
    %slice3A_284 = vector.extract_strided_slice %slice3A_251 {offsets = [0, 512], sizes = [512, 256], strides = [1, 1]} : vector<512x768xf32> to vector<512x256xf32>
    %get3A_285 = arith.constant 0 : index
    %get3A_286 = arith.constant 0 : index
    %get3A_287 = vector.load %arg6[%get3A_285, %get3A_286] : memref<1x256xf32, #tpu.memory_space<vmem>>, vector<1x256xf32>
    %add3A_288 = vector.broadcast %get3A_287 : vector<1x256xf32> to vector<512x256xf32>
    %add3A_289 = arith.addf %slice3A_284, %add3A_288 : vector<512x256xf32>
    %slice3A_290 = vector.extract_strided_slice %dot_general3A_259 {offsets = [0, 512], sizes = [512, 256], strides = [1, 1]} : vector<512x768xf32> to vector<512x256xf32>
    %get3A_291 = arith.constant 0 : index
    %get3A_292 = arith.constant 0 : index
    %get3A_293 = vector.load %arg7[%get3A_291, %get3A_292] : memref<1x256xf32, #tpu.memory_space<vmem>>, vector<1x256xf32>
    %add3A_294 = vector.broadcast %get3A_293 : vector<1x256xf32> to vector<512x256xf32>
    %add3A_295 = arith.addf %slice3A_290, %add3A_294 : vector<512x256xf32>
    %mul3A_296 = arith.mulf %add3A_275, %add3A_295 : vector<512x256xf32>
    %add3A_297 = arith.addf %add3A_289, %mul3A_296 : vector<512x256xf32>
    %tanh3A_298 = math.tanh %add3A_297 : vector<512x256xf32>
    %sub3A_299 = arith.subf %get3A_250, %tanh3A_298 : vector<512x256xf32>
    %mul3A_300 = arith.mulf %add3A_283, %sub3A_299 : vector<512x256xf32>
    %add3A_301 = arith.addf %tanh3A_298, %mul3A_300 : vector<512x256xf32>
    %swap3A_302 = arith.constant 0 : index
    %swap3A_303 = arith.constant 0 : index
    %swap3A_304 = vector.load %arg18[%swap3A_302, %swap3A_303] : memref<512x512xf32, #tpu.memory_space<vmem>>, vector<512x256xf32>
    tpu.vector_store %arg18[%swap3A_302, %swap3A_303], %add3A_301 {strides = array<i32>} : memref<512x512xf32, #tpu.memory_space<vmem>>, vector<512x256xf32>,
    %convert_element_type3A_305 = arith.truncf %add3A_301 : vector<512x256xf32> to vector<512x256xbf16>
    %swap3A_306 = arith.constant 0 : index
    %swap3A_307 = arith.constant 0 : index
    %swap3A_308 = vector.load %arg19[%swap3A_306, %swap3A_307] : memref<512x512xbf16, #tpu.memory_space<vmem>>, vector<512x256xbf16>
    tpu.vector_store %arg19[%swap3A_306, %swap3A_307], %convert_element_type3A_305 {strides = array<i32>} : memref<512x512xbf16, #tpu.memory_space<vmem>>, vector<512x256xbf16>,
    %get3A_309 = arith.constant 0 : index
    %get3A_310 = arith.constant 256 : index
    %get3A_311 = vector.load %arg18[%get3A_309, %get3A_310] : memref<512x512xf32, #tpu.memory_space<vmem>>, vector<512x256xf32>
    %slice3A_312 = vector.extract_strided_slice %dot_general3A_9 {offsets = [1024, 768], sizes = [512, 768], strides = [1, 1]} : vector<2048x1536xf32> to vector<512x768xf32>
    %get3A_313 = arith.constant 0 : index
    %get3A_314 = arith.constant 256 : index
    %get3A_315 = vector.load %arg19[%get3A_313, %get3A_314] : memref<512x512xbf16, #tpu.memory_space<vmem>>, vector<512x256xbf16>
    %get3A_316 = arith.constant 0 : index
    %get3A_317 = arith.constant 0 : index
    %get3A_318 = vector.load %arg4[%get3A_316, %get3A_317] : memref<256x768xbf16, #tpu.memory_space<vmem>>, vector<256x768xbf16>
    %dot_general3A_319 = arith.constant dense<0.000000e+00> : vector<512x768xf32>
    %dot_general3A_320 = tpu.matmul %get3A_315, %get3A_318, %dot_general3A_319 {dimension_numbers = #tpu.dot_dimension_numbers<[1], [0], [0], [1], [0, 0, 1, 1], [], []>, transpose_lhs_hint = false} : vector<512x256xbf16>, vector<256x768xbf16>, vector<512x768xf32> -> vector<512x768xf32>
    %slice3A_321 = vector.extract_strided_slice %slice3A_312 {offsets = [0, 0], sizes = [512, 512], strides = [1, 1]} : vector<512x768xf32> to vector<512x512xf32>
    %slice3A_322 = vector.extract_strided_slice %dot_general3A_320 {offsets = [0, 0], sizes = [512, 512], strides = [1, 1]} : vector<512x768xf32> to vector<512x512xf32>
    %add3A_323 = arith.addf %slice3A_321, %slice3A_322 : vector<512x512xf32>
    %get3A_324 = arith.constant 0 : index
    %get3A_325 = arith.constant 0 : index
    %get3A_326 = vector.load %arg5[%get3A_324, %get3A_325] : memref<1x512xf32, #tpu.memory_space<vmem>>, vector<1x512xf32>
    %add3A_327 = vector.broadcast %get3A_326 : vector<1x512xf32> to vector<512x512xf32>
    %add3A_328 = arith.addf %add3A_323, %add3A_327 : vector<512x512xf32>
    %slice3A_329 = vector.extract_strided_slice %add3A_328 {offsets = [0, 0], sizes = [512, 256], strides = [1, 1]} : vector<512x512xf32> to vector<512x256xf32>
    %tanh3A_330 = math.tanh %slice3A_329 : vector<512x256xf32>
    %mul3A_331 = arith.constant 5.000000e-01 : f32
    %mul3A_332 = vector.broadcast %mul3A_331 : f32 to vector<512x256xf32>
    %mul3A_333 = arith.mulf %mul3A_332, %tanh3A_330 : vector<512x256xf32>
    %add3A_334 = arith.constant 5.000000e-01 : f32
    %add3A_335 = vector.broadcast %add3A_334 : f32 to vector<512x256xf32>
    %add3A_336 = arith.addf %add3A_335, %mul3A_333 : vector<512x256xf32>
    %slice3A_337 = vector.extract_strided_slice %add3A_328 {offsets = [0, 256], sizes = [512, 256], strides = [1, 1]} : vector<512x512xf32> to vector<512x256xf32>
    %tanh3A_338 = math.tanh %slice3A_337 : vector<512x256xf32>
    %mul3A_339 = arith.constant 5.000000e-01 : f32
    %mul3A_340 = vector.broadcast %mul3A_339 : f32 to vector<512x256xf32>
    %mul3A_341 = arith.mulf %mul3A_340, %tanh3A_338 : vector<512x256xf32>
    %add3A_342 = arith.constant 5.000000e-01 : f32
    %add3A_343 = vector.broadcast %add3A_342 : f32 to vector<512x256xf32>
    %add3A_344 = arith.addf %add3A_343, %mul3A_341 : vector<512x256xf32>
    %slice3A_345 = vector.extract_strided_slice %slice3A_312 {offsets = [0, 512], sizes = [512, 256], strides = [1, 1]} : vector<512x768xf32> to vector<512x256xf32>
    %get3A_346 = arith.constant 0 : index
    %get3A_347 = arith.constant 0 : index
    %get3A_348 = vector.load %arg6[%get3A_346, %get3A_347] : memref<1x256xf32, #tpu.memory_space<vmem>>, vector<1x256xf32>
    %add3A_349 = vector.broadcast %get3A_348 : vector<1x256xf32> to vector<512x256xf32>
    %add3A_350 = arith.addf %slice3A_345, %add3A_349 : vector<512x256xf32>
    %slice3A_351 = vector.extract_strided_slice %dot_general3A_320 {offsets = [0, 512], sizes = [512, 256], strides = [1, 1]} : vector<512x768xf32> to vector<512x256xf32>
    %get3A_352 = arith.constant 0 : index
    %get3A_353 = arith.constant 0 : index
    %get3A_354 = vector.load %arg7[%get3A_352, %get3A_353] : memref<1x256xf32, #tpu.memory_space<vmem>>, vector<1x256xf32>
    %add3A_355 = vector.broadcast %get3A_354 : vector<1x256xf32> to vector<512x256xf32>
    %add3A_356 = arith.addf %slice3A_351, %add3A_355 : vector<512x256xf32>
    %mul3A_357 = arith.mulf %add3A_336, %add3A_356 : vector<512x256xf32>
    %add3A_358 = arith.addf %add3A_350, %mul3A_357 : vector<512x256xf32>
    %tanh3A_359 = math.tanh %add3A_358 : vector<512x256xf32>
    %sub3A_360 = arith.subf %get3A_311, %tanh3A_359 : vector<512x256xf32>
    %mul3A_361 = arith.mulf %add3A_344, %sub3A_360 : vector<512x256xf32>
    %add3A_362 = arith.addf %tanh3A_359, %mul3A_361 : vector<512x256xf32>
    %swap3A_363 = arith.constant 0 : index
    %swap3A_364 = arith.constant 256 : index
    %swap3A_365 = vector.load %arg18[%swap3A_363, %swap3A_364] : memref<512x512xf32, #tpu.memory_space<vmem>>, vector<512x256xf32>
    tpu.vector_store %arg18[%swap3A_363, %swap3A_364], %add3A_362 {strides = array<i32>} : memref<512x512xf32, #tpu.memory_space<vmem>>, vector<512x256xf32>,
    %convert_element_type3A_366 = arith.truncf %add3A_362 : vector<512x256xf32> to vector<512x256xbf16>
    %swap3A_367 = arith.constant 0 : index
    %swap3A_368 = arith.constant 256 : index
    %swap3A_369 = vector.load %arg19[%swap3A_367, %swap3A_368] : memref<512x512xbf16, #tpu.memory_space<vmem>>, vector<512x256xbf16>
    tpu.vector_store %arg19[%swap3A_367, %swap3A_368], %convert_element_type3A_366 {strides = array<i32>} : memref<512x512xbf16, #tpu.memory_space<vmem>>, vector<512x256xbf16>,
    %get3A_370 = arith.constant 0 : index
    %get3A_371 = arith.constant 0 : index
    %get3A_372 = vector.load %arg18[%get3A_370, %get3A_371] : memref<512x512xf32, #tpu.memory_space<vmem>>, vector<512x256xf32>
    %slice3A_373 = vector.extract_strided_slice %dot_general3A_9 {offsets = [1536, 0], sizes = [512, 768], strides = [1, 1]} : vector<2048x1536xf32> to vector<512x768xf32>
    %get3A_374 = arith.constant 0 : index
    %get3A_375 = arith.constant 0 : index
    %get3A_376 = vector.load %arg19[%get3A_374, %get3A_375] : memref<512x512xbf16, #tpu.memory_space<vmem>>, vector<512x256xbf16>
    %get3A_377 = arith.constant 0 : index
    %get3A_378 = arith.constant 0 : index
    %get3A_379 = vector.load %arg4[%get3A_377, %get3A_378] : memref<256x768xbf16, #tpu.memory_space<vmem>>, vector<256x768xbf16>
    %dot_general3A_380 = arith.constant dense<0.000000e+00> : vector<512x768xf32>
    %dot_general3A_381 = tpu.matmul %get3A_376, %get3A_379, %dot_general3A_380 {dimension_numbers = #tpu.dot_dimension_numbers<[1], [0], [0], [1], [0, 0, 1, 1], [], []>, transpose_lhs_hint = false} : vector<512x256xbf16>, vector<256x768xbf16>, vector<512x768xf32> -> vector<512x768xf32>
    %slice3A_382 = vector.extract_strided_slice %slice3A_373 {offsets = [0, 0], sizes = [512, 512], strides = [1, 1]} : vector<512x768xf32> to vector<512x512xf32>
    %slice3A_383 = vector.extract_strided_slice %dot_general3A_381 {offsets = [0, 0], sizes = [512, 512], strides = [1, 1]} : vector<512x768xf32> to vector<512x512xf32>
    %add3A_384 = arith.addf %slice3A_382, %slice3A_383 : vector<512x512xf32>
    %get3A_385 = arith.constant 0 : index
    %get3A_386 = arith.constant 0 : index
    %get3A_387 = vector.load %arg5[%get3A_385, %get3A_386] : memref<1x512xf32, #tpu.memory_space<vmem>>, vector<1x512xf32>
    %add3A_388 = vector.broadcast %get3A_387 : vector<1x512xf32> to vector<512x512xf32>
    %add3A_389 = arith.addf %add3A_384, %add3A_388 : vector<512x512xf32>
    %slice3A_390 = vector.extract_strided_slice %add3A_389 {offsets = [0, 0], sizes = [512, 256], strides = [1, 1]} : vector<512x512xf32> to vector<512x256xf32>
    %tanh3A_391 = math.tanh %slice3A_390 : vector<512x256xf32>
    %mul3A_392 = arith.constant 5.000000e-01 : f32
    %mul3A_393 = vector.broadcast %mul3A_392 : f32 to vector<512x256xf32>
    %mul3A_394 = arith.mulf %mul3A_393, %tanh3A_391 : vector<512x256xf32>
    %add3A_395 = arith.constant 5.000000e-01 : f32
    %add3A_396 = vector.broadcast %add3A_395 : f32 to vector<512x256xf32>
    %add3A_397 = arith.addf %add3A_396, %mul3A_394 : vector<512x256xf32>
    %slice3A_398 = vector.extract_strided_slice %add3A_389 {offsets = [0, 256], sizes = [512, 256], strides = [1, 1]} : vector<512x512xf32> to vector<512x256xf32>
    %tanh3A_399 = math.tanh %slice3A_398 : vector<512x256xf32>
    %mul3A_400 = arith.constant 5.000000e-01 : f32
    %mul3A_401 = vector.broadcast %mul3A_400 : f32 to vector<512x256xf32>
    %mul3A_402 = arith.mulf %mul3A_401, %tanh3A_399 : vector<512x256xf32>
    %add3A_403 = arith.constant 5.000000e-01 : f32
    %add3A_404 = vector.broadcast %add3A_403 : f32 to vector<512x256xf32>
    %add3A_405 = arith.addf %add3A_404, %mul3A_402 : vector<512x256xf32>
    %slice3A_406 = vector.extract_strided_slice %slice3A_373 {offsets = [0, 512], sizes = [512, 256], strides = [1, 1]} : vector<512x768xf32> to vector<512x256xf32>
    %get3A_407 = arith.constant 0 : index
    %get3A_408 = arith.constant 0 : index
    %get3A_409 = vector.load %arg6[%get3A_407, %get3A_408] : memref<1x256xf32, #tpu.memory_space<vmem>>, vector<1x256xf32>
    %add3A_410 = vector.broadcast %get3A_409 : vector<1x256xf32> to vector<512x256xf32>
    %add3A_411 = arith.addf %slice3A_406, %add3A_410 : vector<512x256xf32>
    %slice3A_412 = vector.extract_strided_slice %dot_general3A_381 {offsets = [0, 512], sizes = [512, 256], strides = [1, 1]} : vector<512x768xf32> to vector<512x256xf32>
    %get3A_413 = arith.constant 0 : index
    %get3A_414 = arith.constant 0 : index
    %get3A_415 = vector.load %arg7[%get3A_413, %get3A_414] : memref<1x256xf32, #tpu.memory_space<vmem>>, vector<1x256xf32>
    %add3A_416 = vector.broadcast %get3A_415 : vector<1x256xf32> to vector<512x256xf32>
    %add3A_417 = arith.addf %slice3A_412, %add3A_416 : vector<512x256xf32>
    %mul3A_418 = arith.mulf %add3A_397, %add3A_417 : vector<512x256xf32>
    %add3A_419 = arith.addf %add3A_411, %mul3A_418 : vector<512x256xf32>
    %tanh3A_420 = math.tanh %add3A_419 : vector<512x256xf32>
    %sub3A_421 = arith.subf %get3A_372, %tanh3A_420 : vector<512x256xf32>
    %mul3A_422 = arith.mulf %add3A_405, %sub3A_421 : vector<512x256xf32>
    %add3A_423 = arith.addf %tanh3A_420, %mul3A_422 : vector<512x256xf32>
    %swap3A_424 = arith.constant 0 : index
    %swap3A_425 = arith.constant 0 : index
    %swap3A_426 = vector.load %arg18[%swap3A_424, %swap3A_425] : memref<512x512xf32, #tpu.memory_space<vmem>>, vector<512x256xf32>
    tpu.vector_store %arg18[%swap3A_424, %swap3A_425], %add3A_423 {strides = array<i32>} : memref<512x512xf32, #tpu.memory_space<vmem>>, vector<512x256xf32>,
    %convert_element_type3A_427 = arith.truncf %add3A_423 : vector<512x256xf32> to vector<512x256xbf16>
    %swap3A_428 = arith.constant 0 : index
    %swap3A_429 = arith.constant 0 : index
    %swap3A_430 = vector.load %arg19[%swap3A_428, %swap3A_429] : memref<512x512xbf16, #tpu.memory_space<vmem>>, vector<512x256xbf16>
    tpu.vector_store %arg19[%swap3A_428, %swap3A_429], %convert_element_type3A_427 {strides = array<i32>} : memref<512x512xbf16, #tpu.memory_space<vmem>>, vector<512x256xbf16>,
    %get3A_431 = arith.constant 0 : index
    %get3A_432 = arith.constant 256 : index
    %get3A_433 = vector.load %arg18[%get3A_431, %get3A_432] : memref<512x512xf32, #tpu.memory_space<vmem>>, vector<512x256xf32>
    %slice3A_434 = vector.extract_strided_slice %dot_general3A_9 {offsets = [1536, 768], sizes = [512, 768], strides = [1, 1]} : vector<2048x1536xf32> to vector<512x768xf32>
    %get3A_435 = arith.constant 0 : index
    %get3A_436 = arith.constant 256 : index
    %get3A_437 = vector.load %arg19[%get3A_435, %get3A_436] : memref<512x512xbf16, #tpu.memory_space<vmem>>, vector<512x256xbf16>
    %get3A_438 = arith.constant 0 : index
    %get3A_439 = arith.constant 0 : index
    %get3A_440 = vector.load %arg4[%get3A_438, %get3A_439] : memref<256x768xbf16, #tpu.memory_space<vmem>>, vector<256x768xbf16>
    %dot_general3A_441 = arith.constant dense<0.000000e+00> : vector<512x768xf32>
    %dot_general3A_442 = tpu.matmul %get3A_437, %get3A_440, %dot_general3A_441 {dimension_numbers = #tpu.dot_dimension_numbers<[1], [0], [0], [1], [0, 0, 1, 1], [], []>, transpose_lhs_hint = false} : vector<512x256xbf16>, vector<256x768xbf16>, vector<512x768xf32> -> vector<512x768xf32>
    %slice3A_443 = vector.extract_strided_slice %slice3A_434 {offsets = [0, 0], sizes = [512, 512], strides = [1, 1]} : vector<512x768xf32> to vector<512x512xf32>
    %slice3A_444 = vector.extract_strided_slice %dot_general3A_442 {offsets = [0, 0], sizes = [512, 512], strides = [1, 1]} : vector<512x768xf32> to vector<512x512xf32>
    %add3A_445 = arith.addf %slice3A_443, %slice3A_444 : vector<512x512xf32>
    %get3A_446 = arith.constant 0 : index
    %get3A_447 = arith.constant 0 : index
    %get3A_448 = vector.load %arg5[%get3A_446, %get3A_447] : memref<1x512xf32, #tpu.memory_space<vmem>>, vector<1x512xf32>
    %add3A_449 = vector.broadcast %get3A_448 : vector<1x512xf32> to vector<512x512xf32>
    %add3A_450 = arith.addf %add3A_445, %add3A_449 : vector<512x512xf32>
    %slice3A_451 = vector.extract_strided_slice %add3A_450 {offsets = [0, 0], sizes = [512, 256], strides = [1, 1]} : vector<512x512xf32> to vector<512x256xf32>
    %tanh3A_452 = math.tanh %slice3A_451 : vector<512x256xf32>
    %mul3A_453 = arith.constant 5.000000e-01 : f32
    %mul3A_454 = vector.broadcast %mul3A_453 : f32 to vector<512x256xf32>
    %mul3A_455 = arith.mulf %mul3A_454, %tanh3A_452 : vector<512x256xf32>
    %add3A_456 = arith.constant 5.000000e-01 : f32
    %add3A_457 = vector.broadcast %add3A_456 : f32 to vector<512x256xf32>
    %add3A_458 = arith.addf %add3A_457, %mul3A_455 : vector<512x256xf32>
    %slice3A_459 = vector.extract_strided_slice %add3A_450 {offsets = [0, 256], sizes = [512, 256], strides = [1, 1]} : vector<512x512xf32> to vector<512x256xf32>
    %tanh3A_460 = math.tanh %slice3A_459 : vector<512x256xf32>
    %mul3A_461 = arith.constant 5.000000e-01 : f32
    %mul3A_462 = vector.broadcast %mul3A_461 : f32 to vector<512x256xf32>
    %mul3A_463 = arith.mulf %mul3A_462, %tanh3A_460 : vector<512x256xf32>
    %add3A_464 = arith.constant 5.000000e-01 : f32
    %add3A_465 = vector.broadcast %add3A_464 : f32 to vector<512x256xf32>
    %add3A_466 = arith.addf %add3A_465, %mul3A_463 : vector<512x256xf32>
    %slice3A_467 = vector.extract_strided_slice %slice3A_434 {offsets = [0, 512], sizes = [512, 256], strides = [1, 1]} : vector<512x768xf32> to vector<512x256xf32>
    %get3A_468 = arith.constant 0 : index
    %get3A_469 = arith.constant 0 : index
    %get3A_470 = vector.load %arg6[%get3A_468, %get3A_469] : memref<1x256xf32, #tpu.memory_space<vmem>>, vector<1x256xf32>
    %add3A_471 = vector.broadcast %get3A_470 : vector<1x256xf32> to vector<512x256xf32>
    %add3A_472 = arith.addf %slice3A_467, %add3A_471 : vector<512x256xf32>
    %slice3A_473 = vector.extract_strided_slice %dot_general3A_442 {offsets = [0, 512], sizes = [512, 256], strides = [1, 1]} : vector<512x768xf32> to vector<512x256xf32>
    %get3A_474 = arith.constant 0 : index
    %get3A_475 = arith.constant 0 : index
    %get3A_476 = vector.load %arg7[%get3A_474, %get3A_475] : memref<1x256xf32, #tpu.memory_space<vmem>>, vector<1x256xf32>
    %add3A_477 = vector.broadcast %get3A_476 : vector<1x256xf32> to vector<512x256xf32>
    %add3A_478 = arith.addf %slice3A_473, %add3A_477 : vector<512x256xf32>
    %mul3A_479 = arith.mulf %add3A_458, %add3A_478 : vector<512x256xf32>
    %add3A_480 = arith.addf %add3A_472, %mul3A_479 : vector<512x256xf32>
    %tanh3A_481 = math.tanh %add3A_480 : vector<512x256xf32>
    %sub3A_482 = arith.subf %get3A_433, %tanh3A_481 : vector<512x256xf32>
    %mul3A_483 = arith.mulf %add3A_466, %sub3A_482 : vector<512x256xf32>
    %add3A_484 = arith.addf %tanh3A_481, %mul3A_483 : vector<512x256xf32>
    %swap3A_485 = arith.constant 0 : index
    %swap3A_486 = arith.constant 256 : index
    %swap3A_487 = vector.load %arg18[%swap3A_485, %swap3A_486] : memref<512x512xf32, #tpu.memory_space<vmem>>, vector<512x256xf32>
    tpu.vector_store %arg18[%swap3A_485, %swap3A_486], %add3A_484 {strides = array<i32>} : memref<512x512xf32, #tpu.memory_space<vmem>>, vector<512x256xf32>,
    %convert_element_type3A_488 = arith.truncf %add3A_484 : vector<512x256xf32> to vector<512x256xbf16>
    %swap3A_489 = arith.constant 0 : index
    %swap3A_490 = arith.constant 256 : index
    %swap3A_491 = vector.load %arg19[%swap3A_489, %swap3A_490] : memref<512x512xbf16, #tpu.memory_space<vmem>>, vector<512x256xbf16>
    tpu.vector_store %arg19[%swap3A_489, %swap3A_490], %convert_element_type3A_488 {strides = array<i32>} : memref<512x512xbf16, #tpu.memory_space<vmem>>, vector<512x256xbf16>,
    %slice3A_492 = vector.extract_strided_slice %get3A_4 {offsets = [3, 0, 0], sizes = [1, 512, 128], strides = [1, 1, 1]} : vector<4x512x128xf32> to vector<1x512x128xf32>
    %squeeze3A = vector.shape_cast %slice3A_492 : vector<1x512x128xf32> to vector<512x128xf32>
    %eq3A_493 = arith.constant 11 : i32
    %eq3A_494 = arith.cmpi eq, %arg0, %eq3A_493 : i32
    %convert_element_type3A_495 = arith.extui %eq3A_494 : i1 to i32
    %cond3A_496 = arith.constant 0 : i32
    %cond3A_497 = arith.cmpi ne, %convert_element_type3A_495, %cond3A_496 : i32
    scf.if %cond3A_497 {
      %convert_element_type3A_498 = arith.truncf %squeeze3A : vector<512x128xf32> to vector<512x128xbf16>
      %get3A_499 = arith.constant 0 : index
      %get3A_500 = arith.constant 0 : index
      %get3A_501 = vector.load %arg8[%get3A_499, %get3A_500] : memref<128x1536xbf16, #tpu.memory_space<vmem>>, vector<128x1536xbf16>
      %dot_general3A_502 = arith.constant dense<0.000000e+00> : vector<512x1536xf32>
      %dot_general3A_503 = tpu.matmul %convert_element_type3A_498, %get3A_501, %dot_general3A_502 {dimension_numbers = #tpu.dot_dimension_numbers<[1], [0], [0], [1], [0, 0, 1, 1], [], []>, transpose_lhs_hint = false} : vector<512x128xbf16>, vector<128x1536xbf16>, vector<512x1536xf32> -> vector<512x1536xf32>
      %slice3A_504 = vector.extract_strided_slice %dot_general3A_503 {offsets = [0, 0], sizes = [512, 768], strides = [1, 1]} : vector<512x1536xf32> to vector<512x768xf32>
      %slice3A_505 = vector.extract_strided_slice %slice3A_504 {offsets = [0, 0], sizes = [512, 512], strides = [1, 1]} : vector<512x768xf32> to vector<512x512xf32>
      %get3A_506 = arith.constant 0 : index
      %get3A_507 = arith.constant 0 : index
      %get3A_508 = vector.load %arg9[%get3A_506, %get3A_507] : memref<1x512xf32, #tpu.memory_space<vmem>>, vector<1x512xf32>
      %add3A_509 = vector.broadcast %get3A_508 : vector<1x512xf32> to vector<512x512xf32>
      %add3A_510 = arith.addf %slice3A_505, %add3A_509 : vector<512x512xf32>
      %slice3A_511 = vector.extract_strided_slice %add3A_510 {offsets = [0, 0], sizes = [512, 256], strides = [1, 1]} : vector<512x512xf32> to vector<512x256xf32>
      %tanh3A_512 = math.tanh %slice3A_511 : vector<512x256xf32>
      %mul3A_513 = arith.constant 5.000000e-01 : f32
      %mul3A_514 = vector.broadcast %mul3A_513 : f32 to vector<512x256xf32>
      %mul3A_515 = arith.mulf %mul3A_514, %tanh3A_512 : vector<512x256xf32>
      %add3A_516 = arith.constant 5.000000e-01 : f32
      %add3A_517 = vector.broadcast %add3A_516 : f32 to vector<512x256xf32>
      %add3A_518 = arith.addf %add3A_517, %mul3A_515 : vector<512x256xf32>
      %slice3A_519 = vector.extract_strided_slice %add3A_510 {offsets = [0, 256], sizes = [512, 256], strides = [1, 1]} : vector<512x512xf32> to vector<512x256xf32>
      %tanh3A_520 = math.tanh %slice3A_519 : vector<512x256xf32>
      %mul3A_521 = arith.constant 5.000000e-01 : f32
      %mul3A_522 = vector.broadcast %mul3A_521 : f32 to vector<512x256xf32>
      %mul3A_523 = arith.mulf %mul3A_522, %tanh3A_520 : vector<512x256xf32>
      %sub3A_524 = arith.constant 5.000000e-01 : f32
      %sub3A_525 = vector.broadcast %sub3A_524 : f32 to vector<512x256xf32>
      %sub3A_526 = arith.subf %sub3A_525, %mul3A_523 : vector<512x256xf32>
      %slice3A_527 = vector.extract_strided_slice %slice3A_504 {offsets = [0, 512], sizes = [512, 256], strides = [1, 1]} : vector<512x768xf32> to vector<512x256xf32>
      %get3A_528 = arith.constant 0 : index
      %get3A_529 = arith.constant 0 : index
      %get3A_530 = vector.load %arg10[%get3A_528, %get3A_529] : memref<1x256xf32, #tpu.memory_space<vmem>>, vector<1x256xf32>
      %add3A_531 = vector.broadcast %get3A_530 : vector<1x256xf32> to vector<512x256xf32>
      %add3A_532 = arith.addf %slice3A_527, %add3A_531 : vector<512x256xf32>
      %get3A_533 = arith.constant 0 : index
      %get3A_534 = arith.constant 0 : index
      %get3A_535 = vector.load %arg11[%get3A_533, %get3A_534] : memref<1x256xf32, #tpu.memory_space<vmem>>, vector<1x256xf32>
      %mul3A_536 = vector.broadcast %get3A_535 : vector<1x256xf32> to vector<512x256xf32>
      %mul3A_537 = arith.mulf %add3A_518, %mul3A_536 : vector<512x256xf32>
      %add3A_538 = arith.addf %add3A_532, %mul3A_537 : vector<512x256xf32>
      %tanh3A_539 = math.tanh %add3A_538 : vector<512x256xf32>
      %mul3A_540 = arith.mulf %sub3A_526, %tanh3A_539 : vector<512x256xf32>
      %add3A_541 = arith.addf %add3A_423, %mul3A_540 : vector<512x256xf32>
      %get3A_542 = arith.constant 0 : index
      %get3A_543 = arith.constant 0 : index
      %get3A_544 = vector.load %arg12[%get3A_542, %get3A_543] : memref<256x64xf32, #tpu.memory_space<vmem>>, vector<256x64xf32>
      %dot_general3A_545 = arith.constant dense<0.000000e+00> : vector<512x64xf32>
      %dot_general3A_546 = tpu.matmul %add3A_541, %get3A_544, %dot_general3A_545 {dimension_numbers = #tpu.dot_dimension_numbers<[1], [0], [0], [1], [0, 0, 1, 1], [], []>, transpose_lhs_hint = false} : vector<512x256xf32>, vector<256x64xf32>, vector<512x64xf32> -> vector<512x64xf32>
      %get3A_547 = arith.constant 0 : index
      %get3A_548 = arith.constant 0 : index
      %get3A_549 = vector.load %arg13[%get3A_547, %get3A_548] : memref<1x64xf32, #tpu.memory_space<vmem>>, vector<1x64xf32>
      %add3A_550 = vector.broadcast %get3A_549 : vector<1x64xf32> to vector<512x64xf32>
      %add3A_551 = arith.addf %dot_general3A_546, %add3A_550 : vector<512x64xf32>
      %swap3A_552 = arith.constant 0 : index
      %swap3A_553 = arith.constant 0 : index
      %swap3A_554 = vector.load %arg16[%swap3A_552, %swap3A_553] : memref<1024x64xf32, #tpu.memory_space<vmem>>, vector<512x64xf32>
      tpu.vector_store %arg16[%swap3A_552, %swap3A_553], %add3A_551 {strides = array<i32>} : memref<1024x64xf32, #tpu.memory_space<vmem>>, vector<512x64xf32>,
      %get3A_555 = arith.constant 0 : index
      %get3A_556 = arith.constant 0 : index
      %get3A_557 = vector.load %arg14[%get3A_555, %get3A_556] : memref<256x64xf32, #tpu.memory_space<vmem>>, vector<256x64xf32>
      %dot_general3A_558 = arith.constant dense<0.000000e+00> : vector<512x64xf32>
      %dot_general3A_559 = tpu.matmul %add3A_541, %get3A_557, %dot_general3A_558 {dimension_numbers = #tpu.dot_dimension_numbers<[1], [0], [0], [1], [0, 0, 1, 1], [], []>, transpose_lhs_hint = false} : vector<512x256xf32>, vector<256x64xf32>, vector<512x64xf32> -> vector<512x64xf32>
      %get3A_560 = arith.constant 0 : index
      %get3A_561 = arith.constant 0 : index
      %get3A_562 = vector.load %arg15[%get3A_560, %get3A_561] : memref<1x64xf32, #tpu.memory_space<vmem>>, vector<1x64xf32>
      %add3A_563 = vector.broadcast %get3A_562 : vector<1x64xf32> to vector<512x64xf32>
      %add3A_564 = arith.addf %dot_general3A_559, %add3A_563 : vector<512x64xf32>
      %swap3A_565 = arith.constant 0 : index
      %swap3A_566 = arith.constant 0 : index
      %swap3A_567 = vector.load %arg17[%swap3A_565, %swap3A_566] : memref<1024x64xf32, #tpu.memory_space<vmem>>, vector<512x64xf32>
      tpu.vector_store %arg17[%swap3A_565, %swap3A_566], %add3A_564 {strides = array<i32>} : memref<1024x64xf32, #tpu.memory_space<vmem>>, vector<512x64xf32>,
      %slice3A_568 = vector.extract_strided_slice %dot_general3A_503 {offsets = [0, 768], sizes = [512, 768], strides = [1, 1]} : vector<512x1536xf32> to vector<512x768xf32>
      %slice3A_569 = vector.extract_strided_slice %slice3A_568 {offsets = [0, 0], sizes = [512, 512], strides = [1, 1]} : vector<512x768xf32> to vector<512x512xf32>
      %get3A_570 = arith.constant 0 : index
      %get3A_571 = arith.constant 0 : index
      %get3A_572 = vector.load %arg9[%get3A_570, %get3A_571] : memref<1x512xf32, #tpu.memory_space<vmem>>, vector<1x512xf32>
      %add3A_573 = vector.broadcast %get3A_572 : vector<1x512xf32> to vector<512x512xf32>
      %add3A_574 = arith.addf %slice3A_569, %add3A_573 : vector<512x512xf32>
      %slice3A_575 = vector.extract_strided_slice %add3A_574 {offsets = [0, 0], sizes = [512, 256], strides = [1, 1]} : vector<512x512xf32> to vector<512x256xf32>
      %tanh3A_576 = math.tanh %slice3A_575 : vector<512x256xf32>
      %mul3A_577 = arith.constant 5.000000e-01 : f32
      %mul3A_578 = vector.broadcast %mul3A_577 : f32 to vector<512x256xf32>
      %mul3A_579 = arith.mulf %mul3A_578, %tanh3A_576 : vector<512x256xf32>
      %add3A_580 = arith.constant 5.000000e-01 : f32
      %add3A_581 = vector.broadcast %add3A_580 : f32 to vector<512x256xf32>
      %add3A_582 = arith.addf %add3A_581, %mul3A_579 : vector<512x256xf32>
      %slice3A_583 = vector.extract_strided_slice %add3A_574 {offsets = [0, 256], sizes = [512, 256], strides = [1, 1]} : vector<512x512xf32> to vector<512x256xf32>
      %tanh3A_584 = math.tanh %slice3A_583 : vector<512x256xf32>
      %mul3A_585 = arith.constant 5.000000e-01 : f32
      %mul3A_586 = vector.broadcast %mul3A_585 : f32 to vector<512x256xf32>
      %mul3A_587 = arith.mulf %mul3A_586, %tanh3A_584 : vector<512x256xf32>
      %sub3A_588 = arith.constant 5.000000e-01 : f32
      %sub3A_589 = vector.broadcast %sub3A_588 : f32 to vector<512x256xf32>
      %sub3A_590 = arith.subf %sub3A_589, %mul3A_587 : vector<512x256xf32>
      %slice3A_591 = vector.extract_strided_slice %slice3A_568 {offsets = [0, 512], sizes = [512, 256], strides = [1, 1]} : vector<512x768xf32> to vector<512x256xf32>
      %get3A_592 = arith.constant 0 : index
      %get3A_593 = arith.constant 0 : index
      %get3A_594 = vector.load %arg10[%get3A_592, %get3A_593] : memref<1x256xf32, #tpu.memory_space<vmem>>, vector<1x256xf32>
      %add3A_595 = vector.broadcast %get3A_594 : vector<1x256xf32> to vector<512x256xf32>
      %add3A_596 = arith.addf %slice3A_591, %add3A_595 : vector<512x256xf32>
      %get3A_597 = arith.constant 0 : index
      %get3A_598 = arith.constant 0 : index
      %get3A_599 = vector.load %arg11[%get3A_597, %get3A_598] : memref<1x256xf32, #tpu.memory_space<vmem>>, vector<1x256xf32>
      %mul3A_600 = vector.broadcast %get3A_599 : vector<1x256xf32> to vector<512x256xf32>
      %mul3A_601 = arith.mulf %add3A_582, %mul3A_600 : vector<512x256xf32>
      %add3A_602 = arith.addf %add3A_596, %mul3A_601 : vector<512x256xf32>
      %tanh3A_603 = math.tanh %add3A_602 : vector<512x256xf32>
      %mul3A_604 = arith.mulf %sub3A_590, %tanh3A_603 : vector<512x256xf32>
      %add3A_605 = arith.addf %add3A_484, %mul3A_604 : vector<512x256xf32>
      %get3A_606 = arith.constant 0 : index
      %get3A_607 = arith.constant 0 : index
      %get3A_608 = vector.load %arg12[%get3A_606, %get3A_607] : memref<256x64xf32, #tpu.memory_space<vmem>>, vector<256x64xf32>
      %dot_general3A_609 = arith.constant dense<0.000000e+00> : vector<512x64xf32>
      %dot_general3A_610 = tpu.matmul %add3A_605, %get3A_608, %dot_general3A_609 {dimension_numbers = #tpu.dot_dimension_numbers<[1], [0], [0], [1], [0, 0, 1, 1], [], []>, transpose_lhs_hint = false} : vector<512x256xf32>, vector<256x64xf32>, vector<512x64xf32> -> vector<512x64xf32>
      %get3A_611 = arith.constant 0 : index
      %get3A_612 = arith.constant 0 : index
      %get3A_613 = vector.load %arg13[%get3A_611, %get3A_612] : memref<1x64xf32, #tpu.memory_space<vmem>>, vector<1x64xf32>
      %add3A_614 = vector.broadcast %get3A_613 : vector<1x64xf32> to vector<512x64xf32>
      %add3A_615 = arith.addf %dot_general3A_610, %add3A_614 : vector<512x64xf32>
      %swap3A_616 = arith.constant 512 : index
      %swap3A_617 = arith.constant 0 : index
      %swap3A_618 = vector.load %arg16[%swap3A_616, %swap3A_617] : memref<1024x64xf32, #tpu.memory_space<vmem>>, vector<512x64xf32>
      tpu.vector_store %arg16[%swap3A_616, %swap3A_617], %add3A_615 {strides = array<i32>} : memref<1024x64xf32, #tpu.memory_space<vmem>>, vector<512x64xf32>,
      %get3A_619 = arith.constant 0 : index
      %get3A_620 = arith.constant 0 : index
      %get3A_621 = vector.load %arg14[%get3A_619, %get3A_620] : memref<256x64xf32, #tpu.memory_space<vmem>>, vector<256x64xf32>
      %dot_general3A_622 = arith.constant dense<0.000000e+00> : vector<512x64xf32>
      %dot_general3A_623 = tpu.matmul %add3A_605, %get3A_621, %dot_general3A_622 {dimension_numbers = #tpu.dot_dimension_numbers<[1], [0], [0], [1], [0, 0, 1, 1], [], []>, transpose_lhs_hint = false} : vector<512x256xf32>, vector<256x64xf32>, vector<512x64xf32> -> vector<512x64xf32>
      %get3A_624 = arith.constant 0 : index
      %get3A_625 = arith.constant 0 : index
      %get3A_626 = vector.load %arg15[%get3A_624, %get3A_625] : memref<1x64xf32, #tpu.memory_space<vmem>>, vector<1x64xf32>
      %add3A_627 = vector.broadcast %get3A_626 : vector<1x64xf32> to vector<512x64xf32>
      %add3A_628 = arith.addf %dot_general3A_623, %add3A_627 : vector<512x64xf32>
      %swap3A_629 = arith.constant 512 : index
      %swap3A_630 = arith.constant 0 : index
      %swap3A_631 = vector.load %arg17[%swap3A_629, %swap3A_630] : memref<1024x64xf32, #tpu.memory_space<vmem>>, vector<512x64xf32>
      tpu.vector_store %arg17[%swap3A_629, %swap3A_630], %add3A_628 {strides = array<i32>} : memref<1024x64xf32, #tpu.memory_space<vmem>>, vector<512x64xf32>,
    } else {
    }
    return
  }
  func.func @transform_0(%arg0: i32) -> (i32, i32, i32) {
    %c0_i32 = arith.constant 0 : i32
    %c0_i32_0 = arith.constant 0 : i32
    %c0_i32_1 = arith.constant 0 : i32
    return %arg0, %c0_i32, %c0_i32_0 : i32, i32, i32
  }
  func.func @transform_1(%arg0: i32) -> (i32, i32) {
    %c0_i32 = arith.constant 0 : i32
    %c0_i32_0 = arith.constant 0 : i32
    %c0_i32_1 = arith.constant 0 : i32
    return %c0_i32, %c0_i32_0 : i32, i32
  }
  func.func @transform_2(%arg0: i32) -> (i32, i32) {
    %c0_i32 = arith.constant 0 : i32
    %c0_i32_0 = arith.constant 0 : i32
    %c0_i32_1 = arith.constant 0 : i32
    return %c0_i32, %c0_i32_0 : i32, i32
  }
  func.func @transform_3(%arg0: i32) -> (i32, i32) {
    %c0_i32 = arith.constant 0 : i32
    %c0_i32_0 = arith.constant 0 : i32
    %c0_i32_1 = arith.constant 0 : i32
    return %c0_i32, %c0_i32_0 : i32, i32
  }
  func.func @transform_4(%arg0: i32) -> (i32, i32) {
    %c0_i32 = arith.constant 0 : i32
    %c0_i32_0 = arith.constant 0 : i32
    %c0_i32_1 = arith.constant 0 : i32
    return %c0_i32, %c0_i32_0 : i32, i32
  }
  func.func @transform_5(%arg0: i32) -> (i32, i32) {
    %c0_i32 = arith.constant 0 : i32
    %c0_i32_0 = arith.constant 0 : i32
    %c0_i32_1 = arith.constant 0 : i32
    return %c0_i32, %c0_i32_0 : i32, i32
  }
  func.func @transform_6(%arg0: i32) -> (i32, i32) {
    %c0_i32 = arith.constant 0 : i32
    %c0_i32_0 = arith.constant 0 : i32
    %c0_i32_1 = arith.constant 0 : i32
    return %c0_i32, %c0_i32_0 : i32, i32
  }
  func.func @transform_7(%arg0: i32) -> (i32, i32) {
    %c0_i32 = arith.constant 0 : i32
    %c0_i32_0 = arith.constant 0 : i32
    %c0_i32_1 = arith.constant 0 : i32
    return %c0_i32, %c0_i32_0 : i32, i32
  }
  func.func @transform_8(%arg0: i32) -> (i32, i32) {
    %c0_i32 = arith.constant 0 : i32
    %c0_i32_0 = arith.constant 0 : i32
    %c0_i32_1 = arith.constant 0 : i32
    return %c0_i32, %c0_i32_0 : i32, i32
  }
  func.func @transform_9(%arg0: i32) -> (i32, i32) {
    %c0_i32 = arith.constant 0 : i32
    %c0_i32_0 = arith.constant 0 : i32
    %c0_i32_1 = arith.constant 0 : i32
    return %c0_i32, %c0_i32_0 : i32, i32
  }
  func.func @transform_10(%arg0: i32) -> (i32, i32) {
    %c0_i32 = arith.constant 0 : i32
    %c0_i32_0 = arith.constant 0 : i32
    %c0_i32_1 = arith.constant 0 : i32
    return %c0_i32, %c0_i32_0 : i32, i32
  }
  func.func @transform_11(%arg0: i32) -> (i32, i32) {
    %c0_i32 = arith.constant 0 : i32
    %c0_i32_0 = arith.constant 0 : i32
    %c0_i32_1 = arith.constant 0 : i32
    return %c0_i32, %c0_i32_0 : i32, i32
  }
  func.func @transform_12(%arg0: i32) -> (i32, i32) {
    %c0_i32 = arith.constant 0 : i32
    %c0_i32_0 = arith.constant 0 : i32
    %c0_i32_1 = arith.constant 0 : i32
    return %c0_i32, %c0_i32_0 : i32, i32
  }
  func.func @transform_13(%arg0: i32) -> (i32, i32) {
    %c0_i32 = arith.constant 0 : i32
    %c0_i32_0 = arith.constant 0 : i32
    %c0_i32_1 = arith.constant 0 : i32
    return %c0_i32, %c0_i32_0 : i32, i32
  }
  func.func @transform_14(%arg0: i32) -> (i32, i32) {
    %c0_i32 = arith.constant 0 : i32
    %c0_i32_0 = arith.constant 0 : i32
    %c0_i32_1 = arith.constant 0 : i32
    return %c0_i32, %c0_i32_0 : i32, i32
  }
  func.func @transform_15(%arg0: i32) -> (i32, i32) {
    %c0_i32 = arith.constant 0 : i32
    %c0_i32_0 = arith.constant 0 : i32
    %c0_i32_1 = arith.constant 0 : i32
    return %c0_i32, %c0_i32_0 : i32, i32
  }
  func.func @transform_16(%arg0: i32) -> (i32, i32) {
    %c0_i32 = arith.constant 0 : i32
    %c0_i32_0 = arith.constant 0 : i32
    %c0_i32_1 = arith.constant 0 : i32
    return %c0_i32, %c0_i32_0 : i32, i32
  }
}

module attributes {stable_mosaic.version = 14 : i64} {
  func.func @_rnn_mid_body(%arg0: i32, %arg1: memref<4x512x128xf32, #tpu.memory_space<vmem>>, %arg2: memref<512x512xf32, #tpu.memory_space<vmem>>, %arg3: memref<128x1536xbf16, #tpu.memory_space<vmem>>, %arg4: memref<256x768xbf16, #tpu.memory_space<vmem>>, %arg5: memref<1x512xf32, #tpu.memory_space<vmem>>, %arg6: memref<1x256xf32, #tpu.memory_space<vmem>>, %arg7: memref<1x256xf32, #tpu.memory_space<vmem>>, %arg8: memref<512x512xf32, #tpu.memory_space<vmem>>, %arg9: memref<512x512xf32, #tpu.memory_space<vmem>>, %arg10: memref<512x512xbf16, #tpu.memory_space<vmem>>) attributes {dimension_semantics = [#tpu.dimension_semantics<arbitrary>], iteration_bounds = array<i64: 2>, scalar_prefetch = 0 : i64, scratch_operands = 2 : i64, tpu.core_type = #tpu.core_type<tc>, window_params = [{transform_indices = @transform_0, window_bounds = array<i64: 4, 512, 128>}, {pipeline_mode = #tpu.pipeline_mode<synchronous>, transform_indices = @transform_1, window_bounds = array<i64: 512, 512>}, {pipeline_mode = #tpu.pipeline_mode<synchronous>, transform_indices = @transform_2, window_bounds = array<i64: 128, 1536>}, {pipeline_mode = #tpu.pipeline_mode<synchronous>, transform_indices = @transform_3, window_bounds = array<i64: 256, 768>}, {pipeline_mode = #tpu.pipeline_mode<synchronous>, transform_indices = @transform_4, window_bounds = array<i64: 1, 512>}, {pipeline_mode = #tpu.pipeline_mode<synchronous>, transform_indices = @transform_5, window_bounds = array<i64: 1, 256>}, {pipeline_mode = #tpu.pipeline_mode<synchronous>, transform_indices = @transform_6, window_bounds = array<i64: 1, 256>}, {pipeline_mode = #tpu.pipeline_mode<synchronous>, transform_indices = @transform_7, window_bounds = array<i64: 512, 512>}]} {
    %eq3A = arith.constant 0 : i32
    %eq3A_0 = arith.cmpi eq, %arg0, %eq3A : i32
    %convert_element_type3A = arith.extui %eq3A_0 : i1 to i32
    %cond3A = arith.constant 0 : i32
    %cond3A_1 = arith.cmpi ne, %convert_element_type3A, %cond3A : i32
    scf.if %cond3A_1 {
      %get3A_497 = arith.constant 0 : index
      %get3A_498 = arith.constant 0 : index
      %get3A_499 = vector.load %arg2[%get3A_497, %get3A_498] : memref<512x512xf32, #tpu.memory_space<vmem>>, vector<512x512xf32>
      %swap3A_500 = arith.constant 0 : index
      %swap3A_501 = arith.constant 0 : index
      %swap3A_502 = vector.load %arg9[%swap3A_500, %swap3A_501] : memref<512x512xf32, #tpu.memory_space<vmem>>, vector<512x512xf32>
      tpu.vector_store %arg9[%swap3A_500, %swap3A_501], %get3A_499 {strides = array<i32>} : memref<512x512xf32, #tpu.memory_space<vmem>>, vector<512x512xf32>,
      %get3A_503 = arith.constant 0 : index
      %get3A_504 = arith.constant 0 : index
      %get3A_505 = vector.load %arg2[%get3A_503, %get3A_504] : memref<512x512xf32, #tpu.memory_space<vmem>>, vector<512x512xf32>
      %convert_element_type3A_506 = arith.truncf %get3A_505 : vector<512x512xf32> to vector<512x512xbf16>
      %swap3A_507 = arith.constant 0 : index
      %swap3A_508 = arith.constant 0 : index
      %swap3A_509 = vector.load %arg10[%swap3A_507, %swap3A_508] : memref<512x512xbf16, #tpu.memory_space<vmem>>, vector<512x512xbf16>
      tpu.vector_store %arg10[%swap3A_507, %swap3A_508], %convert_element_type3A_506 {strides = array<i32>} : memref<512x512xbf16, #tpu.memory_space<vmem>>, vector<512x512xbf16>,
    } else {
    }
    %get3A = arith.constant 0 : index
    %get3A_2 = arith.constant 0 : index
    %get3A_3 = arith.constant 0 : index
    %get3A_4 = vector.load %arg1[%get3A, %get3A_2, %get3A_3] : memref<4x512x128xf32, #tpu.memory_space<vmem>>, vector<4x512x128xf32>
    %reshape3A = vector.shape_cast %get3A_4 : vector<4x512x128xf32> to vector<2048x128xf32>
    %convert_element_type3A_5 = arith.truncf %reshape3A : vector<2048x128xf32> to vector<2048x128xbf16>
    %get3A_6 = arith.constant 0 : index
    %get3A_7 = arith.constant 0 : index
    %get3A_8 = vector.load %arg3[%get3A_6, %get3A_7] : memref<128x1536xbf16, #tpu.memory_space<vmem>>, vector<128x1536xbf16>
    %dot_general3A = arith.constant dense<0.000000e+00> : vector<2048x1536xf32>
    %dot_general3A_9 = tpu.matmul %convert_element_type3A_5, %get3A_8, %dot_general3A {dimension_numbers = #tpu.dot_dimension_numbers<[1], [0], [0], [1], [0, 0, 1, 1], [], []>, transpose_lhs_hint = false} : vector<2048x128xbf16>, vector<128x1536xbf16>, vector<2048x1536xf32> -> vector<2048x1536xf32>
    %get3A_10 = arith.constant 0 : index
    %get3A_11 = arith.constant 0 : index
    %get3A_12 = vector.load %arg9[%get3A_10, %get3A_11] : memref<512x512xf32, #tpu.memory_space<vmem>>, vector<512x256xf32>
    %slice3A = vector.extract_strided_slice %dot_general3A_9 {offsets = [0, 0], sizes = [512, 768], strides = [1, 1]} : vector<2048x1536xf32> to vector<512x768xf32>
    %get3A_13 = arith.constant 0 : index
    %get3A_14 = arith.constant 0 : index
    %get3A_15 = vector.load %arg10[%get3A_13, %get3A_14] : memref<512x512xbf16, #tpu.memory_space<vmem>>, vector<512x256xbf16>
    %get3A_16 = arith.constant 0 : index
    %get3A_17 = arith.constant 0 : index
    %get3A_18 = vector.load %arg4[%get3A_16, %get3A_17] : memref<256x768xbf16, #tpu.memory_space<vmem>>, vector<256x768xbf16>
    %dot_general3A_19 = arith.constant dense<0.000000e+00> : vector<512x768xf32>
    %dot_general3A_20 = tpu.matmul %get3A_15, %get3A_18, %dot_general3A_19 {dimension_numbers = #tpu.dot_dimension_numbers<[1], [0], [0], [1], [0, 0, 1, 1], [], []>, transpose_lhs_hint = false} : vector<512x256xbf16>, vector<256x768xbf16>, vector<512x768xf32> -> vector<512x768xf32>
    %slice3A_21 = vector.extract_strided_slice %slice3A {offsets = [0, 0], sizes = [512, 512], strides = [1, 1]} : vector<512x768xf32> to vector<512x512xf32>
    %slice3A_22 = vector.extract_strided_slice %dot_general3A_20 {offsets = [0, 0], sizes = [512, 512], strides = [1, 1]} : vector<512x768xf32> to vector<512x512xf32>
    %add3A = arith.addf %slice3A_21, %slice3A_22 : vector<512x512xf32>
    %get3A_23 = arith.constant 0 : index
    %get3A_24 = arith.constant 0 : index
    %get3A_25 = vector.load %arg5[%get3A_23, %get3A_24] : memref<1x512xf32, #tpu.memory_space<vmem>>, vector<1x512xf32>
    %add3A_26 = vector.broadcast %get3A_25 : vector<1x512xf32> to vector<512x512xf32>
    %add3A_27 = arith.addf %add3A, %add3A_26 : vector<512x512xf32>
    %slice3A_28 = vector.extract_strided_slice %add3A_27 {offsets = [0, 0], sizes = [512, 256], strides = [1, 1]} : vector<512x512xf32> to vector<512x256xf32>
    %tanh3A = math.tanh %slice3A_28 : vector<512x256xf32>
    %mul3A = arith.constant 5.000000e-01 : f32
    %mul3A_29 = vector.broadcast %mul3A : f32 to vector<512x256xf32>
    %mul3A_30 = arith.mulf %mul3A_29, %tanh3A : vector<512x256xf32>
    %add3A_31 = arith.constant 5.000000e-01 : f32
    %add3A_32 = vector.broadcast %add3A_31 : f32 to vector<512x256xf32>
    %add3A_33 = arith.addf %add3A_32, %mul3A_30 : vector<512x256xf32>
    %slice3A_34 = vector.extract_strided_slice %add3A_27 {offsets = [0, 256], sizes = [512, 256], strides = [1, 1]} : vector<512x512xf32> to vector<512x256xf32>
    %tanh3A_35 = math.tanh %slice3A_34 : vector<512x256xf32>
    %mul3A_36 = arith.constant 5.000000e-01 : f32
    %mul3A_37 = vector.broadcast %mul3A_36 : f32 to vector<512x256xf32>
    %mul3A_38 = arith.mulf %mul3A_37, %tanh3A_35 : vector<512x256xf32>
    %add3A_39 = arith.constant 5.000000e-01 : f32
    %add3A_40 = vector.broadcast %add3A_39 : f32 to vector<512x256xf32>
    %add3A_41 = arith.addf %add3A_40, %mul3A_38 : vector<512x256xf32>
    %slice3A_42 = vector.extract_strided_slice %slice3A {offsets = [0, 512], sizes = [512, 256], strides = [1, 1]} : vector<512x768xf32> to vector<512x256xf32>
    %get3A_43 = arith.constant 0 : index
    %get3A_44 = arith.constant 0 : index
    %get3A_45 = vector.load %arg6[%get3A_43, %get3A_44] : memref<1x256xf32, #tpu.memory_space<vmem>>, vector<1x256xf32>
    %add3A_46 = vector.broadcast %get3A_45 : vector<1x256xf32> to vector<512x256xf32>
    %add3A_47 = arith.addf %slice3A_42, %add3A_46 : vector<512x256xf32>
    %slice3A_48 = vector.extract_strided_slice %dot_general3A_20 {offsets = [0, 512], sizes = [512, 256], strides = [1, 1]} : vector<512x768xf32> to vector<512x256xf32>
    %get3A_49 = arith.constant 0 : index
    %get3A_50 = arith.constant 0 : index
    %get3A_51 = vector.load %arg7[%get3A_49, %get3A_50] : memref<1x256xf32, #tpu.memory_space<vmem>>, vector<1x256xf32>
    %add3A_52 = vector.broadcast %get3A_51 : vector<1x256xf32> to vector<512x256xf32>
    %add3A_53 = arith.addf %slice3A_48, %add3A_52 : vector<512x256xf32>
    %mul3A_54 = arith.mulf %add3A_33, %add3A_53 : vector<512x256xf32>
    %add3A_55 = arith.addf %add3A_47, %mul3A_54 : vector<512x256xf32>
    %tanh3A_56 = math.tanh %add3A_55 : vector<512x256xf32>
    %sub3A = arith.subf %get3A_12, %tanh3A_56 : vector<512x256xf32>
    %mul3A_57 = arith.mulf %add3A_41, %sub3A : vector<512x256xf32>
    %add3A_58 = arith.addf %tanh3A_56, %mul3A_57 : vector<512x256xf32>
    %swap3A = arith.constant 0 : index
    %swap3A_59 = arith.constant 0 : index
    %swap3A_60 = vector.load %arg9[%swap3A, %swap3A_59] : memref<512x512xf32, #tpu.memory_space<vmem>>, vector<512x256xf32>
    tpu.vector_store %arg9[%swap3A, %swap3A_59], %add3A_58 {strides = array<i32>} : memref<512x512xf32, #tpu.memory_space<vmem>>, vector<512x256xf32>,
    %convert_element_type3A_61 = arith.truncf %add3A_58 : vector<512x256xf32> to vector<512x256xbf16>
    %swap3A_62 = arith.constant 0 : index
    %swap3A_63 = arith.constant 0 : index
    %swap3A_64 = vector.load %arg10[%swap3A_62, %swap3A_63] : memref<512x512xbf16, #tpu.memory_space<vmem>>, vector<512x256xbf16>
    tpu.vector_store %arg10[%swap3A_62, %swap3A_63], %convert_element_type3A_61 {strides = array<i32>} : memref<512x512xbf16, #tpu.memory_space<vmem>>, vector<512x256xbf16>,
    %get3A_65 = arith.constant 0 : index
    %get3A_66 = arith.constant 256 : index
    %get3A_67 = vector.load %arg9[%get3A_65, %get3A_66] : memref<512x512xf32, #tpu.memory_space<vmem>>, vector<512x256xf32>
    %slice3A_68 = vector.extract_strided_slice %dot_general3A_9 {offsets = [0, 768], sizes = [512, 768], strides = [1, 1]} : vector<2048x1536xf32> to vector<512x768xf32>
    %get3A_69 = arith.constant 0 : index
    %get3A_70 = arith.constant 256 : index
    %get3A_71 = vector.load %arg10[%get3A_69, %get3A_70] : memref<512x512xbf16, #tpu.memory_space<vmem>>, vector<512x256xbf16>
    %get3A_72 = arith.constant 0 : index
    %get3A_73 = arith.constant 0 : index
    %get3A_74 = vector.load %arg4[%get3A_72, %get3A_73] : memref<256x768xbf16, #tpu.memory_space<vmem>>, vector<256x768xbf16>
    %dot_general3A_75 = arith.constant dense<0.000000e+00> : vector<512x768xf32>
    %dot_general3A_76 = tpu.matmul %get3A_71, %get3A_74, %dot_general3A_75 {dimension_numbers = #tpu.dot_dimension_numbers<[1], [0], [0], [1], [0, 0, 1, 1], [], []>, transpose_lhs_hint = false} : vector<512x256xbf16>, vector<256x768xbf16>, vector<512x768xf32> -> vector<512x768xf32>
    %slice3A_77 = vector.extract_strided_slice %slice3A_68 {offsets = [0, 0], sizes = [512, 512], strides = [1, 1]} : vector<512x768xf32> to vector<512x512xf32>
    %slice3A_78 = vector.extract_strided_slice %dot_general3A_76 {offsets = [0, 0], sizes = [512, 512], strides = [1, 1]} : vector<512x768xf32> to vector<512x512xf32>
    %add3A_79 = arith.addf %slice3A_77, %slice3A_78 : vector<512x512xf32>
    %get3A_80 = arith.constant 0 : index
    %get3A_81 = arith.constant 0 : index
    %get3A_82 = vector.load %arg5[%get3A_80, %get3A_81] : memref<1x512xf32, #tpu.memory_space<vmem>>, vector<1x512xf32>
    %add3A_83 = vector.broadcast %get3A_82 : vector<1x512xf32> to vector<512x512xf32>
    %add3A_84 = arith.addf %add3A_79, %add3A_83 : vector<512x512xf32>
    %slice3A_85 = vector.extract_strided_slice %add3A_84 {offsets = [0, 0], sizes = [512, 256], strides = [1, 1]} : vector<512x512xf32> to vector<512x256xf32>
    %tanh3A_86 = math.tanh %slice3A_85 : vector<512x256xf32>
    %mul3A_87 = arith.constant 5.000000e-01 : f32
    %mul3A_88 = vector.broadcast %mul3A_87 : f32 to vector<512x256xf32>
    %mul3A_89 = arith.mulf %mul3A_88, %tanh3A_86 : vector<512x256xf32>
    %add3A_90 = arith.constant 5.000000e-01 : f32
    %add3A_91 = vector.broadcast %add3A_90 : f32 to vector<512x256xf32>
    %add3A_92 = arith.addf %add3A_91, %mul3A_89 : vector<512x256xf32>
    %slice3A_93 = vector.extract_strided_slice %add3A_84 {offsets = [0, 256], sizes = [512, 256], strides = [1, 1]} : vector<512x512xf32> to vector<512x256xf32>
    %tanh3A_94 = math.tanh %slice3A_93 : vector<512x256xf32>
    %mul3A_95 = arith.constant 5.000000e-01 : f32
    %mul3A_96 = vector.broadcast %mul3A_95 : f32 to vector<512x256xf32>
    %mul3A_97 = arith.mulf %mul3A_96, %tanh3A_94 : vector<512x256xf32>
    %add3A_98 = arith.constant 5.000000e-01 : f32
    %add3A_99 = vector.broadcast %add3A_98 : f32 to vector<512x256xf32>
    %add3A_100 = arith.addf %add3A_99, %mul3A_97 : vector<512x256xf32>
    %slice3A_101 = vector.extract_strided_slice %slice3A_68 {offsets = [0, 512], sizes = [512, 256], strides = [1, 1]} : vector<512x768xf32> to vector<512x256xf32>
    %get3A_102 = arith.constant 0 : index
    %get3A_103 = arith.constant 0 : index
    %get3A_104 = vector.load %arg6[%get3A_102, %get3A_103] : memref<1x256xf32, #tpu.memory_space<vmem>>, vector<1x256xf32>
    %add3A_105 = vector.broadcast %get3A_104 : vector<1x256xf32> to vector<512x256xf32>
    %add3A_106 = arith.addf %slice3A_101, %add3A_105 : vector<512x256xf32>
    %slice3A_107 = vector.extract_strided_slice %dot_general3A_76 {offsets = [0, 512], sizes = [512, 256], strides = [1, 1]} : vector<512x768xf32> to vector<512x256xf32>
    %get3A_108 = arith.constant 0 : index
    %get3A_109 = arith.constant 0 : index
    %get3A_110 = vector.load %arg7[%get3A_108, %get3A_109] : memref<1x256xf32, #tpu.memory_space<vmem>>, vector<1x256xf32>
    %add3A_111 = vector.broadcast %get3A_110 : vector<1x256xf32> to vector<512x256xf32>
    %add3A_112 = arith.addf %slice3A_107, %add3A_111 : vector<512x256xf32>
    %mul3A_113 = arith.mulf %add3A_92, %add3A_112 : vector<512x256xf32>
    %add3A_114 = arith.addf %add3A_106, %mul3A_113 : vector<512x256xf32>
    %tanh3A_115 = math.tanh %add3A_114 : vector<512x256xf32>
    %sub3A_116 = arith.subf %get3A_67, %tanh3A_115 : vector<512x256xf32>
    %mul3A_117 = arith.mulf %add3A_100, %sub3A_116 : vector<512x256xf32>
    %add3A_118 = arith.addf %tanh3A_115, %mul3A_117 : vector<512x256xf32>
    %swap3A_119 = arith.constant 0 : index
    %swap3A_120 = arith.constant 256 : index
    %swap3A_121 = vector.load %arg9[%swap3A_119, %swap3A_120] : memref<512x512xf32, #tpu.memory_space<vmem>>, vector<512x256xf32>
    tpu.vector_store %arg9[%swap3A_119, %swap3A_120], %add3A_118 {strides = array<i32>} : memref<512x512xf32, #tpu.memory_space<vmem>>, vector<512x256xf32>,
    %convert_element_type3A_122 = arith.truncf %add3A_118 : vector<512x256xf32> to vector<512x256xbf16>
    %swap3A_123 = arith.constant 0 : index
    %swap3A_124 = arith.constant 256 : index
    %swap3A_125 = vector.load %arg10[%swap3A_123, %swap3A_124] : memref<512x512xbf16, #tpu.memory_space<vmem>>, vector<512x256xbf16>
    tpu.vector_store %arg10[%swap3A_123, %swap3A_124], %convert_element_type3A_122 {strides = array<i32>} : memref<512x512xbf16, #tpu.memory_space<vmem>>, vector<512x256xbf16>,
    %get3A_126 = arith.constant 0 : index
    %get3A_127 = arith.constant 0 : index
    %get3A_128 = vector.load %arg9[%get3A_126, %get3A_127] : memref<512x512xf32, #tpu.memory_space<vmem>>, vector<512x256xf32>
    %slice3A_129 = vector.extract_strided_slice %dot_general3A_9 {offsets = [512, 0], sizes = [512, 768], strides = [1, 1]} : vector<2048x1536xf32> to vector<512x768xf32>
    %get3A_130 = arith.constant 0 : index
    %get3A_131 = arith.constant 0 : index
    %get3A_132 = vector.load %arg10[%get3A_130, %get3A_131] : memref<512x512xbf16, #tpu.memory_space<vmem>>, vector<512x256xbf16>
    %get3A_133 = arith.constant 0 : index
    %get3A_134 = arith.constant 0 : index
    %get3A_135 = vector.load %arg4[%get3A_133, %get3A_134] : memref<256x768xbf16, #tpu.memory_space<vmem>>, vector<256x768xbf16>
    %dot_general3A_136 = arith.constant dense<0.000000e+00> : vector<512x768xf32>
    %dot_general3A_137 = tpu.matmul %get3A_132, %get3A_135, %dot_general3A_136 {dimension_numbers = #tpu.dot_dimension_numbers<[1], [0], [0], [1], [0, 0, 1, 1], [], []>, transpose_lhs_hint = false} : vector<512x256xbf16>, vector<256x768xbf16>, vector<512x768xf32> -> vector<512x768xf32>
    %slice3A_138 = vector.extract_strided_slice %slice3A_129 {offsets = [0, 0], sizes = [512, 512], strides = [1, 1]} : vector<512x768xf32> to vector<512x512xf32>
    %slice3A_139 = vector.extract_strided_slice %dot_general3A_137 {offsets = [0, 0], sizes = [512, 512], strides = [1, 1]} : vector<512x768xf32> to vector<512x512xf32>
    %add3A_140 = arith.addf %slice3A_138, %slice3A_139 : vector<512x512xf32>
    %get3A_141 = arith.constant 0 : index
    %get3A_142 = arith.constant 0 : index
    %get3A_143 = vector.load %arg5[%get3A_141, %get3A_142] : memref<1x512xf32, #tpu.memory_space<vmem>>, vector<1x512xf32>
    %add3A_144 = vector.broadcast %get3A_143 : vector<1x512xf32> to vector<512x512xf32>
    %add3A_145 = arith.addf %add3A_140, %add3A_144 : vector<512x512xf32>
    %slice3A_146 = vector.extract_strided_slice %add3A_145 {offsets = [0, 0], sizes = [512, 256], strides = [1, 1]} : vector<512x512xf32> to vector<512x256xf32>
    %tanh3A_147 = math.tanh %slice3A_146 : vector<512x256xf32>
    %mul3A_148 = arith.constant 5.000000e-01 : f32
    %mul3A_149 = vector.broadcast %mul3A_148 : f32 to vector<512x256xf32>
    %mul3A_150 = arith.mulf %mul3A_149, %tanh3A_147 : vector<512x256xf32>
    %add3A_151 = arith.constant 5.000000e-01 : f32
    %add3A_152 = vector.broadcast %add3A_151 : f32 to vector<512x256xf32>
    %add3A_153 = arith.addf %add3A_152, %mul3A_150 : vector<512x256xf32>
    %slice3A_154 = vector.extract_strided_slice %add3A_145 {offsets = [0, 256], sizes = [512, 256], strides = [1, 1]} : vector<512x512xf32> to vector<512x256xf32>
    %tanh3A_155 = math.tanh %slice3A_154 : vector<512x256xf32>
    %mul3A_156 = arith.constant 5.000000e-01 : f32
    %mul3A_157 = vector.broadcast %mul3A_156 : f32 to vector<512x256xf32>
    %mul3A_158 = arith.mulf %mul3A_157, %tanh3A_155 : vector<512x256xf32>
    %add3A_159 = arith.constant 5.000000e-01 : f32
    %add3A_160 = vector.broadcast %add3A_159 : f32 to vector<512x256xf32>
    %add3A_161 = arith.addf %add3A_160, %mul3A_158 : vector<512x256xf32>
    %slice3A_162 = vector.extract_strided_slice %slice3A_129 {offsets = [0, 512], sizes = [512, 256], strides = [1, 1]} : vector<512x768xf32> to vector<512x256xf32>
    %get3A_163 = arith.constant 0 : index
    %get3A_164 = arith.constant 0 : index
    %get3A_165 = vector.load %arg6[%get3A_163, %get3A_164] : memref<1x256xf32, #tpu.memory_space<vmem>>, vector<1x256xf32>
    %add3A_166 = vector.broadcast %get3A_165 : vector<1x256xf32> to vector<512x256xf32>
    %add3A_167 = arith.addf %slice3A_162, %add3A_166 : vector<512x256xf32>
    %slice3A_168 = vector.extract_strided_slice %dot_general3A_137 {offsets = [0, 512], sizes = [512, 256], strides = [1, 1]} : vector<512x768xf32> to vector<512x256xf32>
    %get3A_169 = arith.constant 0 : index
    %get3A_170 = arith.constant 0 : index
    %get3A_171 = vector.load %arg7[%get3A_169, %get3A_170] : memref<1x256xf32, #tpu.memory_space<vmem>>, vector<1x256xf32>
    %add3A_172 = vector.broadcast %get3A_171 : vector<1x256xf32> to vector<512x256xf32>
    %add3A_173 = arith.addf %slice3A_168, %add3A_172 : vector<512x256xf32>
    %mul3A_174 = arith.mulf %add3A_153, %add3A_173 : vector<512x256xf32>
    %add3A_175 = arith.addf %add3A_167, %mul3A_174 : vector<512x256xf32>
    %tanh3A_176 = math.tanh %add3A_175 : vector<512x256xf32>
    %sub3A_177 = arith.subf %get3A_128, %tanh3A_176 : vector<512x256xf32>
    %mul3A_178 = arith.mulf %add3A_161, %sub3A_177 : vector<512x256xf32>
    %add3A_179 = arith.addf %tanh3A_176, %mul3A_178 : vector<512x256xf32>
    %swap3A_180 = arith.constant 0 : index
    %swap3A_181 = arith.constant 0 : index
    %swap3A_182 = vector.load %arg9[%swap3A_180, %swap3A_181] : memref<512x512xf32, #tpu.memory_space<vmem>>, vector<512x256xf32>
    tpu.vector_store %arg9[%swap3A_180, %swap3A_181], %add3A_179 {strides = array<i32>} : memref<512x512xf32, #tpu.memory_space<vmem>>, vector<512x256xf32>,
    %convert_element_type3A_183 = arith.truncf %add3A_179 : vector<512x256xf32> to vector<512x256xbf16>
    %swap3A_184 = arith.constant 0 : index
    %swap3A_185 = arith.constant 0 : index
    %swap3A_186 = vector.load %arg10[%swap3A_184, %swap3A_185] : memref<512x512xbf16, #tpu.memory_space<vmem>>, vector<512x256xbf16>
    tpu.vector_store %arg10[%swap3A_184, %swap3A_185], %convert_element_type3A_183 {strides = array<i32>} : memref<512x512xbf16, #tpu.memory_space<vmem>>, vector<512x256xbf16>,
    %get3A_187 = arith.constant 0 : index
    %get3A_188 = arith.constant 256 : index
    %get3A_189 = vector.load %arg9[%get3A_187, %get3A_188] : memref<512x512xf32, #tpu.memory_space<vmem>>, vector<512x256xf32>
    %slice3A_190 = vector.extract_strided_slice %dot_general3A_9 {offsets = [512, 768], sizes = [512, 768], strides = [1, 1]} : vector<2048x1536xf32> to vector<512x768xf32>
    %get3A_191 = arith.constant 0 : index
    %get3A_192 = arith.constant 256 : index
    %get3A_193 = vector.load %arg10[%get3A_191, %get3A_192] : memref<512x512xbf16, #tpu.memory_space<vmem>>, vector<512x256xbf16>
    %get3A_194 = arith.constant 0 : index
    %get3A_195 = arith.constant 0 : index
    %get3A_196 = vector.load %arg4[%get3A_194, %get3A_195] : memref<256x768xbf16, #tpu.memory_space<vmem>>, vector<256x768xbf16>
    %dot_general3A_197 = arith.constant dense<0.000000e+00> : vector<512x768xf32>
    %dot_general3A_198 = tpu.matmul %get3A_193, %get3A_196, %dot_general3A_197 {dimension_numbers = #tpu.dot_dimension_numbers<[1], [0], [0], [1], [0, 0, 1, 1], [], []>, transpose_lhs_hint = false} : vector<512x256xbf16>, vector<256x768xbf16>, vector<512x768xf32> -> vector<512x768xf32>
    %slice3A_199 = vector.extract_strided_slice %slice3A_190 {offsets = [0, 0], sizes = [512, 512], strides = [1, 1]} : vector<512x768xf32> to vector<512x512xf32>
    %slice3A_200 = vector.extract_strided_slice %dot_general3A_198 {offsets = [0, 0], sizes = [512, 512], strides = [1, 1]} : vector<512x768xf32> to vector<512x512xf32>
    %add3A_201 = arith.addf %slice3A_199, %slice3A_200 : vector<512x512xf32>
    %get3A_202 = arith.constant 0 : index
    %get3A_203 = arith.constant 0 : index
    %get3A_204 = vector.load %arg5[%get3A_202, %get3A_203] : memref<1x512xf32, #tpu.memory_space<vmem>>, vector<1x512xf32>
    %add3A_205 = vector.broadcast %get3A_204 : vector<1x512xf32> to vector<512x512xf32>
    %add3A_206 = arith.addf %add3A_201, %add3A_205 : vector<512x512xf32>
    %slice3A_207 = vector.extract_strided_slice %add3A_206 {offsets = [0, 0], sizes = [512, 256], strides = [1, 1]} : vector<512x512xf32> to vector<512x256xf32>
    %tanh3A_208 = math.tanh %slice3A_207 : vector<512x256xf32>
    %mul3A_209 = arith.constant 5.000000e-01 : f32
    %mul3A_210 = vector.broadcast %mul3A_209 : f32 to vector<512x256xf32>
    %mul3A_211 = arith.mulf %mul3A_210, %tanh3A_208 : vector<512x256xf32>
    %add3A_212 = arith.constant 5.000000e-01 : f32
    %add3A_213 = vector.broadcast %add3A_212 : f32 to vector<512x256xf32>
    %add3A_214 = arith.addf %add3A_213, %mul3A_211 : vector<512x256xf32>
    %slice3A_215 = vector.extract_strided_slice %add3A_206 {offsets = [0, 256], sizes = [512, 256], strides = [1, 1]} : vector<512x512xf32> to vector<512x256xf32>
    %tanh3A_216 = math.tanh %slice3A_215 : vector<512x256xf32>
    %mul3A_217 = arith.constant 5.000000e-01 : f32
    %mul3A_218 = vector.broadcast %mul3A_217 : f32 to vector<512x256xf32>
    %mul3A_219 = arith.mulf %mul3A_218, %tanh3A_216 : vector<512x256xf32>
    %add3A_220 = arith.constant 5.000000e-01 : f32
    %add3A_221 = vector.broadcast %add3A_220 : f32 to vector<512x256xf32>
    %add3A_222 = arith.addf %add3A_221, %mul3A_219 : vector<512x256xf32>
    %slice3A_223 = vector.extract_strided_slice %slice3A_190 {offsets = [0, 512], sizes = [512, 256], strides = [1, 1]} : vector<512x768xf32> to vector<512x256xf32>
    %get3A_224 = arith.constant 0 : index
    %get3A_225 = arith.constant 0 : index
    %get3A_226 = vector.load %arg6[%get3A_224, %get3A_225] : memref<1x256xf32, #tpu.memory_space<vmem>>, vector<1x256xf32>
    %add3A_227 = vector.broadcast %get3A_226 : vector<1x256xf32> to vector<512x256xf32>
    %add3A_228 = arith.addf %slice3A_223, %add3A_227 : vector<512x256xf32>
    %slice3A_229 = vector.extract_strided_slice %dot_general3A_198 {offsets = [0, 512], sizes = [512, 256], strides = [1, 1]} : vector<512x768xf32> to vector<512x256xf32>
    %get3A_230 = arith.constant 0 : index
    %get3A_231 = arith.constant 0 : index
    %get3A_232 = vector.load %arg7[%get3A_230, %get3A_231] : memref<1x256xf32, #tpu.memory_space<vmem>>, vector<1x256xf32>
    %add3A_233 = vector.broadcast %get3A_232 : vector<1x256xf32> to vector<512x256xf32>
    %add3A_234 = arith.addf %slice3A_229, %add3A_233 : vector<512x256xf32>
    %mul3A_235 = arith.mulf %add3A_214, %add3A_234 : vector<512x256xf32>
    %add3A_236 = arith.addf %add3A_228, %mul3A_235 : vector<512x256xf32>
    %tanh3A_237 = math.tanh %add3A_236 : vector<512x256xf32>
    %sub3A_238 = arith.subf %get3A_189, %tanh3A_237 : vector<512x256xf32>
    %mul3A_239 = arith.mulf %add3A_222, %sub3A_238 : vector<512x256xf32>
    %add3A_240 = arith.addf %tanh3A_237, %mul3A_239 : vector<512x256xf32>
    %swap3A_241 = arith.constant 0 : index
    %swap3A_242 = arith.constant 256 : index
    %swap3A_243 = vector.load %arg9[%swap3A_241, %swap3A_242] : memref<512x512xf32, #tpu.memory_space<vmem>>, vector<512x256xf32>
    tpu.vector_store %arg9[%swap3A_241, %swap3A_242], %add3A_240 {strides = array<i32>} : memref<512x512xf32, #tpu.memory_space<vmem>>, vector<512x256xf32>,
    %convert_element_type3A_244 = arith.truncf %add3A_240 : vector<512x256xf32> to vector<512x256xbf16>
    %swap3A_245 = arith.constant 0 : index
    %swap3A_246 = arith.constant 256 : index
    %swap3A_247 = vector.load %arg10[%swap3A_245, %swap3A_246] : memref<512x512xbf16, #tpu.memory_space<vmem>>, vector<512x256xbf16>
    tpu.vector_store %arg10[%swap3A_245, %swap3A_246], %convert_element_type3A_244 {strides = array<i32>} : memref<512x512xbf16, #tpu.memory_space<vmem>>, vector<512x256xbf16>,
    %get3A_248 = arith.constant 0 : index
    %get3A_249 = arith.constant 0 : index
    %get3A_250 = vector.load %arg9[%get3A_248, %get3A_249] : memref<512x512xf32, #tpu.memory_space<vmem>>, vector<512x256xf32>
    %slice3A_251 = vector.extract_strided_slice %dot_general3A_9 {offsets = [1024, 0], sizes = [512, 768], strides = [1, 1]} : vector<2048x1536xf32> to vector<512x768xf32>
    %get3A_252 = arith.constant 0 : index
    %get3A_253 = arith.constant 0 : index
    %get3A_254 = vector.load %arg10[%get3A_252, %get3A_253] : memref<512x512xbf16, #tpu.memory_space<vmem>>, vector<512x256xbf16>
    %get3A_255 = arith.constant 0 : index
    %get3A_256 = arith.constant 0 : index
    %get3A_257 = vector.load %arg4[%get3A_255, %get3A_256] : memref<256x768xbf16, #tpu.memory_space<vmem>>, vector<256x768xbf16>
    %dot_general3A_258 = arith.constant dense<0.000000e+00> : vector<512x768xf32>
    %dot_general3A_259 = tpu.matmul %get3A_254, %get3A_257, %dot_general3A_258 {dimension_numbers = #tpu.dot_dimension_numbers<[1], [0], [0], [1], [0, 0, 1, 1], [], []>, transpose_lhs_hint = false} : vector<512x256xbf16>, vector<256x768xbf16>, vector<512x768xf32> -> vector<512x768xf32>
    %slice3A_260 = vector.extract_strided_slice %slice3A_251 {offsets = [0, 0], sizes = [512, 512], strides = [1, 1]} : vector<512x768xf32> to vector<512x512xf32>
    %slice3A_261 = vector.extract_strided_slice %dot_general3A_259 {offsets = [0, 0], sizes = [512, 512], strides = [1, 1]} : vector<512x768xf32> to vector<512x512xf32>
    %add3A_262 = arith.addf %slice3A_260, %slice3A_261 : vector<512x512xf32>
    %get3A_263 = arith.constant 0 : index
    %get3A_264 = arith.constant 0 : index
    %get3A_265 = vector.load %arg5[%get3A_263, %get3A_264] : memref<1x512xf32, #tpu.memory_space<vmem>>, vector<1x512xf32>
    %add3A_266 = vector.broadcast %get3A_265 : vector<1x512xf32> to vector<512x512xf32>
    %add3A_267 = arith.addf %add3A_262, %add3A_266 : vector<512x512xf32>
    %slice3A_268 = vector.extract_strided_slice %add3A_267 {offsets = [0, 0], sizes = [512, 256], strides = [1, 1]} : vector<512x512xf32> to vector<512x256xf32>
    %tanh3A_269 = math.tanh %slice3A_268 : vector<512x256xf32>
    %mul3A_270 = arith.constant 5.000000e-01 : f32
    %mul3A_271 = vector.broadcast %mul3A_270 : f32 to vector<512x256xf32>
    %mul3A_272 = arith.mulf %mul3A_271, %tanh3A_269 : vector<512x256xf32>
    %add3A_273 = arith.constant 5.000000e-01 : f32
    %add3A_274 = vector.broadcast %add3A_273 : f32 to vector<512x256xf32>
    %add3A_275 = arith.addf %add3A_274, %mul3A_272 : vector<512x256xf32>
    %slice3A_276 = vector.extract_strided_slice %add3A_267 {offsets = [0, 256], sizes = [512, 256], strides = [1, 1]} : vector<512x512xf32> to vector<512x256xf32>
    %tanh3A_277 = math.tanh %slice3A_276 : vector<512x256xf32>
    %mul3A_278 = arith.constant 5.000000e-01 : f32
    %mul3A_279 = vector.broadcast %mul3A_278 : f32 to vector<512x256xf32>
    %mul3A_280 = arith.mulf %mul3A_279, %tanh3A_277 : vector<512x256xf32>
    %add3A_281 = arith.constant 5.000000e-01 : f32
    %add3A_282 = vector.broadcast %add3A_281 : f32 to vector<512x256xf32>
    %add3A_283 = arith.addf %add3A_282, %mul3A_280 : vector<512x256xf32>
    %slice3A_284 = vector.extract_strided_slice %slice3A_251 {offsets = [0, 512], sizes = [512, 256], strides = [1, 1]} : vector<512x768xf32> to vector<512x256xf32>
    %get3A_285 = arith.constant 0 : index
    %get3A_286 = arith.constant 0 : index
    %get3A_287 = vector.load %arg6[%get3A_285, %get3A_286] : memref<1x256xf32, #tpu.memory_space<vmem>>, vector<1x256xf32>
    %add3A_288 = vector.broadcast %get3A_287 : vector<1x256xf32> to vector<512x256xf32>
    %add3A_289 = arith.addf %slice3A_284, %add3A_288 : vector<512x256xf32>
    %slice3A_290 = vector.extract_strided_slice %dot_general3A_259 {offsets = [0, 512], sizes = [512, 256], strides = [1, 1]} : vector<512x768xf32> to vector<512x256xf32>
    %get3A_291 = arith.constant 0 : index
    %get3A_292 = arith.constant 0 : index
    %get3A_293 = vector.load %arg7[%get3A_291, %get3A_292] : memref<1x256xf32, #tpu.memory_space<vmem>>, vector<1x256xf32>
    %add3A_294 = vector.broadcast %get3A_293 : vector<1x256xf32> to vector<512x256xf32>
    %add3A_295 = arith.addf %slice3A_290, %add3A_294 : vector<512x256xf32>
    %mul3A_296 = arith.mulf %add3A_275, %add3A_295 : vector<512x256xf32>
    %add3A_297 = arith.addf %add3A_289, %mul3A_296 : vector<512x256xf32>
    %tanh3A_298 = math.tanh %add3A_297 : vector<512x256xf32>
    %sub3A_299 = arith.subf %get3A_250, %tanh3A_298 : vector<512x256xf32>
    %mul3A_300 = arith.mulf %add3A_283, %sub3A_299 : vector<512x256xf32>
    %add3A_301 = arith.addf %tanh3A_298, %mul3A_300 : vector<512x256xf32>
    %swap3A_302 = arith.constant 0 : index
    %swap3A_303 = arith.constant 0 : index
    %swap3A_304 = vector.load %arg9[%swap3A_302, %swap3A_303] : memref<512x512xf32, #tpu.memory_space<vmem>>, vector<512x256xf32>
    tpu.vector_store %arg9[%swap3A_302, %swap3A_303], %add3A_301 {strides = array<i32>} : memref<512x512xf32, #tpu.memory_space<vmem>>, vector<512x256xf32>,
    %convert_element_type3A_305 = arith.truncf %add3A_301 : vector<512x256xf32> to vector<512x256xbf16>
    %swap3A_306 = arith.constant 0 : index
    %swap3A_307 = arith.constant 0 : index
    %swap3A_308 = vector.load %arg10[%swap3A_306, %swap3A_307] : memref<512x512xbf16, #tpu.memory_space<vmem>>, vector<512x256xbf16>
    tpu.vector_store %arg10[%swap3A_306, %swap3A_307], %convert_element_type3A_305 {strides = array<i32>} : memref<512x512xbf16, #tpu.memory_space<vmem>>, vector<512x256xbf16>,
    %get3A_309 = arith.constant 0 : index
    %get3A_310 = arith.constant 256 : index
    %get3A_311 = vector.load %arg9[%get3A_309, %get3A_310] : memref<512x512xf32, #tpu.memory_space<vmem>>, vector<512x256xf32>
    %slice3A_312 = vector.extract_strided_slice %dot_general3A_9 {offsets = [1024, 768], sizes = [512, 768], strides = [1, 1]} : vector<2048x1536xf32> to vector<512x768xf32>
    %get3A_313 = arith.constant 0 : index
    %get3A_314 = arith.constant 256 : index
    %get3A_315 = vector.load %arg10[%get3A_313, %get3A_314] : memref<512x512xbf16, #tpu.memory_space<vmem>>, vector<512x256xbf16>
    %get3A_316 = arith.constant 0 : index
    %get3A_317 = arith.constant 0 : index
    %get3A_318 = vector.load %arg4[%get3A_316, %get3A_317] : memref<256x768xbf16, #tpu.memory_space<vmem>>, vector<256x768xbf16>
    %dot_general3A_319 = arith.constant dense<0.000000e+00> : vector<512x768xf32>
    %dot_general3A_320 = tpu.matmul %get3A_315, %get3A_318, %dot_general3A_319 {dimension_numbers = #tpu.dot_dimension_numbers<[1], [0], [0], [1], [0, 0, 1, 1], [], []>, transpose_lhs_hint = false} : vector<512x256xbf16>, vector<256x768xbf16>, vector<512x768xf32> -> vector<512x768xf32>
    %slice3A_321 = vector.extract_strided_slice %slice3A_312 {offsets = [0, 0], sizes = [512, 512], strides = [1, 1]} : vector<512x768xf32> to vector<512x512xf32>
    %slice3A_322 = vector.extract_strided_slice %dot_general3A_320 {offsets = [0, 0], sizes = [512, 512], strides = [1, 1]} : vector<512x768xf32> to vector<512x512xf32>
    %add3A_323 = arith.addf %slice3A_321, %slice3A_322 : vector<512x512xf32>
    %get3A_324 = arith.constant 0 : index
    %get3A_325 = arith.constant 0 : index
    %get3A_326 = vector.load %arg5[%get3A_324, %get3A_325] : memref<1x512xf32, #tpu.memory_space<vmem>>, vector<1x512xf32>
    %add3A_327 = vector.broadcast %get3A_326 : vector<1x512xf32> to vector<512x512xf32>
    %add3A_328 = arith.addf %add3A_323, %add3A_327 : vector<512x512xf32>
    %slice3A_329 = vector.extract_strided_slice %add3A_328 {offsets = [0, 0], sizes = [512, 256], strides = [1, 1]} : vector<512x512xf32> to vector<512x256xf32>
    %tanh3A_330 = math.tanh %slice3A_329 : vector<512x256xf32>
    %mul3A_331 = arith.constant 5.000000e-01 : f32
    %mul3A_332 = vector.broadcast %mul3A_331 : f32 to vector<512x256xf32>
    %mul3A_333 = arith.mulf %mul3A_332, %tanh3A_330 : vector<512x256xf32>
    %add3A_334 = arith.constant 5.000000e-01 : f32
    %add3A_335 = vector.broadcast %add3A_334 : f32 to vector<512x256xf32>
    %add3A_336 = arith.addf %add3A_335, %mul3A_333 : vector<512x256xf32>
    %slice3A_337 = vector.extract_strided_slice %add3A_328 {offsets = [0, 256], sizes = [512, 256], strides = [1, 1]} : vector<512x512xf32> to vector<512x256xf32>
    %tanh3A_338 = math.tanh %slice3A_337 : vector<512x256xf32>
    %mul3A_339 = arith.constant 5.000000e-01 : f32
    %mul3A_340 = vector.broadcast %mul3A_339 : f32 to vector<512x256xf32>
    %mul3A_341 = arith.mulf %mul3A_340, %tanh3A_338 : vector<512x256xf32>
    %add3A_342 = arith.constant 5.000000e-01 : f32
    %add3A_343 = vector.broadcast %add3A_342 : f32 to vector<512x256xf32>
    %add3A_344 = arith.addf %add3A_343, %mul3A_341 : vector<512x256xf32>
    %slice3A_345 = vector.extract_strided_slice %slice3A_312 {offsets = [0, 512], sizes = [512, 256], strides = [1, 1]} : vector<512x768xf32> to vector<512x256xf32>
    %get3A_346 = arith.constant 0 : index
    %get3A_347 = arith.constant 0 : index
    %get3A_348 = vector.load %arg6[%get3A_346, %get3A_347] : memref<1x256xf32, #tpu.memory_space<vmem>>, vector<1x256xf32>
    %add3A_349 = vector.broadcast %get3A_348 : vector<1x256xf32> to vector<512x256xf32>
    %add3A_350 = arith.addf %slice3A_345, %add3A_349 : vector<512x256xf32>
    %slice3A_351 = vector.extract_strided_slice %dot_general3A_320 {offsets = [0, 512], sizes = [512, 256], strides = [1, 1]} : vector<512x768xf32> to vector<512x256xf32>
    %get3A_352 = arith.constant 0 : index
    %get3A_353 = arith.constant 0 : index
    %get3A_354 = vector.load %arg7[%get3A_352, %get3A_353] : memref<1x256xf32, #tpu.memory_space<vmem>>, vector<1x256xf32>
    %add3A_355 = vector.broadcast %get3A_354 : vector<1x256xf32> to vector<512x256xf32>
    %add3A_356 = arith.addf %slice3A_351, %add3A_355 : vector<512x256xf32>
    %mul3A_357 = arith.mulf %add3A_336, %add3A_356 : vector<512x256xf32>
    %add3A_358 = arith.addf %add3A_350, %mul3A_357 : vector<512x256xf32>
    %tanh3A_359 = math.tanh %add3A_358 : vector<512x256xf32>
    %sub3A_360 = arith.subf %get3A_311, %tanh3A_359 : vector<512x256xf32>
    %mul3A_361 = arith.mulf %add3A_344, %sub3A_360 : vector<512x256xf32>
    %add3A_362 = arith.addf %tanh3A_359, %mul3A_361 : vector<512x256xf32>
    %swap3A_363 = arith.constant 0 : index
    %swap3A_364 = arith.constant 256 : index
    %swap3A_365 = vector.load %arg9[%swap3A_363, %swap3A_364] : memref<512x512xf32, #tpu.memory_space<vmem>>, vector<512x256xf32>
    tpu.vector_store %arg9[%swap3A_363, %swap3A_364], %add3A_362 {strides = array<i32>} : memref<512x512xf32, #tpu.memory_space<vmem>>, vector<512x256xf32>,
    %convert_element_type3A_366 = arith.truncf %add3A_362 : vector<512x256xf32> to vector<512x256xbf16>
    %swap3A_367 = arith.constant 0 : index
    %swap3A_368 = arith.constant 256 : index
    %swap3A_369 = vector.load %arg10[%swap3A_367, %swap3A_368] : memref<512x512xbf16, #tpu.memory_space<vmem>>, vector<512x256xbf16>
    tpu.vector_store %arg10[%swap3A_367, %swap3A_368], %convert_element_type3A_366 {strides = array<i32>} : memref<512x512xbf16, #tpu.memory_space<vmem>>, vector<512x256xbf16>,
    %get3A_370 = arith.constant 0 : index
    %get3A_371 = arith.constant 0 : index
    %get3A_372 = vector.load %arg9[%get3A_370, %get3A_371] : memref<512x512xf32, #tpu.memory_space<vmem>>, vector<512x256xf32>
    %slice3A_373 = vector.extract_strided_slice %dot_general3A_9 {offsets = [1536, 0], sizes = [512, 768], strides = [1, 1]} : vector<2048x1536xf32> to vector<512x768xf32>
    %get3A_374 = arith.constant 0 : index
    %get3A_375 = arith.constant 0 : index
    %get3A_376 = vector.load %arg10[%get3A_374, %get3A_375] : memref<512x512xbf16, #tpu.memory_space<vmem>>, vector<512x256xbf16>
    %get3A_377 = arith.constant 0 : index
    %get3A_378 = arith.constant 0 : index
    %get3A_379 = vector.load %arg4[%get3A_377, %get3A_378] : memref<256x768xbf16, #tpu.memory_space<vmem>>, vector<256x768xbf16>
    %dot_general3A_380 = arith.constant dense<0.000000e+00> : vector<512x768xf32>
    %dot_general3A_381 = tpu.matmul %get3A_376, %get3A_379, %dot_general3A_380 {dimension_numbers = #tpu.dot_dimension_numbers<[1], [0], [0], [1], [0, 0, 1, 1], [], []>, transpose_lhs_hint = false} : vector<512x256xbf16>, vector<256x768xbf16>, vector<512x768xf32> -> vector<512x768xf32>
    %slice3A_382 = vector.extract_strided_slice %slice3A_373 {offsets = [0, 0], sizes = [512, 512], strides = [1, 1]} : vector<512x768xf32> to vector<512x512xf32>
    %slice3A_383 = vector.extract_strided_slice %dot_general3A_381 {offsets = [0, 0], sizes = [512, 512], strides = [1, 1]} : vector<512x768xf32> to vector<512x512xf32>
    %add3A_384 = arith.addf %slice3A_382, %slice3A_383 : vector<512x512xf32>
    %get3A_385 = arith.constant 0 : index
    %get3A_386 = arith.constant 0 : index
    %get3A_387 = vector.load %arg5[%get3A_385, %get3A_386] : memref<1x512xf32, #tpu.memory_space<vmem>>, vector<1x512xf32>
    %add3A_388 = vector.broadcast %get3A_387 : vector<1x512xf32> to vector<512x512xf32>
    %add3A_389 = arith.addf %add3A_384, %add3A_388 : vector<512x512xf32>
    %slice3A_390 = vector.extract_strided_slice %add3A_389 {offsets = [0, 0], sizes = [512, 256], strides = [1, 1]} : vector<512x512xf32> to vector<512x256xf32>
    %tanh3A_391 = math.tanh %slice3A_390 : vector<512x256xf32>
    %mul3A_392 = arith.constant 5.000000e-01 : f32
    %mul3A_393 = vector.broadcast %mul3A_392 : f32 to vector<512x256xf32>
    %mul3A_394 = arith.mulf %mul3A_393, %tanh3A_391 : vector<512x256xf32>
    %add3A_395 = arith.constant 5.000000e-01 : f32
    %add3A_396 = vector.broadcast %add3A_395 : f32 to vector<512x256xf32>
    %add3A_397 = arith.addf %add3A_396, %mul3A_394 : vector<512x256xf32>
    %slice3A_398 = vector.extract_strided_slice %add3A_389 {offsets = [0, 256], sizes = [512, 256], strides = [1, 1]} : vector<512x512xf32> to vector<512x256xf32>
    %tanh3A_399 = math.tanh %slice3A_398 : vector<512x256xf32>
    %mul3A_400 = arith.constant 5.000000e-01 : f32
    %mul3A_401 = vector.broadcast %mul3A_400 : f32 to vector<512x256xf32>
    %mul3A_402 = arith.mulf %mul3A_401, %tanh3A_399 : vector<512x256xf32>
    %add3A_403 = arith.constant 5.000000e-01 : f32
    %add3A_404 = vector.broadcast %add3A_403 : f32 to vector<512x256xf32>
    %add3A_405 = arith.addf %add3A_404, %mul3A_402 : vector<512x256xf32>
    %slice3A_406 = vector.extract_strided_slice %slice3A_373 {offsets = [0, 512], sizes = [512, 256], strides = [1, 1]} : vector<512x768xf32> to vector<512x256xf32>
    %get3A_407 = arith.constant 0 : index
    %get3A_408 = arith.constant 0 : index
    %get3A_409 = vector.load %arg6[%get3A_407, %get3A_408] : memref<1x256xf32, #tpu.memory_space<vmem>>, vector<1x256xf32>
    %add3A_410 = vector.broadcast %get3A_409 : vector<1x256xf32> to vector<512x256xf32>
    %add3A_411 = arith.addf %slice3A_406, %add3A_410 : vector<512x256xf32>
    %slice3A_412 = vector.extract_strided_slice %dot_general3A_381 {offsets = [0, 512], sizes = [512, 256], strides = [1, 1]} : vector<512x768xf32> to vector<512x256xf32>
    %get3A_413 = arith.constant 0 : index
    %get3A_414 = arith.constant 0 : index
    %get3A_415 = vector.load %arg7[%get3A_413, %get3A_414] : memref<1x256xf32, #tpu.memory_space<vmem>>, vector<1x256xf32>
    %add3A_416 = vector.broadcast %get3A_415 : vector<1x256xf32> to vector<512x256xf32>
    %add3A_417 = arith.addf %slice3A_412, %add3A_416 : vector<512x256xf32>
    %mul3A_418 = arith.mulf %add3A_397, %add3A_417 : vector<512x256xf32>
    %add3A_419 = arith.addf %add3A_411, %mul3A_418 : vector<512x256xf32>
    %tanh3A_420 = math.tanh %add3A_419 : vector<512x256xf32>
    %sub3A_421 = arith.subf %get3A_372, %tanh3A_420 : vector<512x256xf32>
    %mul3A_422 = arith.mulf %add3A_405, %sub3A_421 : vector<512x256xf32>
    %add3A_423 = arith.addf %tanh3A_420, %mul3A_422 : vector<512x256xf32>
    %swap3A_424 = arith.constant 0 : index
    %swap3A_425 = arith.constant 0 : index
    %swap3A_426 = vector.load %arg9[%swap3A_424, %swap3A_425] : memref<512x512xf32, #tpu.memory_space<vmem>>, vector<512x256xf32>
    tpu.vector_store %arg9[%swap3A_424, %swap3A_425], %add3A_423 {strides = array<i32>} : memref<512x512xf32, #tpu.memory_space<vmem>>, vector<512x256xf32>,
    %convert_element_type3A_427 = arith.truncf %add3A_423 : vector<512x256xf32> to vector<512x256xbf16>
    %swap3A_428 = arith.constant 0 : index
    %swap3A_429 = arith.constant 0 : index
    %swap3A_430 = vector.load %arg10[%swap3A_428, %swap3A_429] : memref<512x512xbf16, #tpu.memory_space<vmem>>, vector<512x256xbf16>
    tpu.vector_store %arg10[%swap3A_428, %swap3A_429], %convert_element_type3A_427 {strides = array<i32>} : memref<512x512xbf16, #tpu.memory_space<vmem>>, vector<512x256xbf16>,
    %get3A_431 = arith.constant 0 : index
    %get3A_432 = arith.constant 256 : index
    %get3A_433 = vector.load %arg9[%get3A_431, %get3A_432] : memref<512x512xf32, #tpu.memory_space<vmem>>, vector<512x256xf32>
    %slice3A_434 = vector.extract_strided_slice %dot_general3A_9 {offsets = [1536, 768], sizes = [512, 768], strides = [1, 1]} : vector<2048x1536xf32> to vector<512x768xf32>
    %get3A_435 = arith.constant 0 : index
    %get3A_436 = arith.constant 256 : index
    %get3A_437 = vector.load %arg10[%get3A_435, %get3A_436] : memref<512x512xbf16, #tpu.memory_space<vmem>>, vector<512x256xbf16>
    %get3A_438 = arith.constant 0 : index
    %get3A_439 = arith.constant 0 : index
    %get3A_440 = vector.load %arg4[%get3A_438, %get3A_439] : memref<256x768xbf16, #tpu.memory_space<vmem>>, vector<256x768xbf16>
    %dot_general3A_441 = arith.constant dense<0.000000e+00> : vector<512x768xf32>
    %dot_general3A_442 = tpu.matmul %get3A_437, %get3A_440, %dot_general3A_441 {dimension_numbers = #tpu.dot_dimension_numbers<[1], [0], [0], [1], [0, 0, 1, 1], [], []>, transpose_lhs_hint = false} : vector<512x256xbf16>, vector<256x768xbf16>, vector<512x768xf32> -> vector<512x768xf32>
    %slice3A_443 = vector.extract_strided_slice %slice3A_434 {offsets = [0, 0], sizes = [512, 512], strides = [1, 1]} : vector<512x768xf32> to vector<512x512xf32>
    %slice3A_444 = vector.extract_strided_slice %dot_general3A_442 {offsets = [0, 0], sizes = [512, 512], strides = [1, 1]} : vector<512x768xf32> to vector<512x512xf32>
    %add3A_445 = arith.addf %slice3A_443, %slice3A_444 : vector<512x512xf32>
    %get3A_446 = arith.constant 0 : index
    %get3A_447 = arith.constant 0 : index
    %get3A_448 = vector.load %arg5[%get3A_446, %get3A_447] : memref<1x512xf32, #tpu.memory_space<vmem>>, vector<1x512xf32>
    %add3A_449 = vector.broadcast %get3A_448 : vector<1x512xf32> to vector<512x512xf32>
    %add3A_450 = arith.addf %add3A_445, %add3A_449 : vector<512x512xf32>
    %slice3A_451 = vector.extract_strided_slice %add3A_450 {offsets = [0, 0], sizes = [512, 256], strides = [1, 1]} : vector<512x512xf32> to vector<512x256xf32>
    %tanh3A_452 = math.tanh %slice3A_451 : vector<512x256xf32>
    %mul3A_453 = arith.constant 5.000000e-01 : f32
    %mul3A_454 = vector.broadcast %mul3A_453 : f32 to vector<512x256xf32>
    %mul3A_455 = arith.mulf %mul3A_454, %tanh3A_452 : vector<512x256xf32>
    %add3A_456 = arith.constant 5.000000e-01 : f32
    %add3A_457 = vector.broadcast %add3A_456 : f32 to vector<512x256xf32>
    %add3A_458 = arith.addf %add3A_457, %mul3A_455 : vector<512x256xf32>
    %slice3A_459 = vector.extract_strided_slice %add3A_450 {offsets = [0, 256], sizes = [512, 256], strides = [1, 1]} : vector<512x512xf32> to vector<512x256xf32>
    %tanh3A_460 = math.tanh %slice3A_459 : vector<512x256xf32>
    %mul3A_461 = arith.constant 5.000000e-01 : f32
    %mul3A_462 = vector.broadcast %mul3A_461 : f32 to vector<512x256xf32>
    %mul3A_463 = arith.mulf %mul3A_462, %tanh3A_460 : vector<512x256xf32>
    %add3A_464 = arith.constant 5.000000e-01 : f32
    %add3A_465 = vector.broadcast %add3A_464 : f32 to vector<512x256xf32>
    %add3A_466 = arith.addf %add3A_465, %mul3A_463 : vector<512x256xf32>
    %slice3A_467 = vector.extract_strided_slice %slice3A_434 {offsets = [0, 512], sizes = [512, 256], strides = [1, 1]} : vector<512x768xf32> to vector<512x256xf32>
    %get3A_468 = arith.constant 0 : index
    %get3A_469 = arith.constant 0 : index
    %get3A_470 = vector.load %arg6[%get3A_468, %get3A_469] : memref<1x256xf32, #tpu.memory_space<vmem>>, vector<1x256xf32>
    %add3A_471 = vector.broadcast %get3A_470 : vector<1x256xf32> to vector<512x256xf32>
    %add3A_472 = arith.addf %slice3A_467, %add3A_471 : vector<512x256xf32>
    %slice3A_473 = vector.extract_strided_slice %dot_general3A_442 {offsets = [0, 512], sizes = [512, 256], strides = [1, 1]} : vector<512x768xf32> to vector<512x256xf32>
    %get3A_474 = arith.constant 0 : index
    %get3A_475 = arith.constant 0 : index
    %get3A_476 = vector.load %arg7[%get3A_474, %get3A_475] : memref<1x256xf32, #tpu.memory_space<vmem>>, vector<1x256xf32>
    %add3A_477 = vector.broadcast %get3A_476 : vector<1x256xf32> to vector<512x256xf32>
    %add3A_478 = arith.addf %slice3A_473, %add3A_477 : vector<512x256xf32>
    %mul3A_479 = arith.mulf %add3A_458, %add3A_478 : vector<512x256xf32>
    %add3A_480 = arith.addf %add3A_472, %mul3A_479 : vector<512x256xf32>
    %tanh3A_481 = math.tanh %add3A_480 : vector<512x256xf32>
    %sub3A_482 = arith.subf %get3A_433, %tanh3A_481 : vector<512x256xf32>
    %mul3A_483 = arith.mulf %add3A_466, %sub3A_482 : vector<512x256xf32>
    %add3A_484 = arith.addf %tanh3A_481, %mul3A_483 : vector<512x256xf32>
    %swap3A_485 = arith.constant 0 : index
    %swap3A_486 = arith.constant 256 : index
    %swap3A_487 = vector.load %arg9[%swap3A_485, %swap3A_486] : memref<512x512xf32, #tpu.memory_space<vmem>>, vector<512x256xf32>
    tpu.vector_store %arg9[%swap3A_485, %swap3A_486], %add3A_484 {strides = array<i32>} : memref<512x512xf32, #tpu.memory_space<vmem>>, vector<512x256xf32>,
    %convert_element_type3A_488 = arith.truncf %add3A_484 : vector<512x256xf32> to vector<512x256xbf16>
    %swap3A_489 = arith.constant 0 : index
    %swap3A_490 = arith.constant 256 : index
    %swap3A_491 = vector.load %arg10[%swap3A_489, %swap3A_490] : memref<512x512xbf16, #tpu.memory_space<vmem>>, vector<512x256xbf16>
    tpu.vector_store %arg10[%swap3A_489, %swap3A_490], %convert_element_type3A_488 {strides = array<i32>} : memref<512x512xbf16, #tpu.memory_space<vmem>>, vector<512x256xbf16>,
    %eq3A_492 = arith.constant 1 : i32
    %eq3A_493 = arith.cmpi eq, %arg0, %eq3A_492 : i32
    %convert_element_type3A_494 = arith.extui %eq3A_493 : i1 to i32
    %cond3A_495 = arith.constant 0 : i32
    %cond3A_496 = arith.cmpi ne, %convert_element_type3A_494, %cond3A_495 : i32
    scf.if %cond3A_496 {
      %get3A_497 = arith.constant 0 : index
      %get3A_498 = arith.constant 0 : index
      %get3A_499 = vector.load %arg9[%get3A_497, %get3A_498] : memref<512x512xf32, #tpu.memory_space<vmem>>, vector<512x512xf32>
      %swap3A_500 = arith.constant 0 : index
      %swap3A_501 = arith.constant 0 : index
      %swap3A_502 = vector.load %arg8[%swap3A_500, %swap3A_501] : memref<512x512xf32, #tpu.memory_space<vmem>>, vector<512x512xf32>
      tpu.vector_store %arg8[%swap3A_500, %swap3A_501], %get3A_499 {strides = array<i32>} : memref<512x512xf32, #tpu.memory_space<vmem>>, vector<512x512xf32>,
    } else {
    }
    return
  }
  func.func @transform_0(%arg0: i32) -> (i32, i32, i32) {
    %c0_i32 = arith.constant 0 : i32
    %c0_i32_0 = arith.constant 0 : i32
    %c0_i32_1 = arith.constant 0 : i32
    return %arg0, %c0_i32, %c0_i32_0 : i32, i32, i32
  }
  func.func @transform_1(%arg0: i32) -> (i32, i32) {
    %c0_i32 = arith.constant 0 : i32
    %c0_i32_0 = arith.constant 0 : i32
    %c0_i32_1 = arith.constant 0 : i32
    return %c0_i32, %c0_i32_0 : i32, i32
  }
  func.func @transform_2(%arg0: i32) -> (i32, i32) {
    %c0_i32 = arith.constant 0 : i32
    %c0_i32_0 = arith.constant 0 : i32
    %c0_i32_1 = arith.constant 0 : i32
    return %c0_i32, %c0_i32_0 : i32, i32
  }
  func.func @transform_3(%arg0: i32) -> (i32, i32) {
    %c0_i32 = arith.constant 0 : i32
    %c0_i32_0 = arith.constant 0 : i32
    %c0_i32_1 = arith.constant 0 : i32
    return %c0_i32, %c0_i32_0 : i32, i32
  }
  func.func @transform_4(%arg0: i32) -> (i32, i32) {
    %c0_i32 = arith.constant 0 : i32
    %c0_i32_0 = arith.constant 0 : i32
    %c0_i32_1 = arith.constant 0 : i32
    return %c0_i32, %c0_i32_0 : i32, i32
  }
  func.func @transform_5(%arg0: i32) -> (i32, i32) {
    %c0_i32 = arith.constant 0 : i32
    %c0_i32_0 = arith.constant 0 : i32
    %c0_i32_1 = arith.constant 0 : i32
    return %c0_i32, %c0_i32_0 : i32, i32
  }
  func.func @transform_6(%arg0: i32) -> (i32, i32) {
    %c0_i32 = arith.constant 0 : i32
    %c0_i32_0 = arith.constant 0 : i32
    %c0_i32_1 = arith.constant 0 : i32
    return %c0_i32, %c0_i32_0 : i32, i32
  }
  func.func @transform_7(%arg0: i32) -> (i32, i32) {
    %c0_i32 = arith.constant 0 : i32
    %c0_i32_0 = arith.constant 0 : i32
    %c0_i32_1 = arith.constant 0 : i32
    return %c0_i32, %c0_i32_0 : i32, i32
  }
}

module attributes {stable_mosaic.version = 14 : i64} {
  func.func @_rnn_mid_body(%arg0: i32, %arg1: memref<4x512x128xf32, #tpu.memory_space<vmem>>, %arg2: memref<512x512xf32, #tpu.memory_space<vmem>>, %arg3: memref<128x1536xbf16, #tpu.memory_space<vmem>>, %arg4: memref<256x768xbf16, #tpu.memory_space<vmem>>, %arg5: memref<1x512xf32, #tpu.memory_space<vmem>>, %arg6: memref<1x256xf32, #tpu.memory_space<vmem>>, %arg7: memref<1x256xf32, #tpu.memory_space<vmem>>, %arg8: memref<512x512xf32, #tpu.memory_space<vmem>>, %arg9: memref<512x512xf32, #tpu.memory_space<vmem>>, %arg10: memref<512x512xbf16, #tpu.memory_space<vmem>>) attributes {dimension_semantics = [#tpu.dimension_semantics<arbitrary>], iteration_bounds = array<i64: 12>, scalar_prefetch = 0 : i64, scratch_operands = 2 : i64, tpu.core_type = #tpu.core_type<tc>, window_params = [{transform_indices = @transform_0, window_bounds = array<i64: 4, 512, 128>}, {pipeline_mode = #tpu.pipeline_mode<synchronous>, transform_indices = @transform_1, window_bounds = array<i64: 512, 512>}, {pipeline_mode = #tpu.pipeline_mode<synchronous>, transform_indices = @transform_2, window_bounds = array<i64: 128, 1536>}, {pipeline_mode = #tpu.pipeline_mode<synchronous>, transform_indices = @transform_3, window_bounds = array<i64: 256, 768>}, {pipeline_mode = #tpu.pipeline_mode<synchronous>, transform_indices = @transform_4, window_bounds = array<i64: 1, 512>}, {pipeline_mode = #tpu.pipeline_mode<synchronous>, transform_indices = @transform_5, window_bounds = array<i64: 1, 256>}, {pipeline_mode = #tpu.pipeline_mode<synchronous>, transform_indices = @transform_6, window_bounds = array<i64: 1, 256>}, {pipeline_mode = #tpu.pipeline_mode<synchronous>, transform_indices = @transform_7, window_bounds = array<i64: 512, 512>}]} {
    %eq3A = arith.constant 0 : i32
    %eq3A_0 = arith.cmpi eq, %arg0, %eq3A : i32
    %convert_element_type3A = arith.extui %eq3A_0 : i1 to i32
    %cond3A = arith.constant 0 : i32
    %cond3A_1 = arith.cmpi ne, %convert_element_type3A, %cond3A : i32
    scf.if %cond3A_1 {
      %get3A_497 = arith.constant 0 : index
      %get3A_498 = arith.constant 0 : index
      %get3A_499 = vector.load %arg2[%get3A_497, %get3A_498] : memref<512x512xf32, #tpu.memory_space<vmem>>, vector<512x512xf32>
      %swap3A_500 = arith.constant 0 : index
      %swap3A_501 = arith.constant 0 : index
      %swap3A_502 = vector.load %arg9[%swap3A_500, %swap3A_501] : memref<512x512xf32, #tpu.memory_space<vmem>>, vector<512x512xf32>
      tpu.vector_store %arg9[%swap3A_500, %swap3A_501], %get3A_499 {strides = array<i32>} : memref<512x512xf32, #tpu.memory_space<vmem>>, vector<512x512xf32>,
      %get3A_503 = arith.constant 0 : index
      %get3A_504 = arith.constant 0 : index
      %get3A_505 = vector.load %arg2[%get3A_503, %get3A_504] : memref<512x512xf32, #tpu.memory_space<vmem>>, vector<512x512xf32>
      %convert_element_type3A_506 = arith.truncf %get3A_505 : vector<512x512xf32> to vector<512x512xbf16>
      %swap3A_507 = arith.constant 0 : index
      %swap3A_508 = arith.constant 0 : index
      %swap3A_509 = vector.load %arg10[%swap3A_507, %swap3A_508] : memref<512x512xbf16, #tpu.memory_space<vmem>>, vector<512x512xbf16>
      tpu.vector_store %arg10[%swap3A_507, %swap3A_508], %convert_element_type3A_506 {strides = array<i32>} : memref<512x512xbf16, #tpu.memory_space<vmem>>, vector<512x512xbf16>,
    } else {
    }
    %get3A = arith.constant 0 : index
    %get3A_2 = arith.constant 0 : index
    %get3A_3 = arith.constant 0 : index
    %get3A_4 = vector.load %arg1[%get3A, %get3A_2, %get3A_3] : memref<4x512x128xf32, #tpu.memory_space<vmem>>, vector<4x512x128xf32>
    %reshape3A = vector.shape_cast %get3A_4 : vector<4x512x128xf32> to vector<2048x128xf32>
    %convert_element_type3A_5 = arith.truncf %reshape3A : vector<2048x128xf32> to vector<2048x128xbf16>
    %get3A_6 = arith.constant 0 : index
    %get3A_7 = arith.constant 0 : index
    %get3A_8 = vector.load %arg3[%get3A_6, %get3A_7] : memref<128x1536xbf16, #tpu.memory_space<vmem>>, vector<128x1536xbf16>
    %dot_general3A = arith.constant dense<0.000000e+00> : vector<2048x1536xf32>
    %dot_general3A_9 = tpu.matmul %convert_element_type3A_5, %get3A_8, %dot_general3A {dimension_numbers = #tpu.dot_dimension_numbers<[1], [0], [0], [1], [0, 0, 1, 1], [], []>, transpose_lhs_hint = false} : vector<2048x128xbf16>, vector<128x1536xbf16>, vector<2048x1536xf32> -> vector<2048x1536xf32>
    %get3A_10 = arith.constant 0 : index
    %get3A_11 = arith.constant 0 : index
    %get3A_12 = vector.load %arg9[%get3A_10, %get3A_11] : memref<512x512xf32, #tpu.memory_space<vmem>>, vector<512x256xf32>
    %slice3A = vector.extract_strided_slice %dot_general3A_9 {offsets = [0, 0], sizes = [512, 768], strides = [1, 1]} : vector<2048x1536xf32> to vector<512x768xf32>
    %get3A_13 = arith.constant 0 : index
    %get3A_14 = arith.constant 0 : index
    %get3A_15 = vector.load %arg10[%get3A_13, %get3A_14] : memref<512x512xbf16, #tpu.memory_space<vmem>>, vector<512x256xbf16>
    %get3A_16 = arith.constant 0 : index
    %get3A_17 = arith.constant 0 : index
    %get3A_18 = vector.load %arg4[%get3A_16, %get3A_17] : memref<256x768xbf16, #tpu.memory_space<vmem>>, vector<256x768xbf16>
    %dot_general3A_19 = arith.constant dense<0.000000e+00> : vector<512x768xf32>
    %dot_general3A_20 = tpu.matmul %get3A_15, %get3A_18, %dot_general3A_19 {dimension_numbers = #tpu.dot_dimension_numbers<[1], [0], [0], [1], [0, 0, 1, 1], [], []>, transpose_lhs_hint = false} : vector<512x256xbf16>, vector<256x768xbf16>, vector<512x768xf32> -> vector<512x768xf32>
    %slice3A_21 = vector.extract_strided_slice %slice3A {offsets = [0, 0], sizes = [512, 512], strides = [1, 1]} : vector<512x768xf32> to vector<512x512xf32>
    %slice3A_22 = vector.extract_strided_slice %dot_general3A_20 {offsets = [0, 0], sizes = [512, 512], strides = [1, 1]} : vector<512x768xf32> to vector<512x512xf32>
    %add3A = arith.addf %slice3A_21, %slice3A_22 : vector<512x512xf32>
    %get3A_23 = arith.constant 0 : index
    %get3A_24 = arith.constant 0 : index
    %get3A_25 = vector.load %arg5[%get3A_23, %get3A_24] : memref<1x512xf32, #tpu.memory_space<vmem>>, vector<1x512xf32>
    %add3A_26 = vector.broadcast %get3A_25 : vector<1x512xf32> to vector<512x512xf32>
    %add3A_27 = arith.addf %add3A, %add3A_26 : vector<512x512xf32>
    %slice3A_28 = vector.extract_strided_slice %add3A_27 {offsets = [0, 0], sizes = [512, 256], strides = [1, 1]} : vector<512x512xf32> to vector<512x256xf32>
    %tanh3A = math.tanh %slice3A_28 : vector<512x256xf32>
    %mul3A = arith.constant 5.000000e-01 : f32
    %mul3A_29 = vector.broadcast %mul3A : f32 to vector<512x256xf32>
    %mul3A_30 = arith.mulf %mul3A_29, %tanh3A : vector<512x256xf32>
    %add3A_31 = arith.constant 5.000000e-01 : f32
    %add3A_32 = vector.broadcast %add3A_31 : f32 to vector<512x256xf32>
    %add3A_33 = arith.addf %add3A_32, %mul3A_30 : vector<512x256xf32>
    %slice3A_34 = vector.extract_strided_slice %add3A_27 {offsets = [0, 256], sizes = [512, 256], strides = [1, 1]} : vector<512x512xf32> to vector<512x256xf32>
    %tanh3A_35 = math.tanh %slice3A_34 : vector<512x256xf32>
    %mul3A_36 = arith.constant 5.000000e-01 : f32
    %mul3A_37 = vector.broadcast %mul3A_36 : f32 to vector<512x256xf32>
    %mul3A_38 = arith.mulf %mul3A_37, %tanh3A_35 : vector<512x256xf32>
    %add3A_39 = arith.constant 5.000000e-01 : f32
    %add3A_40 = vector.broadcast %add3A_39 : f32 to vector<512x256xf32>
    %add3A_41 = arith.addf %add3A_40, %mul3A_38 : vector<512x256xf32>
    %slice3A_42 = vector.extract_strided_slice %slice3A {offsets = [0, 512], sizes = [512, 256], strides = [1, 1]} : vector<512x768xf32> to vector<512x256xf32>
    %get3A_43 = arith.constant 0 : index
    %get3A_44 = arith.constant 0 : index
    %get3A_45 = vector.load %arg6[%get3A_43, %get3A_44] : memref<1x256xf32, #tpu.memory_space<vmem>>, vector<1x256xf32>
    %add3A_46 = vector.broadcast %get3A_45 : vector<1x256xf32> to vector<512x256xf32>
    %add3A_47 = arith.addf %slice3A_42, %add3A_46 : vector<512x256xf32>
    %slice3A_48 = vector.extract_strided_slice %dot_general3A_20 {offsets = [0, 512], sizes = [512, 256], strides = [1, 1]} : vector<512x768xf32> to vector<512x256xf32>
    %get3A_49 = arith.constant 0 : index
    %get3A_50 = arith.constant 0 : index
    %get3A_51 = vector.load %arg7[%get3A_49, %get3A_50] : memref<1x256xf32, #tpu.memory_space<vmem>>, vector<1x256xf32>
    %add3A_52 = vector.broadcast %get3A_51 : vector<1x256xf32> to vector<512x256xf32>
    %add3A_53 = arith.addf %slice3A_48, %add3A_52 : vector<512x256xf32>
    %mul3A_54 = arith.mulf %add3A_33, %add3A_53 : vector<512x256xf32>
    %add3A_55 = arith.addf %add3A_47, %mul3A_54 : vector<512x256xf32>
    %tanh3A_56 = math.tanh %add3A_55 : vector<512x256xf32>
    %sub3A = arith.subf %get3A_12, %tanh3A_56 : vector<512x256xf32>
    %mul3A_57 = arith.mulf %add3A_41, %sub3A : vector<512x256xf32>
    %add3A_58 = arith.addf %tanh3A_56, %mul3A_57 : vector<512x256xf32>
    %swap3A = arith.constant 0 : index
    %swap3A_59 = arith.constant 0 : index
    %swap3A_60 = vector.load %arg9[%swap3A, %swap3A_59] : memref<512x512xf32, #tpu.memory_space<vmem>>, vector<512x256xf32>
    tpu.vector_store %arg9[%swap3A, %swap3A_59], %add3A_58 {strides = array<i32>} : memref<512x512xf32, #tpu.memory_space<vmem>>, vector<512x256xf32>,
    %convert_element_type3A_61 = arith.truncf %add3A_58 : vector<512x256xf32> to vector<512x256xbf16>
    %swap3A_62 = arith.constant 0 : index
    %swap3A_63 = arith.constant 0 : index
    %swap3A_64 = vector.load %arg10[%swap3A_62, %swap3A_63] : memref<512x512xbf16, #tpu.memory_space<vmem>>, vector<512x256xbf16>
    tpu.vector_store %arg10[%swap3A_62, %swap3A_63], %convert_element_type3A_61 {strides = array<i32>} : memref<512x512xbf16, #tpu.memory_space<vmem>>, vector<512x256xbf16>,
    %get3A_65 = arith.constant 0 : index
    %get3A_66 = arith.constant 256 : index
    %get3A_67 = vector.load %arg9[%get3A_65, %get3A_66] : memref<512x512xf32, #tpu.memory_space<vmem>>, vector<512x256xf32>
    %slice3A_68 = vector.extract_strided_slice %dot_general3A_9 {offsets = [0, 768], sizes = [512, 768], strides = [1, 1]} : vector<2048x1536xf32> to vector<512x768xf32>
    %get3A_69 = arith.constant 0 : index
    %get3A_70 = arith.constant 256 : index
    %get3A_71 = vector.load %arg10[%get3A_69, %get3A_70] : memref<512x512xbf16, #tpu.memory_space<vmem>>, vector<512x256xbf16>
    %get3A_72 = arith.constant 0 : index
    %get3A_73 = arith.constant 0 : index
    %get3A_74 = vector.load %arg4[%get3A_72, %get3A_73] : memref<256x768xbf16, #tpu.memory_space<vmem>>, vector<256x768xbf16>
    %dot_general3A_75 = arith.constant dense<0.000000e+00> : vector<512x768xf32>
    %dot_general3A_76 = tpu.matmul %get3A_71, %get3A_74, %dot_general3A_75 {dimension_numbers = #tpu.dot_dimension_numbers<[1], [0], [0], [1], [0, 0, 1, 1], [], []>, transpose_lhs_hint = false} : vector<512x256xbf16>, vector<256x768xbf16>, vector<512x768xf32> -> vector<512x768xf32>
    %slice3A_77 = vector.extract_strided_slice %slice3A_68 {offsets = [0, 0], sizes = [512, 512], strides = [1, 1]} : vector<512x768xf32> to vector<512x512xf32>
    %slice3A_78 = vector.extract_strided_slice %dot_general3A_76 {offsets = [0, 0], sizes = [512, 512], strides = [1, 1]} : vector<512x768xf32> to vector<512x512xf32>
    %add3A_79 = arith.addf %slice3A_77, %slice3A_78 : vector<512x512xf32>
    %get3A_80 = arith.constant 0 : index
    %get3A_81 = arith.constant 0 : index
    %get3A_82 = vector.load %arg5[%get3A_80, %get3A_81] : memref<1x512xf32, #tpu.memory_space<vmem>>, vector<1x512xf32>
    %add3A_83 = vector.broadcast %get3A_82 : vector<1x512xf32> to vector<512x512xf32>
    %add3A_84 = arith.addf %add3A_79, %add3A_83 : vector<512x512xf32>
    %slice3A_85 = vector.extract_strided_slice %add3A_84 {offsets = [0, 0], sizes = [512, 256], strides = [1, 1]} : vector<512x512xf32> to vector<512x256xf32>
    %tanh3A_86 = math.tanh %slice3A_85 : vector<512x256xf32>
    %mul3A_87 = arith.constant 5.000000e-01 : f32
    %mul3A_88 = vector.broadcast %mul3A_87 : f32 to vector<512x256xf32>
    %mul3A_89 = arith.mulf %mul3A_88, %tanh3A_86 : vector<512x256xf32>
    %add3A_90 = arith.constant 5.000000e-01 : f32
    %add3A_91 = vector.broadcast %add3A_90 : f32 to vector<512x256xf32>
    %add3A_92 = arith.addf %add3A_91, %mul3A_89 : vector<512x256xf32>
    %slice3A_93 = vector.extract_strided_slice %add3A_84 {offsets = [0, 256], sizes = [512, 256], strides = [1, 1]} : vector<512x512xf32> to vector<512x256xf32>
    %tanh3A_94 = math.tanh %slice3A_93 : vector<512x256xf32>
    %mul3A_95 = arith.constant 5.000000e-01 : f32
    %mul3A_96 = vector.broadcast %mul3A_95 : f32 to vector<512x256xf32>
    %mul3A_97 = arith.mulf %mul3A_96, %tanh3A_94 : vector<512x256xf32>
    %add3A_98 = arith.constant 5.000000e-01 : f32
    %add3A_99 = vector.broadcast %add3A_98 : f32 to vector<512x256xf32>
    %add3A_100 = arith.addf %add3A_99, %mul3A_97 : vector<512x256xf32>
    %slice3A_101 = vector.extract_strided_slice %slice3A_68 {offsets = [0, 512], sizes = [512, 256], strides = [1, 1]} : vector<512x768xf32> to vector<512x256xf32>
    %get3A_102 = arith.constant 0 : index
    %get3A_103 = arith.constant 0 : index
    %get3A_104 = vector.load %arg6[%get3A_102, %get3A_103] : memref<1x256xf32, #tpu.memory_space<vmem>>, vector<1x256xf32>
    %add3A_105 = vector.broadcast %get3A_104 : vector<1x256xf32> to vector<512x256xf32>
    %add3A_106 = arith.addf %slice3A_101, %add3A_105 : vector<512x256xf32>
    %slice3A_107 = vector.extract_strided_slice %dot_general3A_76 {offsets = [0, 512], sizes = [512, 256], strides = [1, 1]} : vector<512x768xf32> to vector<512x256xf32>
    %get3A_108 = arith.constant 0 : index
    %get3A_109 = arith.constant 0 : index
    %get3A_110 = vector.load %arg7[%get3A_108, %get3A_109] : memref<1x256xf32, #tpu.memory_space<vmem>>, vector<1x256xf32>
    %add3A_111 = vector.broadcast %get3A_110 : vector<1x256xf32> to vector<512x256xf32>
    %add3A_112 = arith.addf %slice3A_107, %add3A_111 : vector<512x256xf32>
    %mul3A_113 = arith.mulf %add3A_92, %add3A_112 : vector<512x256xf32>
    %add3A_114 = arith.addf %add3A_106, %mul3A_113 : vector<512x256xf32>
    %tanh3A_115 = math.tanh %add3A_114 : vector<512x256xf32>
    %sub3A_116 = arith.subf %get3A_67, %tanh3A_115 : vector<512x256xf32>
    %mul3A_117 = arith.mulf %add3A_100, %sub3A_116 : vector<512x256xf32>
    %add3A_118 = arith.addf %tanh3A_115, %mul3A_117 : vector<512x256xf32>
    %swap3A_119 = arith.constant 0 : index
    %swap3A_120 = arith.constant 256 : index
    %swap3A_121 = vector.load %arg9[%swap3A_119, %swap3A_120] : memref<512x512xf32, #tpu.memory_space<vmem>>, vector<512x256xf32>
    tpu.vector_store %arg9[%swap3A_119, %swap3A_120], %add3A_118 {strides = array<i32>} : memref<512x512xf32, #tpu.memory_space<vmem>>, vector<512x256xf32>,
    %convert_element_type3A_122 = arith.truncf %add3A_118 : vector<512x256xf32> to vector<512x256xbf16>
    %swap3A_123 = arith.constant 0 : index
    %swap3A_124 = arith.constant 256 : index
    %swap3A_125 = vector.load %arg10[%swap3A_123, %swap3A_124] : memref<512x512xbf16, #tpu.memory_space<vmem>>, vector<512x256xbf16>
    tpu.vector_store %arg10[%swap3A_123, %swap3A_124], %convert_element_type3A_122 {strides = array<i32>} : memref<512x512xbf16, #tpu.memory_space<vmem>>, vector<512x256xbf16>,
    %get3A_126 = arith.constant 0 : index
    %get3A_127 = arith.constant 0 : index
    %get3A_128 = vector.load %arg9[%get3A_126, %get3A_127] : memref<512x512xf32, #tpu.memory_space<vmem>>, vector<512x256xf32>
    %slice3A_129 = vector.extract_strided_slice %dot_general3A_9 {offsets = [512, 0], sizes = [512, 768], strides = [1, 1]} : vector<2048x1536xf32> to vector<512x768xf32>
    %get3A_130 = arith.constant 0 : index
    %get3A_131 = arith.constant 0 : index
    %get3A_132 = vector.load %arg10[%get3A_130, %get3A_131] : memref<512x512xbf16, #tpu.memory_space<vmem>>, vector<512x256xbf16>
    %get3A_133 = arith.constant 0 : index
    %get3A_134 = arith.constant 0 : index
    %get3A_135 = vector.load %arg4[%get3A_133, %get3A_134] : memref<256x768xbf16, #tpu.memory_space<vmem>>, vector<256x768xbf16>
    %dot_general3A_136 = arith.constant dense<0.000000e+00> : vector<512x768xf32>
    %dot_general3A_137 = tpu.matmul %get3A_132, %get3A_135, %dot_general3A_136 {dimension_numbers = #tpu.dot_dimension_numbers<[1], [0], [0], [1], [0, 0, 1, 1], [], []>, transpose_lhs_hint = false} : vector<512x256xbf16>, vector<256x768xbf16>, vector<512x768xf32> -> vector<512x768xf32>
    %slice3A_138 = vector.extract_strided_slice %slice3A_129 {offsets = [0, 0], sizes = [512, 512], strides = [1, 1]} : vector<512x768xf32> to vector<512x512xf32>
    %slice3A_139 = vector.extract_strided_slice %dot_general3A_137 {offsets = [0, 0], sizes = [512, 512], strides = [1, 1]} : vector<512x768xf32> to vector<512x512xf32>
    %add3A_140 = arith.addf %slice3A_138, %slice3A_139 : vector<512x512xf32>
    %get3A_141 = arith.constant 0 : index
    %get3A_142 = arith.constant 0 : index
    %get3A_143 = vector.load %arg5[%get3A_141, %get3A_142] : memref<1x512xf32, #tpu.memory_space<vmem>>, vector<1x512xf32>
    %add3A_144 = vector.broadcast %get3A_143 : vector<1x512xf32> to vector<512x512xf32>
    %add3A_145 = arith.addf %add3A_140, %add3A_144 : vector<512x512xf32>
    %slice3A_146 = vector.extract_strided_slice %add3A_145 {offsets = [0, 0], sizes = [512, 256], strides = [1, 1]} : vector<512x512xf32> to vector<512x256xf32>
    %tanh3A_147 = math.tanh %slice3A_146 : vector<512x256xf32>
    %mul3A_148 = arith.constant 5.000000e-01 : f32
    %mul3A_149 = vector.broadcast %mul3A_148 : f32 to vector<512x256xf32>
    %mul3A_150 = arith.mulf %mul3A_149, %tanh3A_147 : vector<512x256xf32>
    %add3A_151 = arith.constant 5.000000e-01 : f32
    %add3A_152 = vector.broadcast %add3A_151 : f32 to vector<512x256xf32>
    %add3A_153 = arith.addf %add3A_152, %mul3A_150 : vector<512x256xf32>
    %slice3A_154 = vector.extract_strided_slice %add3A_145 {offsets = [0, 256], sizes = [512, 256], strides = [1, 1]} : vector<512x512xf32> to vector<512x256xf32>
    %tanh3A_155 = math.tanh %slice3A_154 : vector<512x256xf32>
    %mul3A_156 = arith.constant 5.000000e-01 : f32
    %mul3A_157 = vector.broadcast %mul3A_156 : f32 to vector<512x256xf32>
    %mul3A_158 = arith.mulf %mul3A_157, %tanh3A_155 : vector<512x256xf32>
    %add3A_159 = arith.constant 5.000000e-01 : f32
    %add3A_160 = vector.broadcast %add3A_159 : f32 to vector<512x256xf32>
    %add3A_161 = arith.addf %add3A_160, %mul3A_158 : vector<512x256xf32>
    %slice3A_162 = vector.extract_strided_slice %slice3A_129 {offsets = [0, 512], sizes = [512, 256], strides = [1, 1]} : vector<512x768xf32> to vector<512x256xf32>
    %get3A_163 = arith.constant 0 : index
    %get3A_164 = arith.constant 0 : index
    %get3A_165 = vector.load %arg6[%get3A_163, %get3A_164] : memref<1x256xf32, #tpu.memory_space<vmem>>, vector<1x256xf32>
    %add3A_166 = vector.broadcast %get3A_165 : vector<1x256xf32> to vector<512x256xf32>
    %add3A_167 = arith.addf %slice3A_162, %add3A_166 : vector<512x256xf32>
    %slice3A_168 = vector.extract_strided_slice %dot_general3A_137 {offsets = [0, 512], sizes = [512, 256], strides = [1, 1]} : vector<512x768xf32> to vector<512x256xf32>
    %get3A_169 = arith.constant 0 : index
    %get3A_170 = arith.constant 0 : index
    %get3A_171 = vector.load %arg7[%get3A_169, %get3A_170] : memref<1x256xf32, #tpu.memory_space<vmem>>, vector<1x256xf32>
    %add3A_172 = vector.broadcast %get3A_171 : vector<1x256xf32> to vector<512x256xf32>
    %add3A_173 = arith.addf %slice3A_168, %add3A_172 : vector<512x256xf32>
    %mul3A_174 = arith.mulf %add3A_153, %add3A_173 : vector<512x256xf32>
    %add3A_175 = arith.addf %add3A_167, %mul3A_174 : vector<512x256xf32>
    %tanh3A_176 = math.tanh %add3A_175 : vector<512x256xf32>
    %sub3A_177 = arith.subf %get3A_128, %tanh3A_176 : vector<512x256xf32>
    %mul3A_178 = arith.mulf %add3A_161, %sub3A_177 : vector<512x256xf32>
    %add3A_179 = arith.addf %tanh3A_176, %mul3A_178 : vector<512x256xf32>
    %swap3A_180 = arith.constant 0 : index
    %swap3A_181 = arith.constant 0 : index
    %swap3A_182 = vector.load %arg9[%swap3A_180, %swap3A_181] : memref<512x512xf32, #tpu.memory_space<vmem>>, vector<512x256xf32>
    tpu.vector_store %arg9[%swap3A_180, %swap3A_181], %add3A_179 {strides = array<i32>} : memref<512x512xf32, #tpu.memory_space<vmem>>, vector<512x256xf32>,
    %convert_element_type3A_183 = arith.truncf %add3A_179 : vector<512x256xf32> to vector<512x256xbf16>
    %swap3A_184 = arith.constant 0 : index
    %swap3A_185 = arith.constant 0 : index
    %swap3A_186 = vector.load %arg10[%swap3A_184, %swap3A_185] : memref<512x512xbf16, #tpu.memory_space<vmem>>, vector<512x256xbf16>
    tpu.vector_store %arg10[%swap3A_184, %swap3A_185], %convert_element_type3A_183 {strides = array<i32>} : memref<512x512xbf16, #tpu.memory_space<vmem>>, vector<512x256xbf16>,
    %get3A_187 = arith.constant 0 : index
    %get3A_188 = arith.constant 256 : index
    %get3A_189 = vector.load %arg9[%get3A_187, %get3A_188] : memref<512x512xf32, #tpu.memory_space<vmem>>, vector<512x256xf32>
    %slice3A_190 = vector.extract_strided_slice %dot_general3A_9 {offsets = [512, 768], sizes = [512, 768], strides = [1, 1]} : vector<2048x1536xf32> to vector<512x768xf32>
    %get3A_191 = arith.constant 0 : index
    %get3A_192 = arith.constant 256 : index
    %get3A_193 = vector.load %arg10[%get3A_191, %get3A_192] : memref<512x512xbf16, #tpu.memory_space<vmem>>, vector<512x256xbf16>
    %get3A_194 = arith.constant 0 : index
    %get3A_195 = arith.constant 0 : index
    %get3A_196 = vector.load %arg4[%get3A_194, %get3A_195] : memref<256x768xbf16, #tpu.memory_space<vmem>>, vector<256x768xbf16>
    %dot_general3A_197 = arith.constant dense<0.000000e+00> : vector<512x768xf32>
    %dot_general3A_198 = tpu.matmul %get3A_193, %get3A_196, %dot_general3A_197 {dimension_numbers = #tpu.dot_dimension_numbers<[1], [0], [0], [1], [0, 0, 1, 1], [], []>, transpose_lhs_hint = false} : vector<512x256xbf16>, vector<256x768xbf16>, vector<512x768xf32> -> vector<512x768xf32>
    %slice3A_199 = vector.extract_strided_slice %slice3A_190 {offsets = [0, 0], sizes = [512, 512], strides = [1, 1]} : vector<512x768xf32> to vector<512x512xf32>
    %slice3A_200 = vector.extract_strided_slice %dot_general3A_198 {offsets = [0, 0], sizes = [512, 512], strides = [1, 1]} : vector<512x768xf32> to vector<512x512xf32>
    %add3A_201 = arith.addf %slice3A_199, %slice3A_200 : vector<512x512xf32>
    %get3A_202 = arith.constant 0 : index
    %get3A_203 = arith.constant 0 : index
    %get3A_204 = vector.load %arg5[%get3A_202, %get3A_203] : memref<1x512xf32, #tpu.memory_space<vmem>>, vector<1x512xf32>
    %add3A_205 = vector.broadcast %get3A_204 : vector<1x512xf32> to vector<512x512xf32>
    %add3A_206 = arith.addf %add3A_201, %add3A_205 : vector<512x512xf32>
    %slice3A_207 = vector.extract_strided_slice %add3A_206 {offsets = [0, 0], sizes = [512, 256], strides = [1, 1]} : vector<512x512xf32> to vector<512x256xf32>
    %tanh3A_208 = math.tanh %slice3A_207 : vector<512x256xf32>
    %mul3A_209 = arith.constant 5.000000e-01 : f32
    %mul3A_210 = vector.broadcast %mul3A_209 : f32 to vector<512x256xf32>
    %mul3A_211 = arith.mulf %mul3A_210, %tanh3A_208 : vector<512x256xf32>
    %add3A_212 = arith.constant 5.000000e-01 : f32
    %add3A_213 = vector.broadcast %add3A_212 : f32 to vector<512x256xf32>
    %add3A_214 = arith.addf %add3A_213, %mul3A_211 : vector<512x256xf32>
    %slice3A_215 = vector.extract_strided_slice %add3A_206 {offsets = [0, 256], sizes = [512, 256], strides = [1, 1]} : vector<512x512xf32> to vector<512x256xf32>
    %tanh3A_216 = math.tanh %slice3A_215 : vector<512x256xf32>
    %mul3A_217 = arith.constant 5.000000e-01 : f32
    %mul3A_218 = vector.broadcast %mul3A_217 : f32 to vector<512x256xf32>
    %mul3A_219 = arith.mulf %mul3A_218, %tanh3A_216 : vector<512x256xf32>
    %add3A_220 = arith.constant 5.000000e-01 : f32
    %add3A_221 = vector.broadcast %add3A_220 : f32 to vector<512x256xf32>
    %add3A_222 = arith.addf %add3A_221, %mul3A_219 : vector<512x256xf32>
    %slice3A_223 = vector.extract_strided_slice %slice3A_190 {offsets = [0, 512], sizes = [512, 256], strides = [1, 1]} : vector<512x768xf32> to vector<512x256xf32>
    %get3A_224 = arith.constant 0 : index
    %get3A_225 = arith.constant 0 : index
    %get3A_226 = vector.load %arg6[%get3A_224, %get3A_225] : memref<1x256xf32, #tpu.memory_space<vmem>>, vector<1x256xf32>
    %add3A_227 = vector.broadcast %get3A_226 : vector<1x256xf32> to vector<512x256xf32>
    %add3A_228 = arith.addf %slice3A_223, %add3A_227 : vector<512x256xf32>
    %slice3A_229 = vector.extract_strided_slice %dot_general3A_198 {offsets = [0, 512], sizes = [512, 256], strides = [1, 1]} : vector<512x768xf32> to vector<512x256xf32>
    %get3A_230 = arith.constant 0 : index
    %get3A_231 = arith.constant 0 : index
    %get3A_232 = vector.load %arg7[%get3A_230, %get3A_231] : memref<1x256xf32, #tpu.memory_space<vmem>>, vector<1x256xf32>
    %add3A_233 = vector.broadcast %get3A_232 : vector<1x256xf32> to vector<512x256xf32>
    %add3A_234 = arith.addf %slice3A_229, %add3A_233 : vector<512x256xf32>
    %mul3A_235 = arith.mulf %add3A_214, %add3A_234 : vector<512x256xf32>
    %add3A_236 = arith.addf %add3A_228, %mul3A_235 : vector<512x256xf32>
    %tanh3A_237 = math.tanh %add3A_236 : vector<512x256xf32>
    %sub3A_238 = arith.subf %get3A_189, %tanh3A_237 : vector<512x256xf32>
    %mul3A_239 = arith.mulf %add3A_222, %sub3A_238 : vector<512x256xf32>
    %add3A_240 = arith.addf %tanh3A_237, %mul3A_239 : vector<512x256xf32>
    %swap3A_241 = arith.constant 0 : index
    %swap3A_242 = arith.constant 256 : index
    %swap3A_243 = vector.load %arg9[%swap3A_241, %swap3A_242] : memref<512x512xf32, #tpu.memory_space<vmem>>, vector<512x256xf32>
    tpu.vector_store %arg9[%swap3A_241, %swap3A_242], %add3A_240 {strides = array<i32>} : memref<512x512xf32, #tpu.memory_space<vmem>>, vector<512x256xf32>,
    %convert_element_type3A_244 = arith.truncf %add3A_240 : vector<512x256xf32> to vector<512x256xbf16>
    %swap3A_245 = arith.constant 0 : index
    %swap3A_246 = arith.constant 256 : index
    %swap3A_247 = vector.load %arg10[%swap3A_245, %swap3A_246] : memref<512x512xbf16, #tpu.memory_space<vmem>>, vector<512x256xbf16>
    tpu.vector_store %arg10[%swap3A_245, %swap3A_246], %convert_element_type3A_244 {strides = array<i32>} : memref<512x512xbf16, #tpu.memory_space<vmem>>, vector<512x256xbf16>,
    %get3A_248 = arith.constant 0 : index
    %get3A_249 = arith.constant 0 : index
    %get3A_250 = vector.load %arg9[%get3A_248, %get3A_249] : memref<512x512xf32, #tpu.memory_space<vmem>>, vector<512x256xf32>
    %slice3A_251 = vector.extract_strided_slice %dot_general3A_9 {offsets = [1024, 0], sizes = [512, 768], strides = [1, 1]} : vector<2048x1536xf32> to vector<512x768xf32>
    %get3A_252 = arith.constant 0 : index
    %get3A_253 = arith.constant 0 : index
    %get3A_254 = vector.load %arg10[%get3A_252, %get3A_253] : memref<512x512xbf16, #tpu.memory_space<vmem>>, vector<512x256xbf16>
    %get3A_255 = arith.constant 0 : index
    %get3A_256 = arith.constant 0 : index
    %get3A_257 = vector.load %arg4[%get3A_255, %get3A_256] : memref<256x768xbf16, #tpu.memory_space<vmem>>, vector<256x768xbf16>
    %dot_general3A_258 = arith.constant dense<0.000000e+00> : vector<512x768xf32>
    %dot_general3A_259 = tpu.matmul %get3A_254, %get3A_257, %dot_general3A_258 {dimension_numbers = #tpu.dot_dimension_numbers<[1], [0], [0], [1], [0, 0, 1, 1], [], []>, transpose_lhs_hint = false} : vector<512x256xbf16>, vector<256x768xbf16>, vector<512x768xf32> -> vector<512x768xf32>
    %slice3A_260 = vector.extract_strided_slice %slice3A_251 {offsets = [0, 0], sizes = [512, 512], strides = [1, 1]} : vector<512x768xf32> to vector<512x512xf32>
    %slice3A_261 = vector.extract_strided_slice %dot_general3A_259 {offsets = [0, 0], sizes = [512, 512], strides = [1, 1]} : vector<512x768xf32> to vector<512x512xf32>
    %add3A_262 = arith.addf %slice3A_260, %slice3A_261 : vector<512x512xf32>
    %get3A_263 = arith.constant 0 : index
    %get3A_264 = arith.constant 0 : index
    %get3A_265 = vector.load %arg5[%get3A_263, %get3A_264] : memref<1x512xf32, #tpu.memory_space<vmem>>, vector<1x512xf32>
    %add3A_266 = vector.broadcast %get3A_265 : vector<1x512xf32> to vector<512x512xf32>
    %add3A_267 = arith.addf %add3A_262, %add3A_266 : vector<512x512xf32>
    %slice3A_268 = vector.extract_strided_slice %add3A_267 {offsets = [0, 0], sizes = [512, 256], strides = [1, 1]} : vector<512x512xf32> to vector<512x256xf32>
    %tanh3A_269 = math.tanh %slice3A_268 : vector<512x256xf32>
    %mul3A_270 = arith.constant 5.000000e-01 : f32
    %mul3A_271 = vector.broadcast %mul3A_270 : f32 to vector<512x256xf32>
    %mul3A_272 = arith.mulf %mul3A_271, %tanh3A_269 : vector<512x256xf32>
    %add3A_273 = arith.constant 5.000000e-01 : f32
    %add3A_274 = vector.broadcast %add3A_273 : f32 to vector<512x256xf32>
    %add3A_275 = arith.addf %add3A_274, %mul3A_272 : vector<512x256xf32>
    %slice3A_276 = vector.extract_strided_slice %add3A_267 {offsets = [0, 256], sizes = [512, 256], strides = [1, 1]} : vector<512x512xf32> to vector<512x256xf32>
    %tanh3A_277 = math.tanh %slice3A_276 : vector<512x256xf32>
    %mul3A_278 = arith.constant 5.000000e-01 : f32
    %mul3A_279 = vector.broadcast %mul3A_278 : f32 to vector<512x256xf32>
    %mul3A_280 = arith.mulf %mul3A_279, %tanh3A_277 : vector<512x256xf32>
    %add3A_281 = arith.constant 5.000000e-01 : f32
    %add3A_282 = vector.broadcast %add3A_281 : f32 to vector<512x256xf32>
    %add3A_283 = arith.addf %add3A_282, %mul3A_280 : vector<512x256xf32>
    %slice3A_284 = vector.extract_strided_slice %slice3A_251 {offsets = [0, 512], sizes = [512, 256], strides = [1, 1]} : vector<512x768xf32> to vector<512x256xf32>
    %get3A_285 = arith.constant 0 : index
    %get3A_286 = arith.constant 0 : index
    %get3A_287 = vector.load %arg6[%get3A_285, %get3A_286] : memref<1x256xf32, #tpu.memory_space<vmem>>, vector<1x256xf32>
    %add3A_288 = vector.broadcast %get3A_287 : vector<1x256xf32> to vector<512x256xf32>
    %add3A_289 = arith.addf %slice3A_284, %add3A_288 : vector<512x256xf32>
    %slice3A_290 = vector.extract_strided_slice %dot_general3A_259 {offsets = [0, 512], sizes = [512, 256], strides = [1, 1]} : vector<512x768xf32> to vector<512x256xf32>
    %get3A_291 = arith.constant 0 : index
    %get3A_292 = arith.constant 0 : index
    %get3A_293 = vector.load %arg7[%get3A_291, %get3A_292] : memref<1x256xf32, #tpu.memory_space<vmem>>, vector<1x256xf32>
    %add3A_294 = vector.broadcast %get3A_293 : vector<1x256xf32> to vector<512x256xf32>
    %add3A_295 = arith.addf %slice3A_290, %add3A_294 : vector<512x256xf32>
    %mul3A_296 = arith.mulf %add3A_275, %add3A_295 : vector<512x256xf32>
    %add3A_297 = arith.addf %add3A_289, %mul3A_296 : vector<512x256xf32>
    %tanh3A_298 = math.tanh %add3A_297 : vector<512x256xf32>
    %sub3A_299 = arith.subf %get3A_250, %tanh3A_298 : vector<512x256xf32>
    %mul3A_300 = arith.mulf %add3A_283, %sub3A_299 : vector<512x256xf32>
    %add3A_301 = arith.addf %tanh3A_298, %mul3A_300 : vector<512x256xf32>
    %swap3A_302 = arith.constant 0 : index
    %swap3A_303 = arith.constant 0 : index
    %swap3A_304 = vector.load %arg9[%swap3A_302, %swap3A_303] : memref<512x512xf32, #tpu.memory_space<vmem>>, vector<512x256xf32>
    tpu.vector_store %arg9[%swap3A_302, %swap3A_303], %add3A_301 {strides = array<i32>} : memref<512x512xf32, #tpu.memory_space<vmem>>, vector<512x256xf32>,
    %convert_element_type3A_305 = arith.truncf %add3A_301 : vector<512x256xf32> to vector<512x256xbf16>
    %swap3A_306 = arith.constant 0 : index
    %swap3A_307 = arith.constant 0 : index
    %swap3A_308 = vector.load %arg10[%swap3A_306, %swap3A_307] : memref<512x512xbf16, #tpu.memory_space<vmem>>, vector<512x256xbf16>
    tpu.vector_store %arg10[%swap3A_306, %swap3A_307], %convert_element_type3A_305 {strides = array<i32>} : memref<512x512xbf16, #tpu.memory_space<vmem>>, vector<512x256xbf16>,
    %get3A_309 = arith.constant 0 : index
    %get3A_310 = arith.constant 256 : index
    %get3A_311 = vector.load %arg9[%get3A_309, %get3A_310] : memref<512x512xf32, #tpu.memory_space<vmem>>, vector<512x256xf32>
    %slice3A_312 = vector.extract_strided_slice %dot_general3A_9 {offsets = [1024, 768], sizes = [512, 768], strides = [1, 1]} : vector<2048x1536xf32> to vector<512x768xf32>
    %get3A_313 = arith.constant 0 : index
    %get3A_314 = arith.constant 256 : index
    %get3A_315 = vector.load %arg10[%get3A_313, %get3A_314] : memref<512x512xbf16, #tpu.memory_space<vmem>>, vector<512x256xbf16>
    %get3A_316 = arith.constant 0 : index
    %get3A_317 = arith.constant 0 : index
    %get3A_318 = vector.load %arg4[%get3A_316, %get3A_317] : memref<256x768xbf16, #tpu.memory_space<vmem>>, vector<256x768xbf16>
    %dot_general3A_319 = arith.constant dense<0.000000e+00> : vector<512x768xf32>
    %dot_general3A_320 = tpu.matmul %get3A_315, %get3A_318, %dot_general3A_319 {dimension_numbers = #tpu.dot_dimension_numbers<[1], [0], [0], [1], [0, 0, 1, 1], [], []>, transpose_lhs_hint = false} : vector<512x256xbf16>, vector<256x768xbf16>, vector<512x768xf32> -> vector<512x768xf32>
    %slice3A_321 = vector.extract_strided_slice %slice3A_312 {offsets = [0, 0], sizes = [512, 512], strides = [1, 1]} : vector<512x768xf32> to vector<512x512xf32>
    %slice3A_322 = vector.extract_strided_slice %dot_general3A_320 {offsets = [0, 0], sizes = [512, 512], strides = [1, 1]} : vector<512x768xf32> to vector<512x512xf32>
    %add3A_323 = arith.addf %slice3A_321, %slice3A_322 : vector<512x512xf32>
    %get3A_324 = arith.constant 0 : index
    %get3A_325 = arith.constant 0 : index
    %get3A_326 = vector.load %arg5[%get3A_324, %get3A_325] : memref<1x512xf32, #tpu.memory_space<vmem>>, vector<1x512xf32>
    %add3A_327 = vector.broadcast %get3A_326 : vector<1x512xf32> to vector<512x512xf32>
    %add3A_328 = arith.addf %add3A_323, %add3A_327 : vector<512x512xf32>
    %slice3A_329 = vector.extract_strided_slice %add3A_328 {offsets = [0, 0], sizes = [512, 256], strides = [1, 1]} : vector<512x512xf32> to vector<512x256xf32>
    %tanh3A_330 = math.tanh %slice3A_329 : vector<512x256xf32>
    %mul3A_331 = arith.constant 5.000000e-01 : f32
    %mul3A_332 = vector.broadcast %mul3A_331 : f32 to vector<512x256xf32>
    %mul3A_333 = arith.mulf %mul3A_332, %tanh3A_330 : vector<512x256xf32>
    %add3A_334 = arith.constant 5.000000e-01 : f32
    %add3A_335 = vector.broadcast %add3A_334 : f32 to vector<512x256xf32>
    %add3A_336 = arith.addf %add3A_335, %mul3A_333 : vector<512x256xf32>
    %slice3A_337 = vector.extract_strided_slice %add3A_328 {offsets = [0, 256], sizes = [512, 256], strides = [1, 1]} : vector<512x512xf32> to vector<512x256xf32>
    %tanh3A_338 = math.tanh %slice3A_337 : vector<512x256xf32>
    %mul3A_339 = arith.constant 5.000000e-01 : f32
    %mul3A_340 = vector.broadcast %mul3A_339 : f32 to vector<512x256xf32>
    %mul3A_341 = arith.mulf %mul3A_340, %tanh3A_338 : vector<512x256xf32>
    %add3A_342 = arith.constant 5.000000e-01 : f32
    %add3A_343 = vector.broadcast %add3A_342 : f32 to vector<512x256xf32>
    %add3A_344 = arith.addf %add3A_343, %mul3A_341 : vector<512x256xf32>
    %slice3A_345 = vector.extract_strided_slice %slice3A_312 {offsets = [0, 512], sizes = [512, 256], strides = [1, 1]} : vector<512x768xf32> to vector<512x256xf32>
    %get3A_346 = arith.constant 0 : index
    %get3A_347 = arith.constant 0 : index
    %get3A_348 = vector.load %arg6[%get3A_346, %get3A_347] : memref<1x256xf32, #tpu.memory_space<vmem>>, vector<1x256xf32>
    %add3A_349 = vector.broadcast %get3A_348 : vector<1x256xf32> to vector<512x256xf32>
    %add3A_350 = arith.addf %slice3A_345, %add3A_349 : vector<512x256xf32>
    %slice3A_351 = vector.extract_strided_slice %dot_general3A_320 {offsets = [0, 512], sizes = [512, 256], strides = [1, 1]} : vector<512x768xf32> to vector<512x256xf32>
    %get3A_352 = arith.constant 0 : index
    %get3A_353 = arith.constant 0 : index
    %get3A_354 = vector.load %arg7[%get3A_352, %get3A_353] : memref<1x256xf32, #tpu.memory_space<vmem>>, vector<1x256xf32>
    %add3A_355 = vector.broadcast %get3A_354 : vector<1x256xf32> to vector<512x256xf32>
    %add3A_356 = arith.addf %slice3A_351, %add3A_355 : vector<512x256xf32>
    %mul3A_357 = arith.mulf %add3A_336, %add3A_356 : vector<512x256xf32>
    %add3A_358 = arith.addf %add3A_350, %mul3A_357 : vector<512x256xf32>
    %tanh3A_359 = math.tanh %add3A_358 : vector<512x256xf32>
    %sub3A_360 = arith.subf %get3A_311, %tanh3A_359 : vector<512x256xf32>
    %mul3A_361 = arith.mulf %add3A_344, %sub3A_360 : vector<512x256xf32>
    %add3A_362 = arith.addf %tanh3A_359, %mul3A_361 : vector<512x256xf32>
    %swap3A_363 = arith.constant 0 : index
    %swap3A_364 = arith.constant 256 : index
    %swap3A_365 = vector.load %arg9[%swap3A_363, %swap3A_364] : memref<512x512xf32, #tpu.memory_space<vmem>>, vector<512x256xf32>
    tpu.vector_store %arg9[%swap3A_363, %swap3A_364], %add3A_362 {strides = array<i32>} : memref<512x512xf32, #tpu.memory_space<vmem>>, vector<512x256xf32>,
    %convert_element_type3A_366 = arith.truncf %add3A_362 : vector<512x256xf32> to vector<512x256xbf16>
    %swap3A_367 = arith.constant 0 : index
    %swap3A_368 = arith.constant 256 : index
    %swap3A_369 = vector.load %arg10[%swap3A_367, %swap3A_368] : memref<512x512xbf16, #tpu.memory_space<vmem>>, vector<512x256xbf16>
    tpu.vector_store %arg10[%swap3A_367, %swap3A_368], %convert_element_type3A_366 {strides = array<i32>} : memref<512x512xbf16, #tpu.memory_space<vmem>>, vector<512x256xbf16>,
    %get3A_370 = arith.constant 0 : index
    %get3A_371 = arith.constant 0 : index
    %get3A_372 = vector.load %arg9[%get3A_370, %get3A_371] : memref<512x512xf32, #tpu.memory_space<vmem>>, vector<512x256xf32>
    %slice3A_373 = vector.extract_strided_slice %dot_general3A_9 {offsets = [1536, 0], sizes = [512, 768], strides = [1, 1]} : vector<2048x1536xf32> to vector<512x768xf32>
    %get3A_374 = arith.constant 0 : index
    %get3A_375 = arith.constant 0 : index
    %get3A_376 = vector.load %arg10[%get3A_374, %get3A_375] : memref<512x512xbf16, #tpu.memory_space<vmem>>, vector<512x256xbf16>
    %get3A_377 = arith.constant 0 : index
    %get3A_378 = arith.constant 0 : index
    %get3A_379 = vector.load %arg4[%get3A_377, %get3A_378] : memref<256x768xbf16, #tpu.memory_space<vmem>>, vector<256x768xbf16>
    %dot_general3A_380 = arith.constant dense<0.000000e+00> : vector<512x768xf32>
    %dot_general3A_381 = tpu.matmul %get3A_376, %get3A_379, %dot_general3A_380 {dimension_numbers = #tpu.dot_dimension_numbers<[1], [0], [0], [1], [0, 0, 1, 1], [], []>, transpose_lhs_hint = false} : vector<512x256xbf16>, vector<256x768xbf16>, vector<512x768xf32> -> vector<512x768xf32>
    %slice3A_382 = vector.extract_strided_slice %slice3A_373 {offsets = [0, 0], sizes = [512, 512], strides = [1, 1]} : vector<512x768xf32> to vector<512x512xf32>
    %slice3A_383 = vector.extract_strided_slice %dot_general3A_381 {offsets = [0, 0], sizes = [512, 512], strides = [1, 1]} : vector<512x768xf32> to vector<512x512xf32>
    %add3A_384 = arith.addf %slice3A_382, %slice3A_383 : vector<512x512xf32>
    %get3A_385 = arith.constant 0 : index
    %get3A_386 = arith.constant 0 : index
    %get3A_387 = vector.load %arg5[%get3A_385, %get3A_386] : memref<1x512xf32, #tpu.memory_space<vmem>>, vector<1x512xf32>
    %add3A_388 = vector.broadcast %get3A_387 : vector<1x512xf32> to vector<512x512xf32>
    %add3A_389 = arith.addf %add3A_384, %add3A_388 : vector<512x512xf32>
    %slice3A_390 = vector.extract_strided_slice %add3A_389 {offsets = [0, 0], sizes = [512, 256], strides = [1, 1]} : vector<512x512xf32> to vector<512x256xf32>
    %tanh3A_391 = math.tanh %slice3A_390 : vector<512x256xf32>
    %mul3A_392 = arith.constant 5.000000e-01 : f32
    %mul3A_393 = vector.broadcast %mul3A_392 : f32 to vector<512x256xf32>
    %mul3A_394 = arith.mulf %mul3A_393, %tanh3A_391 : vector<512x256xf32>
    %add3A_395 = arith.constant 5.000000e-01 : f32
    %add3A_396 = vector.broadcast %add3A_395 : f32 to vector<512x256xf32>
    %add3A_397 = arith.addf %add3A_396, %mul3A_394 : vector<512x256xf32>
    %slice3A_398 = vector.extract_strided_slice %add3A_389 {offsets = [0, 256], sizes = [512, 256], strides = [1, 1]} : vector<512x512xf32> to vector<512x256xf32>
    %tanh3A_399 = math.tanh %slice3A_398 : vector<512x256xf32>
    %mul3A_400 = arith.constant 5.000000e-01 : f32
    %mul3A_401 = vector.broadcast %mul3A_400 : f32 to vector<512x256xf32>
    %mul3A_402 = arith.mulf %mul3A_401, %tanh3A_399 : vector<512x256xf32>
    %add3A_403 = arith.constant 5.000000e-01 : f32
    %add3A_404 = vector.broadcast %add3A_403 : f32 to vector<512x256xf32>
    %add3A_405 = arith.addf %add3A_404, %mul3A_402 : vector<512x256xf32>
    %slice3A_406 = vector.extract_strided_slice %slice3A_373 {offsets = [0, 512], sizes = [512, 256], strides = [1, 1]} : vector<512x768xf32> to vector<512x256xf32>
    %get3A_407 = arith.constant 0 : index
    %get3A_408 = arith.constant 0 : index
    %get3A_409 = vector.load %arg6[%get3A_407, %get3A_408] : memref<1x256xf32, #tpu.memory_space<vmem>>, vector<1x256xf32>
    %add3A_410 = vector.broadcast %get3A_409 : vector<1x256xf32> to vector<512x256xf32>
    %add3A_411 = arith.addf %slice3A_406, %add3A_410 : vector<512x256xf32>
    %slice3A_412 = vector.extract_strided_slice %dot_general3A_381 {offsets = [0, 512], sizes = [512, 256], strides = [1, 1]} : vector<512x768xf32> to vector<512x256xf32>
    %get3A_413 = arith.constant 0 : index
    %get3A_414 = arith.constant 0 : index
    %get3A_415 = vector.load %arg7[%get3A_413, %get3A_414] : memref<1x256xf32, #tpu.memory_space<vmem>>, vector<1x256xf32>
    %add3A_416 = vector.broadcast %get3A_415 : vector<1x256xf32> to vector<512x256xf32>
    %add3A_417 = arith.addf %slice3A_412, %add3A_416 : vector<512x256xf32>
    %mul3A_418 = arith.mulf %add3A_397, %add3A_417 : vector<512x256xf32>
    %add3A_419 = arith.addf %add3A_411, %mul3A_418 : vector<512x256xf32>
    %tanh3A_420 = math.tanh %add3A_419 : vector<512x256xf32>
    %sub3A_421 = arith.subf %get3A_372, %tanh3A_420 : vector<512x256xf32>
    %mul3A_422 = arith.mulf %add3A_405, %sub3A_421 : vector<512x256xf32>
    %add3A_423 = arith.addf %tanh3A_420, %mul3A_422 : vector<512x256xf32>
    %swap3A_424 = arith.constant 0 : index
    %swap3A_425 = arith.constant 0 : index
    %swap3A_426 = vector.load %arg9[%swap3A_424, %swap3A_425] : memref<512x512xf32, #tpu.memory_space<vmem>>, vector<512x256xf32>
    tpu.vector_store %arg9[%swap3A_424, %swap3A_425], %add3A_423 {strides = array<i32>} : memref<512x512xf32, #tpu.memory_space<vmem>>, vector<512x256xf32>,
    %convert_element_type3A_427 = arith.truncf %add3A_423 : vector<512x256xf32> to vector<512x256xbf16>
    %swap3A_428 = arith.constant 0 : index
    %swap3A_429 = arith.constant 0 : index
    %swap3A_430 = vector.load %arg10[%swap3A_428, %swap3A_429] : memref<512x512xbf16, #tpu.memory_space<vmem>>, vector<512x256xbf16>
    tpu.vector_store %arg10[%swap3A_428, %swap3A_429], %convert_element_type3A_427 {strides = array<i32>} : memref<512x512xbf16, #tpu.memory_space<vmem>>, vector<512x256xbf16>,
    %get3A_431 = arith.constant 0 : index
    %get3A_432 = arith.constant 256 : index
    %get3A_433 = vector.load %arg9[%get3A_431, %get3A_432] : memref<512x512xf32, #tpu.memory_space<vmem>>, vector<512x256xf32>
    %slice3A_434 = vector.extract_strided_slice %dot_general3A_9 {offsets = [1536, 768], sizes = [512, 768], strides = [1, 1]} : vector<2048x1536xf32> to vector<512x768xf32>
    %get3A_435 = arith.constant 0 : index
    %get3A_436 = arith.constant 256 : index
    %get3A_437 = vector.load %arg10[%get3A_435, %get3A_436] : memref<512x512xbf16, #tpu.memory_space<vmem>>, vector<512x256xbf16>
    %get3A_438 = arith.constant 0 : index
    %get3A_439 = arith.constant 0 : index
    %get3A_440 = vector.load %arg4[%get3A_438, %get3A_439] : memref<256x768xbf16, #tpu.memory_space<vmem>>, vector<256x768xbf16>
    %dot_general3A_441 = arith.constant dense<0.000000e+00> : vector<512x768xf32>
    %dot_general3A_442 = tpu.matmul %get3A_437, %get3A_440, %dot_general3A_441 {dimension_numbers = #tpu.dot_dimension_numbers<[1], [0], [0], [1], [0, 0, 1, 1], [], []>, transpose_lhs_hint = false} : vector<512x256xbf16>, vector<256x768xbf16>, vector<512x768xf32> -> vector<512x768xf32>
    %slice3A_443 = vector.extract_strided_slice %slice3A_434 {offsets = [0, 0], sizes = [512, 512], strides = [1, 1]} : vector<512x768xf32> to vector<512x512xf32>
    %slice3A_444 = vector.extract_strided_slice %dot_general3A_442 {offsets = [0, 0], sizes = [512, 512], strides = [1, 1]} : vector<512x768xf32> to vector<512x512xf32>
    %add3A_445 = arith.addf %slice3A_443, %slice3A_444 : vector<512x512xf32>
    %get3A_446 = arith.constant 0 : index
    %get3A_447 = arith.constant 0 : index
    %get3A_448 = vector.load %arg5[%get3A_446, %get3A_447] : memref<1x512xf32, #tpu.memory_space<vmem>>, vector<1x512xf32>
    %add3A_449 = vector.broadcast %get3A_448 : vector<1x512xf32> to vector<512x512xf32>
    %add3A_450 = arith.addf %add3A_445, %add3A_449 : vector<512x512xf32>
    %slice3A_451 = vector.extract_strided_slice %add3A_450 {offsets = [0, 0], sizes = [512, 256], strides = [1, 1]} : vector<512x512xf32> to vector<512x256xf32>
    %tanh3A_452 = math.tanh %slice3A_451 : vector<512x256xf32>
    %mul3A_453 = arith.constant 5.000000e-01 : f32
    %mul3A_454 = vector.broadcast %mul3A_453 : f32 to vector<512x256xf32>
    %mul3A_455 = arith.mulf %mul3A_454, %tanh3A_452 : vector<512x256xf32>
    %add3A_456 = arith.constant 5.000000e-01 : f32
    %add3A_457 = vector.broadcast %add3A_456 : f32 to vector<512x256xf32>
    %add3A_458 = arith.addf %add3A_457, %mul3A_455 : vector<512x256xf32>
    %slice3A_459 = vector.extract_strided_slice %add3A_450 {offsets = [0, 256], sizes = [512, 256], strides = [1, 1]} : vector<512x512xf32> to vector<512x256xf32>
    %tanh3A_460 = math.tanh %slice3A_459 : vector<512x256xf32>
    %mul3A_461 = arith.constant 5.000000e-01 : f32
    %mul3A_462 = vector.broadcast %mul3A_461 : f32 to vector<512x256xf32>
    %mul3A_463 = arith.mulf %mul3A_462, %tanh3A_460 : vector<512x256xf32>
    %add3A_464 = arith.constant 5.000000e-01 : f32
    %add3A_465 = vector.broadcast %add3A_464 : f32 to vector<512x256xf32>
    %add3A_466 = arith.addf %add3A_465, %mul3A_463 : vector<512x256xf32>
    %slice3A_467 = vector.extract_strided_slice %slice3A_434 {offsets = [0, 512], sizes = [512, 256], strides = [1, 1]} : vector<512x768xf32> to vector<512x256xf32>
    %get3A_468 = arith.constant 0 : index
    %get3A_469 = arith.constant 0 : index
    %get3A_470 = vector.load %arg6[%get3A_468, %get3A_469] : memref<1x256xf32, #tpu.memory_space<vmem>>, vector<1x256xf32>
    %add3A_471 = vector.broadcast %get3A_470 : vector<1x256xf32> to vector<512x256xf32>
    %add3A_472 = arith.addf %slice3A_467, %add3A_471 : vector<512x256xf32>
    %slice3A_473 = vector.extract_strided_slice %dot_general3A_442 {offsets = [0, 512], sizes = [512, 256], strides = [1, 1]} : vector<512x768xf32> to vector<512x256xf32>
    %get3A_474 = arith.constant 0 : index
    %get3A_475 = arith.constant 0 : index
    %get3A_476 = vector.load %arg7[%get3A_474, %get3A_475] : memref<1x256xf32, #tpu.memory_space<vmem>>, vector<1x256xf32>
    %add3A_477 = vector.broadcast %get3A_476 : vector<1x256xf32> to vector<512x256xf32>
    %add3A_478 = arith.addf %slice3A_473, %add3A_477 : vector<512x256xf32>
    %mul3A_479 = arith.mulf %add3A_458, %add3A_478 : vector<512x256xf32>
    %add3A_480 = arith.addf %add3A_472, %mul3A_479 : vector<512x256xf32>
    %tanh3A_481 = math.tanh %add3A_480 : vector<512x256xf32>
    %sub3A_482 = arith.subf %get3A_433, %tanh3A_481 : vector<512x256xf32>
    %mul3A_483 = arith.mulf %add3A_466, %sub3A_482 : vector<512x256xf32>
    %add3A_484 = arith.addf %tanh3A_481, %mul3A_483 : vector<512x256xf32>
    %swap3A_485 = arith.constant 0 : index
    %swap3A_486 = arith.constant 256 : index
    %swap3A_487 = vector.load %arg9[%swap3A_485, %swap3A_486] : memref<512x512xf32, #tpu.memory_space<vmem>>, vector<512x256xf32>
    tpu.vector_store %arg9[%swap3A_485, %swap3A_486], %add3A_484 {strides = array<i32>} : memref<512x512xf32, #tpu.memory_space<vmem>>, vector<512x256xf32>,
    %convert_element_type3A_488 = arith.truncf %add3A_484 : vector<512x256xf32> to vector<512x256xbf16>
    %swap3A_489 = arith.constant 0 : index
    %swap3A_490 = arith.constant 256 : index
    %swap3A_491 = vector.load %arg10[%swap3A_489, %swap3A_490] : memref<512x512xbf16, #tpu.memory_space<vmem>>, vector<512x256xbf16>
    tpu.vector_store %arg10[%swap3A_489, %swap3A_490], %convert_element_type3A_488 {strides = array<i32>} : memref<512x512xbf16, #tpu.memory_space<vmem>>, vector<512x256xbf16>,
    %eq3A_492 = arith.constant 11 : i32
    %eq3A_493 = arith.cmpi eq, %arg0, %eq3A_492 : i32
    %convert_element_type3A_494 = arith.extui %eq3A_493 : i1 to i32
    %cond3A_495 = arith.constant 0 : i32
    %cond3A_496 = arith.cmpi ne, %convert_element_type3A_494, %cond3A_495 : i32
    scf.if %cond3A_496 {
      %get3A_497 = arith.constant 0 : index
      %get3A_498 = arith.constant 0 : index
      %get3A_499 = vector.load %arg9[%get3A_497, %get3A_498] : memref<512x512xf32, #tpu.memory_space<vmem>>, vector<512x512xf32>
      %swap3A_500 = arith.constant 0 : index
      %swap3A_501 = arith.constant 0 : index
      %swap3A_502 = vector.load %arg8[%swap3A_500, %swap3A_501] : memref<512x512xf32, #tpu.memory_space<vmem>>, vector<512x512xf32>
      tpu.vector_store %arg8[%swap3A_500, %swap3A_501], %get3A_499 {strides = array<i32>} : memref<512x512xf32, #tpu.memory_space<vmem>>, vector<512x512xf32>,
    } else {
    }
    return
  }
  func.func @transform_0(%arg0: i32) -> (i32, i32, i32) {
    %c0_i32 = arith.constant 0 : i32
    %c0_i32_0 = arith.constant 0 : i32
    %c0_i32_1 = arith.constant 0 : i32
    return %arg0, %c0_i32, %c0_i32_0 : i32, i32, i32
  }
  func.func @transform_1(%arg0: i32) -> (i32, i32) {
    %c0_i32 = arith.constant 0 : i32
    %c0_i32_0 = arith.constant 0 : i32
    %c0_i32_1 = arith.constant 0 : i32
    return %c0_i32, %c0_i32_0 : i32, i32
  }
  func.func @transform_2(%arg0: i32) -> (i32, i32) {
    %c0_i32 = arith.constant 0 : i32
    %c0_i32_0 = arith.constant 0 : i32
    %c0_i32_1 = arith.constant 0 : i32
    return %c0_i32, %c0_i32_0 : i32, i32
  }
  func.func @transform_3(%arg0: i32) -> (i32, i32) {
    %c0_i32 = arith.constant 0 : i32
    %c0_i32_0 = arith.constant 0 : i32
    %c0_i32_1 = arith.constant 0 : i32
    return %c0_i32, %c0_i32_0 : i32, i32
  }
  func.func @transform_4(%arg0: i32) -> (i32, i32) {
    %c0_i32 = arith.constant 0 : i32
    %c0_i32_0 = arith.constant 0 : i32
    %c0_i32_1 = arith.constant 0 : i32
    return %c0_i32, %c0_i32_0 : i32, i32
  }
  func.func @transform_5(%arg0: i32) -> (i32, i32) {
    %c0_i32 = arith.constant 0 : i32
    %c0_i32_0 = arith.constant 0 : i32
    %c0_i32_1 = arith.constant 0 : i32
    return %c0_i32, %c0_i32_0 : i32, i32
  }
  func.func @transform_6(%arg0: i32) -> (i32, i32) {
    %c0_i32 = arith.constant 0 : i32
    %c0_i32_0 = arith.constant 0 : i32
    %c0_i32_1 = arith.constant 0 : i32
    return %c0_i32, %c0_i32_0 : i32, i32
  }
  func.func @transform_7(%arg0: i32) -> (i32, i32) {
    %c0_i32 = arith.constant 0 : i32
    %c0_i32_0 = arith.constant 0 : i32
    %c0_i32_1 = arith.constant 0 : i32
    return %c0_i32, %c0_i32_0 : i32, i32
  }
}

</mosaic_0001>

<sc_bundles>
// kernel: kernel.12.cloned.1.call-start
scs
__scs_entry_jumppad:
0x0: {  	(pc) =	sbr.rel $0x88, $3  }
0x1: {  	(tag) =	ssettag $0x0;
	lr =	simm.s32 $0x1  }
0x2: {  	[smem:$0x3F94] =	sst lr;
	_ =	strace $0xD0000000  }
0x3: {  	_ = 	snop  }
0x4: {  	_ = 	snop  }
0x5: {  	_ = 	snop  }
0x6: {  	_ = 	snop  }
0x7: {  	_ = 	snop  }
__scs_overlays_trampoline_lowered:
0x8: {  	[smem:$0x3FA3] =	sst s0  }
0x9: {  	[smem:$0x3FA4] =	sst s1  }
0xa: {  	[smem:$0x3FA5] =	sst s2  }
0xb: {  	[smem:$0x3FA6] =	sst s3  }
0xc: {  	[smem:$0x3FA7] =	sst s4  }
0xd: {  	[smem:$0x3FA8] =	sst s5  }
0xe: {  	[smem:$0x3FA9] =	sst s6  }
0xf: {  	[smem:$0x3FAA] =	sst s7  }
0x10: {  	[smem:$0x3FAB] =	sst s8  }
0x11: {  	[smem:$0x3FAC] =	sst s9;
	s0 =	simm.s32 @!p0 $0x0  }
0x12: {  	s1 =	sld [smem:$0x3F92];
	s0 =	simm.s32 @p0 $0x1  }
0x13: {  	[smem:$0x3FAD] =	sst s0;
	s0 =	simm.s32 @!p1 $0x0  }
0x14: {  	s2 =	sld [smem:$0x3F91];
	s0 =	simm.s32 @p1 $0x1  }
0x15: {  	[smem:$0x3FAE] =	sst s0;
	s0 =	simm.s32 @!p2 $0x0  }
0x16: {  	s3 =	sld [smem:$0x3FDB];
	s0 =	simm.s32 @p2 $0x1  }
0x17: {  	s4 =	simm.s32 $0x1BF5;
	[smem:$0x3FB0] =	sst s0  }
0x18: {  	s0 =	sld [smem:$0x3F93];
	_ =	swait.ge [sflag:s4], $0x0  }
0x19: {  	s7 =	sld [smem:$0x3F94]  }
0x1a: {  	s8 =	sadd.s32 $0xFFFFE003, lr  }
0x1b: {  	s9 =	sadd.s32 $0xFFFFFEF7, lr;
	s5 =	simm.s32 $0xFFFFFFFF;
	p2 =	slt.u32 s8, $0xFFFFF086  }
0x1c: {  	p1 =	slt.u32 s9, $0xF7A;
	s5 =	simm.s32 @!p2 $0x0  }
0x1d: {  	s5 =	simm.s32 @p1 $0x1;
	p0 =	seq.s32 s7, s2  }
0x1e: {  	s7 =	smul.u32 @!p0 $0xF7A, s2;
	p2 =	seq.s32 @!p0 s5, $0x0  }
0x1f: {  	s9 =	smul.u32 $0xF7A, s1;
	s8 =	simm.s32 @!p0 $0x1BF5;
	p2 =	por !p2, p0  }
0x20: {  	[sflag:s8] =	ssyncset.s32 @!p0 $0xFFFFF086;
	s6 =	sadd.s32 @!p0 s3, s7;
	s7 =	simm.s32 @!p0 $0x108  }
0x21: {  	s3 =	sadd.s32 s3, s9;
	s6 =	sadd.s32 @!p0 $0x88, s6;
	s7 =	simm.s32 @p2 $0x1082  }
0x22: {  	[simem:s7], [sflag:s8] =	dma.local @!p0 [hbm:s6], $0xF7A  }
0x23: {  	s9 =	sor.u32 $0xD0000000, s2;
	s6 =	simm.s32 $0x108;
	_ =	swait.ge @!p0 [sflag:s8], $0x0  }
0x24: {  	s3 =	sadd.s32 $0x88, s3;
	s6 =	simm.s32 @!p1 $0x1082;
	[sflag:s4] =	ssyncset.s32 $0xFFFFF086  }
0x25: {  	[simem:s6], [sflag:s4] =	dma.local [hbm:s3], $0xF7A  }
0x26: {  	[smem:$0x3F94] =	sst s1;
	(tag) =	ssettag s2;
	_ =	strace s9  }
0x27: {  	s1 =	sld [smem:$0x3FA4]  }
0x28: {  	s2 =	sld [smem:$0x3FA5]  }
0x29: {  	s4 =	sld [smem:$0x3FA7]  }
0x2a: {  	p0 =	seq.s32 s5, $0x0;
	s5 =	sld [smem:$0x3FA8]  }
0x2b: {  	s6 =	sld [smem:$0x3FA9]  }
0x2c: {  	s7 =	sld [smem:$0x3FAA]  }
0x2d: {  	s3 =	simm.s32 $0x108;
	s8 =	sld [smem:$0x3FAB]  }
0x2e: {  	s3 =	simm.s32 @!p0 $0x1082;
	s9 =	sld [smem:$0x3FAC]  }
0x2f: {  	lr =	sadd.s32 s0, s3;
	s0 =	sld [smem:$0x3FA3]  }
0x30: {  	s3 =	sld [smem:$0x3FA6]  }
0x31: {  	[smem:$0x3FAF] =	sst s10  }
0x32: {  	s10 =	sld [smem:$0x3FAD];
	_ =	sdelay $0x3  }
0x33: {  	p0 =	seq.s32 s10, $0x1;
	s10 =	sld [smem:$0x3FAF];
	_ =	sdelay $0x3  }
0x34: {  	[smem:$0x3FAF] =	sst s10  }
0x35: {  	s10 =	sld [smem:$0x3FAE];
	_ =	sdelay $0x3  }
0x36: {  	p1 =	seq.s32 s10, $0x1;
	s10 =	sld [smem:$0x3FAF];
	_ =	sdelay $0x3  }
0x37: {  	[smem:$0x3FAF] =	sst s10  }
0x38: {  	s10 =	sld [smem:$0x3FB0]  }
0x39: {  	_ = 	snop;
	(pc) =	sbr.ind lr, $3  }
0x3a: {  	_ = 	snop  }
0x3b: {  	_ = 	snop  }
0x3c: {  	p2 =	seq.s32 s10, $0x1;
	s10 =	sld [smem:$0x3FAF]  }
0x3d: {  	_ =	shalt  }
0x3e: {  	_ =	shalt  }
0x3f: {  	_ =	shalt  }
0x40: {  	_ =	shalt  }
0x41: {  	_ =	shalt  }
0x42: {  	_ =	shalt  }
0x43: {  	_ =	shalt  }
0x44: {  	_ =	shalt  }
0x45: {  	_ =	shalt  }
0x46: {  	_ =	shalt  }
0x47: {  	_ =	shalt  }
0x48: {  	_ =	shalt  }
0x49: {  	_ =	shalt  }
0x4a: {  	_ =	shalt  }
0x4b: {  	_ =	shalt  }
0x4c: {  	_ =	shalt  }
0x4d: {  	_ =	shalt  }
0x4e: {  	_ =	shalt  }
0x4f: {  	_ =	shalt  }
0x50: {  	_ =	shalt  }
0x51: {  	_ =	shalt  }
0x52: {  	_ =	shalt  }
0x53: {  	_ =	shalt  }
0x54: {  	_ =	shalt  }
0x55: {  	_ =	shalt  }
0x56: {  	_ =	shalt  }
0x57: {  	_ =	shalt  }
0x58: {  	_ =	shalt  }
0x59: {  	_ =	shalt  }
0x5a: {  	_ =	shalt  }
0x5b: {  	_ =	shalt  }
0x5c: {  	_ =	shalt  }
0x5d: {  	_ =	shalt  }
0x5e: {  	_ =	shalt  }
0x5f: {  	_ =	shalt  }
0x60: {  	_ =	shalt  }
0x61: {  	_ =	shalt  }
0x62: {  	_ =	shalt  }
0x63: {  	_ =	shalt  }
0x64: {  	_ =	shalt  }
0x65: {  	_ =	shalt  }
0x66: {  	_ =	shalt  }
0x67: {  	_ =	shalt  }
0x68: {  	_ =	shalt  }
0x69: {  	_ =	shalt  }
0x6a: {  	_ =	shalt  }
0x6b: {  	_ =	shalt  }
0x6c: {  	_ =	shalt  }
0x6d: {  	_ =	shalt  }
0x6e: {  	_ =	shalt  }
0x6f: {  	_ =	shalt  }
0x70: {  	_ =	shalt  }
0x71: {  	_ =	shalt  }
0x72: {  	_ =	shalt  }
0x73: {  	_ =	shalt  }
0x74: {  	_ =	shalt  }
0x75: {  	_ =	shalt  }
0x76: {  	_ =	shalt  }
0x77: {  	_ =	shalt  }
0x78: {  	_ =	shalt  }
0x79: {  	_ =	shalt  }
0x7a: {  	_ =	shalt  }
0x7b: {  	_ =	shalt  }
0x7c: {  	_ =	shalt  }
0x7d: {  	_ =	shalt  }
0x7e: {  	_ =	shalt  }
0x7f: {  	_ =	shalt  }
0x80: {  	_ =	shalt  }
0x81: {  	_ =	shalt  }
0x82: {  	_ =	shalt  }
0x83: {  	_ =	shalt  }
0x84: {  	_ =	shalt  }
0x85: {  	_ =	shalt  }
0x86: {  	_ =	shalt  }
0x87: {  	_ =	shalt  }
.Lfunc_end0:
.L_simem_size_0:
called_computation_lowered:
.L_overlay_start_0:
0x88: {  	s2 =	sld [smem:$0x3FD9]  }
0x89: {  	s3 =	sld [smem:$0x3FFE];
	_ =	sdelay $0x1  }
0x8a: {  	s1 =	srdreg.scid  }
0x8b: {  	s0 =	sand.u32 $0x1, s1  }
0x8c: {  	s16 =	sshll.u32 s0, $0xA;
	s2 =	sadd.s32 s3, s2  }
0x8d: {  	s2 =	sadd.s32 s2, s16  }
0x8e: {  	[smem:$0x3FBB] =	sst s2  }
0x8f: {  	_ = 	snop  }
0x90: {  	(tm) =	ssettm $0x1  }
0x91: {  	s17 =	sld [smem:$0x3FFB];
	_ =	sdelay $0x3  }
0x92: {  	_ =	strace s17  }
0x93: {  	s2 =	sld [smem:$0x3FFC];
	_ =	sdelay $0x3  }
0x94: {  	_ =	strace s2  }
0x95: {  	s2 =	sld [smem:$0x3FFD];
	_ =	sdelay $0x3  }
0x96: {  	_ =	strace s2  }
0x97: {  	_ =	strace $0x8FFFFFFF  }
0x98: {  	s18 =	sld [smem:$0x3FDB];
	_ =	sdelay $0x1  }
0x99: {  	s19 =	simm.s32 $_scs_section_size  }
0x9a: {  	s4 =	simm.s32 $_size__tile_overlayer_lowered;
	s5 =	simm.s32 $_tile_overlayer_lowered  }
0x9b: {  	s22 =	simm.s32 $0x1BFF;
	s21 =	sshll.u32 s5, $0x1;
	s2 =	sadd.s32 s19, s18  }
0x9c: {  	s6 =	simm.s32 $0x0;
	s20 =	sshll.u32 s4, $0x1;
	s4 =	sadd.s32 s21, s2  }
0x9d: {  	[timem:s6], [sflag:s22] =	dma.local [hbm:s4], s20  }
0x9e: {  	_ =	swait.ge [sflag:s22], s20  }
0x9f: {  	s3 =	ssub.s32 $0x0, s20;
	[sflag:s22] =	ssyncset.done $0x0  }
0xa0: {  	[sflag:s22] =	ssyncadd.s32 s3;
	_ =	sdelay $0x1  }
0xa1: {  	s23 =	simm.s32 $0x1B8B  }
0xa2: {  	_ =	swait.ge [sflag:s23], $0x1  }
0xa3: {  	[sflag:s23] =	ssyncset.done $0x0  }
0xa4: {  	s25 =	simm.s32 $0x1B8E;
	s24 =	sld [smem:$0x3FFE];
	[sflag:s23] =	ssyncadd.s32 $0xFFFFFFFF  }
0xa5: {  	s26 =	simm.s32 $execute0_lowered;
	[smem:$0x3FD2] =	sst s25  }
0xa6: {  	s4 =	sshll.u32 s26, $0x1;
	_ =	strace $0x80000046;
	[dreg:$0x1] =	wrdreg $0xFFFFFFFF  }
0xa7: {  	s28 =	simm.s32 $_size_execute0_lowered;
	s2 =	sadd.s32 s2, s4;
	[dreg:$0x0] =	wrdreg $0x0  }
0xa8: {  	s4 =	sshll.u32 s28, $0x1;
	[dreg:$0x2] =	wrdreg s2  }
0xa9: {  	[dreg:$0x3] =	wrdreg s4  }
0xaa: {  	[dreg:$0x4] =	wrdreg $0xC0  }
0xab: {  	_ =	task [dreg:s6], $0x5FFFF  }
0xac: {  	[dreg:$0x1] =	wrdreg $0xFFFFFFFF  }
0xad: {  	[dreg:$0x0] =	wrdreg $0x60  }
0xae: {  	[dreg:$0x2] =	wrdreg s24  }
0xaf: {  	[dreg:$0x3] =	wrdreg $0x9  }
0xb0: {  	_ =	task.clear_ibuf [dreg:s6], $0x4FFFF;
	_ =	strace $0x90000046  }
0xb1: {  	s29 =	simm.s32 $0x9;
	_ =	strace $0x80000048  }
0xb2: {  	_ =	swait.ge [sflag:s29], $0x1  }
0xb3: {  	[sflag:s29] =	ssyncadd.s32 $0xFFFFFFFF  }
0xb4: {  	_ =	strace $0x90000048  }
0xb5: {  	_ =	sfence  }
0xb6: {  	s30 =	sld [smem:$0x0];
	_ =	sdelay $0x2  }
0xb7: {  	s31 =	sshll.u32 s1, $0xD;
	s1 =	sshrl.u32 s1, $0x2  }
0xb8: {  	s3 =	sand.u32 $0x4000, s31;
	s1 =	sadd.s32 s1, s30  }
0xb9: {  	s0 =	sor.u32 s3, s0;
	s1 =	sshll.u32 s1, $0x11  }
0xba: {  	s0 =	sor.u32 s1, s0  }
0xbb: {  	s0 =	sadd.s32 $0x8F2B, s0  }
0xbc: {  	[sflag:s0] =	ssyncadd.remote.s32 $0x1  }
0xbd: {  	_ =	sfence.sel $0xFFFF  }
0xbe: {  	[dreg:$0x0] =	wrdreg $0xFFFFFFFF;
	(pc) =	sbr.abs _section_cstart, $3  }
0xbf: {  	[dreg:$0x1] =	wrdreg $0xFFFFFFFF  }
0xc0: {  	_ =	task.clear_ibuf [dreg:s6], $0x2FFFF;
	_ =	strace $0x9FFFFFFF  }
0xc1: {  	(tm) =	ssettm $0x7FFFFFFF  }
tec
execute0_lowered:
.L_overlay_start_1:
0x0: {  	(tag) =	ssettag $0x1  }
0x1: {  	s1 =	srdreg.scid;
	s0 =	stileid.u32  }
0x2: {  	s14 =	sand.u32 $0x1, s1;
	s29 =	sshll.u32 s0, $0x1  }
0x3: {  	s12 =	rddreg [dreg:$0x0];
	s10 =	sor.u32 s14, s29  }
0x4: {  	s2 =	simm.s32 $0x0;
	s1 =	rddreg [dreg:$0x1];
	s3 =	sshll.u32 s10, $0x5  }
0x5: {  	[smem:$0x7FF] =	sst s2;
	s3 =	sadd.s32 s3, s12  }
0x6: {  	_ =	strace $0x80000047;
	s4 =	sadd.s32 $0x4200, s3;
	s3 =	simm.s32 $0x2  }
0x7: {  	[tilespmem:s2], [sflag:$0x2] =	stream.linear.gather [hbm4b:s4+s2], $0x100, $0x38;
	[tilespmem:$0x2100] =	vst v63  }
0x8: {  	_ =	swait.ge [sflag:s3], $0x100  }
0x9: {  	s6 =	simm.s32 $0x40;
	[sflag:s3] =	ssyncset.done $0x0  }
0xa: {  	s7 =	simm.s32 $0x100;
	s5 =	sadd.s32 $0x18AC00, s12;
	[sflag:s3] =	ssyncadd.s32 $0xFFFFFF00  }
0xb: {  	[tilespmem:s7], [sflag:$0x1] =	stream.indirect.gather [hbm4b:s5+s6], $0x40, s2, s6, $0xb8;
	[tilespmem:$0x2100] =	vst v63  }
0xc: {  	s8 =	simm.s32 $0x1100;
	s9 =	simm.s32 $0x1  }
0xd: {  	[tilespmem:s8], [sflag:$0x1] =	stream.indirect.gather [hbm4b:s5+s6], $0x40, s6, s6, $0xb8;
	[tilespmem:$0x2100] =	vst v63  }
0xe: {  	_ =	swait.ge [sflag:s9], $0x1000  }
0xf: {  	[sflag:s9] =	ssyncset.done $0x0  }
0x10: {  	[sflag:s9] =	ssyncadd.s32 $0xFFFFF000  }
0x11: {  	_ =	swait.ge [sflag:s9], $0x1000  }
0x12: {  	s15 =	sadd.s32 $0x4600, s12;
	s16 =	sshll.u32 s10, $0xB;
	[sflag:s9] =	ssyncset.done $0x0  }
0x13: {  	s11 =	simm.s32 $0x80;
	s10 =	sadd.s32 s15, s16;
	[sflag:s9] =	ssyncadd.s32 $0xFFFFF000  }
0x14: {  	[hbm4b:s10+s6] =	stream.strided.scatter [tilespmem:s7], [sflag:$0x2], $0x1000, s11, s6, $0x38;
	[tilespmem:$0x2100] =	vst v63  }
0x15: {  	_ =	swait.ge [sflag:s3], $0x1000  }
0x16: {  	s17 =	sadd.s32 $0x4608, s12;
	[sflag:s3] =	ssyncset.done $0x0  }
0x17: {  	s12 =	sadd.s32 s16, s17;
	[sflag:s3] =	ssyncadd.s32 $0xFFFFF000  }
0x18: {  	[hbm4b:s12+s6] =	stream.strided.scatter [tilespmem:s8], [sflag:$0x2], $0x1000, s11, s6, $0x38;
	[tilespmem:$0x2100] =	vst v63  }
0x19: {  	_ =	swait.ge [sflag:s3], $0x1000  }
0x1a: {  	[sflag:s3] =	ssyncset.done $0x0  }
0x1b: {  	[sflag:s3] =	ssyncadd.s32 $0xFFFFF000  }
0x1c: {  	[tilespmem:s7], [sflag:$0x1] =	stream.indirect.gather [hbm4b:s5+s6], $0x40, s11, s6, $0xb8;
	[tilespmem:$0x2100] =	vst v63  }
0x1d: {  	s13 =	simm.s32 $0xC0  }
0x1e: {  	[tilespmem:s8], [sflag:$0x1] =	stream.indirect.gather [hbm4b:s5+s6], $0x40, s13, s6, $0xb8;
	[tilespmem:$0x2100] =	vst v63  }
0x1f: {  	_ =	swait.ge [sflag:s9], $0x1000  }
0x20: {  	[sflag:s9] =	ssyncset.done $0x0  }
0x21: {  	s18 =	ssub.s32 $0x2, s14;
	[sflag:s9] =	ssyncadd.s32 $0xFFFFF000  }
0x22: {  	s30 =	sshrl.u32 s18, $0x1;
	_ =	swait.ge [sflag:s9], $0x1000  }
0x23: {  	s16 =	sor.u32 $0x400, s16;
	s18 =	ssub.s32 s18, s30;
	[sflag:s9] =	ssyncset.done $0x0  }
0x24: {  	s14 =	sadd.s32 s15, s16;
	s31 =	smax.u32 s18, $0x1;
	[sflag:s9] =	ssyncadd.s32 $0xFFFFF000  }
0x25: {  	[hbm4b:s14+s6] =	stream.strided.scatter [tilespmem:s7], [sflag:$0x2], $0x1000, s11, s6, $0x38;
	[tilespmem:$0x2100] =	vst v63  }
0x26: {  	p0 =	sne.s32 s31, $0x1;
	_ =	swait.ge [sflag:s3], $0x1000  }
.Ltmp0:
0x27: {  	[sflag:s3] =	ssyncset.done $0x0;
	(pc) =	sbr.rel @!p0 .LBB2_2-.Ltmp0, $4  }
0x28: {  	s15 =	sadd.s32 s16, s17;
	[sflag:s3] =	ssyncadd.s32 $0xFFFFF000  }
0x29: {  	[hbm4b:s15+s6] =	stream.strided.scatter [tilespmem:s8], [sflag:$0x2], $0x1000, s11, s6, $0x38;
	[tilespmem:$0x2100] =	vst v63  }
0x2a: {  	_ =	swait.ge [sflag:s3], $0x1000  }
0x2b: {  	s16 =	sadd.s32 $0xFFFFFFFF, s31;
	[sflag:s3] =	ssyncset.done $0x0  }
.LBB2_1:
0x2c: {  	p0 =	sne.s32 s16, $0x1;
	s16 =	sadd.s32 $0xFFFFFFFF, s16;
	[sflag:s3] =	ssyncadd.s32 $0xFFFFF000  }
0x2d: {  	[tilespmem:s2], [sflag:$0x2] =	stream.linear.gather [hbm4b:s4+s2], $0x100, $0x38;
	[tilespmem:$0x2100] =	vst v63  }
0x2e: {  	_ =	swait.ge [sflag:s3], $0x100  }
0x2f: {  	[sflag:s3] =	ssyncset.done $0x0  }
0x30: {  	[sflag:s3] =	ssyncadd.s32 $0xFFFFFF00  }
0x31: {  	[tilespmem:s7], [sflag:$0x1] =	stream.indirect.gather [hbm4b:s5+s6], $0x40, s2, s6, $0xb8;
	[tilespmem:$0x2100] =	vst v63  }
0x32: {  	_ = 	snop  }
0x33: {  	[tilespmem:s8], [sflag:$0x1] =	stream.indirect.gather [hbm4b:s5+s6], $0x40, s6, s6, $0xb8;
	[tilespmem:$0x2100] =	vst v63  }
0x34: {  	_ =	swait.ge [sflag:s9], $0x1000  }
0x35: {  	[sflag:s9] =	ssyncset.done $0x0  }
0x36: {  	[sflag:s9] =	ssyncadd.s32 $0xFFFFF000  }
0x37: {  	_ =	swait.ge [sflag:s9], $0x1000  }
0x38: {  	[sflag:s9] =	ssyncset.done $0x0  }
0x39: {  	[sflag:s9] =	ssyncadd.s32 $0xFFFFF000  }
0x3a: {  	[hbm4b:s10+s6] =	stream.strided.scatter [tilespmem:s7], [sflag:$0x2], $0x1000, s11, s6, $0x38;
	[tilespmem:$0x2100] =	vst v63  }
0x3b: {  	_ =	swait.ge [sflag:s3], $0x1000  }
0x3c: {  	[sflag:s3] =	ssyncset.done $0x0  }
0x3d: {  	[sflag:s3] =	ssyncadd.s32 $0xFFFFF000  }
0x3e: {  	[hbm4b:s12+s6] =	stream.strided.scatter [tilespmem:s8], [sflag:$0x2], $0x1000, s11, s6, $0x38;
	[tilespmem:$0x2100] =	vst v63  }
0x3f: {  	_ =	swait.ge [sflag:s3], $0x1000  }
0x40: {  	[sflag:s3] =	ssyncset.done $0x0  }
0x41: {  	[sflag:s3] =	ssyncadd.s32 $0xFFFFF000  }
0x42: {  	[tilespmem:s7], [sflag:$0x1] =	stream.indirect.gather [hbm4b:s5+s6], $0x40, s11, s6, $0xb8;
	[tilespmem:$0x2100] =	vst v63  }
0x43: {  	_ = 	snop  }
0x44: {  	[tilespmem:s8], [sflag:$0x1] =	stream.indirect.gather [hbm4b:s5+s6], $0x40, s13, s6, $0xb8;
	[tilespmem:$0x2100] =	vst v63  }
0x45: {  	_ =	swait.ge [sflag:s9], $0x1000  }
0x46: {  	[sflag:s9] =	ssyncset.done $0x0  }
0x47: {  	[sflag:s9] =	ssyncadd.s32 $0xFFFFF000  }
0x48: {  	_ =	swait.ge [sflag:s9], $0x1000  }
0x49: {  	[sflag:s9] =	ssyncset.done $0x0  }
0x4a: {  	[sflag:s9] =	ssyncadd.s32 $0xFFFFF000  }
0x4b: {  	[hbm4b:s14+s6] =	stream.strided.scatter [tilespmem:s7], [sflag:$0x2], $0x1000, s11, s6, $0x38;
	[tilespmem:$0x2100] =	vst v63  }
0x4c: {  	_ =	swait.ge [sflag:s3], $0x1000  }
.Ltmp1:
0x4d: {  	[sflag:s3] =	ssyncset.done $0x0;
	(pc) =	sbr.rel @p0 .LBB2_1-.Ltmp1, $4  }
0x4e: {  	[sflag:s3] =	ssyncadd.s32 $0xFFFFF000  }
0x4f: {  	[hbm4b:s15+s6] =	stream.strided.scatter [tilespmem:s8], [sflag:$0x2], $0x1000, s11, s6, $0x38;
	[tilespmem:$0x2100] =	vst v63  }
0x50: {  	_ =	swait.ge [sflag:s3], $0x1000  }
0x51: {  	[sflag:s3] =	ssyncset.done $0x0  }
.LBB2_2:
0x52: {  	[sflag:s3] =	ssyncadd.s32 $0xFFFFF000  }
0x53: {  	_ =	sfence.sel $0x180000  }
0x54: {  	[bflag:$0x0] =	sbarrier.arrive $0xFFFF  }
0x55: {  	p0 =	sne.s32 s0, $0x0;
	_ =	strace $0x90000047  }
0x56: {  	s0 =	sadd.s32 @!p0 $0x100000, s1;
	[bflag:$0x2] =	sbarrier.arrive $0xFFFF  }
0x57: {  	[sflag:s0] =	ssyncadd.tile.s32 @!p0 $0x1;
	_ =	shalt  }
.Lfunc_end2:
_tile_overlayer_lowered:
.L_overlay_start_2:
0x58: {  	(tag) =	ssettag $0x2  }
0x59: {  	s0 =	rddreg [dreg:$0x0];
	s2 =	stileid.u32  }
0x5a: {  	s1 =	rddreg [dreg:$0x1];
	p0 =	sne.s32 s2, $0x0  }
0x5b: {  	s3 =	rddreg [dreg:$0x2];
	[bflag:$0x3] =	sbarrier.arrive $0xFFFF;
	s2 =	simm.s32 @!p0 $0x1C02  }
0x5c: {  	[timem:s3], [sflag:s2] =	dma.local @!p0 [hbm:s0], s1  }
0x5d: {  	s0 =	simm.s32 @!p0 $0x2  }
0x5e: {  	_ =	swait.ge @!p0 [sflag:s0], s1  }
0x5f: {  	s1 =	ssub.s32 @!p0 $0x0, s1;
	[sflag:s0] =	ssyncset.done @!p0 $0x0  }
0x60: {  	[sflag:s0] =	ssyncadd.s32 @!p0 s1  }
0x61: {  	[bflag:$0x3] =	sbarrier.arrive $0xFFFF  }
0x62: {  	_ =	shalt  }

// kernel: kernel.15.cloned.1.call-start
scs
__scs_entry_jumppad:
0x0: {  	(pc) =	sbr.rel $0x88, $3  }
0x1: {  	(tag) =	ssettag $0x0;
	lr =	simm.s32 $0x1  }
0x2: {  	[smem:$0x3F94] =	sst lr;
	_ =	strace $0xD0000000  }
0x3: {  	_ = 	snop  }
0x4: {  	_ = 	snop  }
0x5: {  	_ = 	snop  }
0x6: {  	_ = 	snop  }
0x7: {  	_ = 	snop  }
__scs_overlays_trampoline_lowered:
0x8: {  	[smem:$0x3FA3] =	sst s0  }
0x9: {  	[smem:$0x3FA4] =	sst s1  }
0xa: {  	[smem:$0x3FA5] =	sst s2  }
0xb: {  	[smem:$0x3FA6] =	sst s3  }
0xc: {  	[smem:$0x3FA7] =	sst s4  }
0xd: {  	[smem:$0x3FA8] =	sst s5  }
0xe: {  	[smem:$0x3FA9] =	sst s6  }
0xf: {  	[smem:$0x3FAA] =	sst s7  }
0x10: {  	[smem:$0x3FAB] =	sst s8  }
0x11: {  	[smem:$0x3FAC] =	sst s9;
	s0 =	simm.s32 @!p0 $0x0  }
0x12: {  	s1 =	sld [smem:$0x3F92];
	s0 =	simm.s32 @p0 $0x1  }
0x13: {  	[smem:$0x3FAD] =	sst s0;
	s0 =	simm.s32 @!p1 $0x0  }
0x14: {  	s2 =	sld [smem:$0x3F91];
	s0 =	simm.s32 @p1 $0x1  }
0x15: {  	[smem:$0x3FAE] =	sst s0;
	s0 =	simm.s32 @!p2 $0x0  }
0x16: {  	s3 =	sld [smem:$0x3FDB];
	s0 =	simm.s32 @p2 $0x1  }
0x17: {  	s4 =	simm.s32 $0x1BF5;
	[smem:$0x3FB0] =	sst s0  }
0x18: {  	s0 =	sld [smem:$0x3F93];
	_ =	swait.ge [sflag:s4], $0x0  }
0x19: {  	s7 =	sld [smem:$0x3F94]  }
0x1a: {  	s8 =	sadd.s32 $0xFFFFE003, lr  }
0x1b: {  	s9 =	sadd.s32 $0xFFFFFEF7, lr;
	s5 =	simm.s32 $0xFFFFFFFF;
	p2 =	slt.u32 s8, $0xFFFFF086  }
0x1c: {  	p1 =	slt.u32 s9, $0xF7A;
	s5 =	simm.s32 @!p2 $0x0  }
0x1d: {  	s5 =	simm.s32 @p1 $0x1;
	p0 =	seq.s32 s7, s2  }
0x1e: {  	s7 =	smul.u32 @!p0 $0xF7A, s2;
	p2 =	seq.s32 @!p0 s5, $0x0  }
0x1f: {  	s9 =	smul.u32 $0xF7A, s1;
	s8 =	simm.s32 @!p0 $0x1BF5;
	p2 =	por !p2, p0  }
0x20: {  	[sflag:s8] =	ssyncset.s32 @!p0 $0xFFFFF086;
	s6 =	sadd.s32 @!p0 s3, s7;
	s7 =	simm.s32 @!p0 $0x108  }
0x21: {  	s3 =	sadd.s32 s3, s9;
	s6 =	sadd.s32 @!p0 $0x88, s6;
	s7 =	simm.s32 @p2 $0x1082  }
0x22: {  	[simem:s7], [sflag:s8] =	dma.local @!p0 [hbm:s6], $0xF7A  }
0x23: {  	s9 =	sor.u32 $0xD0000000, s2;
	s6 =	simm.s32 $0x108;
	_ =	swait.ge @!p0 [sflag:s8], $0x0  }
0x24: {  	s3 =	sadd.s32 $0x88, s3;
	s6 =	simm.s32 @!p1 $0x1082;
	[sflag:s4] =	ssyncset.s32 $0xFFFFF086  }
0x25: {  	[simem:s6], [sflag:s4] =	dma.local [hbm:s3], $0xF7A  }
0x26: {  	[smem:$0x3F94] =	sst s1;
	(tag) =	ssettag s2;
	_ =	strace s9  }
0x27: {  	s1 =	sld [smem:$0x3FA4]  }
0x28: {  	s2 =	sld [smem:$0x3FA5]  }
0x29: {  	s4 =	sld [smem:$0x3FA7]  }
0x2a: {  	p0 =	seq.s32 s5, $0x0;
	s5 =	sld [smem:$0x3FA8]  }
0x2b: {  	s6 =	sld [smem:$0x3FA9]  }
0x2c: {  	s7 =	sld [smem:$0x3FAA]  }
0x2d: {  	s3 =	simm.s32 $0x108;
	s8 =	sld [smem:$0x3FAB]  }
0x2e: {  	s3 =	simm.s32 @!p0 $0x1082;
	s9 =	sld [smem:$0x3FAC]  }
0x2f: {  	lr =	sadd.s32 s0, s3;
	s0 =	sld [smem:$0x3FA3]  }
0x30: {  	s3 =	sld [smem:$0x3FA6]  }
0x31: {  	[smem:$0x3FAF] =	sst s10  }
0x32: {  	s10 =	sld [smem:$0x3FAD];
	_ =	sdelay $0x3  }
0x33: {  	p0 =	seq.s32 s10, $0x1;
	s10 =	sld [smem:$0x3FAF];
	_ =	sdelay $0x3  }
0x34: {  	[smem:$0x3FAF] =	sst s10  }
0x35: {  	s10 =	sld [smem:$0x3FAE];
	_ =	sdelay $0x3  }
0x36: {  	p1 =	seq.s32 s10, $0x1;
	s10 =	sld [smem:$0x3FAF];
	_ =	sdelay $0x3  }
0x37: {  	[smem:$0x3FAF] =	sst s10  }
0x38: {  	s10 =	sld [smem:$0x3FB0]  }
0x39: {  	_ = 	snop;
	(pc) =	sbr.ind lr, $3  }
0x3a: {  	_ = 	snop  }
0x3b: {  	_ = 	snop  }
0x3c: {  	p2 =	seq.s32 s10, $0x1;
	s10 =	sld [smem:$0x3FAF]  }
0x3d: {  	_ =	shalt  }
0x3e: {  	_ =	shalt  }
0x3f: {  	_ =	shalt  }
0x40: {  	_ =	shalt  }
0x41: {  	_ =	shalt  }
0x42: {  	_ =	shalt  }
0x43: {  	_ =	shalt  }
0x44: {  	_ =	shalt  }
0x45: {  	_ =	shalt  }
0x46: {  	_ =	shalt  }
0x47: {  	_ =	shalt  }
0x48: {  	_ =	shalt  }
0x49: {  	_ =	shalt  }
0x4a: {  	_ =	shalt  }
0x4b: {  	_ =	shalt  }
0x4c: {  	_ =	shalt  }
0x4d: {  	_ =	shalt  }
0x4e: {  	_ =	shalt  }
0x4f: {  	_ =	shalt  }
0x50: {  	_ =	shalt  }
0x51: {  	_ =	shalt  }
0x52: {  	_ =	shalt  }
0x53: {  	_ =	shalt  }
0x54: {  	_ =	shalt  }
0x55: {  	_ =	shalt  }
0x56: {  	_ =	shalt  }
0x57: {  	_ =	shalt  }
0x58: {  	_ =	shalt  }
0x59: {  	_ =	shalt  }
0x5a: {  	_ =	shalt  }
0x5b: {  	_ =	shalt  }
0x5c: {  	_ =	shalt  }
0x5d: {  	_ =	shalt  }
0x5e: {  	_ =	shalt  }
0x5f: {  	_ =	shalt  }
0x60: {  	_ =	shalt  }
0x61: {  	_ =	shalt  }
0x62: {  	_ =	shalt  }
0x63: {  	_ =	shalt  }
0x64: {  	_ =	shalt  }
0x65: {  	_ =	shalt  }
0x66: {  	_ =	shalt  }
0x67: {  	_ =	shalt  }
0x68: {  	_ =	shalt  }
0x69: {  	_ =	shalt  }
0x6a: {  	_ =	shalt  }
0x6b: {  	_ =	shalt  }
0x6c: {  	_ =	shalt  }
0x6d: {  	_ =	shalt  }
0x6e: {  	_ =	shalt  }
0x6f: {  	_ =	shalt  }
0x70: {  	_ =	shalt  }
0x71: {  	_ =	shalt  }
0x72: {  	_ =	shalt  }
0x73: {  	_ =	shalt  }
0x74: {  	_ =	shalt  }
0x75: {  	_ =	shalt  }
0x76: {  	_ =	shalt  }
0x77: {  	_ =	shalt  }
0x78: {  	_ =	shalt  }
0x79: {  	_ =	shalt  }
0x7a: {  	_ =	shalt  }
0x7b: {  	_ =	shalt  }
0x7c: {  	_ =	shalt  }
0x7d: {  	_ =	shalt  }
0x7e: {  	_ =	shalt  }
0x7f: {  	_ =	shalt  }
0x80: {  	_ =	shalt  }
0x81: {  	_ =	shalt  }
0x82: {  	_ =	shalt  }
0x83: {  	_ =	shalt  }
0x84: {  	_ =	shalt  }
0x85: {  	_ =	shalt  }
0x86: {  	_ =	shalt  }
0x87: {  	_ =	shalt  }
.Lfunc_end0:
.L_simem_size_0:
called_computation.1_lowered:
.L_overlay_start_0:
0x88: {  	s2 =	sld [smem:$0x3FD9]  }
0x89: {  	s3 =	sld [smem:$0x3FFE];
	_ =	sdelay $0x1  }
0x8a: {  	s1 =	srdreg.scid  }
0x8b: {  	s0 =	sand.u32 $0x1, s1  }
0x8c: {  	s17 =	sshll.u32 s0, $0xA;
	s2 =	sadd.s32 s3, s2  }
0x8d: {  	s2 =	sadd.s32 s2, s17  }
0x8e: {  	[smem:$0x3FBB] =	sst s2  }
0x8f: {  	_ = 	snop  }
0x90: {  	(tm) =	ssettm $0x1  }
0x91: {  	s18 =	sld [smem:$0x3FFB];
	_ =	sdelay $0x3  }
0x92: {  	_ =	strace s18  }
0x93: {  	s2 =	sld [smem:$0x3FFC];
	_ =	sdelay $0x3  }
0x94: {  	_ =	strace s2  }
0x95: {  	s2 =	sld [smem:$0x3FFD];
	_ =	sdelay $0x3  }
0x96: {  	_ =	strace s2  }
0x97: {  	_ =	strace $0x8FFFFFFF  }
0x98: {  	s19 =	sld [smem:$0x3FDB];
	_ =	sdelay $0x1  }
0x99: {  	s20 =	simm.s32 $_scs_section_size  }
0x9a: {  	s4 =	simm.s32 $_size__tile_overlayer_lowered;
	s5 =	simm.s32 $_tile_overlayer_lowered  }
0x9b: {  	s6 =	simm.s32 $0x1BFF;
	s21 =	sshll.u32 s5, $0x1;
	s3 =	sadd.s32 s20, s19  }
0x9c: {  	s22 =	simm.s32 $0x0;
	s4 =	sshll.u32 s4, $0x1;
	s5 =	sadd.s32 s21, s3  }
0x9d: {  	[timem:s22], [sflag:s6] =	dma.local [hbm:s5], s4  }
0x9e: {  	_ =	swait.ge [sflag:s6], s4  }
0x9f: {  	s4 =	ssub.s32 $0x0, s4;
	[sflag:s6] =	ssyncset.done $0x0  }
0xa0: {  	[sflag:s6] =	ssyncadd.s32 s4;
	_ =	sdelay $0x1  }
0xa1: {  	s23 =	simm.s32 $0x1B8B  }
0xa2: {  	_ =	swait.ge [sflag:s23], $0x1  }
0xa3: {  	[sflag:s23] =	ssyncset.done $0x0  }
0xa4: {  	[sflag:s23] =	ssyncadd.s32 $0xFFFFFFFF  }
0xa5: {  	s4 =	sld [smem:$0x0]  }
0xa6: {  	s5 =	sand.u32 $0xFFFFFFFE, s1  }
0xa7: {  	p0 =	sne.s32 s1, s5  }
0xa8: {  	s5 =	sshll.u32 @p0 s5, $0xE  }
0xa9: {  	s5 =	sadd.s32 @p0 $0x11B8D, s5;
	s6 =	sshll.u32 @p0 s4, $0x11  }
0xaa: {  	s5 =	sor.u32 @p0 s6, s5  }
0xab: {  	[sflag:s5] =	ssyncadd.remote.s32 @p0 $0x1;
	_ =	sdelay $0x1  }
0xac: {  	s5 =	simm.s32 @p0 $0x1B8D  }
0xad: {  	_ =	swait.eq @p0 [sflag:s5], $0x1  }
0xae: {  	[sflag:s5] =	ssyncadd.s32 @p0 $0xFFFFFFFF  }
0xaf: {  	s6 =	sshll.u32 @!p0 s1, $0xE  }
0xb0: {  	s6 =	sor.u32 @!p0 $0x4000, s6;
	s5 =	simm.s32 @!p0 $0x1B8D  }
0xb1: {  	s4 =	sshll.u32 @!p0 s4, $0x11;
	s6 =	sadd.s32 @!p0 $0x11B8D, s6;
	_ =	swait.eq @!p0 [sflag:s5], $0x1  }
0xb2: {  	s4 =	sor.u32 @!p0 s4, s6;
	[sflag:s5] =	ssyncadd.s32 @!p0 $0xFFFFFFFF  }
0xb3: {  	s25 =	simm.s32 $0x1B8E;
	s24 =	sld [smem:$0x3FFE];
	[sflag:s4] =	ssyncadd.remote.s32 @!p0 $0x1  }
0xb4: {  	s26 =	simm.s32 $execute0_lowered;
	[smem:$0x3FD2] =	sst s25  }
0xb5: {  	s5 =	sshll.u32 s26, $0x1;
	_ =	strace $0x80000049;
	[dreg:$0x1] =	wrdreg $0xFFFFFFFF  }
0xb6: {  	s28 =	simm.s32 $_size_execute0_lowered;
	s3 =	sadd.s32 s3, s5;
	[dreg:$0x0] =	wrdreg $0x0  }
0xb7: {  	s5 =	sshll.u32 s28, $0x1;
	[dreg:$0x2] =	wrdreg s3  }
0xb8: {  	[dreg:$0x3] =	wrdreg s5  }
0xb9: {  	[dreg:$0x4] =	wrdreg $0xC0  }
0xba: {  	_ =	task [dreg:s22], $0x5FFFF  }
0xbb: {  	[dreg:$0x1] =	wrdreg $0xFFFFFFFF  }
0xbc: {  	[dreg:$0x0] =	wrdreg $0x60  }
0xbd: {  	[dreg:$0x2] =	wrdreg s24  }
0xbe: {  	[dreg:$0x3] =	wrdreg $0xA  }
0xbf: {  	_ =	task.clear_ibuf [dreg:s22], $0x4FFFF;
	_ =	strace $0x90000049  }
0xc0: {  	s29 =	simm.s32 $0xA;
	_ =	strace $0x8000004B  }
0xc1: {  	_ =	swait.ge [sflag:s29], $0x1  }
0xc2: {  	[sflag:s29] =	ssyncadd.s32 $0xFFFFFFFF  }
0xc3: {  	_ =	strace $0x9000004B  }
0xc4: {  	_ =	sfence  }
0xc5: {  	s30 =	sld [smem:$0x0];
	_ =	sdelay $0x2  }
0xc6: {  	s31 =	sshll.u32 s1, $0xD;
	s1 =	sshrl.u32 s1, $0x2  }
0xc7: {  	s4 =	sand.u32 $0x4000, s31;
	s1 =	sadd.s32 s1, s30  }
0xc8: {  	s0 =	sor.u32 s4, s0;
	s1 =	sshll.u32 s1, $0x11  }
0xc9: {  	s0 =	sor.u32 s1, s0  }
0xca: {  	s0 =	sadd.s32 $0x8F2B, s0  }
0xcb: {  	[sflag:s0] =	ssyncadd.remote.s32 $0x1  }
0xcc: {  	_ =	sfence.sel $0xFFFF  }
0xcd: {  	[dreg:$0x0] =	wrdreg $0xFFFFFFFF;
	(pc) =	sbr.abs _section_cstart, $3  }
0xce: {  	[dreg:$0x1] =	wrdreg $0xFFFFFFFF  }
0xcf: {  	_ =	task.clear_ibuf [dreg:s22], $0x2FFFF;
	_ =	strace $0x9FFFFFFF  }
0xd0: {  	(tm) =	ssettm $0x7FFFFFFF  }
0xd1: {  	_ =	shalt  }
tec
execute0_lowered:
.L_overlay_start_1:
0x0: {  	(tag) =	ssettag $0x1  }
0x1: {  	s4 =	rddreg [dreg:$0x0]  }
0x2: {  	s0 =	rddreg [dreg:$0x1];
	s2 =	simm.s32 $0x0;
	s3 =	srdreg.scid  }
0x3: {  	s1 =	stileid.u32;
	s9 =	simm.s32 $0x600;
	s10 =	simm.s32 $0x1600  }
0x4: {  	s11 =	simm.s32 $0x1;
	s12 =	simm.s32 $0x80;
	s13 =	simm.s32 $0x0  }
0x5: {  	s5 =	sand.u32 $0x1, s3;
	s29 =	sshll.u32 s1, $0x1;
	s6 =	smul.u32 $0x30000, s1  }
0x6: {  	[smem:$0x7FF] =	sst s2;
	s3 =	sor.u32 s5, s29;
	s7 =	smul.u32 $0x18000, s5  }
0x7: {  	_ =	strace $0x8000004A;
	s5 =	ssub.s32 $0x2, s5;
	s8 =	smul.u32 $0xC0, s3  }
0x8: {  	s3 =	sadd.s32 $0x18AC00, s4;
	s31 =	sshrl.u32 s5, $0x1;
	s6 =	sadd.s32 s7, s6  }
0x9: {  	s5 =	ssub.s32 s5, s31;
	s7 =	simm.s32 $0x2;
	s6 =	sshrl.u32 s6, $0x3  }
0xa: {  	s30 =	sadd.s32 s8, s4;
	s5 =	smax.u32 s5, $0x1;
	s6 =	sadd.s32 s6, s4  }
0xb: {  	s8 =	simm.s32 $0x40;
	s4 =	sadd.s32 $0x14600, s30;
	s6 =	sadd.s32 $0x15E08, s6  }
.LBB2_1:
0xc: {  	[tilespmem:s2], [sflag:$0x2] =	stream.linear.gather [hbm4b:s4+s2], $0x600, $0x38;
	[tilespmem:$0x2600] =	vst v63  }
0xd: {  	_ =	swait.ge [sflag:s7], $0x600  }
0xe: {  	[sflag:s7] =	ssyncset.done $0x0  }
0xf: {  	s14 =	simm.s32 $0x0;
	[sflag:s7] =	ssyncadd.s32 $0xFFFFFA00  }
0x10: {  	[tilespmem:s9], [sflag:$0x1] =	stream.indirect.gather [hbm4b:s3+s8], $0x40, s14, s8, $0xb8;
	[tilespmem:$0x2600] =	vst v63  }
0x11: {  	s30 =	simm.s32 $0x40  }
0x12: {  	[tilespmem:s10], [sflag:$0x1] =	stream.indirect.gather [hbm4b:s3+s8], $0x40, s30, s8, $0xb8;
	[tilespmem:$0x2600] =	vst v63  }
0x13: {  	_ =	swait.ge [sflag:s11], $0x1000  }
0x14: {  	[sflag:s11] =	ssyncset.done $0x0  }
0x15: {  	[sflag:s11] =	ssyncadd.s32 $0xFFFFF000  }
0x16: {  	_ =	swait.ge [sflag:s11], $0x1000  }
0x17: {  	[sflag:s11] =	ssyncset.done $0x0  }
0x18: {  	s31 =	sadd.s32 $0xFFFFFFF8, s6;
	[sflag:s11] =	ssyncadd.s32 $0xFFFFF000  }
0x19: {  	[hbm4b:s31+s8] =	stream.strided.scatter [tilespmem:s9], [sflag:$0x2], $0x1000, s12, s8, $0x38;
	[tilespmem:$0x2600] =	vst v63  }
0x1a: {  	_ =	swait.ge [sflag:s7], $0x1000  }
0x1b: {  	[sflag:s7] =	ssyncset.done $0x0  }
0x1c: {  	[sflag:s7] =	ssyncadd.s32 $0xFFFFF000  }
0x1d: {  	[hbm4b:s6+s8] =	stream.strided.scatter [tilespmem:s10], [sflag:$0x2], $0x1000, s12, s8, $0x38;
	[tilespmem:$0x2600] =	vst v63  }
0x1e: {  	s15 =	simm.s32 $0x200;
	_ =	swait.ge [sflag:s7], $0x1000  }
0x1f: {  	s16 =	simm.s32 $0x400;
	s14 =	sadd.s32 $0x400, s6;
	[sflag:s7] =	ssyncset.done $0x0  }
.LBB2_2:
0x20: {  	s17 =	sshra.s32 s15, $0x2  }
0x21: {  	[sflag:s7] =	ssyncadd.s32 $0xFFFFF000;
	s15 =	smov.u32 s16;
	s18 =	sadd.s32 $0x200, s16  }
0x22: {  	[tilespmem:s9], [sflag:$0x1] =	stream.indirect.gather [hbm4b:s3+s8], $0x40, s17, s8, $0xb8;
	[tilespmem:$0x2600] =	vst v63  }
0x23: {  	p0 =	sne.s32 s16, $0x1600;
	s16 =	sadd.s32 $0x40, s17  }
0x24: {  	[tilespmem:s10], [sflag:$0x1] =	stream.indirect.gather [hbm4b:s3+s8], $0x40, s16, s8, $0xb8;
	[tilespmem:$0x2600] =	vst v63  }
0x25: {  	_ =	swait.ge [sflag:s11], $0x1000  }
0x26: {  	[sflag:s11] =	ssyncset.done $0x0  }
0x27: {  	[sflag:s11] =	ssyncadd.s32 $0xFFFFF000  }
0x28: {  	_ =	swait.ge [sflag:s11], $0x1000  }
0x29: {  	[sflag:s11] =	ssyncset.done $0x0  }
0x2a: {  	s16 =	sadd.s32 $0xFFFFFFF8, s14;
	[sflag:s11] =	ssyncadd.s32 $0xFFFFF000  }
0x2b: {  	[hbm4b:s16+s8] =	stream.strided.scatter [tilespmem:s9], [sflag:$0x2], $0x1000, s12, s8, $0x38;
	[tilespmem:$0x2600] =	vst v63  }
0x2c: {  	_ =	swait.ge [sflag:s7], $0x1000  }
.Ltmp0:
0x2d: {  	[sflag:s7] =	ssyncset.done $0x0;
	(pc) =	sbr.rel @p0 .LBB2_2-.Ltmp0, $4  }
0x2e: {  	[sflag:s7] =	ssyncadd.s32 $0xFFFFF000  }
0x2f: {  	[hbm4b:s14+s8] =	stream.strided.scatter [tilespmem:s10], [sflag:$0x2], $0x1000, s12, s8, $0x38;
	[tilespmem:$0x2600] =	vst v63  }
0x30: {  	_ =	swait.ge [sflag:s7], $0x1000  }
0x31: {  	s16 =	smov.u32 s18;
	s14 =	sadd.s32 $0x400, s14;
	[sflag:s7] =	ssyncset.done $0x0  }
0x32: {  	s15 =	sshra.s32 s15, $0x2;
	[sflag:s7] =	ssyncadd.s32 $0xFFFFF000  }
0x33: {  	[tilespmem:s9], [sflag:$0x1] =	stream.indirect.gather [hbm4b:s3+s8], $0x40, s15, s8, $0xb8;
	[tilespmem:$0x2600] =	vst v63  }
0x34: {  	s15 =	sadd.s32 $0x40, s15  }
0x35: {  	[tilespmem:s10], [sflag:$0x1] =	stream.indirect.gather [hbm4b:s3+s8], $0x40, s15, s8, $0xb8;
	[tilespmem:$0x2600] =	vst v63  }
0x36: {  	_ =	swait.ge [sflag:s11], $0x1000  }
0x37: {  	[sflag:s11] =	ssyncset.done $0x0  }
0x38: {  	[sflag:s11] =	ssyncadd.s32 $0xFFFFF000  }
0x39: {  	_ =	swait.ge [sflag:s11], $0x1000  }
0x3a: {  	[sflag:s11] =	ssyncset.done $0x0  }
0x3b: {  	s31 =	sadd.s32 $0xFFFFFFF8, s14;
	[sflag:s11] =	ssyncadd.s32 $0xFFFFF000  }
0x3c: {  	[hbm4b:s31+s8] =	stream.strided.scatter [tilespmem:s9], [sflag:$0x2], $0x1000, s12, s8, $0x38;
	[tilespmem:$0x2600] =	vst v63  }
0x3d: {  	s13 =	sadd.s32 $0x1, s13;
	_ =	swait.ge [sflag:s7], $0x1000  }
0x3e: {  	p0 =	sne.s32 s13, s5;
	[sflag:s7] =	ssyncset.done $0x0  }
.Ltmp1:
0x3f: {  	[sflag:s7] =	ssyncadd.s32 $0xFFFFF000;
	(pc) =	sbr.rel @p0 .LBB2_1-.Ltmp1, $4  }
0x40: {  	[hbm4b:s14+s8] =	stream.strided.scatter [tilespmem:s10], [sflag:$0x2], $0x1000, s12, s8, $0x38;
	[tilespmem:$0x2600] =	vst v63  }
0x41: {  	_ =	swait.ge [sflag:s7], $0x1000  }
0x42: {  	[sflag:s7] =	ssyncset.done $0x0  }
0x43: {  	[sflag:s7] =	ssyncadd.s32 $0xFFFFF000  }
0x44: {  	_ =	sfence.sel $0x180000  }
0x45: {  	[bflag:$0x0] =	sbarrier.arrive $0xFFFF  }
0x46: {  	p0 =	sne.s32 s1, $0x0;
	_ =	strace $0x9000004A  }
0x47: {  	s0 =	sadd.s32 @!p0 $0x100000, s0;
	[bflag:$0x2] =	sbarrier.arrive $0xFFFF  }
0x48: {  	[sflag:s0] =	ssyncadd.tile.s32 @!p0 $0x1;
	_ =	shalt  }
.Lfunc_end2:
_tile_overlayer_lowered:
.L_overlay_start_2:
0x49: {  	(tag) =	ssettag $0x2  }
0x4a: {  	s0 =	rddreg [dreg:$0x0];
	s2 =	stileid.u32  }
0x4b: {  	s1 =	rddreg [dreg:$0x1];
	p0 =	sne.s32 s2, $0x0  }
0x4c: {  	s3 =	rddreg [dreg:$0x2];
	[bflag:$0x3] =	sbarrier.arrive $0xFFFF;
	s2 =	simm.s32 @!p0 $0x1C02  }
0x4d: {  	[timem:s3], [sflag:s2] =	dma.local @!p0 [hbm:s0], s1  }
0x4e: {  	s0 =	simm.s32 @!p0 $0x2  }
0x4f: {  	_ =	swait.ge @!p0 [sflag:s0], s1  }
0x50: {  	s1 =	ssub.s32 @!p0 $0x0, s1;
	[sflag:s0] =	ssyncset.done @!p0 $0x0  }
0x51: {  	[sflag:s0] =	ssyncadd.s32 @!p0 s1  }
0x52: {  	[bflag:$0x3] =	sbarrier.arrive $0xFFFF  }
0x53: {  	_ =	shalt  }

// kernel: kernel.18.cloned.1.call-start
scs
__scs_entry_jumppad:
0x0: {  	(pc) =	sbr.rel $0x88, $3  }
0x1: {  	(tag) =	ssettag $0x0;
	lr =	simm.s32 $0x1  }
0x2: {  	[smem:$0x3F94] =	sst lr;
	_ =	strace $0xD0000000  }
0x3: {  	_ = 	snop  }
0x4: {  	_ = 	snop  }
0x5: {  	_ = 	snop  }
0x6: {  	_ = 	snop  }
0x7: {  	_ = 	snop  }
__scs_overlays_trampoline_lowered:
0x8: {  	[smem:$0x3FA3] =	sst s0  }
0x9: {  	[smem:$0x3FA4] =	sst s1  }
0xa: {  	[smem:$0x3FA5] =	sst s2  }
0xb: {  	[smem:$0x3FA6] =	sst s3  }
0xc: {  	[smem:$0x3FA7] =	sst s4  }
0xd: {  	[smem:$0x3FA8] =	sst s5  }
0xe: {  	[smem:$0x3FA9] =	sst s6  }
0xf: {  	[smem:$0x3FAA] =	sst s7  }
0x10: {  	[smem:$0x3FAB] =	sst s8  }
0x11: {  	[smem:$0x3FAC] =	sst s9;
	s0 =	simm.s32 @!p0 $0x0  }
0x12: {  	s1 =	sld [smem:$0x3F92];
	s0 =	simm.s32 @p0 $0x1  }
0x13: {  	[smem:$0x3FAD] =	sst s0;
	s0 =	simm.s32 @!p1 $0x0  }
0x14: {  	s2 =	sld [smem:$0x3F91];
	s0 =	simm.s32 @p1 $0x1  }
0x15: {  	[smem:$0x3FAE] =	sst s0;
	s0 =	simm.s32 @!p2 $0x0  }
0x16: {  	s3 =	sld [smem:$0x3FDB];
	s0 =	simm.s32 @p2 $0x1  }
0x17: {  	s4 =	simm.s32 $0x1BF5;
	[smem:$0x3FB0] =	sst s0  }
0x18: {  	s0 =	sld [smem:$0x3F93];
	_ =	swait.ge [sflag:s4], $0x0  }
0x19: {  	s7 =	sld [smem:$0x3F94]  }
0x1a: {  	s8 =	sadd.s32 $0xFFFFE003, lr  }
0x1b: {  	s9 =	sadd.s32 $0xFFFFFEF7, lr;
	s5 =	simm.s32 $0xFFFFFFFF;
	p2 =	slt.u32 s8, $0xFFFFF086  }
0x1c: {  	p1 =	slt.u32 s9, $0xF7A;
	s5 =	simm.s32 @!p2 $0x0  }
0x1d: {  	s5 =	simm.s32 @p1 $0x1;
	p0 =	seq.s32 s7, s2  }
0x1e: {  	s7 =	smul.u32 @!p0 $0xF7A, s2;
	p2 =	seq.s32 @!p0 s5, $0x0  }
0x1f: {  	s9 =	smul.u32 $0xF7A, s1;
	s8 =	simm.s32 @!p0 $0x1BF5;
	p2 =	por !p2, p0  }
0x20: {  	[sflag:s8] =	ssyncset.s32 @!p0 $0xFFFFF086;
	s6 =	sadd.s32 @!p0 s3, s7;
	s7 =	simm.s32 @!p0 $0x108  }
0x21: {  	s3 =	sadd.s32 s3, s9;
	s6 =	sadd.s32 @!p0 $0x88, s6;
	s7 =	simm.s32 @p2 $0x1082  }
0x22: {  	[simem:s7], [sflag:s8] =	dma.local @!p0 [hbm:s6], $0xF7A  }
0x23: {  	s9 =	sor.u32 $0xD0000000, s2;
	s6 =	simm.s32 $0x108;
	_ =	swait.ge @!p0 [sflag:s8], $0x0  }
0x24: {  	s3 =	sadd.s32 $0x88, s3;
	s6 =	simm.s32 @!p1 $0x1082;
	[sflag:s4] =	ssyncset.s32 $0xFFFFF086  }
0x25: {  	[simem:s6], [sflag:s4] =	dma.local [hbm:s3], $0xF7A  }
0x26: {  	[smem:$0x3F94] =	sst s1;
	(tag) =	ssettag s2;
	_ =	strace s9  }
0x27: {  	s1 =	sld [smem:$0x3FA4]  }
0x28: {  	s2 =	sld [smem:$0x3FA5]  }
0x29: {  	s4 =	sld [smem:$0x3FA7]  }
0x2a: {  	p0 =	seq.s32 s5, $0x0;
	s5 =	sld [smem:$0x3FA8]  }
0x2b: {  	s6 =	sld [smem:$0x3FA9]  }
0x2c: {  	s7 =	sld [smem:$0x3FAA]  }
0x2d: {  	s3 =	simm.s32 $0x108;
	s8 =	sld [smem:$0x3FAB]  }
0x2e: {  	s3 =	simm.s32 @!p0 $0x1082;
	s9 =	sld [smem:$0x3FAC]  }
0x2f: {  	lr =	sadd.s32 s0, s3;
	s0 =	sld [smem:$0x3FA3]  }
0x30: {  	s3 =	sld [smem:$0x3FA6]  }
0x31: {  	[smem:$0x3FAF] =	sst s10  }
0x32: {  	s10 =	sld [smem:$0x3FAD];
	_ =	sdelay $0x3  }
0x33: {  	p0 =	seq.s32 s10, $0x1;
	s10 =	sld [smem:$0x3FAF];
	_ =	sdelay $0x3  }
0x34: {  	[smem:$0x3FAF] =	sst s10  }
0x35: {  	s10 =	sld [smem:$0x3FAE];
	_ =	sdelay $0x3  }
0x36: {  	p1 =	seq.s32 s10, $0x1;
	s10 =	sld [smem:$0x3FAF];
	_ =	sdelay $0x3  }
0x37: {  	[smem:$0x3FAF] =	sst s10  }
0x38: {  	s10 =	sld [smem:$0x3FB0]  }
0x39: {  	_ = 	snop;
	(pc) =	sbr.ind lr, $3  }
0x3a: {  	_ = 	snop  }
0x3b: {  	_ = 	snop  }
0x3c: {  	p2 =	seq.s32 s10, $0x1;
	s10 =	sld [smem:$0x3FAF]  }
0x3d: {  	_ =	shalt  }
0x3e: {  	_ =	shalt  }
0x3f: {  	_ =	shalt  }
0x40: {  	_ =	shalt  }
0x41: {  	_ =	shalt  }
0x42: {  	_ =	shalt  }
0x43: {  	_ =	shalt  }
0x44: {  	_ =	shalt  }
0x45: {  	_ =	shalt  }
0x46: {  	_ =	shalt  }
0x47: {  	_ =	shalt  }
0x48: {  	_ =	shalt  }
0x49: {  	_ =	shalt  }
0x4a: {  	_ =	shalt  }
0x4b: {  	_ =	shalt  }
0x4c: {  	_ =	shalt  }
0x4d: {  	_ =	shalt  }
0x4e: {  	_ =	shalt  }
0x4f: {  	_ =	shalt  }
0x50: {  	_ =	shalt  }
0x51: {  	_ =	shalt  }
0x52: {  	_ =	shalt  }
0x53: {  	_ =	shalt  }
0x54: {  	_ =	shalt  }
0x55: {  	_ =	shalt  }
0x56: {  	_ =	shalt  }
0x57: {  	_ =	shalt  }
0x58: {  	_ =	shalt  }
0x59: {  	_ =	shalt  }
0x5a: {  	_ =	shalt  }
0x5b: {  	_ =	shalt  }
0x5c: {  	_ =	shalt  }
0x5d: {  	_ =	shalt  }
0x5e: {  	_ =	shalt  }
0x5f: {  	_ =	shalt  }
0x60: {  	_ =	shalt  }
0x61: {  	_ =	shalt  }
0x62: {  	_ =	shalt  }
0x63: {  	_ =	shalt  }
0x64: {  	_ =	shalt  }
0x65: {  	_ =	shalt  }
0x66: {  	_ =	shalt  }
0x67: {  	_ =	shalt  }
0x68: {  	_ =	shalt  }
0x69: {  	_ =	shalt  }
0x6a: {  	_ =	shalt  }
0x6b: {  	_ =	shalt  }
0x6c: {  	_ =	shalt  }
0x6d: {  	_ =	shalt  }
0x6e: {  	_ =	shalt  }
0x6f: {  	_ =	shalt  }
0x70: {  	_ =	shalt  }
0x71: {  	_ =	shalt  }
0x72: {  	_ =	shalt  }
0x73: {  	_ =	shalt  }
0x74: {  	_ =	shalt  }
0x75: {  	_ =	shalt  }
0x76: {  	_ =	shalt  }
0x77: {  	_ =	shalt  }
0x78: {  	_ =	shalt  }
0x79: {  	_ =	shalt  }
0x7a: {  	_ =	shalt  }
0x7b: {  	_ =	shalt  }
0x7c: {  	_ =	shalt  }
0x7d: {  	_ =	shalt  }
0x7e: {  	_ =	shalt  }
0x7f: {  	_ =	shalt  }
0x80: {  	_ =	shalt  }
0x81: {  	_ =	shalt  }
0x82: {  	_ =	shalt  }
0x83: {  	_ =	shalt  }
0x84: {  	_ =	shalt  }
0x85: {  	_ =	shalt  }
0x86: {  	_ =	shalt  }
0x87: {  	_ =	shalt  }
.Lfunc_end0:
.L_simem_size_0:
called_computation.2_lowered:
.L_overlay_start_0:
0x88: {  	s2 =	sld [smem:$0x3FD9]  }
0x89: {  	s3 =	sld [smem:$0x3FFE];
	_ =	sdelay $0x1  }
0x8a: {  	s1 =	srdreg.scid  }
0x8b: {  	s0 =	sand.u32 $0x1, s1  }
0x8c: {  	s17 =	sshll.u32 s0, $0xA;
	s2 =	sadd.s32 s3, s2  }
0x8d: {  	s2 =	sadd.s32 s2, s17  }
0x8e: {  	[smem:$0x3FBB] =	sst s2  }
0x8f: {  	_ = 	snop  }
0x90: {  	(tm) =	ssettm $0x1  }
0x91: {  	s18 =	sld [smem:$0x3FFB];
	_ =	sdelay $0x3  }
0x92: {  	_ =	strace s18  }
0x93: {  	s2 =	sld [smem:$0x3FFC];
	_ =	sdelay $0x3  }
0x94: {  	_ =	strace s2  }
0x95: {  	s2 =	sld [smem:$0x3FFD];
	_ =	sdelay $0x3  }
0x96: {  	_ =	strace s2  }
0x97: {  	_ =	strace $0x8FFFFFFF  }
0x98: {  	s19 =	sld [smem:$0x3FDB];
	_ =	sdelay $0x1  }
0x99: {  	s20 =	simm.s32 $_scs_section_size  }
0x9a: {  	s4 =	simm.s32 $_size__tile_overlayer_lowered;
	s5 =	simm.s32 $_tile_overlayer_lowered  }
0x9b: {  	s6 =	simm.s32 $0x1BFF;
	s21 =	sshll.u32 s5, $0x1;
	s3 =	sadd.s32 s20, s19  }
0x9c: {  	s22 =	simm.s32 $0x0;
	s4 =	sshll.u32 s4, $0x1;
	s5 =	sadd.s32 s21, s3  }
0x9d: {  	[timem:s22], [sflag:s6] =	dma.local [hbm:s5], s4  }
0x9e: {  	_ =	swait.ge [sflag:s6], s4  }
0x9f: {  	s4 =	ssub.s32 $0x0, s4;
	[sflag:s6] =	ssyncset.done $0x0  }
0xa0: {  	[sflag:s6] =	ssyncadd.s32 s4;
	_ =	sdelay $0x1  }
0xa1: {  	s23 =	simm.s32 $0x1B8B  }
0xa2: {  	_ =	swait.ge [sflag:s23], $0x1  }
0xa3: {  	[sflag:s23] =	ssyncset.done $0x0  }
0xa4: {  	[sflag:s23] =	ssyncadd.s32 $0xFFFFFFFF  }
0xa5: {  	s4 =	sld [smem:$0x0]  }
0xa6: {  	s5 =	sand.u32 $0xFFFFFFFE, s1  }
0xa7: {  	p0 =	sne.s32 s1, s5  }
0xa8: {  	s5 =	sshll.u32 @p0 s5, $0xE  }
0xa9: {  	s5 =	sadd.s32 @p0 $0x11B8D, s5;
	s6 =	sshll.u32 @p0 s4, $0x11  }
0xaa: {  	s5 =	sor.u32 @p0 s6, s5  }
0xab: {  	[sflag:s5] =	ssyncadd.remote.s32 @p0 $0x1;
	_ =	sdelay $0x1  }
0xac: {  	s5 =	simm.s32 @p0 $0x1B8D  }
0xad: {  	_ =	swait.eq @p0 [sflag:s5], $0x1  }
0xae: {  	[sflag:s5] =	ssyncadd.s32 @p0 $0xFFFFFFFF  }
0xaf: {  	s6 =	sshll.u32 @!p0 s1, $0xE  }
0xb0: {  	s6 =	sor.u32 @!p0 $0x4000, s6;
	s5 =	simm.s32 @!p0 $0x1B8D  }
0xb1: {  	s4 =	sshll.u32 @!p0 s4, $0x11;
	s6 =	sadd.s32 @!p0 $0x11B8D, s6;
	_ =	swait.eq @!p0 [sflag:s5], $0x1  }
0xb2: {  	s4 =	sor.u32 @!p0 s4, s6;
	[sflag:s5] =	ssyncadd.s32 @!p0 $0xFFFFFFFF  }
0xb3: {  	s25 =	simm.s32 $0x1B8E;
	s24 =	sld [smem:$0x3FFE];
	[sflag:s4] =	ssyncadd.remote.s32 @!p0 $0x1  }
0xb4: {  	s26 =	simm.s32 $execute0_lowered;
	[smem:$0x3FD2] =	sst s25  }
0xb5: {  	s5 =	sshll.u32 s26, $0x1;
	_ =	strace $0x8000004C;
	[dreg:$0x1] =	wrdreg $0xFFFFFFFF  }
0xb6: {  	s28 =	simm.s32 $_size_execute0_lowered;
	s3 =	sadd.s32 s3, s5;
	[dreg:$0x0] =	wrdreg $0x0  }
0xb7: {  	s5 =	sshll.u32 s28, $0x1;
	[dreg:$0x2] =	wrdreg s3  }
0xb8: {  	[dreg:$0x3] =	wrdreg s5  }
0xb9: {  	[dreg:$0x4] =	wrdreg $0xC0  }
0xba: {  	_ =	task [dreg:s22], $0x5FFFF  }
0xbb: {  	[dreg:$0x1] =	wrdreg $0xFFFFFFFF  }
0xbc: {  	[dreg:$0x0] =	wrdreg $0x60  }
0xbd: {  	[dreg:$0x2] =	wrdreg s24  }
0xbe: {  	[dreg:$0x3] =	wrdreg $0xB  }
0xbf: {  	_ =	task.clear_ibuf [dreg:s22], $0x4FFFF;
	_ =	strace $0x9000004C  }
0xc0: {  	s29 =	simm.s32 $0xB;
	_ =	strace $0x8000004E  }
0xc1: {  	_ =	swait.ge [sflag:s29], $0x1  }
0xc2: {  	[sflag:s29] =	ssyncadd.s32 $0xFFFFFFFF  }
0xc3: {  	_ =	strace $0x9000004E  }
0xc4: {  	_ =	sfence  }
0xc5: {  	s30 =	sld [smem:$0x0];
	_ =	sdelay $0x2  }
0xc6: {  	s31 =	sshll.u32 s1, $0xD;
	s1 =	sshrl.u32 s1, $0x2  }
0xc7: {  	s4 =	sand.u32 $0x4000, s31;
	s1 =	sadd.s32 s1, s30  }
0xc8: {  	s0 =	sor.u32 s4, s0;
	s1 =	sshll.u32 s1, $0x11  }
0xc9: {  	s0 =	sor.u32 s1, s0  }
0xca: {  	s0 =	sadd.s32 $0x8F2B, s0  }
0xcb: {  	[sflag:s0] =	ssyncadd.remote.s32 $0x1  }
0xcc: {  	_ =	sfence.sel $0xFFFF  }
0xcd: {  	[dreg:$0x0] =	wrdreg $0xFFFFFFFF;
	(pc) =	sbr.abs _section_cstart, $3  }
0xce: {  	[dreg:$0x1] =	wrdreg $0xFFFFFFFF  }
0xcf: {  	_ =	task.clear_ibuf [dreg:s22], $0x2FFFF;
	_ =	strace $0x9FFFFFFF  }
0xd0: {  	(tm) =	ssettm $0x7FFFFFFF  }
0xd1: {  	_ =	shalt  }
tec
execute0_lowered:
.L_overlay_start_1:
0x0: {  	(tag) =	ssettag $0x1  }
0x1: {  	s4 =	rddreg [dreg:$0x0]  }
0x2: {  	s0 =	rddreg [dreg:$0x1];
	s2 =	simm.s32 $0x0;
	s3 =	srdreg.scid  }
0x3: {  	s1 =	stileid.u32;
	s9 =	simm.s32 $0x600;
	s10 =	simm.s32 $0x1600  }
0x4: {  	s11 =	simm.s32 $0x1;
	s12 =	simm.s32 $0x80;
	s13 =	simm.s32 $0x0  }
0x5: {  	s5 =	sand.u32 $0x1, s3;
	s29 =	sshll.u32 s1, $0x1;
	s6 =	smul.u32 $0x30000, s1  }
0x6: {  	[smem:$0x7FF] =	sst s2;
	s3 =	sor.u32 s5, s29;
	s7 =	smul.u32 $0x18000, s5  }
0x7: {  	_ =	strace $0x8000004D;
	s5 =	ssub.s32 $0x2, s5;
	s8 =	smul.u32 $0xC0, s3  }
0x8: {  	s3 =	sadd.s32 $0x18AC00, s4;
	s31 =	sshrl.u32 s5, $0x1;
	s6 =	sadd.s32 s7, s6  }
0x9: {  	s5 =	ssub.s32 s5, s31;
	s7 =	simm.s32 $0x2;
	s6 =	sshrl.u32 s6, $0x3  }
0xa: {  	s30 =	sadd.s32 s8, s4;
	s5 =	smax.u32 s5, $0x1;
	s6 =	sadd.s32 s6, s4  }
0xb: {  	s8 =	simm.s32 $0x40;
	s4 =	sadd.s32 $0x75E00, s30;
	s6 =	sadd.s32 $0x77608, s6  }
.LBB2_1:
0xc: {  	[tilespmem:s2], [sflag:$0x2] =	stream.linear.gather [hbm4b:s4+s2], $0x600, $0x38;
	[tilespmem:$0x2600] =	vst v63  }
0xd: {  	_ =	swait.ge [sflag:s7], $0x600  }
0xe: {  	[sflag:s7] =	ssyncset.done $0x0  }
0xf: {  	s14 =	simm.s32 $0x0;
	[sflag:s7] =	ssyncadd.s32 $0xFFFFFA00  }
0x10: {  	[tilespmem:s9], [sflag:$0x1] =	stream.indirect.gather [hbm4b:s3+s8], $0x40, s14, s8, $0xb8;
	[tilespmem:$0x2600] =	vst v63  }
0x11: {  	s30 =	simm.s32 $0x40  }
0x12: {  	[tilespmem:s10], [sflag:$0x1] =	stream.indirect.gather [hbm4b:s3+s8], $0x40, s30, s8, $0xb8;
	[tilespmem:$0x2600] =	vst v63  }
0x13: {  	_ =	swait.ge [sflag:s11], $0x1000  }
0x14: {  	[sflag:s11] =	ssyncset.done $0x0  }
0x15: {  	[sflag:s11] =	ssyncadd.s32 $0xFFFFF000  }
0x16: {  	_ =	swait.ge [sflag:s11], $0x1000  }
0x17: {  	[sflag:s11] =	ssyncset.done $0x0  }
0x18: {  	s31 =	sadd.s32 $0xFFFFFFF8, s6;
	[sflag:s11] =	ssyncadd.s32 $0xFFFFF000  }
0x19: {  	[hbm4b:s31+s8] =	stream.strided.scatter [tilespmem:s9], [sflag:$0x2], $0x1000, s12, s8, $0x38;
	[tilespmem:$0x2600] =	vst v63  }
0x1a: {  	_ =	swait.ge [sflag:s7], $0x1000  }
0x1b: {  	[sflag:s7] =	ssyncset.done $0x0  }
0x1c: {  	[sflag:s7] =	ssyncadd.s32 $0xFFFFF000  }
0x1d: {  	[hbm4b:s6+s8] =	stream.strided.scatter [tilespmem:s10], [sflag:$0x2], $0x1000, s12, s8, $0x38;
	[tilespmem:$0x2600] =	vst v63  }
0x1e: {  	s15 =	simm.s32 $0x200;
	_ =	swait.ge [sflag:s7], $0x1000  }
0x1f: {  	s16 =	simm.s32 $0x400;
	s14 =	sadd.s32 $0x400, s6;
	[sflag:s7] =	ssyncset.done $0x0  }
.LBB2_2:
0x20: {  	s17 =	sshra.s32 s15, $0x2  }
0x21: {  	[sflag:s7] =	ssyncadd.s32 $0xFFFFF000;
	s15 =	smov.u32 s16;
	s18 =	sadd.s32 $0x200, s16  }
0x22: {  	[tilespmem:s9], [sflag:$0x1] =	stream.indirect.gather [hbm4b:s3+s8], $0x40, s17, s8, $0xb8;
	[tilespmem:$0x2600] =	vst v63  }
0x23: {  	p0 =	sne.s32 s16, $0x1600;
	s16 =	sadd.s32 $0x40, s17  }
0x24: {  	[tilespmem:s10], [sflag:$0x1] =	stream.indirect.gather [hbm4b:s3+s8], $0x40, s16, s8, $0xb8;
	[tilespmem:$0x2600] =	vst v63  }
0x25: {  	_ =	swait.ge [sflag:s11], $0x1000  }
0x26: {  	[sflag:s11] =	ssyncset.done $0x0  }
0x27: {  	[sflag:s11] =	ssyncadd.s32 $0xFFFFF000  }
0x28: {  	_ =	swait.ge [sflag:s11], $0x1000  }
0x29: {  	[sflag:s11] =	ssyncset.done $0x0  }
0x2a: {  	s16 =	sadd.s32 $0xFFFFFFF8, s14;
	[sflag:s11] =	ssyncadd.s32 $0xFFFFF000  }
0x2b: {  	[hbm4b:s16+s8] =	stream.strided.scatter [tilespmem:s9], [sflag:$0x2], $0x1000, s12, s8, $0x38;
	[tilespmem:$0x2600] =	vst v63  }
0x2c: {  	_ =	swait.ge [sflag:s7], $0x1000  }
.Ltmp0:
0x2d: {  	[sflag:s7] =	ssyncset.done $0x0;
	(pc) =	sbr.rel @p0 .LBB2_2-.Ltmp0, $4  }
0x2e: {  	[sflag:s7] =	ssyncadd.s32 $0xFFFFF000  }
0x2f: {  	[hbm4b:s14+s8] =	stream.strided.scatter [tilespmem:s10], [sflag:$0x2], $0x1000, s12, s8, $0x38;
	[tilespmem:$0x2600] =	vst v63  }
0x30: {  	_ =	swait.ge [sflag:s7], $0x1000  }
0x31: {  	s16 =	smov.u32 s18;
	s14 =	sadd.s32 $0x400, s14;
	[sflag:s7] =	ssyncset.done $0x0  }
0x32: {  	s15 =	sshra.s32 s15, $0x2;
	[sflag:s7] =	ssyncadd.s32 $0xFFFFF000  }
0x33: {  	[tilespmem:s9], [sflag:$0x1] =	stream.indirect.gather [hbm4b:s3+s8], $0x40, s15, s8, $0xb8;
	[tilespmem:$0x2600] =	vst v63  }
0x34: {  	s15 =	sadd.s32 $0x40, s15  }
0x35: {  	[tilespmem:s10], [sflag:$0x1] =	stream.indirect.gather [hbm4b:s3+s8], $0x40, s15, s8, $0xb8;
	[tilespmem:$0x2600] =	vst v63  }
0x36: {  	_ =	swait.ge [sflag:s11], $0x1000  }
0x37: {  	[sflag:s11] =	ssyncset.done $0x0  }
0x38: {  	[sflag:s11] =	ssyncadd.s32 $0xFFFFF000  }
0x39: {  	_ =	swait.ge [sflag:s11], $0x1000  }
0x3a: {  	[sflag:s11] =	ssyncset.done $0x0  }
0x3b: {  	s31 =	sadd.s32 $0xFFFFFFF8, s14;
	[sflag:s11] =	ssyncadd.s32 $0xFFFFF000  }
0x3c: {  	[hbm4b:s31+s8] =	stream.strided.scatter [tilespmem:s9], [sflag:$0x2], $0x1000, s12, s8, $0x38;
	[tilespmem:$0x2600] =	vst v63  }
0x3d: {  	s13 =	sadd.s32 $0x1, s13;
	_ =	swait.ge [sflag:s7], $0x1000  }
0x3e: {  	p0 =	sne.s32 s13, s5;
	[sflag:s7] =	ssyncset.done $0x0  }
.Ltmp1:
0x3f: {  	[sflag:s7] =	ssyncadd.s32 $0xFFFFF000;
	(pc) =	sbr.rel @p0 .LBB2_1-.Ltmp1, $4  }
0x40: {  	[hbm4b:s14+s8] =	stream.strided.scatter [tilespmem:s10], [sflag:$0x2], $0x1000, s12, s8, $0x38;
	[tilespmem:$0x2600] =	vst v63  }
0x41: {  	_ =	swait.ge [sflag:s7], $0x1000  }
0x42: {  	[sflag:s7] =	ssyncset.done $0x0  }
0x43: {  	[sflag:s7] =	ssyncadd.s32 $0xFFFFF000  }
0x44: {  	_ =	sfence.sel $0x180000  }
0x45: {  	[bflag:$0x0] =	sbarrier.arrive $0xFFFF  }
0x46: {  	p0 =	sne.s32 s1, $0x0;
	_ =	strace $0x9000004D  }
0x47: {  	s0 =	sadd.s32 @!p0 $0x100000, s0;
	[bflag:$0x2] =	sbarrier.arrive $0xFFFF  }
0x48: {  	[sflag:s0] =	ssyncadd.tile.s32 @!p0 $0x1;
	_ =	shalt  }
.Lfunc_end2:
_tile_overlayer_lowered:
.L_overlay_start_2:
0x49: {  	(tag) =	ssettag $0x2  }
0x4a: {  	s0 =	rddreg [dreg:$0x0];
	s2 =	stileid.u32  }
0x4b: {  	s1 =	rddreg [dreg:$0x1];
	p0 =	sne.s32 s2, $0x0  }
0x4c: {  	s3 =	rddreg [dreg:$0x2];
	[bflag:$0x3] =	sbarrier.arrive $0xFFFF;
	s2 =	simm.s32 @!p0 $0x1C02  }
0x4d: {  	[timem:s3], [sflag:s2] =	dma.local @!p0 [hbm:s0], s1  }
0x4e: {  	s0 =	simm.s32 @!p0 $0x2  }
0x4f: {  	_ =	swait.ge @!p0 [sflag:s0], s1  }
0x50: {  	s1 =	ssub.s32 @!p0 $0x0, s1;
	[sflag:s0] =	ssyncset.done @!p0 $0x0  }
0x51: {  	[sflag:s0] =	ssyncadd.s32 @!p0 s1  }
0x52: {  	[bflag:$0x3] =	sbarrier.arrive $0xFFFF  }
0x53: {  	_ =	shalt  }

// kernel: kernel.21.cloned.1.call-start
scs
__scs_entry_jumppad:
0x0: {  	(pc) =	sbr.rel $0x88, $3  }
0x1: {  	(tag) =	ssettag $0x0;
	lr =	simm.s32 $0x1  }
0x2: {  	[smem:$0x3F94] =	sst lr;
	_ =	strace $0xD0000000  }
0x3: {  	_ = 	snop  }
0x4: {  	_ = 	snop  }
0x5: {  	_ = 	snop  }
0x6: {  	_ = 	snop  }
0x7: {  	_ = 	snop  }
__scs_overlays_trampoline_lowered:
0x8: {  	[smem:$0x3FA3] =	sst s0  }
0x9: {  	[smem:$0x3FA4] =	sst s1  }
0xa: {  	[smem:$0x3FA5] =	sst s2  }
0xb: {  	[smem:$0x3FA6] =	sst s3  }
0xc: {  	[smem:$0x3FA7] =	sst s4  }
0xd: {  	[smem:$0x3FA8] =	sst s5  }
0xe: {  	[smem:$0x3FA9] =	sst s6  }
0xf: {  	[smem:$0x3FAA] =	sst s7  }
0x10: {  	[smem:$0x3FAB] =	sst s8  }
0x11: {  	[smem:$0x3FAC] =	sst s9;
	s0 =	simm.s32 @!p0 $0x0  }
0x12: {  	s1 =	sld [smem:$0x3F92];
	s0 =	simm.s32 @p0 $0x1  }
0x13: {  	[smem:$0x3FAD] =	sst s0;
	s0 =	simm.s32 @!p1 $0x0  }
0x14: {  	s2 =	sld [smem:$0x3F91];
	s0 =	simm.s32 @p1 $0x1  }
0x15: {  	[smem:$0x3FAE] =	sst s0;
	s0 =	simm.s32 @!p2 $0x0  }
0x16: {  	s3 =	sld [smem:$0x3FDB];
	s0 =	simm.s32 @p2 $0x1  }
0x17: {  	s4 =	simm.s32 $0x1BF5;
	[smem:$0x3FB0] =	sst s0  }
0x18: {  	s0 =	sld [smem:$0x3F93];
	_ =	swait.ge [sflag:s4], $0x0  }
0x19: {  	s7 =	sld [smem:$0x3F94]  }
0x1a: {  	s8 =	sadd.s32 $0xFFFFE003, lr  }
0x1b: {  	s9 =	sadd.s32 $0xFFFFFEF7, lr;
	s5 =	simm.s32 $0xFFFFFFFF;
	p2 =	slt.u32 s8, $0xFFFFF086  }
0x1c: {  	p1 =	slt.u32 s9, $0xF7A;
	s5 =	simm.s32 @!p2 $0x0  }
0x1d: {  	s5 =	simm.s32 @p1 $0x1;
	p0 =	seq.s32 s7, s2  }
0x1e: {  	s7 =	smul.u32 @!p0 $0xF7A, s2;
	p2 =	seq.s32 @!p0 s5, $0x0  }
0x1f: {  	s9 =	smul.u32 $0xF7A, s1;
	s8 =	simm.s32 @!p0 $0x1BF5;
	p2 =	por !p2, p0  }
0x20: {  	[sflag:s8] =	ssyncset.s32 @!p0 $0xFFFFF086;
	s6 =	sadd.s32 @!p0 s3, s7;
	s7 =	simm.s32 @!p0 $0x108  }
0x21: {  	s3 =	sadd.s32 s3, s9;
	s6 =	sadd.s32 @!p0 $0x88, s6;
	s7 =	simm.s32 @p2 $0x1082  }
0x22: {  	[simem:s7], [sflag:s8] =	dma.local @!p0 [hbm:s6], $0xF7A  }
0x23: {  	s9 =	sor.u32 $0xD0000000, s2;
	s6 =	simm.s32 $0x108;
	_ =	swait.ge @!p0 [sflag:s8], $0x0  }
0x24: {  	s3 =	sadd.s32 $0x88, s3;
	s6 =	simm.s32 @!p1 $0x1082;
	[sflag:s4] =	ssyncset.s32 $0xFFFFF086  }
0x25: {  	[simem:s6], [sflag:s4] =	dma.local [hbm:s3], $0xF7A  }
0x26: {  	[smem:$0x3F94] =	sst s1;
	(tag) =	ssettag s2;
	_ =	strace s9  }
0x27: {  	s1 =	sld [smem:$0x3FA4]  }
0x28: {  	s2 =	sld [smem:$0x3FA5]  }
0x29: {  	s4 =	sld [smem:$0x3FA7]  }
0x2a: {  	p0 =	seq.s32 s5, $0x0;
	s5 =	sld [smem:$0x3FA8]  }
0x2b: {  	s6 =	sld [smem:$0x3FA9]  }
0x2c: {  	s7 =	sld [smem:$0x3FAA]  }
0x2d: {  	s3 =	simm.s32 $0x108;
	s8 =	sld [smem:$0x3FAB]  }
0x2e: {  	s3 =	simm.s32 @!p0 $0x1082;
	s9 =	sld [smem:$0x3FAC]  }
0x2f: {  	lr =	sadd.s32 s0, s3;
	s0 =	sld [smem:$0x3FA3]  }
0x30: {  	s3 =	sld [smem:$0x3FA6]  }
0x31: {  	[smem:$0x3FAF] =	sst s10  }
0x32: {  	s10 =	sld [smem:$0x3FAD];
	_ =	sdelay $0x3  }
0x33: {  	p0 =	seq.s32 s10, $0x1;
	s10 =	sld [smem:$0x3FAF];
	_ =	sdelay $0x3  }
0x34: {  	[smem:$0x3FAF] =	sst s10  }
0x35: {  	s10 =	sld [smem:$0x3FAE];
	_ =	sdelay $0x3  }
0x36: {  	p1 =	seq.s32 s10, $0x1;
	s10 =	sld [smem:$0x3FAF];
	_ =	sdelay $0x3  }
0x37: {  	[smem:$0x3FAF] =	sst s10  }
0x38: {  	s10 =	sld [smem:$0x3FB0]  }
0x39: {  	_ = 	snop;
	(pc) =	sbr.ind lr, $3  }
0x3a: {  	_ = 	snop  }
0x3b: {  	_ = 	snop  }
0x3c: {  	p2 =	seq.s32 s10, $0x1;
	s10 =	sld [smem:$0x3FAF]  }
0x3d: {  	_ =	shalt  }
0x3e: {  	_ =	shalt  }
0x3f: {  	_ =	shalt  }
0x40: {  	_ =	shalt  }
0x41: {  	_ =	shalt  }
0x42: {  	_ =	shalt  }
0x43: {  	_ =	shalt  }
0x44: {  	_ =	shalt  }
0x45: {  	_ =	shalt  }
0x46: {  	_ =	shalt  }
0x47: {  	_ =	shalt  }
0x48: {  	_ =	shalt  }
0x49: {  	_ =	shalt  }
0x4a: {  	_ =	shalt  }
0x4b: {  	_ =	shalt  }
0x4c: {  	_ =	shalt  }
0x4d: {  	_ =	shalt  }
0x4e: {  	_ =	shalt  }
0x4f: {  	_ =	shalt  }
0x50: {  	_ =	shalt  }
0x51: {  	_ =	shalt  }
0x52: {  	_ =	shalt  }
0x53: {  	_ =	shalt  }
0x54: {  	_ =	shalt  }
0x55: {  	_ =	shalt  }
0x56: {  	_ =	shalt  }
0x57: {  	_ =	shalt  }
0x58: {  	_ =	shalt  }
0x59: {  	_ =	shalt  }
0x5a: {  	_ =	shalt  }
0x5b: {  	_ =	shalt  }
0x5c: {  	_ =	shalt  }
0x5d: {  	_ =	shalt  }
0x5e: {  	_ =	shalt  }
0x5f: {  	_ =	shalt  }
0x60: {  	_ =	shalt  }
0x61: {  	_ =	shalt  }
0x62: {  	_ =	shalt  }
0x63: {  	_ =	shalt  }
0x64: {  	_ =	shalt  }
0x65: {  	_ =	shalt  }
0x66: {  	_ =	shalt  }
0x67: {  	_ =	shalt  }
0x68: {  	_ =	shalt  }
0x69: {  	_ =	shalt  }
0x6a: {  	_ =	shalt  }
0x6b: {  	_ =	shalt  }
0x6c: {  	_ =	shalt  }
0x6d: {  	_ =	shalt  }
0x6e: {  	_ =	shalt  }
0x6f: {  	_ =	shalt  }
0x70: {  	_ =	shalt  }
0x71: {  	_ =	shalt  }
0x72: {  	_ =	shalt  }
0x73: {  	_ =	shalt  }
0x74: {  	_ =	shalt  }
0x75: {  	_ =	shalt  }
0x76: {  	_ =	shalt  }
0x77: {  	_ =	shalt  }
0x78: {  	_ =	shalt  }
0x79: {  	_ =	shalt  }
0x7a: {  	_ =	shalt  }
0x7b: {  	_ =	shalt  }
0x7c: {  	_ =	shalt  }
0x7d: {  	_ =	shalt  }
0x7e: {  	_ =	shalt  }
0x7f: {  	_ =	shalt  }
0x80: {  	_ =	shalt  }
0x81: {  	_ =	shalt  }
0x82: {  	_ =	shalt  }
0x83: {  	_ =	shalt  }
0x84: {  	_ =	shalt  }
0x85: {  	_ =	shalt  }
0x86: {  	_ =	shalt  }
0x87: {  	_ =	shalt  }
.Lfunc_end0:
.L_simem_size_0:
called_computation.3_lowered:
.L_overlay_start_0:
0x88: {  	s2 =	sld [smem:$0x3FD9]  }
0x89: {  	s3 =	sld [smem:$0x3FFE];
	_ =	sdelay $0x1  }
0x8a: {  	s1 =	srdreg.scid  }
0x8b: {  	s0 =	sand.u32 $0x1, s1  }
0x8c: {  	s15 =	sshll.u32 s0, $0xA;
	s2 =	sadd.s32 s3, s2  }
0x8d: {  	s2 =	sadd.s32 s2, s15  }
0x8e: {  	[smem:$0x3FBB] =	sst s2  }
0x8f: {  	_ = 	snop  }
0x90: {  	s2 =	sld [smem:$0x3FD0];
	_ =	sdelay $0x2  }
0x91: {  	s16 =	simm.s32 $0xE;
	s4 =	simm.s32 $0x10  }
0x92: {  	[smem:s4], [sflag:s16] =	dma.local [hbm:s2], $0x1  }
0x93: {  	_ =	swait.eq [sflag:s16], $0x1  }
0x94: {  	[sflag:s16] =	ssyncset.done $0x0  }
0x95: {  	[sflag:s16] =	ssyncadd.s32 $0xFFFFFFFF  }
0x96: {  	s17 =	sld [smem:$0x10];
	(tm) =	ssettm $0x1  }
0x97: {  	s18 =	sld [smem:$0x3FFB];
	_ =	sdelay $0x3  }
0x98: {  	_ =	strace s18  }
0x99: {  	s2 =	sld [smem:$0x3FFC];
	_ =	sdelay $0x3  }
0x9a: {  	_ =	strace s2  }
0x9b: {  	s2 =	sld [smem:$0x3FFD];
	_ =	sdelay $0x3  }
0x9c: {  	_ =	strace s2  }
0x9d: {  	_ =	strace $0x8FFFFFFF  }
0x9e: {  	s19 =	sld [smem:$0x3FDB];
	_ =	sdelay $0x1  }
0x9f: {  	s20 =	simm.s32 $_scs_section_size  }
0xa0: {  	s5 =	simm.s32 $_size__tile_overlayer_lowered;
	s6 =	simm.s32 $_tile_overlayer_lowered  }
0xa1: {  	s7 =	simm.s32 $0x1BFF;
	s21 =	sshll.u32 s6, $0x1;
	s4 =	sadd.s32 s20, s19  }
0xa2: {  	s22 =	simm.s32 $0x0;
	s5 =	sshll.u32 s5, $0x1;
	s6 =	sadd.s32 s21, s4  }
0xa3: {  	[timem:s22], [sflag:s7] =	dma.local [hbm:s6], s5  }
0xa4: {  	_ =	swait.ge [sflag:s7], s5  }
0xa5: {  	s5 =	ssub.s32 $0x0, s5;
	[sflag:s7] =	ssyncset.done $0x0  }
0xa6: {  	[sflag:s7] =	ssyncadd.s32 s5;
	_ =	sdelay $0x1  }
0xa7: {  	s23 =	simm.s32 $0x1B8B  }
0xa8: {  	_ =	swait.ge [sflag:s23], $0x1  }
0xa9: {  	[sflag:s23] =	ssyncset.done $0x0  }
0xaa: {  	[sflag:s23] =	ssyncadd.s32 $0xFFFFFFFF  }
0xab: {  	s5 =	sld [smem:$0x0]  }
0xac: {  	s6 =	sand.u32 $0xFFFFFFFE, s1  }
0xad: {  	p0 =	sne.s32 s1, s6  }
0xae: {  	s6 =	sshll.u32 @p0 s6, $0xE  }
0xaf: {  	s6 =	sadd.s32 @p0 $0x11B8D, s6;
	s7 =	sshll.u32 @p0 s5, $0x11  }
0xb0: {  	s6 =	sor.u32 @p0 s7, s6  }
0xb1: {  	[sflag:s6] =	ssyncadd.remote.s32 @p0 $0x1;
	_ =	sdelay $0x1  }
0xb2: {  	s6 =	simm.s32 @p0 $0x1B8D  }
0xb3: {  	_ =	swait.eq @p0 [sflag:s6], $0x1  }
0xb4: {  	[sflag:s6] =	ssyncadd.s32 @p0 $0xFFFFFFFF  }
0xb5: {  	s7 =	sshll.u32 @!p0 s1, $0xE  }
0xb6: {  	s7 =	sor.u32 @!p0 $0x4000, s7;
	s6 =	simm.s32 @!p0 $0x1B8D  }
0xb7: {  	s5 =	sshll.u32 @!p0 s5, $0x11;
	s7 =	sadd.s32 @!p0 $0x11B8D, s7;
	_ =	swait.eq @!p0 [sflag:s6], $0x1  }
0xb8: {  	s5 =	sor.u32 @!p0 s5, s7;
	[sflag:s6] =	ssyncadd.s32 @!p0 $0xFFFFFFFF  }
0xb9: {  	s25 =	simm.s32 $0x1B8E;
	s24 =	sld [smem:$0x3FFE];
	[sflag:s5] =	ssyncadd.remote.s32 @!p0 $0x1  }
0xba: {  	s26 =	simm.s32 $execute0_lowered;
	[smem:$0x3FD2] =	sst s25  }
0xbb: {  	s6 =	sshll.u32 s26, $0x1;
	_ =	strace $0x8000004F;
	[dreg:$0x1] =	wrdreg $0xFFFFFFFF  }
0xbc: {  	s28 =	simm.s32 $_size_execute0_lowered;
	s4 =	sadd.s32 s4, s6;
	[dreg:$0x0] =	wrdreg $0x0  }
0xbd: {  	s6 =	sshll.u32 s28, $0x1;
	[dreg:$0x2] =	wrdreg s4  }
0xbe: {  	[dreg:$0x3] =	wrdreg s6  }
0xbf: {  	[dreg:$0x4] =	wrdreg $0xC0  }
0xc0: {  	_ =	task [dreg:s22], $0x5FFFF  }
0xc1: {  	[dreg:$0x1] =	wrdreg $0xFFFFFFFF  }
0xc2: {  	[dreg:$0x0] =	wrdreg $0x60  }
0xc3: {  	[dreg:$0x2] =	wrdreg s24  }
0xc4: {  	[dreg:$0x3] =	wrdreg s17  }
0xc5: {  	[dreg:$0x4] =	wrdreg $0xC  }
0xc6: {  	_ =	task.clear_ibuf [dreg:s22], $0x5FFFF;
	_ =	strace $0x9000004F  }
0xc7: {  	s29 =	simm.s32 $0xC;
	_ =	strace $0x80000051  }
0xc8: {  	_ =	swait.ge [sflag:s29], $0x1  }
0xc9: {  	[sflag:s29] =	ssyncadd.s32 $0xFFFFFFFF  }
0xca: {  	_ =	strace $0x90000051  }
0xcb: {  	_ =	sfence  }
0xcc: {  	s30 =	sld [smem:$0x0];
	_ =	sdelay $0x2  }
0xcd: {  	s31 =	sshll.u32 s1, $0xD;
	s1 =	sshrl.u32 s1, $0x2  }
0xce: {  	s4 =	sand.u32 $0x4000, s31;
	s1 =	sadd.s32 s1, s30  }
0xcf: {  	s0 =	sor.u32 s4, s0;
	s1 =	sshll.u32 s1, $0x11  }
0xd0: {  	s0 =	sor.u32 s1, s0  }
0xd1: {  	s0 =	sadd.s32 $0x8F2B, s0  }
0xd2: {  	[sflag:s0] =	ssyncadd.remote.s32 $0x1  }
0xd3: {  	_ =	sfence.sel $0xFFFF  }
0xd4: {  	[dreg:$0x0] =	wrdreg $0xFFFFFFFF;
	(pc) =	sbr.abs _section_cstart, $3  }
0xd5: {  	[dreg:$0x1] =	wrdreg $0xFFFFFFFF  }
0xd6: {  	_ =	task.clear_ibuf [dreg:s22], $0x2FFFF;
	_ =	strace $0x9FFFFFFF  }
0xd7: {  	(tm) =	ssettm $0x7FFFFFFF  }
tec
execute0_lowered:
.L_overlay_start_1:
0x0: {  	(tag) =	ssettag $0x1  }
0x1: {  	s4 =	rddreg [dreg:$0x0]  }
0x2: {  	s5 =	rddreg [dreg:$0x1]  }
0x3: {  	s0 =	rddreg [dreg:$0x2];
	s3 =	srdreg.scid  }
0x4: {  	s1 =	stileid.u32;
	s2 =	simm.s32 $0x0;
	s10 =	simm.s32 $0x1600  }
0x5: {  	s11 =	simm.s32 $0x1;
	s12 =	simm.s32 $0x80;
	s13 =	simm.s32 $0x0  }
0x6: {  	s3 =	sand.u32 $0x1, s3;
	s6 =	smul.u32 $0x30000, s1;
	[smem:$0x7FF] =	sst s2  }
0x7: {  	s8 =	sshll.u32 s1, $0x1;
	s7 =	smul.u32 $0x18000, s3;
	_ =	strace $0x80000050  }
0x8: {  	s8 =	sor.u32 s3, s8;
	s31 =	ssub.s32 $0x2, s3;
	s3 =	sadd.s32 $0x18AC00, s4  }
0x9: {  	s8 =	smul.u32 $0xC0, s8;
	s9 =	sshrl.u32 s31, $0x1;
	s6 =	sadd.s32 s7, s6  }
0xa: {  	s7 =	ssub.s32 s31, s9;
	s9 =	simm.s32 $0x600;
	s6 =	sshrl.u32 s6, $0x3  }
0xb: {  	s6 =	sadd.s32 s6, s4;
	s4 =	sadd.s32 s5, s8;
	s5 =	smax.u32 s7, $0x1  }
0xc: {  	s7 =	simm.s32 $0x2;
	s8 =	simm.s32 $0x40;
	s6 =	sadd.s32 $0xD7608, s6  }
.LBB2_1:
0xd: {  	[tilespmem:s2], [sflag:$0x2] =	stream.linear.gather [hbm4b:s4+s2], $0x600, $0x38;
	[tilespmem:$0x2600] =	vst v63  }
0xe: {  	_ =	swait.ge [sflag:s7], $0x600  }
0xf: {  	[sflag:s7] =	ssyncset.done $0x0  }
0x10: {  	s14 =	simm.s32 $0x0;
	[sflag:s7] =	ssyncadd.s32 $0xFFFFFA00  }
0x11: {  	[tilespmem:s9], [sflag:$0x1] =	stream.indirect.gather [hbm4b:s3+s8], $0x40, s14, s8, $0xb8;
	[tilespmem:$0x2600] =	vst v63  }
0x12: {  	s30 =	simm.s32 $0x40  }
0x13: {  	[tilespmem:s10], [sflag:$0x1] =	stream.indirect.gather [hbm4b:s3+s8], $0x40, s30, s8, $0xb8;
	[tilespmem:$0x2600] =	vst v63  }
0x14: {  	_ =	swait.ge [sflag:s11], $0x1000  }
0x15: {  	[sflag:s11] =	ssyncset.done $0x0  }
0x16: {  	[sflag:s11] =	ssyncadd.s32 $0xFFFFF000  }
0x17: {  	_ =	swait.ge [sflag:s11], $0x1000  }
0x18: {  	[sflag:s11] =	ssyncset.done $0x0  }
0x19: {  	s31 =	sadd.s32 $0xFFFFFFF8, s6;
	[sflag:s11] =	ssyncadd.s32 $0xFFFFF000  }
0x1a: {  	[hbm4b:s31+s8] =	stream.strided.scatter [tilespmem:s9], [sflag:$0x2], $0x1000, s12, s8, $0x38;
	[tilespmem:$0x2600] =	vst v63  }
0x1b: {  	_ =	swait.ge [sflag:s7], $0x1000  }
0x1c: {  	[sflag:s7] =	ssyncset.done $0x0  }
0x1d: {  	[sflag:s7] =	ssyncadd.s32 $0xFFFFF000  }
0x1e: {  	[hbm4b:s6+s8] =	stream.strided.scatter [tilespmem:s10], [sflag:$0x2], $0x1000, s12, s8, $0x38;
	[tilespmem:$0x2600] =	vst v63  }
0x1f: {  	s15 =	simm.s32 $0x200;
	_ =	swait.ge [sflag:s7], $0x1000  }
0x20: {  	s16 =	simm.s32 $0x400;
	s14 =	sadd.s32 $0x400, s6;
	[sflag:s7] =	ssyncset.done $0x0  }
.LBB2_2:
0x21: {  	s17 =	sshra.s32 s15, $0x2  }
0x22: {  	[sflag:s7] =	ssyncadd.s32 $0xFFFFF000;
	s15 =	smov.u32 s16;
	s18 =	sadd.s32 $0x200, s16  }
0x23: {  	[tilespmem:s9], [sflag:$0x1] =	stream.indirect.gather [hbm4b:s3+s8], $0x40, s17, s8, $0xb8;
	[tilespmem:$0x2600] =	vst v63  }
0x24: {  	p0 =	sne.s32 s16, $0x1600;
	s16 =	sadd.s32 $0x40, s17  }
0x25: {  	[tilespmem:s10], [sflag:$0x1] =	stream.indirect.gather [hbm4b:s3+s8], $0x40, s16, s8, $0xb8;
	[tilespmem:$0x2600] =	vst v63  }
0x26: {  	_ =	swait.ge [sflag:s11], $0x1000  }
0x27: {  	[sflag:s11] =	ssyncset.done $0x0  }
0x28: {  	[sflag:s11] =	ssyncadd.s32 $0xFFFFF000  }
0x29: {  	_ =	swait.ge [sflag:s11], $0x1000  }
0x2a: {  	[sflag:s11] =	ssyncset.done $0x0  }
0x2b: {  	s16 =	sadd.s32 $0xFFFFFFF8, s14;
	[sflag:s11] =	ssyncadd.s32 $0xFFFFF000  }
0x2c: {  	[hbm4b:s16+s8] =	stream.strided.scatter [tilespmem:s9], [sflag:$0x2], $0x1000, s12, s8, $0x38;
	[tilespmem:$0x2600] =	vst v63  }
0x2d: {  	_ =	swait.ge [sflag:s7], $0x1000  }
.Ltmp0:
0x2e: {  	[sflag:s7] =	ssyncset.done $0x0;
	(pc) =	sbr.rel @p0 .LBB2_2-.Ltmp0, $4  }
0x2f: {  	[sflag:s7] =	ssyncadd.s32 $0xFFFFF000  }
0x30: {  	[hbm4b:s14+s8] =	stream.strided.scatter [tilespmem:s10], [sflag:$0x2], $0x1000, s12, s8, $0x38;
	[tilespmem:$0x2600] =	vst v63  }
0x31: {  	_ =	swait.ge [sflag:s7], $0x1000  }
0x32: {  	s16 =	smov.u32 s18;
	s14 =	sadd.s32 $0x400, s14;
	[sflag:s7] =	ssyncset.done $0x0  }
0x33: {  	s15 =	sshra.s32 s15, $0x2;
	[sflag:s7] =	ssyncadd.s32 $0xFFFFF000  }
0x34: {  	[tilespmem:s9], [sflag:$0x1] =	stream.indirect.gather [hbm4b:s3+s8], $0x40, s15, s8, $0xb8;
	[tilespmem:$0x2600] =	vst v63  }
0x35: {  	s15 =	sadd.s32 $0x40, s15  }
0x36: {  	[tilespmem:s10], [sflag:$0x1] =	stream.indirect.gather [hbm4b:s3+s8], $0x40, s15, s8, $0xb8;
	[tilespmem:$0x2600] =	vst v63  }
0x37: {  	_ =	swait.ge [sflag:s11], $0x1000  }
0x38: {  	[sflag:s11] =	ssyncset.done $0x0  }
0x39: {  	[sflag:s11] =	ssyncadd.s32 $0xFFFFF000  }
0x3a: {  	_ =	swait.ge [sflag:s11], $0x1000  }
0x3b: {  	[sflag:s11] =	ssyncset.done $0x0  }
0x3c: {  	s31 =	sadd.s32 $0xFFFFFFF8, s14;
	[sflag:s11] =	ssyncadd.s32 $0xFFFFF000  }
0x3d: {  	[hbm4b:s31+s8] =	stream.strided.scatter [tilespmem:s9], [sflag:$0x2], $0x1000, s12, s8, $0x38;
	[tilespmem:$0x2600] =	vst v63  }
0x3e: {  	s13 =	sadd.s32 $0x1, s13;
	_ =	swait.ge [sflag:s7], $0x1000  }
0x3f: {  	p0 =	sne.s32 s13, s5;
	[sflag:s7] =	ssyncset.done $0x0  }
.Ltmp1:
0x40: {  	[sflag:s7] =	ssyncadd.s32 $0xFFFFF000;
	(pc) =	sbr.rel @p0 .LBB2_1-.Ltmp1, $4  }
0x41: {  	[hbm4b:s14+s8] =	stream.strided.scatter [tilespmem:s10], [sflag:$0x2], $0x1000, s12, s8, $0x38;
	[tilespmem:$0x2600] =	vst v63  }
0x42: {  	_ =	swait.ge [sflag:s7], $0x1000  }
0x43: {  	[sflag:s7] =	ssyncset.done $0x0  }
0x44: {  	[sflag:s7] =	ssyncadd.s32 $0xFFFFF000  }
0x45: {  	_ =	sfence.sel $0x180000  }
0x46: {  	[bflag:$0x0] =	sbarrier.arrive $0xFFFF  }
0x47: {  	p0 =	sne.s32 s1, $0x0;
	_ =	strace $0x90000050  }
0x48: {  	s0 =	sadd.s32 @!p0 $0x100000, s0;
	[bflag:$0x2] =	sbarrier.arrive $0xFFFF  }
0x49: {  	[sflag:s0] =	ssyncadd.tile.s32 @!p0 $0x1;
	_ =	shalt  }
.Lfunc_end2:
_tile_overlayer_lowered:
.L_overlay_start_2:
0x4a: {  	(tag) =	ssettag $0x2  }
0x4b: {  	s0 =	rddreg [dreg:$0x0];
	s2 =	stileid.u32  }
0x4c: {  	s1 =	rddreg [dreg:$0x1];
	p0 =	sne.s32 s2, $0x0  }
0x4d: {  	s3 =	rddreg [dreg:$0x2];
	[bflag:$0x3] =	sbarrier.arrive $0xFFFF;
	s2 =	simm.s32 @!p0 $0x1C02  }
0x4e: {  	[timem:s3], [sflag:s2] =	dma.local @!p0 [hbm:s0], s1  }
0x4f: {  	s0 =	simm.s32 @!p0 $0x2  }
0x50: {  	_ =	swait.ge @!p0 [sflag:s0], s1  }
0x51: {  	s1 =	ssub.s32 @!p0 $0x0, s1;
	[sflag:s0] =	ssyncset.done @!p0 $0x0  }
0x52: {  	[sflag:s0] =	ssyncadd.s32 @!p0 s1  }
0x53: {  	[bflag:$0x3] =	sbarrier.arrive $0xFFFF  }
0x54: {  	_ =	shalt  }

// kernel: kernel.24.cloned.1.call-start
scs
__scs_entry_jumppad:
0x0: {  	(pc) =	sbr.rel $0x88, $3  }
0x1: {  	(tag) =	ssettag $0x0;
	lr =	simm.s32 $0x1  }
0x2: {  	[smem:$0x3F94] =	sst lr;
	_ =	strace $0xD0000000  }
0x3: {  	_ = 	snop  }
0x4: {  	_ = 	snop  }
0x5: {  	_ = 	snop  }
0x6: {  	_ = 	snop  }
0x7: {  	_ = 	snop  }
__scs_overlays_trampoline_lowered:
0x8: {  	[smem:$0x3FA3] =	sst s0  }
0x9: {  	[smem:$0x3FA4] =	sst s1  }
0xa: {  	[smem:$0x3FA5] =	sst s2  }
0xb: {  	[smem:$0x3FA6] =	sst s3  }
0xc: {  	[smem:$0x3FA7] =	sst s4  }
0xd: {  	[smem:$0x3FA8] =	sst s5  }
0xe: {  	[smem:$0x3FA9] =	sst s6  }
0xf: {  	[smem:$0x3FAA] =	sst s7  }
0x10: {  	[smem:$0x3FAB] =	sst s8  }
0x11: {  	[smem:$0x3FAC] =	sst s9;
	s0 =	simm.s32 @!p0 $0x0  }
0x12: {  	s1 =	sld [smem:$0x3F92];
	s0 =	simm.s32 @p0 $0x1  }
0x13: {  	[smem:$0x3FAD] =	sst s0;
	s0 =	simm.s32 @!p1 $0x0  }
0x14: {  	s2 =	sld [smem:$0x3F91];
	s0 =	simm.s32 @p1 $0x1  }
0x15: {  	[smem:$0x3FAE] =	sst s0;
	s0 =	simm.s32 @!p2 $0x0  }
0x16: {  	s3 =	sld [smem:$0x3FDB];
	s0 =	simm.s32 @p2 $0x1  }
0x17: {  	s4 =	simm.s32 $0x1BF5;
	[smem:$0x3FB0] =	sst s0  }
0x18: {  	s0 =	sld [smem:$0x3F93];
	_ =	swait.ge [sflag:s4], $0x0  }
0x19: {  	s7 =	sld [smem:$0x3F94]  }
0x1a: {  	s8 =	sadd.s32 $0xFFFFE003, lr  }
0x1b: {  	s9 =	sadd.s32 $0xFFFFFEF7, lr;
	s5 =	simm.s32 $0xFFFFFFFF;
	p2 =	slt.u32 s8, $0xFFFFF086  }
0x1c: {  	p1 =	slt.u32 s9, $0xF7A;
	s5 =	simm.s32 @!p2 $0x0  }
0x1d: {  	s5 =	simm.s32 @p1 $0x1;
	p0 =	seq.s32 s7, s2  }
0x1e: {  	s7 =	smul.u32 @!p0 $0xF7A, s2;
	p2 =	seq.s32 @!p0 s5, $0x0  }
0x1f: {  	s9 =	smul.u32 $0xF7A, s1;
	s8 =	simm.s32 @!p0 $0x1BF5;
	p2 =	por !p2, p0  }
0x20: {  	[sflag:s8] =	ssyncset.s32 @!p0 $0xFFFFF086;
	s6 =	sadd.s32 @!p0 s3, s7;
	s7 =	simm.s32 @!p0 $0x108  }
0x21: {  	s3 =	sadd.s32 s3, s9;
	s6 =	sadd.s32 @!p0 $0x88, s6;
	s7 =	simm.s32 @p2 $0x1082  }
0x22: {  	[simem:s7], [sflag:s8] =	dma.local @!p0 [hbm:s6], $0xF7A  }
0x23: {  	s9 =	sor.u32 $0xD0000000, s2;
	s6 =	simm.s32 $0x108;
	_ =	swait.ge @!p0 [sflag:s8], $0x0  }
0x24: {  	s3 =	sadd.s32 $0x88, s3;
	s6 =	simm.s32 @!p1 $0x1082;
	[sflag:s4] =	ssyncset.s32 $0xFFFFF086  }
0x25: {  	[simem:s6], [sflag:s4] =	dma.local [hbm:s3], $0xF7A  }
0x26: {  	[smem:$0x3F94] =	sst s1;
	(tag) =	ssettag s2;
	_ =	strace s9  }
0x27: {  	s1 =	sld [smem:$0x3FA4]  }
0x28: {  	s2 =	sld [smem:$0x3FA5]  }
0x29: {  	s4 =	sld [smem:$0x3FA7]  }
0x2a: {  	p0 =	seq.s32 s5, $0x0;
	s5 =	sld [smem:$0x3FA8]  }
0x2b: {  	s6 =	sld [smem:$0x3FA9]  }
0x2c: {  	s7 =	sld [smem:$0x3FAA]  }
0x2d: {  	s3 =	simm.s32 $0x108;
	s8 =	sld [smem:$0x3FAB]  }
0x2e: {  	s3 =	simm.s32 @!p0 $0x1082;
	s9 =	sld [smem:$0x3FAC]  }
0x2f: {  	lr =	sadd.s32 s0, s3;
	s0 =	sld [smem:$0x3FA3]  }
0x30: {  	s3 =	sld [smem:$0x3FA6]  }
0x31: {  	[smem:$0x3FAF] =	sst s10  }
0x32: {  	s10 =	sld [smem:$0x3FAD];
	_ =	sdelay $0x3  }
0x33: {  	p0 =	seq.s32 s10, $0x1;
	s10 =	sld [smem:$0x3FAF];
	_ =	sdelay $0x3  }
0x34: {  	[smem:$0x3FAF] =	sst s10  }
0x35: {  	s10 =	sld [smem:$0x3FAE];
	_ =	sdelay $0x3  }
0x36: {  	p1 =	seq.s32 s10, $0x1;
	s10 =	sld [smem:$0x3FAF];
	_ =	sdelay $0x3  }
0x37: {  	[smem:$0x3FAF] =	sst s10  }
0x38: {  	s10 =	sld [smem:$0x3FB0]  }
0x39: {  	_ = 	snop;
	(pc) =	sbr.ind lr, $3  }
0x3a: {  	_ = 	snop  }
0x3b: {  	_ = 	snop  }
0x3c: {  	p2 =	seq.s32 s10, $0x1;
	s10 =	sld [smem:$0x3FAF]  }
0x3d: {  	_ =	shalt  }
0x3e: {  	_ =	shalt  }
0x3f: {  	_ =	shalt  }
0x40: {  	_ =	shalt  }
0x41: {  	_ =	shalt  }
0x42: {  	_ =	shalt  }
0x43: {  	_ =	shalt  }
0x44: {  	_ =	shalt  }
0x45: {  	_ =	shalt  }
0x46: {  	_ =	shalt  }
0x47: {  	_ =	shalt  }
0x48: {  	_ =	shalt  }
0x49: {  	_ =	shalt  }
0x4a: {  	_ =	shalt  }
0x4b: {  	_ =	shalt  }
0x4c: {  	_ =	shalt  }
0x4d: {  	_ =	shalt  }
0x4e: {  	_ =	shalt  }
0x4f: {  	_ =	shalt  }
0x50: {  	_ =	shalt  }
0x51: {  	_ =	shalt  }
0x52: {  	_ =	shalt  }
0x53: {  	_ =	shalt  }
0x54: {  	_ =	shalt  }
0x55: {  	_ =	shalt  }
0x56: {  	_ =	shalt  }
0x57: {  	_ =	shalt  }
0x58: {  	_ =	shalt  }
0x59: {  	_ =	shalt  }
0x5a: {  	_ =	shalt  }
0x5b: {  	_ =	shalt  }
0x5c: {  	_ =	shalt  }
0x5d: {  	_ =	shalt  }
0x5e: {  	_ =	shalt  }
0x5f: {  	_ =	shalt  }
0x60: {  	_ =	shalt  }
0x61: {  	_ =	shalt  }
0x62: {  	_ =	shalt  }
0x63: {  	_ =	shalt  }
0x64: {  	_ =	shalt  }
0x65: {  	_ =	shalt  }
0x66: {  	_ =	shalt  }
0x67: {  	_ =	shalt  }
0x68: {  	_ =	shalt  }
0x69: {  	_ =	shalt  }
0x6a: {  	_ =	shalt  }
0x6b: {  	_ =	shalt  }
0x6c: {  	_ =	shalt  }
0x6d: {  	_ =	shalt  }
0x6e: {  	_ =	shalt  }
0x6f: {  	_ =	shalt  }
0x70: {  	_ =	shalt  }
0x71: {  	_ =	shalt  }
0x72: {  	_ =	shalt  }
0x73: {  	_ =	shalt  }
0x74: {  	_ =	shalt  }
0x75: {  	_ =	shalt  }
0x76: {  	_ =	shalt  }
0x77: {  	_ =	shalt  }
0x78: {  	_ =	shalt  }
0x79: {  	_ =	shalt  }
0x7a: {  	_ =	shalt  }
0x7b: {  	_ =	shalt  }
0x7c: {  	_ =	shalt  }
0x7d: {  	_ =	shalt  }
0x7e: {  	_ =	shalt  }
0x7f: {  	_ =	shalt  }
0x80: {  	_ =	shalt  }
0x81: {  	_ =	shalt  }
0x82: {  	_ =	shalt  }
0x83: {  	_ =	shalt  }
0x84: {  	_ =	shalt  }
0x85: {  	_ =	shalt  }
0x86: {  	_ =	shalt  }
0x87: {  	_ =	shalt  }
.Lfunc_end0:
.L_simem_size_0:
called_computation.4_lowered:
.L_overlay_start_0:
0x88: {  	s2 =	sld [smem:$0x3FD9]  }
0x89: {  	s3 =	sld [smem:$0x3FFE];
	_ =	sdelay $0x1  }
0x8a: {  	s1 =	srdreg.scid  }
0x8b: {  	s0 =	sand.u32 $0x1, s1  }
0x8c: {  	s15 =	sshll.u32 s0, $0xA;
	s2 =	sadd.s32 s3, s2  }
0x8d: {  	s2 =	sadd.s32 s2, s15  }
0x8e: {  	[smem:$0x3FBB] =	sst s2  }
0x8f: {  	_ = 	snop  }
0x90: {  	s2 =	sld [smem:$0x3FD0];
	_ =	sdelay $0x2  }
0x91: {  	s16 =	simm.s32 $0xE;
	s4 =	simm.s32 $0x10  }
0x92: {  	[smem:s4], [sflag:s16] =	dma.local [hbm:s2], $0x1  }
0x93: {  	_ =	swait.eq [sflag:s16], $0x1  }
0x94: {  	[sflag:s16] =	ssyncset.done $0x0  }
0x95: {  	[sflag:s16] =	ssyncadd.s32 $0xFFFFFFFF  }
0x96: {  	s17 =	sld [smem:$0x11];
	(tm) =	ssettm $0x1  }
0x97: {  	s18 =	sld [smem:$0x3FFB];
	_ =	sdelay $0x3  }
0x98: {  	_ =	strace s18  }
0x99: {  	s2 =	sld [smem:$0x3FFC];
	_ =	sdelay $0x3  }
0x9a: {  	_ =	strace s2  }
0x9b: {  	s2 =	sld [smem:$0x3FFD];
	_ =	sdelay $0x3  }
0x9c: {  	_ =	strace s2  }
0x9d: {  	_ =	strace $0x8FFFFFFF  }
0x9e: {  	s19 =	sld [smem:$0x3FDB];
	_ =	sdelay $0x1  }
0x9f: {  	s20 =	simm.s32 $_scs_section_size  }
0xa0: {  	s5 =	simm.s32 $_size__tile_overlayer_lowered;
	s6 =	simm.s32 $_tile_overlayer_lowered  }
0xa1: {  	s7 =	simm.s32 $0x1BFF;
	s21 =	sshll.u32 s6, $0x1;
	s4 =	sadd.s32 s20, s19  }
0xa2: {  	s22 =	simm.s32 $0x0;
	s5 =	sshll.u32 s5, $0x1;
	s6 =	sadd.s32 s21, s4  }
0xa3: {  	[timem:s22], [sflag:s7] =	dma.local [hbm:s6], s5  }
0xa4: {  	_ =	swait.ge [sflag:s7], s5  }
0xa5: {  	s5 =	ssub.s32 $0x0, s5;
	[sflag:s7] =	ssyncset.done $0x0  }
0xa6: {  	[sflag:s7] =	ssyncadd.s32 s5;
	_ =	sdelay $0x1  }
0xa7: {  	s23 =	simm.s32 $0x1B8B  }
0xa8: {  	_ =	swait.ge [sflag:s23], $0x1  }
0xa9: {  	[sflag:s23] =	ssyncset.done $0x0  }
0xaa: {  	[sflag:s23] =	ssyncadd.s32 $0xFFFFFFFF  }
0xab: {  	s5 =	sld [smem:$0x0]  }
0xac: {  	s6 =	sand.u32 $0xFFFFFFFE, s1  }
0xad: {  	p0 =	sne.s32 s1, s6  }
0xae: {  	s6 =	sshll.u32 @p0 s6, $0xE  }
0xaf: {  	s6 =	sadd.s32 @p0 $0x11B8D, s6;
	s7 =	sshll.u32 @p0 s5, $0x11  }
0xb0: {  	s6 =	sor.u32 @p0 s7, s6  }
0xb1: {  	[sflag:s6] =	ssyncadd.remote.s32 @p0 $0x1;
	_ =	sdelay $0x1  }
0xb2: {  	s6 =	simm.s32 @p0 $0x1B8D  }
0xb3: {  	_ =	swait.eq @p0 [sflag:s6], $0x1  }
0xb4: {  	[sflag:s6] =	ssyncadd.s32 @p0 $0xFFFFFFFF  }
0xb5: {  	s7 =	sshll.u32 @!p0 s1, $0xE  }
0xb6: {  	s7 =	sor.u32 @!p0 $0x4000, s7;
	s6 =	simm.s32 @!p0 $0x1B8D  }
0xb7: {  	s5 =	sshll.u32 @!p0 s5, $0x11;
	s7 =	sadd.s32 @!p0 $0x11B8D, s7;
	_ =	swait.eq @!p0 [sflag:s6], $0x1  }
0xb8: {  	s5 =	sor.u32 @!p0 s5, s7;
	[sflag:s6] =	ssyncadd.s32 @!p0 $0xFFFFFFFF  }
0xb9: {  	s25 =	simm.s32 $0x1B8E;
	s24 =	sld [smem:$0x3FFE];
	[sflag:s5] =	ssyncadd.remote.s32 @!p0 $0x1  }
0xba: {  	s26 =	simm.s32 $execute0_lowered;
	[smem:$0x3FD2] =	sst s25  }
0xbb: {  	s6 =	sshll.u32 s26, $0x1;
	_ =	strace $0x80000052;
	[dreg:$0x1] =	wrdreg $0xFFFFFFFF  }
0xbc: {  	s28 =	simm.s32 $_size_execute0_lowered;
	s4 =	sadd.s32 s4, s6;
	[dreg:$0x0] =	wrdreg $0x0  }
0xbd: {  	s6 =	sshll.u32 s28, $0x1;
	[dreg:$0x2] =	wrdreg s4  }
0xbe: {  	[dreg:$0x3] =	wrdreg s6  }
0xbf: {  	[dreg:$0x4] =	wrdreg $0xC0  }
0xc0: {  	_ =	task [dreg:s22], $0x5FFFF  }
0xc1: {  	[dreg:$0x1] =	wrdreg $0xFFFFFFFF  }
0xc2: {  	[dreg:$0x0] =	wrdreg $0x60  }
0xc3: {  	[dreg:$0x2] =	wrdreg s24  }
0xc4: {  	[dreg:$0x3] =	wrdreg s17  }
0xc5: {  	[dreg:$0x4] =	wrdreg $0xD  }
0xc6: {  	_ =	task.clear_ibuf [dreg:s22], $0x5FFFF;
	_ =	strace $0x90000052  }
0xc7: {  	s29 =	simm.s32 $0xD;
	_ =	strace $0x80000054  }
0xc8: {  	_ =	swait.ge [sflag:s29], $0x1  }
0xc9: {  	[sflag:s29] =	ssyncadd.s32 $0xFFFFFFFF  }
0xca: {  	_ =	strace $0x90000054  }
0xcb: {  	_ =	sfence  }
0xcc: {  	s30 =	sld [smem:$0x0];
	_ =	sdelay $0x2  }
0xcd: {  	s31 =	sshll.u32 s1, $0xD;
	s1 =	sshrl.u32 s1, $0x2  }
0xce: {  	s4 =	sand.u32 $0x4000, s31;
	s1 =	sadd.s32 s1, s30  }
0xcf: {  	s0 =	sor.u32 s4, s0;
	s1 =	sshll.u32 s1, $0x11  }
0xd0: {  	s0 =	sor.u32 s1, s0  }
0xd1: {  	s0 =	sadd.s32 $0x8F2B, s0  }
0xd2: {  	[sflag:s0] =	ssyncadd.remote.s32 $0x1  }
0xd3: {  	_ =	sfence.sel $0xFFFF  }
0xd4: {  	[dreg:$0x0] =	wrdreg $0xFFFFFFFF;
	(pc) =	sbr.abs _section_cstart, $3  }
0xd5: {  	[dreg:$0x1] =	wrdreg $0xFFFFFFFF  }
0xd6: {  	_ =	task.clear_ibuf [dreg:s22], $0x2FFFF;
	_ =	strace $0x9FFFFFFF  }
0xd7: {  	(tm) =	ssettm $0x7FFFFFFF  }
tec
execute0_lowered:
.L_overlay_start_1:
0x0: {  	(tag) =	ssettag $0x1  }
0x1: {  	s4 =	rddreg [dreg:$0x0]  }
0x2: {  	s5 =	rddreg [dreg:$0x1]  }
0x3: {  	s0 =	rddreg [dreg:$0x2];
	s3 =	srdreg.scid  }
0x4: {  	s1 =	stileid.u32;
	s2 =	simm.s32 $0x0;
	s10 =	simm.s32 $0x1600  }
0x5: {  	s11 =	simm.s32 $0x1;
	s12 =	simm.s32 $0x80;
	s13 =	simm.s32 $0x0  }
0x6: {  	s3 =	sand.u32 $0x1, s3;
	s6 =	smul.u32 $0x30000, s1;
	[smem:$0x7FF] =	sst s2  }
0x7: {  	s8 =	sshll.u32 s1, $0x1;
	s7 =	smul.u32 $0x18000, s3;
	_ =	strace $0x80000053  }
0x8: {  	s8 =	sor.u32 s3, s8;
	s31 =	ssub.s32 $0x2, s3;
	s3 =	sadd.s32 $0x18AC00, s4  }
0x9: {  	s8 =	smul.u32 $0xC0, s8;
	s9 =	sshrl.u32 s31, $0x1;
	s6 =	sadd.s32 s7, s6  }
0xa: {  	s7 =	ssub.s32 s31, s9;
	s9 =	simm.s32 $0x600;
	s6 =	sshrl.u32 s6, $0x3  }
0xb: {  	s6 =	sadd.s32 s6, s4;
	s4 =	sadd.s32 s5, s8;
	s5 =	smax.u32 s7, $0x1  }
0xc: {  	s7 =	simm.s32 $0x2;
	s8 =	simm.s32 $0x40;
	s6 =	sadd.s32 $0x24E208, s6  }
.LBB2_1:
0xd: {  	[tilespmem:s2], [sflag:$0x2] =	stream.linear.gather [hbm4b:s4+s2], $0x600, $0x38;
	[tilespmem:$0x2600] =	vst v63  }
0xe: {  	_ =	swait.ge [sflag:s7], $0x600  }
0xf: {  	[sflag:s7] =	ssyncset.done $0x0  }
0x10: {  	s14 =	simm.s32 $0x0;
	[sflag:s7] =	ssyncadd.s32 $0xFFFFFA00  }
0x11: {  	[tilespmem:s9], [sflag:$0x1] =	stream.indirect.gather [hbm4b:s3+s8], $0x40, s14, s8, $0xb8;
	[tilespmem:$0x2600] =	vst v63  }
0x12: {  	s30 =	simm.s32 $0x40  }
0x13: {  	[tilespmem:s10], [sflag:$0x1] =	stream.indirect.gather [hbm4b:s3+s8], $0x40, s30, s8, $0xb8;
	[tilespmem:$0x2600] =	vst v63  }
0x14: {  	_ =	swait.ge [sflag:s11], $0x1000  }
0x15: {  	[sflag:s11] =	ssyncset.done $0x0  }
0x16: {  	[sflag:s11] =	ssyncadd.s32 $0xFFFFF000  }
0x17: {  	_ =	swait.ge [sflag:s11], $0x1000  }
0x18: {  	[sflag:s11] =	ssyncset.done $0x0  }
0x19: {  	s31 =	sadd.s32 $0xFFFFFFF8, s6;
	[sflag:s11] =	ssyncadd.s32 $0xFFFFF000  }
0x1a: {  	[hbm4b:s31+s8] =	stream.strided.scatter [tilespmem:s9], [sflag:$0x2], $0x1000, s12, s8, $0x38;
	[tilespmem:$0x2600] =	vst v63  }
0x1b: {  	_ =	swait.ge [sflag:s7], $0x1000  }
0x1c: {  	[sflag:s7] =	ssyncset.done $0x0  }
0x1d: {  	[sflag:s7] =	ssyncadd.s32 $0xFFFFF000  }
0x1e: {  	[hbm4b:s6+s8] =	stream.strided.scatter [tilespmem:s10], [sflag:$0x2], $0x1000, s12, s8, $0x38;
	[tilespmem:$0x2600] =	vst v63  }
0x1f: {  	s15 =	simm.s32 $0x200;
	_ =	swait.ge [sflag:s7], $0x1000  }
0x20: {  	s16 =	simm.s32 $0x400;
	s14 =	sadd.s32 $0x400, s6;
	[sflag:s7] =	ssyncset.done $0x0  }
.LBB2_2:
0x21: {  	s17 =	sshra.s32 s15, $0x2  }
0x22: {  	[sflag:s7] =	ssyncadd.s32 $0xFFFFF000;
	s15 =	smov.u32 s16;
	s18 =	sadd.s32 $0x200, s16  }
0x23: {  	[tilespmem:s9], [sflag:$0x1] =	stream.indirect.gather [hbm4b:s3+s8], $0x40, s17, s8, $0xb8;
	[tilespmem:$0x2600] =	vst v63  }
0x24: {  	p0 =	sne.s32 s16, $0x1600;
	s16 =	sadd.s32 $0x40, s17  }
0x25: {  	[tilespmem:s10], [sflag:$0x1] =	stream.indirect.gather [hbm4b:s3+s8], $0x40, s16, s8, $0xb8;
	[tilespmem:$0x2600] =	vst v63  }
0x26: {  	_ =	swait.ge [sflag:s11], $0x1000  }
0x27: {  	[sflag:s11] =	ssyncset.done $0x0  }
0x28: {  	[sflag:s11] =	ssyncadd.s32 $0xFFFFF000  }
0x29: {  	_ =	swait.ge [sflag:s11], $0x1000  }
0x2a: {  	[sflag:s11] =	ssyncset.done $0x0  }
0x2b: {  	s16 =	sadd.s32 $0xFFFFFFF8, s14;
	[sflag:s11] =	ssyncadd.s32 $0xFFFFF000  }
0x2c: {  	[hbm4b:s16+s8] =	stream.strided.scatter [tilespmem:s9], [sflag:$0x2], $0x1000, s12, s8, $0x38;
	[tilespmem:$0x2600] =	vst v63  }
0x2d: {  	_ =	swait.ge [sflag:s7], $0x1000  }
.Ltmp0:
0x2e: {  	[sflag:s7] =	ssyncset.done $0x0;
	(pc) =	sbr.rel @p0 .LBB2_2-.Ltmp0, $4  }
0x2f: {  	[sflag:s7] =	ssyncadd.s32 $0xFFFFF000  }
0x30: {  	[hbm4b:s14+s8] =	stream.strided.scatter [tilespmem:s10], [sflag:$0x2], $0x1000, s12, s8, $0x38;
	[tilespmem:$0x2600] =	vst v63  }
0x31: {  	_ =	swait.ge [sflag:s7], $0x1000  }
0x32: {  	s16 =	smov.u32 s18;
	s14 =	sadd.s32 $0x400, s14;
	[sflag:s7] =	ssyncset.done $0x0  }
0x33: {  	s15 =	sshra.s32 s15, $0x2;
	[sflag:s7] =	ssyncadd.s32 $0xFFFFF000  }
0x34: {  	[tilespmem:s9], [sflag:$0x1] =	stream.indirect.gather [hbm4b:s3+s8], $0x40, s15, s8, $0xb8;
	[tilespmem:$0x2600] =	vst v63  }
0x35: {  	s15 =	sadd.s32 $0x40, s15  }
0x36: {  	[tilespmem:s10], [sflag:$0x1] =	stream.indirect.gather [hbm4b:s3+s8], $0x40, s15, s8, $0xb8;
	[tilespmem:$0x2600] =	vst v63  }
0x37: {  	_ =	swait.ge [sflag:s11], $0x1000  }
0x38: {  	[sflag:s11] =	ssyncset.done $0x0  }
0x39: {  	[sflag:s11] =	ssyncadd.s32 $0xFFFFF000  }
0x3a: {  	_ =	swait.ge [sflag:s11], $0x1000  }
0x3b: {  	[sflag:s11] =	ssyncset.done $0x0  }
0x3c: {  	s31 =	sadd.s32 $0xFFFFFFF8, s14;
	[sflag:s11] =	ssyncadd.s32 $0xFFFFF000  }
0x3d: {  	[hbm4b:s31+s8] =	stream.strided.scatter [tilespmem:s9], [sflag:$0x2], $0x1000, s12, s8, $0x38;
	[tilespmem:$0x2600] =	vst v63  }
0x3e: {  	s13 =	sadd.s32 $0x1, s13;
	_ =	swait.ge [sflag:s7], $0x1000  }
0x3f: {  	p0 =	sne.s32 s13, s5;
	[sflag:s7] =	ssyncset.done $0x0  }
.Ltmp1:
0x40: {  	[sflag:s7] =	ssyncadd.s32 $0xFFFFF000;
	(pc) =	sbr.rel @p0 .LBB2_1-.Ltmp1, $4  }
0x41: {  	[hbm4b:s14+s8] =	stream.strided.scatter [tilespmem:s10], [sflag:$0x2], $0x1000, s12, s8, $0x38;
	[tilespmem:$0x2600] =	vst v63  }
0x42: {  	_ =	swait.ge [sflag:s7], $0x1000  }
0x43: {  	[sflag:s7] =	ssyncset.done $0x0  }
0x44: {  	[sflag:s7] =	ssyncadd.s32 $0xFFFFF000  }
0x45: {  	_ =	sfence.sel $0x180000  }
0x46: {  	[bflag:$0x0] =	sbarrier.arrive $0xFFFF  }
0x47: {  	p0 =	sne.s32 s1, $0x0;
	_ =	strace $0x90000053  }
0x48: {  	s0 =	sadd.s32 @!p0 $0x100000, s0;
	[bflag:$0x2] =	sbarrier.arrive $0xFFFF  }
0x49: {  	[sflag:s0] =	ssyncadd.tile.s32 @!p0 $0x1;
	_ =	shalt  }
.Lfunc_end2:
_tile_overlayer_lowered:
.L_overlay_start_2:
0x4a: {  	(tag) =	ssettag $0x2  }
0x4b: {  	s0 =	rddreg [dreg:$0x0];
	s2 =	stileid.u32  }
0x4c: {  	s1 =	rddreg [dreg:$0x1];
	p0 =	sne.s32 s2, $0x0  }
0x4d: {  	s3 =	rddreg [dreg:$0x2];
	[bflag:$0x3] =	sbarrier.arrive $0xFFFF;
	s2 =	simm.s32 @!p0 $0x1C02  }
0x4e: {  	[timem:s3], [sflag:s2] =	dma.local @!p0 [hbm:s0], s1  }
0x4f: {  	s0 =	simm.s32 @!p0 $0x2  }
0x50: {  	_ =	swait.ge @!p0 [sflag:s0], s1  }
0x51: {  	s1 =	ssub.s32 @!p0 $0x0, s1;
	[sflag:s0] =	ssyncset.done @!p0 $0x0  }
0x52: {  	[sflag:s0] =	ssyncadd.s32 @!p0 s1  }
0x53: {  	[bflag:$0x3] =	sbarrier.arrive $0xFFFF  }
0x54: {  	_ =	shalt  }

</sc_bundles>
